<compile_context>
chip_gen: v7x
topology: tpu7x:2x2x1
jax: 0.10.2.dev20260603
libtpu: 0.0.44.dev20260713+nightly
codegen_flags: <defaults>
</compile_context>

<pallas_src>
import functools

import jax
import jax.numpy as jnp
from jax import lax
from jax.experimental import pallas as pl
from jax.experimental.pallas import tpu as pltpu
from jax.experimental.pallas import tpu_sc as plsc

TOTAL = 32768
NSEG = 16
NC = 2
NS = 16
NW = NC * NS
ROWS = 8
COLS = 128
PER_TILE = ROWS * COLS
VOCAB = 100000
TCHUNK0 = 6248
TCHUNK = 6280


@functools.partial(
    pl.kernel,
    out_type=(
        jax.ShapeDtypeStruct((NW, NSEG), jnp.float32),
        jax.ShapeDtypeStruct((NW, NSEG), jnp.float32),
    ),
    mesh=plsc.VectorSubcoreMesh(
        core_axis_name="c", subcore_axis_name="s", num_cores=NC, num_subcores=NS
    ),
    compiler_params=pltpu.CompilerParams(needs_layout_passes=False),
    scratch_types=(
        pltpu.VMEM((2 * ROWS, COLS), jnp.int32),
        pltpu.VMEM((PER_TILE,), jnp.int32),
        pltpu.VMEM((ROWS, COLS), jnp.float32),
        pltpu.VMEM((ROWS, COLS), jnp.float32),
        pltpu.VMEM((NSEG,), jnp.float32),
        pltpu.VMEM((NSEG,), jnp.float32),
        pltpu.VMEM_SHARED((VOCAB,), jnp.float32),
        pltpu.VMEM_SHARED((VOCAB,), jnp.float32),
        pltpu.VMEM((TCHUNK,), jnp.float32),
        pltpu.VMEM((TCHUNK,), jnp.float32),
        pltpu.SemaphoreType.DMA((ROWS,)),
        pltpu.SemaphoreType.DMA,
        pltpu.SemaphoreType.DMA,
    ),
)
def _sc_pool(vec_hbm, seg_hbm, ftab_hbm, stab_hbm,
             num_hbm, den_hbm,
             vidx_v, seg_v, fval_v, sval_v,
             accn_v, accd_v, ftab_s, stab_s, tmp0_v, tmp1_v, sems, sem_t0, sem_t1):
    wid = lax.axis_index("s") * NC + lax.axis_index("c")
    sid = lax.axis_index("s")

    tsl = pl.ds(TCHUNK0 * sid, TCHUNK)
    tcp0 = pltpu.async_copy(ftab_hbm.at[tsl], tmp0_v, sem_t0)
    tcp1 = pltpu.async_copy(stab_hbm.at[tsl], tmp1_v, sem_t1)

    pltpu.sync_copy(vec_hbm.at[pl.ds(2 * ROWS * wid, 2 * ROWS)], vidx_v)
    pltpu.sync_copy(seg_hbm.at[pl.ds(PER_TILE * wid, PER_TILE)], seg_v)

    lane = lax.iota(jnp.int32, 16)

    tcp0.wait()
    pltpu.sync_copy(tmp0_v, ftab_s.at[tsl])
    tcp1.wait()
    pltpu.sync_copy(tmp1_v, stab_s.at[tsl])
    plsc.subcore_barrier()

    copies = []
    for j in range(ROWS):
        copies.append((
            pltpu.async_copy(ftab_s.at[vidx_v.at[2 * j + 1]], fval_v.at[j], sems.at[j]),
            pltpu.async_copy(stab_s.at[vidx_v.at[2 * j]], sval_v.at[j], sems.at[j]),
        ))

    accn_v[...] = jnp.zeros((NSEG,), jnp.float32)
    accd_v[...] = jnp.zeros((NSEG,), jnp.float32)

    lane_lt15 = lane < 15
    lane_eq15 = lane == 15

    for j in range(ROWS):
        cpf, cps = copies[j]
        cpf.wait()
        cps.wait()

        def body(k, _, j=j):
            pos = j * COLS + k * 16
            pi = lane + pos
            sl = pl.ds(k * 16, 16)
            f = fval_v[j, sl]
            s = sval_v[j, sl]
            g = seg_v[pl.ds(pos, 16)]
            gn = plsc.load_gather(seg_v, [jnp.minimum(pi + 1, PER_TILE - 1)])
            a = jnp.exp(f)
            w = a * s
            ca = plsc.cumsum(a)
            cw = plsc.cumsum(w)
            m = g != gn
            mf = m | lane_eq15
            mm = m & lane_lt15
            plsc.addupdate_scatter(accd_v, [g], ca, mask=mf)
            plsc.addupdate_scatter(accn_v, [g], cw, mask=mf)
            plsc.addupdate_scatter(accd_v, [gn], -ca, mask=mm)
            plsc.addupdate_scatter(accn_v, [gn], -cw, mask=mm)
            return 0

        lax.fori_loop(0, COLS // 16, body, 0, unroll=8)

    pltpu.sync_copy(accn_v, num_hbm.at[wid])
    pltpu.sync_copy(accd_v, den_hbm.at[wid])


def _combine_body(num_ref, den_ref, bias_ref, out_ref):
    num = jnp.sum(num_ref[...], axis=0)
    den = jnp.sum(den_ref[...], axis=0) + 0.001
    out_ref[...] = num / den + bias_ref[0]


_combine = pl.pallas_call(
    _combine_body,
    out_shape=jax.ShapeDtypeStruct((NSEG,), jnp.float32),
)


def kernel(vectors, segment_ids, frag_table, site_table, bias):
    vec = vectors.reshape(TOTAL // COLS, COLS, 2).transpose(0, 2, 1)
    vec = vec.reshape(2 * TOTAL // COLS, COLS)
    num_parts, den_parts = _sc_pool(
        vec, segment_ids, frag_table.reshape(-1), site_table.reshape(-1)
    )
    return _combine(num_parts, den_parts, bias)

# --- scband reference (transcript-rebuilt; emitter-appended) ---
"""Pipeline reference for scband-fragment-network-13194139533478 (READ-ONLY COPY).

The authoritative reference and input builder live on the scoring server;
editing this copy changes nothing except your own understanding.
"""

import jax, jax.numpy as jnp
import numpy as np

FRAG_VOCAB = 100000
SITE_VOCAB = 100000
TOTAL_TOK = 32768
BATCH = 16


def setup_inputs(seed: int = 0) -> dict:
    key = jax.random.key(seed)
    k1, k2, k3, k4, k5 = jax.random.split(key, 5)
    vectors = jax.random.randint(k1, (TOTAL_TOK, 2), 0, min(FRAG_VOCAB, SITE_VOCAB), dtype=jnp.int64 if jax.config.jax_enable_x64 else jnp.int32).astype(jnp.int32)
    segment_ids = jnp.sort(jax.random.randint(k2, (TOTAL_TOK,), 0, BATCH, dtype=jnp.int32))
    frag_table = jax.random.normal(k3, (FRAG_VOCAB, 1), dtype=jnp.float32) * 0.05
    site_table = jax.random.normal(k4, (SITE_VOCAB, 1), dtype=jnp.float32) * 0.05
    bias = jnp.zeros((1,), dtype=jnp.float32)
    return {"vectors": vectors, "segment_ids": segment_ids, "frag_table": frag_table, "site_table": site_table, "bias": bias}


def reference(vectors, segment_ids, frag_table, site_table, bias):
    # Ragged tensor represented as flat tokens [total_tok, 2] + segment_ids [total_tok].
    frag_idx = vectors[:, 1]
    site_idx = vectors[:, 0]
    # Embedding lookups (dim=1), squeeze last dim as in [..., 0]
    frag = jnp.take(frag_table, frag_idx, axis=0)[:, 0]
    site = jnp.take(site_table, site_idx, axis=0)[:, 0]
    attn = jnp.exp(frag)
    # dropout is identity at inference
    sum_attn = jax.ops.segment_sum(attn, segment_ids, num_segments=BATCH) + 0.001
    sum_logit_attnw = jax.ops.segment_sum(attn * site, segment_ids, num_segments=BATCH)
    return sum_logit_attnw / sum_attn + bias

if __name__ == "__main__":
    import jax
    _d = setup_inputs()
    print(jax.jit(kernel)(*tuple(_d.values())))

</pallas_src>

<mosaic_0001>
#map = affine_map<(d0, d1) -> (0, 0)>
#map1 = affine_map<(d0, d1) -> (0)>
module attributes {stable_mosaic.version = 14 : i64} {
  func.func @_sc_pool(%arg0: i32, %arg1: i32, %arg2: memref<512x128xi32, #tpu.memory_space<hbm>>, %arg3: memref<32768xi32, #tpu.memory_space<hbm>>, %arg4: memref<100000xf32, #tpu.memory_space<hbm>>, %arg5: memref<100000xf32, #tpu.memory_space<hbm>>, %arg6: memref<32x16xf32, #tpu.memory_space<hbm>>, %arg7: memref<32x16xf32, #tpu.memory_space<hbm>>, %arg8: memref<16x128xi32, #tpu.memory_space<vmem>>, %arg9: memref<1024xi32, #tpu.memory_space<vmem>>, %arg10: memref<8x128xf32, #tpu.memory_space<vmem>>, %arg11: memref<8x128xf32, #tpu.memory_space<vmem>>, %arg12: memref<16xf32, #tpu.memory_space<vmem>>, %arg13: memref<16xf32, #tpu.memory_space<vmem>>, %arg14: memref<100000xf32, #tpu.memory_space<vmem_shared>>, %arg15: memref<100000xf32, #tpu.memory_space<vmem_shared>>, %arg16: memref<6280xf32, #tpu.memory_space<vmem>>, %arg17: memref<6280xf32, #tpu.memory_space<vmem>>, %arg18: memref<8x!tpu.dma_semaphore, #tpu.memory_space<semaphore_mem>>, %arg19: memref<!tpu.dma_semaphore, #tpu.memory_space<semaphore_mem>>, %arg20: memref<!tpu.dma_semaphore, #tpu.memory_space<semaphore_mem>>) attributes {dimension_semantics = [#tpu.dimension_semantics<core_parallel>, #tpu.dimension_semantics<subcore_parallel>], iteration_bounds = array<i64: 2, 16>, scalar_prefetch = 0 : i64, scratch_operands = 13 : i64, tpu.core_type = #tpu.core_type<sc_vector_subcore>, window_params = [{transform_indices = #map}, {transform_indices = #map1}, {transform_indices = #map1}, {transform_indices = #map1}, {transform_indices = #map}, {transform_indices = #map}]} {
    %mul3A = arith.constant 2 : i32
    %mul3A_0 = arith.muli %arg1, %mul3A : i32
    %add3A = arith.addi %mul3A_0, %arg0 : i32
    %mul3A_1 = arith.constant 6248 : i32
    %mul3A_2 = arith.muli %mul3A_1, %arg1 : i32
    %dma_start3A = tpu.memref_slice %arg4[%mul3A_2] : memref<100000xf32, #tpu.memory_space<hbm>> -> memref<6280xf32, #tpu.memory_space<hbm>>
    %dma_start3A_3 = tpu.memref_slice %arg4[%mul3A_2] : memref<100000xf32, #tpu.memory_space<hbm>> -> memref<6280xf32, #tpu.memory_space<hbm>>
    tpu.enqueue_dma source(%dma_start3A_3 : memref<6280xf32, #tpu.memory_space<hbm>>) target(%arg16 : memref<6280xf32, #tpu.memory_space<vmem>>) target_semaphore(%arg19 : memref<!tpu.dma_semaphore, #tpu.memory_space<semaphore_mem>>)
    %dma_start3A_4 = tpu.memref_slice %arg5[%mul3A_2] : memref<100000xf32, #tpu.memory_space<hbm>> -> memref<6280xf32, #tpu.memory_space<hbm>>
    %dma_start3A_5 = tpu.memref_slice %arg5[%mul3A_2] : memref<100000xf32, #tpu.memory_space<hbm>> -> memref<6280xf32, #tpu.memory_space<hbm>>
    tpu.enqueue_dma source(%dma_start3A_5 : memref<6280xf32, #tpu.memory_space<hbm>>) target(%arg17 : memref<6280xf32, #tpu.memory_space<vmem>>) target_semaphore(%arg20 : memref<!tpu.dma_semaphore, #tpu.memory_space<semaphore_mem>>)
    %mul3A_6 = arith.constant 16 : i32
    %mul3A_7 = arith.muli %mul3A_6, %add3A : i32
    "tpu.region"() ({
      %run_scoped3A = tpu.sem_alloc : memref<!tpu.dma_semaphore, #tpu.memory_space<semaphore_mem>>
      %dma_start3A_3261 = arith.constant 0 : i32
      %dma_start3A_3262 = tpu.memref_slice %arg2[%mul3A_7, %dma_start3A_3261] : memref<512x128xi32, #tpu.memory_space<hbm>> -> memref<16x128xi32, #tpu.memory_space<hbm>>
      %dma_start3A_3263 = arith.constant 0 : i32
      %dma_start3A_3264 = tpu.memref_slice %arg2[%mul3A_7, %dma_start3A_3263] : memref<512x128xi32, #tpu.memory_space<hbm>> -> memref<16x128xi32, #tpu.memory_space<hbm>>
      tpu.enqueue_dma source(%dma_start3A_3264 : memref<16x128xi32, #tpu.memory_space<hbm>>) target(%arg8 : memref<16x128xi32, #tpu.memory_space<vmem>>) target_semaphore(%run_scoped3A : memref<!tpu.dma_semaphore, #tpu.memory_space<semaphore_mem>>)
      %dma_wait3A_3265 = arith.constant 0 : i32
      %dma_wait3A_3266 = tpu.memref_slice %arg2[%mul3A_7, %dma_wait3A_3265] : memref<512x128xi32, #tpu.memory_space<hbm>> -> memref<16x128xi32, #tpu.memory_space<hbm>>
      %dma_wait3A_3267 = arith.constant 0 : i32
      %dma_wait3A_3268 = tpu.memref_slice %arg2[%mul3A_7, %dma_wait3A_3267] : memref<512x128xi32, #tpu.memory_space<hbm>> -> memref<16x128xi32, #tpu.memory_space<hbm>>
      tpu.wait_dma2 semaphore(%run_scoped3A : memref<!tpu.dma_semaphore, #tpu.memory_space<semaphore_mem>>) src(%dma_wait3A_3268 : memref<16x128xi32, #tpu.memory_space<hbm>>) dst(%arg8 : memref<16x128xi32, #tpu.memory_space<vmem>>)
      tpu.yield
    }) : () -> ()
    %mul3A_8 = arith.constant 1024 : i32
    %mul3A_9 = arith.muli %mul3A_8, %add3A : i32
    "tpu.region"() ({
      %run_scoped3A = tpu.sem_alloc : memref<!tpu.dma_semaphore, #tpu.memory_space<semaphore_mem>>
      %dma_start3A_3261 = tpu.memref_slice %arg3[%mul3A_9] : memref<32768xi32, #tpu.memory_space<hbm>> -> memref<1024xi32, #tpu.memory_space<hbm>>
      %dma_start3A_3262 = tpu.memref_slice %arg3[%mul3A_9] : memref<32768xi32, #tpu.memory_space<hbm>> -> memref<1024xi32, #tpu.memory_space<hbm>>
      tpu.enqueue_dma source(%dma_start3A_3262 : memref<1024xi32, #tpu.memory_space<hbm>>) target(%arg9 : memref<1024xi32, #tpu.memory_space<vmem>>) target_semaphore(%run_scoped3A : memref<!tpu.dma_semaphore, #tpu.memory_space<semaphore_mem>>)
      %dma_wait3A_3263 = tpu.memref_slice %arg3[%mul3A_9] : memref<32768xi32, #tpu.memory_space<hbm>> -> memref<1024xi32, #tpu.memory_space<hbm>>
      %dma_wait3A_3264 = tpu.memref_slice %arg3[%mul3A_9] : memref<32768xi32, #tpu.memory_space<hbm>> -> memref<1024xi32, #tpu.memory_space<hbm>>
      tpu.wait_dma2 semaphore(%run_scoped3A : memref<!tpu.dma_semaphore, #tpu.memory_space<semaphore_mem>>) src(%dma_wait3A_3264 : memref<1024xi32, #tpu.memory_space<hbm>>) dst(%arg9 : memref<1024xi32, #tpu.memory_space<vmem>>)
      tpu.yield
    }) : () -> ()
    %iota3A = tpu.iota {dimensions = array<i32: 0>} : vector<16xi32>
    %dma_wait3A = tpu.memref_slice %arg4[%mul3A_2] : memref<100000xf32, #tpu.memory_space<hbm>> -> memref<6280xf32, #tpu.memory_space<hbm>>
    %dma_wait3A_10 = tpu.memref_slice %arg4[%mul3A_2] : memref<100000xf32, #tpu.memory_space<hbm>> -> memref<6280xf32, #tpu.memory_space<hbm>>
    tpu.wait_dma2 semaphore(%arg19 : memref<!tpu.dma_semaphore, #tpu.memory_space<semaphore_mem>>) src(%dma_wait3A_10 : memref<6280xf32, #tpu.memory_space<hbm>>) dst(%arg16 : memref<6280xf32, #tpu.memory_space<vmem>>)
    "tpu.region"() ({
      %run_scoped3A = tpu.sem_alloc : memref<!tpu.dma_semaphore, #tpu.memory_space<semaphore_mem>>
      %dma_start3A_3261 = tpu.memref_slice %arg14[%mul3A_2] : memref<100000xf32, #tpu.memory_space<vmem_shared>> -> memref<6280xf32, #tpu.memory_space<vmem_shared>>
      %dma_start3A_3262 = tpu.memref_slice %arg14[%mul3A_2] : memref<100000xf32, #tpu.memory_space<vmem_shared>> -> memref<6280xf32, #tpu.memory_space<vmem_shared>>
      tpu.enqueue_dma source(%arg16 : memref<6280xf32, #tpu.memory_space<vmem>>) target(%dma_start3A_3262 : memref<6280xf32, #tpu.memory_space<vmem_shared>>) target_semaphore(%run_scoped3A : memref<!tpu.dma_semaphore, #tpu.memory_space<semaphore_mem>>)
      %dma_wait3A_3263 = tpu.memref_slice %arg14[%mul3A_2] : memref<100000xf32, #tpu.memory_space<vmem_shared>> -> memref<6280xf32, #tpu.memory_space<vmem_shared>>
      %dma_wait3A_3264 = tpu.memref_slice %arg14[%mul3A_2] : memref<100000xf32, #tpu.memory_space<vmem_shared>> -> memref<6280xf32, #tpu.memory_space<vmem_shared>>
      tpu.wait_dma2 semaphore(%run_scoped3A : memref<!tpu.dma_semaphore, #tpu.memory_space<semaphore_mem>>) src(%arg16 : memref<6280xf32, #tpu.memory_space<vmem>>) dst(%dma_wait3A_3264 : memref<6280xf32, #tpu.memory_space<vmem_shared>>)
      tpu.yield
    }) : () -> ()
    %dma_wait3A_11 = tpu.memref_slice %arg5[%mul3A_2] : memref<100000xf32, #tpu.memory_space<hbm>> -> memref<6280xf32, #tpu.memory_space<hbm>>
    %dma_wait3A_12 = tpu.memref_slice %arg5[%mul3A_2] : memref<100000xf32, #tpu.memory_space<hbm>> -> memref<6280xf32, #tpu.memory_space<hbm>>
    tpu.wait_dma2 semaphore(%arg20 : memref<!tpu.dma_semaphore, #tpu.memory_space<semaphore_mem>>) src(%dma_wait3A_12 : memref<6280xf32, #tpu.memory_space<hbm>>) dst(%arg17 : memref<6280xf32, #tpu.memory_space<vmem>>)
    "tpu.region"() ({
      %run_scoped3A = tpu.sem_alloc : memref<!tpu.dma_semaphore, #tpu.memory_space<semaphore_mem>>
      %dma_start3A_3261 = tpu.memref_slice %arg15[%mul3A_2] : memref<100000xf32, #tpu.memory_space<vmem_shared>> -> memref<6280xf32, #tpu.memory_space<vmem_shared>>
      %dma_start3A_3262 = tpu.memref_slice %arg15[%mul3A_2] : memref<100000xf32, #tpu.memory_space<vmem_shared>> -> memref<6280xf32, #tpu.memory_space<vmem_shared>>
      tpu.enqueue_dma source(%arg17 : memref<6280xf32, #tpu.memory_space<vmem>>) target(%dma_start3A_3262 : memref<6280xf32, #tpu.memory_space<vmem_shared>>) target_semaphore(%run_scoped3A : memref<!tpu.dma_semaphore, #tpu.memory_space<semaphore_mem>>)
      %dma_wait3A_3263 = tpu.memref_slice %arg15[%mul3A_2] : memref<100000xf32, #tpu.memory_space<vmem_shared>> -> memref<6280xf32, #tpu.memory_space<vmem_shared>>
      %dma_wait3A_3264 = tpu.memref_slice %arg15[%mul3A_2] : memref<100000xf32, #tpu.memory_space<vmem_shared>> -> memref<6280xf32, #tpu.memory_space<vmem_shared>>
      tpu.wait_dma2 semaphore(%run_scoped3A : memref<!tpu.dma_semaphore, #tpu.memory_space<semaphore_mem>>) src(%arg17 : memref<6280xf32, #tpu.memory_space<vmem>>) dst(%dma_wait3A_3264 : memref<6280xf32, #tpu.memory_space<vmem_shared>>)
      tpu.yield
    }) : () -> ()
    %barrier3A = arith.constant 0 : index
    tpu.barrier barrier_id(%barrier3A)
    %dma_start3A_13 = arith.constant 1 : i32
    %dma_start3A_14 = arith.constant 0 : i32
    %dma_start3A_15 = arith.constant 0 : i32
    %dma_start3A_16 = arith.constant 0 : i32
    %dma_start3A_17 = tpu.memref_slice %arg10[%dma_start3A_14, %dma_start3A_16] : memref<8x128xf32, #tpu.memory_space<vmem>> -> memref<1x128xf32, #tpu.memory_space<vmem>>
    %dma_start3A_18 = tpu.memref_squeeze %dma_start3A_17 : memref<1x128xf32, #tpu.memory_space<vmem>> -> memref<128xf32, #tpu.memory_space<vmem>>
    %dma_start3A_19 = arith.constant 0 : i32
    %dma_start3A_20 = tpu.memref_slice %arg8[%dma_start3A_13, %dma_start3A_19] : memref<16x128xi32, #tpu.memory_space<vmem>> -> memref<1x128xi32, #tpu.memory_space<vmem>>
    %dma_start3A_21 = tpu.memref_squeeze %dma_start3A_20 : memref<1x128xi32, #tpu.memory_space<vmem>> -> memref<128xi32, #tpu.memory_space<vmem>>
    %dma_start3A_22 = arith.constant 0 : i32
    %dma_start3A_23 = tpu.memref_slice %arg14[%dma_start3A_22] : memref<100000xf32, #tpu.memory_space<vmem_shared>> -> memref<100000xf32, #tpu.memory_space<vmem_shared>>
    %dma_start3A_24 = tpu.memref_slice %arg18[%dma_start3A_15] : memref<8x!tpu.dma_semaphore, #tpu.memory_space<semaphore_mem>> -> memref<1x!tpu.dma_semaphore, #tpu.memory_space<semaphore_mem>>
    %dma_start3A_25 = tpu.memref_squeeze %dma_start3A_24 : memref<1x!tpu.dma_semaphore, #tpu.memory_space<semaphore_mem>> -> memref<!tpu.dma_semaphore, #tpu.memory_space<semaphore_mem>>
    tpu.enqueue_indirect_dma source(%dma_start3A_23 : memref<100000xf32, #tpu.memory_space<vmem_shared>>) target(%dma_start3A_18 : memref<128xf32, #tpu.memory_space<vmem>>) offsets(%dma_start3A_21 : memref<128xi32, #tpu.memory_space<vmem>>) semaphore(%dma_start3A_25 : memref<!tpu.dma_semaphore, #tpu.memory_space<semaphore_mem>>)
    %dma_start3A_26 = arith.constant 0 : i32
    %dma_start3A_27 = arith.constant 0 : i32
    %dma_start3A_28 = arith.constant 0 : i32
    %dma_start3A_29 = arith.constant 0 : i32
    %dma_start3A_30 = tpu.memref_slice %arg11[%dma_start3A_27, %dma_start3A_29] : memref<8x128xf32, #tpu.memory_space<vmem>> -> memref<1x128xf32, #tpu.memory_space<vmem>>
    %dma_start3A_31 = tpu.memref_squeeze %dma_start3A_30 : memref<1x128xf32, #tpu.memory_space<vmem>> -> memref<128xf32, #tpu.memory_space<vmem>>
    %dma_start3A_32 = arith.constant 0 : i32
    %dma_start3A_33 = tpu.memref_slice %arg8[%dma_start3A_26, %dma_start3A_32] : memref<16x128xi32, #tpu.memory_space<vmem>> -> memref<1x128xi32, #tpu.memory_space<vmem>>
    %dma_start3A_34 = tpu.memref_squeeze %dma_start3A_33 : memref<1x128xi32, #tpu.memory_space<vmem>> -> memref<128xi32, #tpu.memory_space<vmem>>
    %dma_start3A_35 = arith.constant 0 : i32
    %dma_start3A_36 = tpu.memref_slice %arg15[%dma_start3A_35] : memref<100000xf32, #tpu.memory_space<vmem_shared>> -> memref<100000xf32, #tpu.memory_space<vmem_shared>>
    %dma_start3A_37 = tpu.memref_slice %arg18[%dma_start3A_28] : memref<8x!tpu.dma_semaphore, #tpu.memory_space<semaphore_mem>> -> memref<1x!tpu.dma_semaphore, #tpu.memory_space<semaphore_mem>>
    %dma_start3A_38 = tpu.memref_squeeze %dma_start3A_37 : memref<1x!tpu.dma_semaphore, #tpu.memory_space<semaphore_mem>> -> memref<!tpu.dma_semaphore, #tpu.memory_space<semaphore_mem>>
    tpu.enqueue_indirect_dma source(%dma_start3A_36 : memref<100000xf32, #tpu.memory_space<vmem_shared>>) target(%dma_start3A_31 : memref<128xf32, #tpu.memory_space<vmem>>) offsets(%dma_start3A_34 : memref<128xi32, #tpu.memory_space<vmem>>) semaphore(%dma_start3A_38 : memref<!tpu.dma_semaphore, #tpu.memory_space<semaphore_mem>>)
    %dma_start3A_39 = arith.constant 3 : i32
    %dma_start3A_40 = arith.constant 1 : i32
    %dma_start3A_41 = arith.constant 1 : i32
    %dma_start3A_42 = arith.constant 0 : i32
    %dma_start3A_43 = tpu.memref_slice %arg10[%dma_start3A_40, %dma_start3A_42] : memref<8x128xf32, #tpu.memory_space<vmem>> -> memref<1x128xf32, #tpu.memory_space<vmem>>
    %dma_start3A_44 = tpu.memref_squeeze %dma_start3A_43 : memref<1x128xf32, #tpu.memory_space<vmem>> -> memref<128xf32, #tpu.memory_space<vmem>>
    %dma_start3A_45 = arith.constant 0 : i32
    %dma_start3A_46 = tpu.memref_slice %arg8[%dma_start3A_39, %dma_start3A_45] : memref<16x128xi32, #tpu.memory_space<vmem>> -> memref<1x128xi32, #tpu.memory_space<vmem>>
    %dma_start3A_47 = tpu.memref_squeeze %dma_start3A_46 : memref<1x128xi32, #tpu.memory_space<vmem>> -> memref<128xi32, #tpu.memory_space<vmem>>
    %dma_start3A_48 = arith.constant 0 : i32
    %dma_start3A_49 = tpu.memref_slice %arg14[%dma_start3A_48] : memref<100000xf32, #tpu.memory_space<vmem_shared>> -> memref<100000xf32, #tpu.memory_space<vmem_shared>>
    %dma_start3A_50 = tpu.memref_slice %arg18[%dma_start3A_41] : memref<8x!tpu.dma_semaphore, #tpu.memory_space<semaphore_mem>> -> memref<1x!tpu.dma_semaphore, #tpu.memory_space<semaphore_mem>>
    %dma_start3A_51 = tpu.memref_squeeze %dma_start3A_50 : memref<1x!tpu.dma_semaphore, #tpu.memory_space<semaphore_mem>> -> memref<!tpu.dma_semaphore, #tpu.memory_space<semaphore_mem>>
    tpu.enqueue_indirect_dma source(%dma_start3A_49 : memref<100000xf32, #tpu.memory_space<vmem_shared>>) target(%dma_start3A_44 : memref<128xf32, #tpu.memory_space<vmem>>) offsets(%dma_start3A_47 : memref<128xi32, #tpu.memory_space<vmem>>) semaphore(%dma_start3A_51 : memref<!tpu.dma_semaphore, #tpu.memory_space<semaphore_mem>>)
    %dma_start3A_52 = arith.constant 2 : i32
    %dma_start3A_53 = arith.constant 1 : i32
    %dma_start3A_54 = arith.constant 1 : i32
    %dma_start3A_55 = arith.constant 0 : i32
    %dma_start3A_56 = tpu.memref_slice %arg11[%dma_start3A_53, %dma_start3A_55] : memref<8x128xf32, #tpu.memory_space<vmem>> -> memref<1x128xf32, #tpu.memory_space<vmem>>
    %dma_start3A_57 = tpu.memref_squeeze %dma_start3A_56 : memref<1x128xf32, #tpu.memory_space<vmem>> -> memref<128xf32, #tpu.memory_space<vmem>>
    %dma_start3A_58 = arith.constant 0 : i32
    %dma_start3A_59 = tpu.memref_slice %arg8[%dma_start3A_52, %dma_start3A_58] : memref<16x128xi32, #tpu.memory_space<vmem>> -> memref<1x128xi32, #tpu.memory_space<vmem>>
    %dma_start3A_60 = tpu.memref_squeeze %dma_start3A_59 : memref<1x128xi32, #tpu.memory_space<vmem>> -> memref<128xi32, #tpu.memory_space<vmem>>
    %dma_start3A_61 = arith.constant 0 : i32
    %dma_start3A_62 = tpu.memref_slice %arg15[%dma_start3A_61] : memref<100000xf32, #tpu.memory_space<vmem_shared>> -> memref<100000xf32, #tpu.memory_space<vmem_shared>>
    %dma_start3A_63 = tpu.memref_slice %arg18[%dma_start3A_54] : memref<8x!tpu.dma_semaphore, #tpu.memory_space<semaphore_mem>> -> memref<1x!tpu.dma_semaphore, #tpu.memory_space<semaphore_mem>>
    %dma_start3A_64 = tpu.memref_squeeze %dma_start3A_63 : memref<1x!tpu.dma_semaphore, #tpu.memory_space<semaphore_mem>> -> memref<!tpu.dma_semaphore, #tpu.memory_space<semaphore_mem>>
    tpu.enqueue_indirect_dma source(%dma_start3A_62 : memref<100000xf32, #tpu.memory_space<vmem_shared>>) target(%dma_start3A_57 : memref<128xf32, #tpu.memory_space<vmem>>) offsets(%dma_start3A_60 : memref<128xi32, #tpu.memory_space<vmem>>) semaphore(%dma_start3A_64 : memref<!tpu.dma_semaphore, #tpu.memory_space<semaphore_mem>>)
    %dma_start3A_65 = arith.constant 5 : i32
    %dma_start3A_66 = arith.constant 2 : i32
    %dma_start3A_67 = arith.constant 2 : i32
    %dma_start3A_68 = arith.constant 0 : i32
    %dma_start3A_69 = tpu.memref_slice %arg10[%dma_start3A_66, %dma_start3A_68] : memref<8x128xf32, #tpu.memory_space<vmem>> -> memref<1x128xf32, #tpu.memory_space<vmem>>
    %dma_start3A_70 = tpu.memref_squeeze %dma_start3A_69 : memref<1x128xf32, #tpu.memory_space<vmem>> -> memref<128xf32, #tpu.memory_space<vmem>>
    %dma_start3A_71 = arith.constant 0 : i32
    %dma_start3A_72 = tpu.memref_slice %arg8[%dma_start3A_65, %dma_start3A_71] : memref<16x128xi32, #tpu.memory_space<vmem>> -> memref<1x128xi32, #tpu.memory_space<vmem>>
    %dma_start3A_73 = tpu.memref_squeeze %dma_start3A_72 : memref<1x128xi32, #tpu.memory_space<vmem>> -> memref<128xi32, #tpu.memory_space<vmem>>
    %dma_start3A_74 = arith.constant 0 : i32
    %dma_start3A_75 = tpu.memref_slice %arg14[%dma_start3A_74] : memref<100000xf32, #tpu.memory_space<vmem_shared>> -> memref<100000xf32, #tpu.memory_space<vmem_shared>>
    %dma_start3A_76 = tpu.memref_slice %arg18[%dma_start3A_67] : memref<8x!tpu.dma_semaphore, #tpu.memory_space<semaphore_mem>> -> memref<1x!tpu.dma_semaphore, #tpu.memory_space<semaphore_mem>>
    %dma_start3A_77 = tpu.memref_squeeze %dma_start3A_76 : memref<1x!tpu.dma_semaphore, #tpu.memory_space<semaphore_mem>> -> memref<!tpu.dma_semaphore, #tpu.memory_space<semaphore_mem>>
    tpu.enqueue_indirect_dma source(%dma_start3A_75 : memref<100000xf32, #tpu.memory_space<vmem_shared>>) target(%dma_start3A_70 : memref<128xf32, #tpu.memory_space<vmem>>) offsets(%dma_start3A_73 : memref<128xi32, #tpu.memory_space<vmem>>) semaphore(%dma_start3A_77 : memref<!tpu.dma_semaphore, #tpu.memory_space<semaphore_mem>>)
    %dma_start3A_78 = arith.constant 4 : i32
    %dma_start3A_79 = arith.constant 2 : i32
    %dma_start3A_80 = arith.constant 2 : i32
    %dma_start3A_81 = arith.constant 0 : i32
    %dma_start3A_82 = tpu.memref_slice %arg11[%dma_start3A_79, %dma_start3A_81] : memref<8x128xf32, #tpu.memory_space<vmem>> -> memref<1x128xf32, #tpu.memory_space<vmem>>
    %dma_start3A_83 = tpu.memref_squeeze %dma_start3A_82 : memref<1x128xf32, #tpu.memory_space<vmem>> -> memref<128xf32, #tpu.memory_space<vmem>>
    %dma_start3A_84 = arith.constant 0 : i32
    %dma_start3A_85 = tpu.memref_slice %arg8[%dma_start3A_78, %dma_start3A_84] : memref<16x128xi32, #tpu.memory_space<vmem>> -> memref<1x128xi32, #tpu.memory_space<vmem>>
    %dma_start3A_86 = tpu.memref_squeeze %dma_start3A_85 : memref<1x128xi32, #tpu.memory_space<vmem>> -> memref<128xi32, #tpu.memory_space<vmem>>
    %dma_start3A_87 = arith.constant 0 : i32
    %dma_start3A_88 = tpu.memref_slice %arg15[%dma_start3A_87] : memref<100000xf32, #tpu.memory_space<vmem_shared>> -> memref<100000xf32, #tpu.memory_space<vmem_shared>>
    %dma_start3A_89 = tpu.memref_slice %arg18[%dma_start3A_80] : memref<8x!tpu.dma_semaphore, #tpu.memory_space<semaphore_mem>> -> memref<1x!tpu.dma_semaphore, #tpu.memory_space<semaphore_mem>>
    %dma_start3A_90 = tpu.memref_squeeze %dma_start3A_89 : memref<1x!tpu.dma_semaphore, #tpu.memory_space<semaphore_mem>> -> memref<!tpu.dma_semaphore, #tpu.memory_space<semaphore_mem>>
    tpu.enqueue_indirect_dma source(%dma_start3A_88 : memref<100000xf32, #tpu.memory_space<vmem_shared>>) target(%dma_start3A_83 : memref<128xf32, #tpu.memory_space<vmem>>) offsets(%dma_start3A_86 : memref<128xi32, #tpu.memory_space<vmem>>) semaphore(%dma_start3A_90 : memref<!tpu.dma_semaphore, #tpu.memory_space<semaphore_mem>>)
    %dma_start3A_91 = arith.constant 7 : i32
    %dma_start3A_92 = arith.constant 3 : i32
    %dma_start3A_93 = arith.constant 3 : i32
    %dma_start3A_94 = arith.constant 0 : i32
    %dma_start3A_95 = tpu.memref_slice %arg10[%dma_start3A_92, %dma_start3A_94] : memref<8x128xf32, #tpu.memory_space<vmem>> -> memref<1x128xf32, #tpu.memory_space<vmem>>
    %dma_start3A_96 = tpu.memref_squeeze %dma_start3A_95 : memref<1x128xf32, #tpu.memory_space<vmem>> -> memref<128xf32, #tpu.memory_space<vmem>>
    %dma_start3A_97 = arith.constant 0 : i32
    %dma_start3A_98 = tpu.memref_slice %arg8[%dma_start3A_91, %dma_start3A_97] : memref<16x128xi32, #tpu.memory_space<vmem>> -> memref<1x128xi32, #tpu.memory_space<vmem>>
    %dma_start3A_99 = tpu.memref_squeeze %dma_start3A_98 : memref<1x128xi32, #tpu.memory_space<vmem>> -> memref<128xi32, #tpu.memory_space<vmem>>
    %dma_start3A_100 = arith.constant 0 : i32
    %dma_start3A_101 = tpu.memref_slice %arg14[%dma_start3A_100] : memref<100000xf32, #tpu.memory_space<vmem_shared>> -> memref<100000xf32, #tpu.memory_space<vmem_shared>>
    %dma_start3A_102 = tpu.memref_slice %arg18[%dma_start3A_93] : memref<8x!tpu.dma_semaphore, #tpu.memory_space<semaphore_mem>> -> memref<1x!tpu.dma_semaphore, #tpu.memory_space<semaphore_mem>>
    %dma_start3A_103 = tpu.memref_squeeze %dma_start3A_102 : memref<1x!tpu.dma_semaphore, #tpu.memory_space<semaphore_mem>> -> memref<!tpu.dma_semaphore, #tpu.memory_space<semaphore_mem>>
    tpu.enqueue_indirect_dma source(%dma_start3A_101 : memref<100000xf32, #tpu.memory_space<vmem_shared>>) target(%dma_start3A_96 : memref<128xf32, #tpu.memory_space<vmem>>) offsets(%dma_start3A_99 : memref<128xi32, #tpu.memory_space<vmem>>) semaphore(%dma_start3A_103 : memref<!tpu.dma_semaphore, #tpu.memory_space<semaphore_mem>>)
    %dma_start3A_104 = arith.constant 6 : i32
    %dma_start3A_105 = arith.constant 3 : i32
    %dma_start3A_106 = arith.constant 3 : i32
    %dma_start3A_107 = arith.constant 0 : i32
    %dma_start3A_108 = tpu.memref_slice %arg11[%dma_start3A_105, %dma_start3A_107] : memref<8x128xf32, #tpu.memory_space<vmem>> -> memref<1x128xf32, #tpu.memory_space<vmem>>
    %dma_start3A_109 = tpu.memref_squeeze %dma_start3A_108 : memref<1x128xf32, #tpu.memory_space<vmem>> -> memref<128xf32, #tpu.memory_space<vmem>>
    %dma_start3A_110 = arith.constant 0 : i32
    %dma_start3A_111 = tpu.memref_slice %arg8[%dma_start3A_104, %dma_start3A_110] : memref<16x128xi32, #tpu.memory_space<vmem>> -> memref<1x128xi32, #tpu.memory_space<vmem>>
    %dma_start3A_112 = tpu.memref_squeeze %dma_start3A_111 : memref<1x128xi32, #tpu.memory_space<vmem>> -> memref<128xi32, #tpu.memory_space<vmem>>
    %dma_start3A_113 = arith.constant 0 : i32
    %dma_start3A_114 = tpu.memref_slice %arg15[%dma_start3A_113] : memref<100000xf32, #tpu.memory_space<vmem_shared>> -> memref<100000xf32, #tpu.memory_space<vmem_shared>>
    %dma_start3A_115 = tpu.memref_slice %arg18[%dma_start3A_106] : memref<8x!tpu.dma_semaphore, #tpu.memory_space<semaphore_mem>> -> memref<1x!tpu.dma_semaphore, #tpu.memory_space<semaphore_mem>>
    %dma_start3A_116 = tpu.memref_squeeze %dma_start3A_115 : memref<1x!tpu.dma_semaphore, #tpu.memory_space<semaphore_mem>> -> memref<!tpu.dma_semaphore, #tpu.memory_space<semaphore_mem>>
    tpu.enqueue_indirect_dma source(%dma_start3A_114 : memref<100000xf32, #tpu.memory_space<vmem_shared>>) target(%dma_start3A_109 : memref<128xf32, #tpu.memory_space<vmem>>) offsets(%dma_start3A_112 : memref<128xi32, #tpu.memory_space<vmem>>) semaphore(%dma_start3A_116 : memref<!tpu.dma_semaphore, #tpu.memory_space<semaphore_mem>>)
    %dma_start3A_117 = arith.constant 9 : i32
    %dma_start3A_118 = arith.constant 4 : i32
    %dma_start3A_119 = arith.constant 4 : i32
    %dma_start3A_120 = arith.constant 0 : i32
    %dma_start3A_121 = tpu.memref_slice %arg10[%dma_start3A_118, %dma_start3A_120] : memref<8x128xf32, #tpu.memory_space<vmem>> -> memref<1x128xf32, #tpu.memory_space<vmem>>
    %dma_start3A_122 = tpu.memref_squeeze %dma_start3A_121 : memref<1x128xf32, #tpu.memory_space<vmem>> -> memref<128xf32, #tpu.memory_space<vmem>>
    %dma_start3A_123 = arith.constant 0 : i32
    %dma_start3A_124 = tpu.memref_slice %arg8[%dma_start3A_117, %dma_start3A_123] : memref<16x128xi32, #tpu.memory_space<vmem>> -> memref<1x128xi32, #tpu.memory_space<vmem>>
    %dma_start3A_125 = tpu.memref_squeeze %dma_start3A_124 : memref<1x128xi32, #tpu.memory_space<vmem>> -> memref<128xi32, #tpu.memory_space<vmem>>
    %dma_start3A_126 = arith.constant 0 : i32
    %dma_start3A_127 = tpu.memref_slice %arg14[%dma_start3A_126] : memref<100000xf32, #tpu.memory_space<vmem_shared>> -> memref<100000xf32, #tpu.memory_space<vmem_shared>>
    %dma_start3A_128 = tpu.memref_slice %arg18[%dma_start3A_119] : memref<8x!tpu.dma_semaphore, #tpu.memory_space<semaphore_mem>> -> memref<1x!tpu.dma_semaphore, #tpu.memory_space<semaphore_mem>>
    %dma_start3A_129 = tpu.memref_squeeze %dma_start3A_128 : memref<1x!tpu.dma_semaphore, #tpu.memory_space<semaphore_mem>> -> memref<!tpu.dma_semaphore, #tpu.memory_space<semaphore_mem>>
    tpu.enqueue_indirect_dma source(%dma_start3A_127 : memref<100000xf32, #tpu.memory_space<vmem_shared>>) target(%dma_start3A_122 : memref<128xf32, #tpu.memory_space<vmem>>) offsets(%dma_start3A_125 : memref<128xi32, #tpu.memory_space<vmem>>) semaphore(%dma_start3A_129 : memref<!tpu.dma_semaphore, #tpu.memory_space<semaphore_mem>>)
    %dma_start3A_130 = arith.constant 8 : i32
    %dma_start3A_131 = arith.constant 4 : i32
    %dma_start3A_132 = arith.constant 4 : i32
    %dma_start3A_133 = arith.constant 0 : i32
    %dma_start3A_134 = tpu.memref_slice %arg11[%dma_start3A_131, %dma_start3A_133] : memref<8x128xf32, #tpu.memory_space<vmem>> -> memref<1x128xf32, #tpu.memory_space<vmem>>
    %dma_start3A_135 = tpu.memref_squeeze %dma_start3A_134 : memref<1x128xf32, #tpu.memory_space<vmem>> -> memref<128xf32, #tpu.memory_space<vmem>>
    %dma_start3A_136 = arith.constant 0 : i32
    %dma_start3A_137 = tpu.memref_slice %arg8[%dma_start3A_130, %dma_start3A_136] : memref<16x128xi32, #tpu.memory_space<vmem>> -> memref<1x128xi32, #tpu.memory_space<vmem>>
    %dma_start3A_138 = tpu.memref_squeeze %dma_start3A_137 : memref<1x128xi32, #tpu.memory_space<vmem>> -> memref<128xi32, #tpu.memory_space<vmem>>
    %dma_start3A_139 = arith.constant 0 : i32
    %dma_start3A_140 = tpu.memref_slice %arg15[%dma_start3A_139] : memref<100000xf32, #tpu.memory_space<vmem_shared>> -> memref<100000xf32, #tpu.memory_space<vmem_shared>>
    %dma_start3A_141 = tpu.memref_slice %arg18[%dma_start3A_132] : memref<8x!tpu.dma_semaphore, #tpu.memory_space<semaphore_mem>> -> memref<1x!tpu.dma_semaphore, #tpu.memory_space<semaphore_mem>>
    %dma_start3A_142 = tpu.memref_squeeze %dma_start3A_141 : memref<1x!tpu.dma_semaphore, #tpu.memory_space<semaphore_mem>> -> memref<!tpu.dma_semaphore, #tpu.memory_space<semaphore_mem>>
    tpu.enqueue_indirect_dma source(%dma_start3A_140 : memref<100000xf32, #tpu.memory_space<vmem_shared>>) target(%dma_start3A_135 : memref<128xf32, #tpu.memory_space<vmem>>) offsets(%dma_start3A_138 : memref<128xi32, #tpu.memory_space<vmem>>) semaphore(%dma_start3A_142 : memref<!tpu.dma_semaphore, #tpu.memory_space<semaphore_mem>>)
    %dma_start3A_143 = arith.constant 11 : i32
    %dma_start3A_144 = arith.constant 5 : i32
    %dma_start3A_145 = arith.constant 5 : i32
    %dma_start3A_146 = arith.constant 0 : i32
    %dma_start3A_147 = tpu.memref_slice %arg10[%dma_start3A_144, %dma_start3A_146] : memref<8x128xf32, #tpu.memory_space<vmem>> -> memref<1x128xf32, #tpu.memory_space<vmem>>
    %dma_start3A_148 = tpu.memref_squeeze %dma_start3A_147 : memref<1x128xf32, #tpu.memory_space<vmem>> -> memref<128xf32, #tpu.memory_space<vmem>>
    %dma_start3A_149 = arith.constant 0 : i32
    %dma_start3A_150 = tpu.memref_slice %arg8[%dma_start3A_143, %dma_start3A_149] : memref<16x128xi32, #tpu.memory_space<vmem>> -> memref<1x128xi32, #tpu.memory_space<vmem>>
    %dma_start3A_151 = tpu.memref_squeeze %dma_start3A_150 : memref<1x128xi32, #tpu.memory_space<vmem>> -> memref<128xi32, #tpu.memory_space<vmem>>
    %dma_start3A_152 = arith.constant 0 : i32
    %dma_start3A_153 = tpu.memref_slice %arg14[%dma_start3A_152] : memref<100000xf32, #tpu.memory_space<vmem_shared>> -> memref<100000xf32, #tpu.memory_space<vmem_shared>>
    %dma_start3A_154 = tpu.memref_slice %arg18[%dma_start3A_145] : memref<8x!tpu.dma_semaphore, #tpu.memory_space<semaphore_mem>> -> memref<1x!tpu.dma_semaphore, #tpu.memory_space<semaphore_mem>>
    %dma_start3A_155 = tpu.memref_squeeze %dma_start3A_154 : memref<1x!tpu.dma_semaphore, #tpu.memory_space<semaphore_mem>> -> memref<!tpu.dma_semaphore, #tpu.memory_space<semaphore_mem>>
    tpu.enqueue_indirect_dma source(%dma_start3A_153 : memref<100000xf32, #tpu.memory_space<vmem_shared>>) target(%dma_start3A_148 : memref<128xf32, #tpu.memory_space<vmem>>) offsets(%dma_start3A_151 : memref<128xi32, #tpu.memory_space<vmem>>) semaphore(%dma_start3A_155 : memref<!tpu.dma_semaphore, #tpu.memory_space<semaphore_mem>>)
    %dma_start3A_156 = arith.constant 10 : i32
    %dma_start3A_157 = arith.constant 5 : i32
    %dma_start3A_158 = arith.constant 5 : i32
    %dma_start3A_159 = arith.constant 0 : i32
    %dma_start3A_160 = tpu.memref_slice %arg11[%dma_start3A_157, %dma_start3A_159] : memref<8x128xf32, #tpu.memory_space<vmem>> -> memref<1x128xf32, #tpu.memory_space<vmem>>
    %dma_start3A_161 = tpu.memref_squeeze %dma_start3A_160 : memref<1x128xf32, #tpu.memory_space<vmem>> -> memref<128xf32, #tpu.memory_space<vmem>>
    %dma_start3A_162 = arith.constant 0 : i32
    %dma_start3A_163 = tpu.memref_slice %arg8[%dma_start3A_156, %dma_start3A_162] : memref<16x128xi32, #tpu.memory_space<vmem>> -> memref<1x128xi32, #tpu.memory_space<vmem>>
    %dma_start3A_164 = tpu.memref_squeeze %dma_start3A_163 : memref<1x128xi32, #tpu.memory_space<vmem>> -> memref<128xi32, #tpu.memory_space<vmem>>
    %dma_start3A_165 = arith.constant 0 : i32
    %dma_start3A_166 = tpu.memref_slice %arg15[%dma_start3A_165] : memref<100000xf32, #tpu.memory_space<vmem_shared>> -> memref<100000xf32, #tpu.memory_space<vmem_shared>>
    %dma_start3A_167 = tpu.memref_slice %arg18[%dma_start3A_158] : memref<8x!tpu.dma_semaphore, #tpu.memory_space<semaphore_mem>> -> memref<1x!tpu.dma_semaphore, #tpu.memory_space<semaphore_mem>>
    %dma_start3A_168 = tpu.memref_squeeze %dma_start3A_167 : memref<1x!tpu.dma_semaphore, #tpu.memory_space<semaphore_mem>> -> memref<!tpu.dma_semaphore, #tpu.memory_space<semaphore_mem>>
    tpu.enqueue_indirect_dma source(%dma_start3A_166 : memref<100000xf32, #tpu.memory_space<vmem_shared>>) target(%dma_start3A_161 : memref<128xf32, #tpu.memory_space<vmem>>) offsets(%dma_start3A_164 : memref<128xi32, #tpu.memory_space<vmem>>) semaphore(%dma_start3A_168 : memref<!tpu.dma_semaphore, #tpu.memory_space<semaphore_mem>>)
    %dma_start3A_169 = arith.constant 13 : i32
    %dma_start3A_170 = arith.constant 6 : i32
    %dma_start3A_171 = arith.constant 6 : i32
    %dma_start3A_172 = arith.constant 0 : i32
    %dma_start3A_173 = tpu.memref_slice %arg10[%dma_start3A_170, %dma_start3A_172] : memref<8x128xf32, #tpu.memory_space<vmem>> -> memref<1x128xf32, #tpu.memory_space<vmem>>
    %dma_start3A_174 = tpu.memref_squeeze %dma_start3A_173 : memref<1x128xf32, #tpu.memory_space<vmem>> -> memref<128xf32, #tpu.memory_space<vmem>>
    %dma_start3A_175 = arith.constant 0 : i32
    %dma_start3A_176 = tpu.memref_slice %arg8[%dma_start3A_169, %dma_start3A_175] : memref<16x128xi32, #tpu.memory_space<vmem>> -> memref<1x128xi32, #tpu.memory_space<vmem>>
    %dma_start3A_177 = tpu.memref_squeeze %dma_start3A_176 : memref<1x128xi32, #tpu.memory_space<vmem>> -> memref<128xi32, #tpu.memory_space<vmem>>
    %dma_start3A_178 = arith.constant 0 : i32
    %dma_start3A_179 = tpu.memref_slice %arg14[%dma_start3A_178] : memref<100000xf32, #tpu.memory_space<vmem_shared>> -> memref<100000xf32, #tpu.memory_space<vmem_shared>>
    %dma_start3A_180 = tpu.memref_slice %arg18[%dma_start3A_171] : memref<8x!tpu.dma_semaphore, #tpu.memory_space<semaphore_mem>> -> memref<1x!tpu.dma_semaphore, #tpu.memory_space<semaphore_mem>>
    %dma_start3A_181 = tpu.memref_squeeze %dma_start3A_180 : memref<1x!tpu.dma_semaphore, #tpu.memory_space<semaphore_mem>> -> memref<!tpu.dma_semaphore, #tpu.memory_space<semaphore_mem>>
    tpu.enqueue_indirect_dma source(%dma_start3A_179 : memref<100000xf32, #tpu.memory_space<vmem_shared>>) target(%dma_start3A_174 : memref<128xf32, #tpu.memory_space<vmem>>) offsets(%dma_start3A_177 : memref<128xi32, #tpu.memory_space<vmem>>) semaphore(%dma_start3A_181 : memref<!tpu.dma_semaphore, #tpu.memory_space<semaphore_mem>>)
    %dma_start3A_182 = arith.constant 12 : i32
    %dma_start3A_183 = arith.constant 6 : i32
    %dma_start3A_184 = arith.constant 6 : i32
    %dma_start3A_185 = arith.constant 0 : i32
    %dma_start3A_186 = tpu.memref_slice %arg11[%dma_start3A_183, %dma_start3A_185] : memref<8x128xf32, #tpu.memory_space<vmem>> -> memref<1x128xf32, #tpu.memory_space<vmem>>
    %dma_start3A_187 = tpu.memref_squeeze %dma_start3A_186 : memref<1x128xf32, #tpu.memory_space<vmem>> -> memref<128xf32, #tpu.memory_space<vmem>>
    %dma_start3A_188 = arith.constant 0 : i32
    %dma_start3A_189 = tpu.memref_slice %arg8[%dma_start3A_182, %dma_start3A_188] : memref<16x128xi32, #tpu.memory_space<vmem>> -> memref<1x128xi32, #tpu.memory_space<vmem>>
    %dma_start3A_190 = tpu.memref_squeeze %dma_start3A_189 : memref<1x128xi32, #tpu.memory_space<vmem>> -> memref<128xi32, #tpu.memory_space<vmem>>
    %dma_start3A_191 = arith.constant 0 : i32
    %dma_start3A_192 = tpu.memref_slice %arg15[%dma_start3A_191] : memref<100000xf32, #tpu.memory_space<vmem_shared>> -> memref<100000xf32, #tpu.memory_space<vmem_shared>>
    %dma_start3A_193 = tpu.memref_slice %arg18[%dma_start3A_184] : memref<8x!tpu.dma_semaphore, #tpu.memory_space<semaphore_mem>> -> memref<1x!tpu.dma_semaphore, #tpu.memory_space<semaphore_mem>>
    %dma_start3A_194 = tpu.memref_squeeze %dma_start3A_193 : memref<1x!tpu.dma_semaphore, #tpu.memory_space<semaphore_mem>> -> memref<!tpu.dma_semaphore, #tpu.memory_space<semaphore_mem>>
    tpu.enqueue_indirect_dma source(%dma_start3A_192 : memref<100000xf32, #tpu.memory_space<vmem_shared>>) target(%dma_start3A_187 : memref<128xf32, #tpu.memory_space<vmem>>) offsets(%dma_start3A_190 : memref<128xi32, #tpu.memory_space<vmem>>) semaphore(%dma_start3A_194 : memref<!tpu.dma_semaphore, #tpu.memory_space<semaphore_mem>>)
    %dma_start3A_195 = arith.constant 15 : i32
    %dma_start3A_196 = arith.constant 7 : i32
    %dma_start3A_197 = arith.constant 7 : i32
    %dma_start3A_198 = arith.constant 0 : i32
    %dma_start3A_199 = tpu.memref_slice %arg10[%dma_start3A_196, %dma_start3A_198] : memref<8x128xf32, #tpu.memory_space<vmem>> -> memref<1x128xf32, #tpu.memory_space<vmem>>
    %dma_start3A_200 = tpu.memref_squeeze %dma_start3A_199 : memref<1x128xf32, #tpu.memory_space<vmem>> -> memref<128xf32, #tpu.memory_space<vmem>>
    %dma_start3A_201 = arith.constant 0 : i32
    %dma_start3A_202 = tpu.memref_slice %arg8[%dma_start3A_195, %dma_start3A_201] : memref<16x128xi32, #tpu.memory_space<vmem>> -> memref<1x128xi32, #tpu.memory_space<vmem>>
    %dma_start3A_203 = tpu.memref_squeeze %dma_start3A_202 : memref<1x128xi32, #tpu.memory_space<vmem>> -> memref<128xi32, #tpu.memory_space<vmem>>
    %dma_start3A_204 = arith.constant 0 : i32
    %dma_start3A_205 = tpu.memref_slice %arg14[%dma_start3A_204] : memref<100000xf32, #tpu.memory_space<vmem_shared>> -> memref<100000xf32, #tpu.memory_space<vmem_shared>>
    %dma_start3A_206 = tpu.memref_slice %arg18[%dma_start3A_197] : memref<8x!tpu.dma_semaphore, #tpu.memory_space<semaphore_mem>> -> memref<1x!tpu.dma_semaphore, #tpu.memory_space<semaphore_mem>>
    %dma_start3A_207 = tpu.memref_squeeze %dma_start3A_206 : memref<1x!tpu.dma_semaphore, #tpu.memory_space<semaphore_mem>> -> memref<!tpu.dma_semaphore, #tpu.memory_space<semaphore_mem>>
    tpu.enqueue_indirect_dma source(%dma_start3A_205 : memref<100000xf32, #tpu.memory_space<vmem_shared>>) target(%dma_start3A_200 : memref<128xf32, #tpu.memory_space<vmem>>) offsets(%dma_start3A_203 : memref<128xi32, #tpu.memory_space<vmem>>) semaphore(%dma_start3A_207 : memref<!tpu.dma_semaphore, #tpu.memory_space<semaphore_mem>>)
    %dma_start3A_208 = arith.constant 14 : i32
    %dma_start3A_209 = arith.constant 7 : i32
    %dma_start3A_210 = arith.constant 7 : i32
    %dma_start3A_211 = arith.constant 0 : i32
    %dma_start3A_212 = tpu.memref_slice %arg11[%dma_start3A_209, %dma_start3A_211] : memref<8x128xf32, #tpu.memory_space<vmem>> -> memref<1x128xf32, #tpu.memory_space<vmem>>
    %dma_start3A_213 = tpu.memref_squeeze %dma_start3A_212 : memref<1x128xf32, #tpu.memory_space<vmem>> -> memref<128xf32, #tpu.memory_space<vmem>>
    %dma_start3A_214 = arith.constant 0 : i32
    %dma_start3A_215 = tpu.memref_slice %arg8[%dma_start3A_208, %dma_start3A_214] : memref<16x128xi32, #tpu.memory_space<vmem>> -> memref<1x128xi32, #tpu.memory_space<vmem>>
    %dma_start3A_216 = tpu.memref_squeeze %dma_start3A_215 : memref<1x128xi32, #tpu.memory_space<vmem>> -> memref<128xi32, #tpu.memory_space<vmem>>
    %dma_start3A_217 = arith.constant 0 : i32
    %dma_start3A_218 = tpu.memref_slice %arg15[%dma_start3A_217] : memref<100000xf32, #tpu.memory_space<vmem_shared>> -> memref<100000xf32, #tpu.memory_space<vmem_shared>>
    %dma_start3A_219 = tpu.memref_slice %arg18[%dma_start3A_210] : memref<8x!tpu.dma_semaphore, #tpu.memory_space<semaphore_mem>> -> memref<1x!tpu.dma_semaphore, #tpu.memory_space<semaphore_mem>>
    %dma_start3A_220 = tpu.memref_squeeze %dma_start3A_219 : memref<1x!tpu.dma_semaphore, #tpu.memory_space<semaphore_mem>> -> memref<!tpu.dma_semaphore, #tpu.memory_space<semaphore_mem>>
    tpu.enqueue_indirect_dma source(%dma_start3A_218 : memref<100000xf32, #tpu.memory_space<vmem_shared>>) target(%dma_start3A_213 : memref<128xf32, #tpu.memory_space<vmem>>) offsets(%dma_start3A_216 : memref<128xi32, #tpu.memory_space<vmem>>) semaphore(%dma_start3A_220 : memref<!tpu.dma_semaphore, #tpu.memory_space<semaphore_mem>>)
    %broadcast_in_dim3A = arith.constant 0.000000e+00 : f32
    %broadcast_in_dim3A_221 = vector.broadcast %broadcast_in_dim3A : f32 to vector<16xf32>
    %swap3A = arith.constant 0 : index
    %swap3A_222 = tpu.vector_load %arg12[%swap3A] {strides = array<i32>} : memref<16xf32, #tpu.memory_space<vmem>>, vector<16xf32>,
    tpu.vector_store %arg12[%swap3A], %broadcast_in_dim3A_221 {strides = array<i32>} : memref<16xf32, #tpu.memory_space<vmem>>, vector<16xf32>,
    %broadcast_in_dim3A_223 = arith.constant 0.000000e+00 : f32
    %broadcast_in_dim3A_224 = vector.broadcast %broadcast_in_dim3A_223 : f32 to vector<16xf32>
    %swap3A_225 = arith.constant 0 : index
    %swap3A_226 = tpu.vector_load %arg13[%swap3A_225] {strides = array<i32>} : memref<16xf32, #tpu.memory_space<vmem>>, vector<16xf32>,
    tpu.vector_store %arg13[%swap3A_225], %broadcast_in_dim3A_224 {strides = array<i32>} : memref<16xf32, #tpu.memory_space<vmem>>, vector<16xf32>,
    %lt3A = arith.constant 15 : i32
    %lt3A_227 = vector.broadcast %lt3A : i32 to vector<16xi32>
    %lt3A_228 = arith.cmpi slt, %iota3A, %lt3A_227 : vector<16xi32>
    %eq3A = arith.constant 15 : i32
    %eq3A_229 = vector.broadcast %eq3A : i32 to vector<16xi32>
    %eq3A_230 = arith.cmpi eq, %iota3A, %eq3A_229 : vector<16xi32>
    %dma_wait3A_231 = arith.constant 1 : i32
    %dma_wait3A_232 = arith.constant 0 : i32
    %dma_wait3A_233 = arith.constant 0 : i32
    %dma_wait3A_234 = arith.constant 0 : i32
    %dma_wait3A_235 = tpu.memref_slice %arg10[%dma_wait3A_232, %dma_wait3A_234] : memref<8x128xf32, #tpu.memory_space<vmem>> -> memref<1x128xf32, #tpu.memory_space<vmem>>
    %dma_wait3A_236 = tpu.memref_squeeze %dma_wait3A_235 : memref<1x128xf32, #tpu.memory_space<vmem>> -> memref<128xf32, #tpu.memory_space<vmem>>
    %dma_wait3A_237 = arith.constant 0 : i32
    %dma_wait3A_238 = tpu.memref_slice %arg8[%dma_wait3A_231, %dma_wait3A_237] : memref<16x128xi32, #tpu.memory_space<vmem>> -> memref<1x128xi32, #tpu.memory_space<vmem>>
    %dma_wait3A_239 = tpu.memref_squeeze %dma_wait3A_238 : memref<1x128xi32, #tpu.memory_space<vmem>> -> memref<128xi32, #tpu.memory_space<vmem>>
    %dma_wait3A_240 = arith.constant 0 : i32
    %dma_wait3A_241 = tpu.memref_slice %arg14[%dma_wait3A_240] : memref<100000xf32, #tpu.memory_space<vmem_shared>> -> memref<100000xf32, #tpu.memory_space<vmem_shared>>
    %dma_wait3A_242 = tpu.memref_slice %arg18[%dma_wait3A_233] : memref<8x!tpu.dma_semaphore, #tpu.memory_space<semaphore_mem>> -> memref<1x!tpu.dma_semaphore, #tpu.memory_space<semaphore_mem>>
    %dma_wait3A_243 = tpu.memref_squeeze %dma_wait3A_242 : memref<1x!tpu.dma_semaphore, #tpu.memory_space<semaphore_mem>> -> memref<!tpu.dma_semaphore, #tpu.memory_space<semaphore_mem>>
    tpu.wait_indirect_dma semaphore(%dma_wait3A_243 : memref<!tpu.dma_semaphore, #tpu.memory_space<semaphore_mem>>) src(%dma_wait3A_241 : memref<100000xf32, #tpu.memory_space<vmem_shared>>) dst(%dma_wait3A_236 : memref<128xf32, #tpu.memory_space<vmem>>)
    %dma_wait3A_244 = arith.constant 0 : i32
    %dma_wait3A_245 = arith.constant 0 : i32
    %dma_wait3A_246 = arith.constant 0 : i32
    %dma_wait3A_247 = arith.constant 0 : i32
    %dma_wait3A_248 = tpu.memref_slice %arg11[%dma_wait3A_245, %dma_wait3A_247] : memref<8x128xf32, #tpu.memory_space<vmem>> -> memref<1x128xf32, #tpu.memory_space<vmem>>
    %dma_wait3A_249 = tpu.memref_squeeze %dma_wait3A_248 : memref<1x128xf32, #tpu.memory_space<vmem>> -> memref<128xf32, #tpu.memory_space<vmem>>
    %dma_wait3A_250 = arith.constant 0 : i32
    %dma_wait3A_251 = tpu.memref_slice %arg8[%dma_wait3A_244, %dma_wait3A_250] : memref<16x128xi32, #tpu.memory_space<vmem>> -> memref<1x128xi32, #tpu.memory_space<vmem>>
    %dma_wait3A_252 = tpu.memref_squeeze %dma_wait3A_251 : memref<1x128xi32, #tpu.memory_space<vmem>> -> memref<128xi32, #tpu.memory_space<vmem>>
    %dma_wait3A_253 = arith.constant 0 : i32
    %dma_wait3A_254 = tpu.memref_slice %arg15[%dma_wait3A_253] : memref<100000xf32, #tpu.memory_space<vmem_shared>> -> memref<100000xf32, #tpu.memory_space<vmem_shared>>
    %dma_wait3A_255 = tpu.memref_slice %arg18[%dma_wait3A_246] : memref<8x!tpu.dma_semaphore, #tpu.memory_space<semaphore_mem>> -> memref<1x!tpu.dma_semaphore, #tpu.memory_space<semaphore_mem>>
    %dma_wait3A_256 = tpu.memref_squeeze %dma_wait3A_255 : memref<1x!tpu.dma_semaphore, #tpu.memory_space<semaphore_mem>> -> memref<!tpu.dma_semaphore, #tpu.memory_space<semaphore_mem>>
    tpu.wait_indirect_dma semaphore(%dma_wait3A_256 : memref<!tpu.dma_semaphore, #tpu.memory_space<semaphore_mem>>) src(%dma_wait3A_254 : memref<100000xf32, #tpu.memory_space<vmem_shared>>) dst(%dma_wait3A_249 : memref<128xf32, #tpu.memory_space<vmem>>)
    %scan3A = arith.constant 0 : i32
    %scan3A_257 = arith.constant 0 : i32
    %mul3A_258 = arith.constant 16 : i32
    %mul3A_259 = arith.muli %scan3A_257, %mul3A_258 : i32
    %add3A_260 = arith.constant 0 : i32
    %add3A_261 = arith.addi %add3A_260, %mul3A_259 : i32
    %add3A_262 = vector.broadcast %add3A_261 : i32 to vector<16xi32>
    %add3A_263 = arith.addi %iota3A, %add3A_262 : vector<16xi32>
    %mul3A_264 = arith.constant 16 : i32
    %mul3A_265 = arith.muli %scan3A_257, %mul3A_264 : i32
    %get3A = arith.constant 0 : i32
    %get3A_266 = arith.index_cast %get3A : i32 to index
    %get3A_267 = arith.index_cast %mul3A_265 : i32 to index
    %get3A_268 = tpu.vector_load %arg10[%get3A_266, %get3A_267] {strides = array<i32>} : memref<8x128xf32, #tpu.memory_space<vmem>>, vector<16xf32>,
    %get3A_269 = arith.constant 0 : i32
    %get3A_270 = arith.index_cast %get3A_269 : i32 to index
    %get3A_271 = arith.index_cast %mul3A_265 : i32 to index
    %get3A_272 = tpu.vector_load %arg11[%get3A_270, %get3A_271] {strides = array<i32>} : memref<8x128xf32, #tpu.memory_space<vmem>>, vector<16xf32>,
    %get3A_273 = arith.index_cast %add3A_261 : i32 to index
    %get3A_274 = tpu.vector_load %arg9[%get3A_273] {strides = array<i32>} : memref<1024xi32, #tpu.memory_space<vmem>>, vector<16xi32>,
    %add3A_275 = arith.constant 1 : i32
    %add3A_276 = vector.broadcast %add3A_275 : i32 to vector<16xi32>
    %add3A_277 = arith.addi %add3A_263, %add3A_276 : vector<16xi32>
    %min3A = arith.constant 1023 : i32
    %min3A_278 = vector.broadcast %min3A : i32 to vector<16xi32>
    %min3A_279 = arith.minsi %add3A_277, %min3A_278 : vector<16xi32>
    %gather3A = tpu.vector_load_idx %arg9[%min3A_279] : memref<1024xi32, #tpu.memory_space<vmem>>[vector<16xi32>], vector<16xi32>,
    %exp3A = math.exp %get3A_268 : vector<16xf32>
    %mul3A_280 = arith.mulf %exp3A, %get3A_272 : vector<16xf32>
    %broadcast_in_dim3A_281 = arith.constant true
    %broadcast_in_dim3A_282 = vector.broadcast %broadcast_in_dim3A_281 : i1 to vector<16xi1>
    %masked_cumsum3A = tpu.scan <sum>, %exp3A masked %broadcast_in_dim3A_282 : vector<16xf32>, vector<16xi1> -> vector<16xf32>
    %broadcast_in_dim3A_283 = arith.constant true
    %broadcast_in_dim3A_284 = vector.broadcast %broadcast_in_dim3A_283 : i1 to vector<16xi1>
    %masked_cumsum3A_285 = tpu.scan <sum>, %mul3A_280 masked %broadcast_in_dim3A_284 : vector<16xf32>, vector<16xi1> -> vector<16xf32>
    %ne3A = arith.cmpi ne, %get3A_274, %gather3A : vector<16xi32>
    %or3A = arith.ori %ne3A, %eq3A_230 : vector<16xi1>
    %and3A = arith.andi %ne3A, %lt3A_228 : vector<16xi1>
    tpu.vector_store_idx %arg13[%get3A_274], %masked_cumsum3A masked %or3A {add = true} : memref<16xf32, #tpu.memory_space<vmem>>[vector<16xi32>], vector<16xf32>, vector<16xi1>
    tpu.vector_store_idx %arg12[%get3A_274], %masked_cumsum3A_285 masked %or3A {add = true} : memref<16xf32, #tpu.memory_space<vmem>>[vector<16xi32>], vector<16xf32>, vector<16xi1>
    %neg3A = arith.constant 0.000000e+00 : f32
    %neg3A_286 = vector.broadcast %neg3A : f32 to vector<16xf32>
    %neg3A_287 = arith.subf %neg3A_286, %masked_cumsum3A : vector<16xf32>
    tpu.vector_store_idx %arg13[%gather3A], %neg3A_287 masked %and3A {add = true} : memref<16xf32, #tpu.memory_space<vmem>>[vector<16xi32>], vector<16xf32>, vector<16xi1>
    %neg3A_288 = arith.constant 0.000000e+00 : f32
    %neg3A_289 = vector.broadcast %neg3A_288 : f32 to vector<16xf32>
    %neg3A_290 = arith.subf %neg3A_289, %masked_cumsum3A_285 : vector<16xf32>
    tpu.vector_store_idx %arg12[%gather3A], %neg3A_290 masked %and3A {add = true} : memref<16xf32, #tpu.memory_space<vmem>>[vector<16xi32>], vector<16xf32>, vector<16xi1>
    %scan3A_291 = arith.constant 0 : i32
    %scan3A_292 = arith.constant 1 : i32
    %mul3A_293 = arith.constant 16 : i32
    %mul3A_294 = arith.muli %scan3A_292, %mul3A_293 : i32
    %add3A_295 = arith.constant 0 : i32
    %add3A_296 = arith.addi %add3A_295, %mul3A_294 : i32
    %add3A_297 = vector.broadcast %add3A_296 : i32 to vector<16xi32>
    %add3A_298 = arith.addi %iota3A, %add3A_297 : vector<16xi32>
    %mul3A_299 = arith.constant 16 : i32
    %mul3A_300 = arith.muli %scan3A_292, %mul3A_299 : i32
    %get3A_301 = arith.constant 0 : i32
    %get3A_302 = arith.index_cast %get3A_301 : i32 to index
    %get3A_303 = arith.index_cast %mul3A_300 : i32 to index
    %get3A_304 = tpu.vector_load %arg10[%get3A_302, %get3A_303] {strides = array<i32>} : memref<8x128xf32, #tpu.memory_space<vmem>>, vector<16xf32>,
    %get3A_305 = arith.constant 0 : i32
    %get3A_306 = arith.index_cast %get3A_305 : i32 to index
    %get3A_307 = arith.index_cast %mul3A_300 : i32 to index
    %get3A_308 = tpu.vector_load %arg11[%get3A_306, %get3A_307] {strides = array<i32>} : memref<8x128xf32, #tpu.memory_space<vmem>>, vector<16xf32>,
    %get3A_309 = arith.index_cast %add3A_296 : i32 to index
    %get3A_310 = tpu.vector_load %arg9[%get3A_309] {strides = array<i32>} : memref<1024xi32, #tpu.memory_space<vmem>>, vector<16xi32>,
    %add3A_311 = arith.constant 1 : i32
    %add3A_312 = vector.broadcast %add3A_311 : i32 to vector<16xi32>
    %add3A_313 = arith.addi %add3A_298, %add3A_312 : vector<16xi32>
    %min3A_314 = arith.constant 1023 : i32
    %min3A_315 = vector.broadcast %min3A_314 : i32 to vector<16xi32>
    %min3A_316 = arith.minsi %add3A_313, %min3A_315 : vector<16xi32>
    %gather3A_317 = tpu.vector_load_idx %arg9[%min3A_316] : memref<1024xi32, #tpu.memory_space<vmem>>[vector<16xi32>], vector<16xi32>,
    %exp3A_318 = math.exp %get3A_304 : vector<16xf32>
    %mul3A_319 = arith.mulf %exp3A_318, %get3A_308 : vector<16xf32>
    %broadcast_in_dim3A_320 = arith.constant true
    %broadcast_in_dim3A_321 = vector.broadcast %broadcast_in_dim3A_320 : i1 to vector<16xi1>
    %masked_cumsum3A_322 = tpu.scan <sum>, %exp3A_318 masked %broadcast_in_dim3A_321 : vector<16xf32>, vector<16xi1> -> vector<16xf32>
    %broadcast_in_dim3A_323 = arith.constant true
    %broadcast_in_dim3A_324 = vector.broadcast %broadcast_in_dim3A_323 : i1 to vector<16xi1>
    %masked_cumsum3A_325 = tpu.scan <sum>, %mul3A_319 masked %broadcast_in_dim3A_324 : vector<16xf32>, vector<16xi1> -> vector<16xf32>
    %ne3A_326 = arith.cmpi ne, %get3A_310, %gather3A_317 : vector<16xi32>
    %or3A_327 = arith.ori %ne3A_326, %eq3A_230 : vector<16xi1>
    %and3A_328 = arith.andi %ne3A_326, %lt3A_228 : vector<16xi1>
    tpu.vector_store_idx %arg13[%get3A_310], %masked_cumsum3A_322 masked %or3A_327 {add = true} : memref<16xf32, #tpu.memory_space<vmem>>[vector<16xi32>], vector<16xf32>, vector<16xi1>
    tpu.vector_store_idx %arg12[%get3A_310], %masked_cumsum3A_325 masked %or3A_327 {add = true} : memref<16xf32, #tpu.memory_space<vmem>>[vector<16xi32>], vector<16xf32>, vector<16xi1>
    %neg3A_329 = arith.constant 0.000000e+00 : f32
    %neg3A_330 = vector.broadcast %neg3A_329 : f32 to vector<16xf32>
    %neg3A_331 = arith.subf %neg3A_330, %masked_cumsum3A_322 : vector<16xf32>
    tpu.vector_store_idx %arg13[%gather3A_317], %neg3A_331 masked %and3A_328 {add = true} : memref<16xf32, #tpu.memory_space<vmem>>[vector<16xi32>], vector<16xf32>, vector<16xi1>
    %neg3A_332 = arith.constant 0.000000e+00 : f32
    %neg3A_333 = vector.broadcast %neg3A_332 : f32 to vector<16xf32>
    %neg3A_334 = arith.subf %neg3A_333, %masked_cumsum3A_325 : vector<16xf32>
    tpu.vector_store_idx %arg12[%gather3A_317], %neg3A_334 masked %and3A_328 {add = true} : memref<16xf32, #tpu.memory_space<vmem>>[vector<16xi32>], vector<16xf32>, vector<16xi1>
    %scan3A_335 = arith.constant 0 : i32
    %scan3A_336 = arith.constant 2 : i32
    %mul3A_337 = arith.constant 16 : i32
    %mul3A_338 = arith.muli %scan3A_336, %mul3A_337 : i32
    %add3A_339 = arith.constant 0 : i32
    %add3A_340 = arith.addi %add3A_339, %mul3A_338 : i32
    %add3A_341 = vector.broadcast %add3A_340 : i32 to vector<16xi32>
    %add3A_342 = arith.addi %iota3A, %add3A_341 : vector<16xi32>
    %mul3A_343 = arith.constant 16 : i32
    %mul3A_344 = arith.muli %scan3A_336, %mul3A_343 : i32
    %get3A_345 = arith.constant 0 : i32
    %get3A_346 = arith.index_cast %get3A_345 : i32 to index
    %get3A_347 = arith.index_cast %mul3A_344 : i32 to index
    %get3A_348 = tpu.vector_load %arg10[%get3A_346, %get3A_347] {strides = array<i32>} : memref<8x128xf32, #tpu.memory_space<vmem>>, vector<16xf32>,
    %get3A_349 = arith.constant 0 : i32
    %get3A_350 = arith.index_cast %get3A_349 : i32 to index
    %get3A_351 = arith.index_cast %mul3A_344 : i32 to index
    %get3A_352 = tpu.vector_load %arg11[%get3A_350, %get3A_351] {strides = array<i32>} : memref<8x128xf32, #tpu.memory_space<vmem>>, vector<16xf32>,
    %get3A_353 = arith.index_cast %add3A_340 : i32 to index
    %get3A_354 = tpu.vector_load %arg9[%get3A_353] {strides = array<i32>} : memref<1024xi32, #tpu.memory_space<vmem>>, vector<16xi32>,
    %add3A_355 = arith.constant 1 : i32
    %add3A_356 = vector.broadcast %add3A_355 : i32 to vector<16xi32>
    %add3A_357 = arith.addi %add3A_342, %add3A_356 : vector<16xi32>
    %min3A_358 = arith.constant 1023 : i32
    %min3A_359 = vector.broadcast %min3A_358 : i32 to vector<16xi32>
    %min3A_360 = arith.minsi %add3A_357, %min3A_359 : vector<16xi32>
    %gather3A_361 = tpu.vector_load_idx %arg9[%min3A_360] : memref<1024xi32, #tpu.memory_space<vmem>>[vector<16xi32>], vector<16xi32>,
    %exp3A_362 = math.exp %get3A_348 : vector<16xf32>
    %mul3A_363 = arith.mulf %exp3A_362, %get3A_352 : vector<16xf32>
    %broadcast_in_dim3A_364 = arith.constant true
    %broadcast_in_dim3A_365 = vector.broadcast %broadcast_in_dim3A_364 : i1 to vector<16xi1>
    %masked_cumsum3A_366 = tpu.scan <sum>, %exp3A_362 masked %broadcast_in_dim3A_365 : vector<16xf32>, vector<16xi1> -> vector<16xf32>
    %broadcast_in_dim3A_367 = arith.constant true
    %broadcast_in_dim3A_368 = vector.broadcast %broadcast_in_dim3A_367 : i1 to vector<16xi1>
    %masked_cumsum3A_369 = tpu.scan <sum>, %mul3A_363 masked %broadcast_in_dim3A_368 : vector<16xf32>, vector<16xi1> -> vector<16xf32>
    %ne3A_370 = arith.cmpi ne, %get3A_354, %gather3A_361 : vector<16xi32>
    %or3A_371 = arith.ori %ne3A_370, %eq3A_230 : vector<16xi1>
    %and3A_372 = arith.andi %ne3A_370, %lt3A_228 : vector<16xi1>
    tpu.vector_store_idx %arg13[%get3A_354], %masked_cumsum3A_366 masked %or3A_371 {add = true} : memref<16xf32, #tpu.memory_space<vmem>>[vector<16xi32>], vector<16xf32>, vector<16xi1>
    tpu.vector_store_idx %arg12[%get3A_354], %masked_cumsum3A_369 masked %or3A_371 {add = true} : memref<16xf32, #tpu.memory_space<vmem>>[vector<16xi32>], vector<16xf32>, vector<16xi1>
    %neg3A_373 = arith.constant 0.000000e+00 : f32
    %neg3A_374 = vector.broadcast %neg3A_373 : f32 to vector<16xf32>
    %neg3A_375 = arith.subf %neg3A_374, %masked_cumsum3A_366 : vector<16xf32>
    tpu.vector_store_idx %arg13[%gather3A_361], %neg3A_375 masked %and3A_372 {add = true} : memref<16xf32, #tpu.memory_space<vmem>>[vector<16xi32>], vector<16xf32>, vector<16xi1>
    %neg3A_376 = arith.constant 0.000000e+00 : f32
    %neg3A_377 = vector.broadcast %neg3A_376 : f32 to vector<16xf32>
    %neg3A_378 = arith.subf %neg3A_377, %masked_cumsum3A_369 : vector<16xf32>
    tpu.vector_store_idx %arg12[%gather3A_361], %neg3A_378 masked %and3A_372 {add = true} : memref<16xf32, #tpu.memory_space<vmem>>[vector<16xi32>], vector<16xf32>, vector<16xi1>
    %scan3A_379 = arith.constant 0 : i32
    %scan3A_380 = arith.constant 3 : i32
    %mul3A_381 = arith.constant 16 : i32
    %mul3A_382 = arith.muli %scan3A_380, %mul3A_381 : i32
    %add3A_383 = arith.constant 0 : i32
    %add3A_384 = arith.addi %add3A_383, %mul3A_382 : i32
    %add3A_385 = vector.broadcast %add3A_384 : i32 to vector<16xi32>
    %add3A_386 = arith.addi %iota3A, %add3A_385 : vector<16xi32>
    %mul3A_387 = arith.constant 16 : i32
    %mul3A_388 = arith.muli %scan3A_380, %mul3A_387 : i32
    %get3A_389 = arith.constant 0 : i32
    %get3A_390 = arith.index_cast %get3A_389 : i32 to index
    %get3A_391 = arith.index_cast %mul3A_388 : i32 to index
    %get3A_392 = tpu.vector_load %arg10[%get3A_390, %get3A_391] {strides = array<i32>} : memref<8x128xf32, #tpu.memory_space<vmem>>, vector<16xf32>,
    %get3A_393 = arith.constant 0 : i32
    %get3A_394 = arith.index_cast %get3A_393 : i32 to index
    %get3A_395 = arith.index_cast %mul3A_388 : i32 to index
    %get3A_396 = tpu.vector_load %arg11[%get3A_394, %get3A_395] {strides = array<i32>} : memref<8x128xf32, #tpu.memory_space<vmem>>, vector<16xf32>,
    %get3A_397 = arith.index_cast %add3A_384 : i32 to index
    %get3A_398 = tpu.vector_load %arg9[%get3A_397] {strides = array<i32>} : memref<1024xi32, #tpu.memory_space<vmem>>, vector<16xi32>,
    %add3A_399 = arith.constant 1 : i32
    %add3A_400 = vector.broadcast %add3A_399 : i32 to vector<16xi32>
    %add3A_401 = arith.addi %add3A_386, %add3A_400 : vector<16xi32>
    %min3A_402 = arith.constant 1023 : i32
    %min3A_403 = vector.broadcast %min3A_402 : i32 to vector<16xi32>
    %min3A_404 = arith.minsi %add3A_401, %min3A_403 : vector<16xi32>
    %gather3A_405 = tpu.vector_load_idx %arg9[%min3A_404] : memref<1024xi32, #tpu.memory_space<vmem>>[vector<16xi32>], vector<16xi32>,
    %exp3A_406 = math.exp %get3A_392 : vector<16xf32>
    %mul3A_407 = arith.mulf %exp3A_406, %get3A_396 : vector<16xf32>
    %broadcast_in_dim3A_408 = arith.constant true
    %broadcast_in_dim3A_409 = vector.broadcast %broadcast_in_dim3A_408 : i1 to vector<16xi1>
    %masked_cumsum3A_410 = tpu.scan <sum>, %exp3A_406 masked %broadcast_in_dim3A_409 : vector<16xf32>, vector<16xi1> -> vector<16xf32>
    %broadcast_in_dim3A_411 = arith.constant true
    %broadcast_in_dim3A_412 = vector.broadcast %broadcast_in_dim3A_411 : i1 to vector<16xi1>
    %masked_cumsum3A_413 = tpu.scan <sum>, %mul3A_407 masked %broadcast_in_dim3A_412 : vector<16xf32>, vector<16xi1> -> vector<16xf32>
    %ne3A_414 = arith.cmpi ne, %get3A_398, %gather3A_405 : vector<16xi32>
    %or3A_415 = arith.ori %ne3A_414, %eq3A_230 : vector<16xi1>
    %and3A_416 = arith.andi %ne3A_414, %lt3A_228 : vector<16xi1>
    tpu.vector_store_idx %arg13[%get3A_398], %masked_cumsum3A_410 masked %or3A_415 {add = true} : memref<16xf32, #tpu.memory_space<vmem>>[vector<16xi32>], vector<16xf32>, vector<16xi1>
    tpu.vector_store_idx %arg12[%get3A_398], %masked_cumsum3A_413 masked %or3A_415 {add = true} : memref<16xf32, #tpu.memory_space<vmem>>[vector<16xi32>], vector<16xf32>, vector<16xi1>
    %neg3A_417 = arith.constant 0.000000e+00 : f32
    %neg3A_418 = vector.broadcast %neg3A_417 : f32 to vector<16xf32>
    %neg3A_419 = arith.subf %neg3A_418, %masked_cumsum3A_410 : vector<16xf32>
    tpu.vector_store_idx %arg13[%gather3A_405], %neg3A_419 masked %and3A_416 {add = true} : memref<16xf32, #tpu.memory_space<vmem>>[vector<16xi32>], vector<16xf32>, vector<16xi1>
    %neg3A_420 = arith.constant 0.000000e+00 : f32
    %neg3A_421 = vector.broadcast %neg3A_420 : f32 to vector<16xf32>
    %neg3A_422 = arith.subf %neg3A_421, %masked_cumsum3A_413 : vector<16xf32>
    tpu.vector_store_idx %arg12[%gather3A_405], %neg3A_422 masked %and3A_416 {add = true} : memref<16xf32, #tpu.memory_space<vmem>>[vector<16xi32>], vector<16xf32>, vector<16xi1>
    %scan3A_423 = arith.constant 0 : i32
    %scan3A_424 = arith.constant 4 : i32
    %mul3A_425 = arith.constant 16 : i32
    %mul3A_426 = arith.muli %scan3A_424, %mul3A_425 : i32
    %add3A_427 = arith.constant 0 : i32
    %add3A_428 = arith.addi %add3A_427, %mul3A_426 : i32
    %add3A_429 = vector.broadcast %add3A_428 : i32 to vector<16xi32>
    %add3A_430 = arith.addi %iota3A, %add3A_429 : vector<16xi32>
    %mul3A_431 = arith.constant 16 : i32
    %mul3A_432 = arith.muli %scan3A_424, %mul3A_431 : i32
    %get3A_433 = arith.constant 0 : i32
    %get3A_434 = arith.index_cast %get3A_433 : i32 to index
    %get3A_435 = arith.index_cast %mul3A_432 : i32 to index
    %get3A_436 = tpu.vector_load %arg10[%get3A_434, %get3A_435] {strides = array<i32>} : memref<8x128xf32, #tpu.memory_space<vmem>>, vector<16xf32>,
    %get3A_437 = arith.constant 0 : i32
    %get3A_438 = arith.index_cast %get3A_437 : i32 to index
    %get3A_439 = arith.index_cast %mul3A_432 : i32 to index
    %get3A_440 = tpu.vector_load %arg11[%get3A_438, %get3A_439] {strides = array<i32>} : memref<8x128xf32, #tpu.memory_space<vmem>>, vector<16xf32>,
    %get3A_441 = arith.index_cast %add3A_428 : i32 to index
    %get3A_442 = tpu.vector_load %arg9[%get3A_441] {strides = array<i32>} : memref<1024xi32, #tpu.memory_space<vmem>>, vector<16xi32>,
    %add3A_443 = arith.constant 1 : i32
    %add3A_444 = vector.broadcast %add3A_443 : i32 to vector<16xi32>
    %add3A_445 = arith.addi %add3A_430, %add3A_444 : vector<16xi32>
    %min3A_446 = arith.constant 1023 : i32
    %min3A_447 = vector.broadcast %min3A_446 : i32 to vector<16xi32>
    %min3A_448 = arith.minsi %add3A_445, %min3A_447 : vector<16xi32>
    %gather3A_449 = tpu.vector_load_idx %arg9[%min3A_448] : memref<1024xi32, #tpu.memory_space<vmem>>[vector<16xi32>], vector<16xi32>,
    %exp3A_450 = math.exp %get3A_436 : vector<16xf32>
    %mul3A_451 = arith.mulf %exp3A_450, %get3A_440 : vector<16xf32>
    %broadcast_in_dim3A_452 = arith.constant true
    %broadcast_in_dim3A_453 = vector.broadcast %broadcast_in_dim3A_452 : i1 to vector<16xi1>
    %masked_cumsum3A_454 = tpu.scan <sum>, %exp3A_450 masked %broadcast_in_dim3A_453 : vector<16xf32>, vector<16xi1> -> vector<16xf32>
    %broadcast_in_dim3A_455 = arith.constant true
    %broadcast_in_dim3A_456 = vector.broadcast %broadcast_in_dim3A_455 : i1 to vector<16xi1>
    %masked_cumsum3A_457 = tpu.scan <sum>, %mul3A_451 masked %broadcast_in_dim3A_456 : vector<16xf32>, vector<16xi1> -> vector<16xf32>
    %ne3A_458 = arith.cmpi ne, %get3A_442, %gather3A_449 : vector<16xi32>
    %or3A_459 = arith.ori %ne3A_458, %eq3A_230 : vector<16xi1>
    %and3A_460 = arith.andi %ne3A_458, %lt3A_228 : vector<16xi1>
    tpu.vector_store_idx %arg13[%get3A_442], %masked_cumsum3A_454 masked %or3A_459 {add = true} : memref<16xf32, #tpu.memory_space<vmem>>[vector<16xi32>], vector<16xf32>, vector<16xi1>
    tpu.vector_store_idx %arg12[%get3A_442], %masked_cumsum3A_457 masked %or3A_459 {add = true} : memref<16xf32, #tpu.memory_space<vmem>>[vector<16xi32>], vector<16xf32>, vector<16xi1>
    %neg3A_461 = arith.constant 0.000000e+00 : f32
    %neg3A_462 = vector.broadcast %neg3A_461 : f32 to vector<16xf32>
    %neg3A_463 = arith.subf %neg3A_462, %masked_cumsum3A_454 : vector<16xf32>
    tpu.vector_store_idx %arg13[%gather3A_449], %neg3A_463 masked %and3A_460 {add = true} : memref<16xf32, #tpu.memory_space<vmem>>[vector<16xi32>], vector<16xf32>, vector<16xi1>
    %neg3A_464 = arith.constant 0.000000e+00 : f32
    %neg3A_465 = vector.broadcast %neg3A_464 : f32 to vector<16xf32>
    %neg3A_466 = arith.subf %neg3A_465, %masked_cumsum3A_457 : vector<16xf32>
    tpu.vector_store_idx %arg12[%gather3A_449], %neg3A_466 masked %and3A_460 {add = true} : memref<16xf32, #tpu.memory_space<vmem>>[vector<16xi32>], vector<16xf32>, vector<16xi1>
    %scan3A_467 = arith.constant 0 : i32
    %scan3A_468 = arith.constant 5 : i32
    %mul3A_469 = arith.constant 16 : i32
    %mul3A_470 = arith.muli %scan3A_468, %mul3A_469 : i32
    %add3A_471 = arith.constant 0 : i32
    %add3A_472 = arith.addi %add3A_471, %mul3A_470 : i32
    %add3A_473 = vector.broadcast %add3A_472 : i32 to vector<16xi32>
    %add3A_474 = arith.addi %iota3A, %add3A_473 : vector<16xi32>
    %mul3A_475 = arith.constant 16 : i32
    %mul3A_476 = arith.muli %scan3A_468, %mul3A_475 : i32
    %get3A_477 = arith.constant 0 : i32
    %get3A_478 = arith.index_cast %get3A_477 : i32 to index
    %get3A_479 = arith.index_cast %mul3A_476 : i32 to index
    %get3A_480 = tpu.vector_load %arg10[%get3A_478, %get3A_479] {strides = array<i32>} : memref<8x128xf32, #tpu.memory_space<vmem>>, vector<16xf32>,
    %get3A_481 = arith.constant 0 : i32
    %get3A_482 = arith.index_cast %get3A_481 : i32 to index
    %get3A_483 = arith.index_cast %mul3A_476 : i32 to index
    %get3A_484 = tpu.vector_load %arg11[%get3A_482, %get3A_483] {strides = array<i32>} : memref<8x128xf32, #tpu.memory_space<vmem>>, vector<16xf32>,
    %get3A_485 = arith.index_cast %add3A_472 : i32 to index
    %get3A_486 = tpu.vector_load %arg9[%get3A_485] {strides = array<i32>} : memref<1024xi32, #tpu.memory_space<vmem>>, vector<16xi32>,
    %add3A_487 = arith.constant 1 : i32
    %add3A_488 = vector.broadcast %add3A_487 : i32 to vector<16xi32>
    %add3A_489 = arith.addi %add3A_474, %add3A_488 : vector<16xi32>
    %min3A_490 = arith.constant 1023 : i32
    %min3A_491 = vector.broadcast %min3A_490 : i32 to vector<16xi32>
    %min3A_492 = arith.minsi %add3A_489, %min3A_491 : vector<16xi32>
    %gather3A_493 = tpu.vector_load_idx %arg9[%min3A_492] : memref<1024xi32, #tpu.memory_space<vmem>>[vector<16xi32>], vector<16xi32>,
    %exp3A_494 = math.exp %get3A_480 : vector<16xf32>
    %mul3A_495 = arith.mulf %exp3A_494, %get3A_484 : vector<16xf32>
    %broadcast_in_dim3A_496 = arith.constant true
    %broadcast_in_dim3A_497 = vector.broadcast %broadcast_in_dim3A_496 : i1 to vector<16xi1>
    %masked_cumsum3A_498 = tpu.scan <sum>, %exp3A_494 masked %broadcast_in_dim3A_497 : vector<16xf32>, vector<16xi1> -> vector<16xf32>
    %broadcast_in_dim3A_499 = arith.constant true
    %broadcast_in_dim3A_500 = vector.broadcast %broadcast_in_dim3A_499 : i1 to vector<16xi1>
    %masked_cumsum3A_501 = tpu.scan <sum>, %mul3A_495 masked %broadcast_in_dim3A_500 : vector<16xf32>, vector<16xi1> -> vector<16xf32>
    %ne3A_502 = arith.cmpi ne, %get3A_486, %gather3A_493 : vector<16xi32>
    %or3A_503 = arith.ori %ne3A_502, %eq3A_230 : vector<16xi1>
    %and3A_504 = arith.andi %ne3A_502, %lt3A_228 : vector<16xi1>
    tpu.vector_store_idx %arg13[%get3A_486], %masked_cumsum3A_498 masked %or3A_503 {add = true} : memref<16xf32, #tpu.memory_space<vmem>>[vector<16xi32>], vector<16xf32>, vector<16xi1>
    tpu.vector_store_idx %arg12[%get3A_486], %masked_cumsum3A_501 masked %or3A_503 {add = true} : memref<16xf32, #tpu.memory_space<vmem>>[vector<16xi32>], vector<16xf32>, vector<16xi1>
    %neg3A_505 = arith.constant 0.000000e+00 : f32
    %neg3A_506 = vector.broadcast %neg3A_505 : f32 to vector<16xf32>
    %neg3A_507 = arith.subf %neg3A_506, %masked_cumsum3A_498 : vector<16xf32>
    tpu.vector_store_idx %arg13[%gather3A_493], %neg3A_507 masked %and3A_504 {add = true} : memref<16xf32, #tpu.memory_space<vmem>>[vector<16xi32>], vector<16xf32>, vector<16xi1>
    %neg3A_508 = arith.constant 0.000000e+00 : f32
    %neg3A_509 = vector.broadcast %neg3A_508 : f32 to vector<16xf32>
    %neg3A_510 = arith.subf %neg3A_509, %masked_cumsum3A_501 : vector<16xf32>
    tpu.vector_store_idx %arg12[%gather3A_493], %neg3A_510 masked %and3A_504 {add = true} : memref<16xf32, #tpu.memory_space<vmem>>[vector<16xi32>], vector<16xf32>, vector<16xi1>
    %scan3A_511 = arith.constant 0 : i32
    %scan3A_512 = arith.constant 6 : i32
    %mul3A_513 = arith.constant 16 : i32
    %mul3A_514 = arith.muli %scan3A_512, %mul3A_513 : i32
    %add3A_515 = arith.constant 0 : i32
    %add3A_516 = arith.addi %add3A_515, %mul3A_514 : i32
    %add3A_517 = vector.broadcast %add3A_516 : i32 to vector<16xi32>
    %add3A_518 = arith.addi %iota3A, %add3A_517 : vector<16xi32>
    %mul3A_519 = arith.constant 16 : i32
    %mul3A_520 = arith.muli %scan3A_512, %mul3A_519 : i32
    %get3A_521 = arith.constant 0 : i32
    %get3A_522 = arith.index_cast %get3A_521 : i32 to index
    %get3A_523 = arith.index_cast %mul3A_520 : i32 to index
    %get3A_524 = tpu.vector_load %arg10[%get3A_522, %get3A_523] {strides = array<i32>} : memref<8x128xf32, #tpu.memory_space<vmem>>, vector<16xf32>,
    %get3A_525 = arith.constant 0 : i32
    %get3A_526 = arith.index_cast %get3A_525 : i32 to index
    %get3A_527 = arith.index_cast %mul3A_520 : i32 to index
    %get3A_528 = tpu.vector_load %arg11[%get3A_526, %get3A_527] {strides = array<i32>} : memref<8x128xf32, #tpu.memory_space<vmem>>, vector<16xf32>,
    %get3A_529 = arith.index_cast %add3A_516 : i32 to index
    %get3A_530 = tpu.vector_load %arg9[%get3A_529] {strides = array<i32>} : memref<1024xi32, #tpu.memory_space<vmem>>, vector<16xi32>,
    %add3A_531 = arith.constant 1 : i32
    %add3A_532 = vector.broadcast %add3A_531 : i32 to vector<16xi32>
    %add3A_533 = arith.addi %add3A_518, %add3A_532 : vector<16xi32>
    %min3A_534 = arith.constant 1023 : i32
    %min3A_535 = vector.broadcast %min3A_534 : i32 to vector<16xi32>
    %min3A_536 = arith.minsi %add3A_533, %min3A_535 : vector<16xi32>
    %gather3A_537 = tpu.vector_load_idx %arg9[%min3A_536] : memref<1024xi32, #tpu.memory_space<vmem>>[vector<16xi32>], vector<16xi32>,
    %exp3A_538 = math.exp %get3A_524 : vector<16xf32>
    %mul3A_539 = arith.mulf %exp3A_538, %get3A_528 : vector<16xf32>
    %broadcast_in_dim3A_540 = arith.constant true
    %broadcast_in_dim3A_541 = vector.broadcast %broadcast_in_dim3A_540 : i1 to vector<16xi1>
    %masked_cumsum3A_542 = tpu.scan <sum>, %exp3A_538 masked %broadcast_in_dim3A_541 : vector<16xf32>, vector<16xi1> -> vector<16xf32>
    %broadcast_in_dim3A_543 = arith.constant true
    %broadcast_in_dim3A_544 = vector.broadcast %broadcast_in_dim3A_543 : i1 to vector<16xi1>
    %masked_cumsum3A_545 = tpu.scan <sum>, %mul3A_539 masked %broadcast_in_dim3A_544 : vector<16xf32>, vector<16xi1> -> vector<16xf32>
    %ne3A_546 = arith.cmpi ne, %get3A_530, %gather3A_537 : vector<16xi32>
    %or3A_547 = arith.ori %ne3A_546, %eq3A_230 : vector<16xi1>
    %and3A_548 = arith.andi %ne3A_546, %lt3A_228 : vector<16xi1>
    tpu.vector_store_idx %arg13[%get3A_530], %masked_cumsum3A_542 masked %or3A_547 {add = true} : memref<16xf32, #tpu.memory_space<vmem>>[vector<16xi32>], vector<16xf32>, vector<16xi1>
    tpu.vector_store_idx %arg12[%get3A_530], %masked_cumsum3A_545 masked %or3A_547 {add = true} : memref<16xf32, #tpu.memory_space<vmem>>[vector<16xi32>], vector<16xf32>, vector<16xi1>
    %neg3A_549 = arith.constant 0.000000e+00 : f32
    %neg3A_550 = vector.broadcast %neg3A_549 : f32 to vector<16xf32>
    %neg3A_551 = arith.subf %neg3A_550, %masked_cumsum3A_542 : vector<16xf32>
    tpu.vector_store_idx %arg13[%gather3A_537], %neg3A_551 masked %and3A_548 {add = true} : memref<16xf32, #tpu.memory_space<vmem>>[vector<16xi32>], vector<16xf32>, vector<16xi1>
    %neg3A_552 = arith.constant 0.000000e+00 : f32
    %neg3A_553 = vector.broadcast %neg3A_552 : f32 to vector<16xf32>
    %neg3A_554 = arith.subf %neg3A_553, %masked_cumsum3A_545 : vector<16xf32>
    tpu.vector_store_idx %arg12[%gather3A_537], %neg3A_554 masked %and3A_548 {add = true} : memref<16xf32, #tpu.memory_space<vmem>>[vector<16xi32>], vector<16xf32>, vector<16xi1>
    %scan3A_555 = arith.constant 0 : i32
    %scan3A_556 = arith.constant 7 : i32
    %mul3A_557 = arith.constant 16 : i32
    %mul3A_558 = arith.muli %scan3A_556, %mul3A_557 : i32
    %add3A_559 = arith.constant 0 : i32
    %add3A_560 = arith.addi %add3A_559, %mul3A_558 : i32
    %add3A_561 = vector.broadcast %add3A_560 : i32 to vector<16xi32>
    %add3A_562 = arith.addi %iota3A, %add3A_561 : vector<16xi32>
    %mul3A_563 = arith.constant 16 : i32
    %mul3A_564 = arith.muli %scan3A_556, %mul3A_563 : i32
    %get3A_565 = arith.constant 0 : i32
    %get3A_566 = arith.index_cast %get3A_565 : i32 to index
    %get3A_567 = arith.index_cast %mul3A_564 : i32 to index
    %get3A_568 = tpu.vector_load %arg10[%get3A_566, %get3A_567] {strides = array<i32>} : memref<8x128xf32, #tpu.memory_space<vmem>>, vector<16xf32>,
    %get3A_569 = arith.constant 0 : i32
    %get3A_570 = arith.index_cast %get3A_569 : i32 to index
    %get3A_571 = arith.index_cast %mul3A_564 : i32 to index
    %get3A_572 = tpu.vector_load %arg11[%get3A_570, %get3A_571] {strides = array<i32>} : memref<8x128xf32, #tpu.memory_space<vmem>>, vector<16xf32>,
    %get3A_573 = arith.index_cast %add3A_560 : i32 to index
    %get3A_574 = tpu.vector_load %arg9[%get3A_573] {strides = array<i32>} : memref<1024xi32, #tpu.memory_space<vmem>>, vector<16xi32>,
    %add3A_575 = arith.constant 1 : i32
    %add3A_576 = vector.broadcast %add3A_575 : i32 to vector<16xi32>
    %add3A_577 = arith.addi %add3A_562, %add3A_576 : vector<16xi32>
    %min3A_578 = arith.constant 1023 : i32
    %min3A_579 = vector.broadcast %min3A_578 : i32 to vector<16xi32>
    %min3A_580 = arith.minsi %add3A_577, %min3A_579 : vector<16xi32>
    %gather3A_581 = tpu.vector_load_idx %arg9[%min3A_580] : memref<1024xi32, #tpu.memory_space<vmem>>[vector<16xi32>], vector<16xi32>,
    %exp3A_582 = math.exp %get3A_568 : vector<16xf32>
    %mul3A_583 = arith.mulf %exp3A_582, %get3A_572 : vector<16xf32>
    %broadcast_in_dim3A_584 = arith.constant true
    %broadcast_in_dim3A_585 = vector.broadcast %broadcast_in_dim3A_584 : i1 to vector<16xi1>
    %masked_cumsum3A_586 = tpu.scan <sum>, %exp3A_582 masked %broadcast_in_dim3A_585 : vector<16xf32>, vector<16xi1> -> vector<16xf32>
    %broadcast_in_dim3A_587 = arith.constant true
    %broadcast_in_dim3A_588 = vector.broadcast %broadcast_in_dim3A_587 : i1 to vector<16xi1>
    %masked_cumsum3A_589 = tpu.scan <sum>, %mul3A_583 masked %broadcast_in_dim3A_588 : vector<16xf32>, vector<16xi1> -> vector<16xf32>
    %ne3A_590 = arith.cmpi ne, %get3A_574, %gather3A_581 : vector<16xi32>
    %or3A_591 = arith.ori %ne3A_590, %eq3A_230 : vector<16xi1>
    %and3A_592 = arith.andi %ne3A_590, %lt3A_228 : vector<16xi1>
    tpu.vector_store_idx %arg13[%get3A_574], %masked_cumsum3A_586 masked %or3A_591 {add = true} : memref<16xf32, #tpu.memory_space<vmem>>[vector<16xi32>], vector<16xf32>, vector<16xi1>
    tpu.vector_store_idx %arg12[%get3A_574], %masked_cumsum3A_589 masked %or3A_591 {add = true} : memref<16xf32, #tpu.memory_space<vmem>>[vector<16xi32>], vector<16xf32>, vector<16xi1>
    %neg3A_593 = arith.constant 0.000000e+00 : f32
    %neg3A_594 = vector.broadcast %neg3A_593 : f32 to vector<16xf32>
    %neg3A_595 = arith.subf %neg3A_594, %masked_cumsum3A_586 : vector<16xf32>
    tpu.vector_store_idx %arg13[%gather3A_581], %neg3A_595 masked %and3A_592 {add = true} : memref<16xf32, #tpu.memory_space<vmem>>[vector<16xi32>], vector<16xf32>, vector<16xi1>
    %neg3A_596 = arith.constant 0.000000e+00 : f32
    %neg3A_597 = vector.broadcast %neg3A_596 : f32 to vector<16xf32>
    %neg3A_598 = arith.subf %neg3A_597, %masked_cumsum3A_589 : vector<16xf32>
    tpu.vector_store_idx %arg12[%gather3A_581], %neg3A_598 masked %and3A_592 {add = true} : memref<16xf32, #tpu.memory_space<vmem>>[vector<16xi32>], vector<16xf32>, vector<16xi1>
    %scan3A_599 = arith.constant 0 : i32
    %scan3A_600 = arith.constant 8 : i32
    %dma_wait3A_601 = arith.constant 3 : i32
    %dma_wait3A_602 = arith.constant 1 : i32
    %dma_wait3A_603 = arith.constant 1 : i32
    %dma_wait3A_604 = arith.constant 0 : i32
    %dma_wait3A_605 = tpu.memref_slice %arg10[%dma_wait3A_602, %dma_wait3A_604] : memref<8x128xf32, #tpu.memory_space<vmem>> -> memref<1x128xf32, #tpu.memory_space<vmem>>
    %dma_wait3A_606 = tpu.memref_squeeze %dma_wait3A_605 : memref<1x128xf32, #tpu.memory_space<vmem>> -> memref<128xf32, #tpu.memory_space<vmem>>
    %dma_wait3A_607 = arith.constant 0 : i32
    %dma_wait3A_608 = tpu.memref_slice %arg8[%dma_wait3A_601, %dma_wait3A_607] : memref<16x128xi32, #tpu.memory_space<vmem>> -> memref<1x128xi32, #tpu.memory_space<vmem>>
    %dma_wait3A_609 = tpu.memref_squeeze %dma_wait3A_608 : memref<1x128xi32, #tpu.memory_space<vmem>> -> memref<128xi32, #tpu.memory_space<vmem>>
    %dma_wait3A_610 = arith.constant 0 : i32
    %dma_wait3A_611 = tpu.memref_slice %arg14[%dma_wait3A_610] : memref<100000xf32, #tpu.memory_space<vmem_shared>> -> memref<100000xf32, #tpu.memory_space<vmem_shared>>
    %dma_wait3A_612 = tpu.memref_slice %arg18[%dma_wait3A_603] : memref<8x!tpu.dma_semaphore, #tpu.memory_space<semaphore_mem>> -> memref<1x!tpu.dma_semaphore, #tpu.memory_space<semaphore_mem>>
    %dma_wait3A_613 = tpu.memref_squeeze %dma_wait3A_612 : memref<1x!tpu.dma_semaphore, #tpu.memory_space<semaphore_mem>> -> memref<!tpu.dma_semaphore, #tpu.memory_space<semaphore_mem>>
    tpu.wait_indirect_dma semaphore(%dma_wait3A_613 : memref<!tpu.dma_semaphore, #tpu.memory_space<semaphore_mem>>) src(%dma_wait3A_611 : memref<100000xf32, #tpu.memory_space<vmem_shared>>) dst(%dma_wait3A_606 : memref<128xf32, #tpu.memory_space<vmem>>)
    %dma_wait3A_614 = arith.constant 2 : i32
    %dma_wait3A_615 = arith.constant 1 : i32
    %dma_wait3A_616 = arith.constant 1 : i32
    %dma_wait3A_617 = arith.constant 0 : i32
    %dma_wait3A_618 = tpu.memref_slice %arg11[%dma_wait3A_615, %dma_wait3A_617] : memref<8x128xf32, #tpu.memory_space<vmem>> -> memref<1x128xf32, #tpu.memory_space<vmem>>
    %dma_wait3A_619 = tpu.memref_squeeze %dma_wait3A_618 : memref<1x128xf32, #tpu.memory_space<vmem>> -> memref<128xf32, #tpu.memory_space<vmem>>
    %dma_wait3A_620 = arith.constant 0 : i32
    %dma_wait3A_621 = tpu.memref_slice %arg8[%dma_wait3A_614, %dma_wait3A_620] : memref<16x128xi32, #tpu.memory_space<vmem>> -> memref<1x128xi32, #tpu.memory_space<vmem>>
    %dma_wait3A_622 = tpu.memref_squeeze %dma_wait3A_621 : memref<1x128xi32, #tpu.memory_space<vmem>> -> memref<128xi32, #tpu.memory_space<vmem>>
    %dma_wait3A_623 = arith.constant 0 : i32
    %dma_wait3A_624 = tpu.memref_slice %arg15[%dma_wait3A_623] : memref<100000xf32, #tpu.memory_space<vmem_shared>> -> memref<100000xf32, #tpu.memory_space<vmem_shared>>
    %dma_wait3A_625 = tpu.memref_slice %arg18[%dma_wait3A_616] : memref<8x!tpu.dma_semaphore, #tpu.memory_space<semaphore_mem>> -> memref<1x!tpu.dma_semaphore, #tpu.memory_space<semaphore_mem>>
    %dma_wait3A_626 = tpu.memref_squeeze %dma_wait3A_625 : memref<1x!tpu.dma_semaphore, #tpu.memory_space<semaphore_mem>> -> memref<!tpu.dma_semaphore, #tpu.memory_space<semaphore_mem>>
    tpu.wait_indirect_dma semaphore(%dma_wait3A_626 : memref<!tpu.dma_semaphore, #tpu.memory_space<semaphore_mem>>) src(%dma_wait3A_624 : memref<100000xf32, #tpu.memory_space<vmem_shared>>) dst(%dma_wait3A_619 : memref<128xf32, #tpu.memory_space<vmem>>)
    %scan3A_627 = arith.constant 0 : i32
    %scan3A_628 = arith.constant 0 : i32
    %mul3A_629 = arith.constant 16 : i32
    %mul3A_630 = arith.muli %scan3A_628, %mul3A_629 : i32
    %add3A_631 = arith.constant 128 : i32
    %add3A_632 = arith.addi %add3A_631, %mul3A_630 : i32
    %add3A_633 = vector.broadcast %add3A_632 : i32 to vector<16xi32>
    %add3A_634 = arith.addi %iota3A, %add3A_633 : vector<16xi32>
    %mul3A_635 = arith.constant 16 : i32
    %mul3A_636 = arith.muli %scan3A_628, %mul3A_635 : i32
    %get3A_637 = arith.constant 1 : i32
    %get3A_638 = arith.index_cast %get3A_637 : i32 to index
    %get3A_639 = arith.index_cast %mul3A_636 : i32 to index
    %get3A_640 = tpu.vector_load %arg10[%get3A_638, %get3A_639] {strides = array<i32>} : memref<8x128xf32, #tpu.memory_space<vmem>>, vector<16xf32>,
    %get3A_641 = arith.constant 1 : i32
    %get3A_642 = arith.index_cast %get3A_641 : i32 to index
    %get3A_643 = arith.index_cast %mul3A_636 : i32 to index
    %get3A_644 = tpu.vector_load %arg11[%get3A_642, %get3A_643] {strides = array<i32>} : memref<8x128xf32, #tpu.memory_space<vmem>>, vector<16xf32>,
    %get3A_645 = arith.index_cast %add3A_632 : i32 to index
    %get3A_646 = tpu.vector_load %arg9[%get3A_645] {strides = array<i32>} : memref<1024xi32, #tpu.memory_space<vmem>>, vector<16xi32>,
    %add3A_647 = arith.constant 1 : i32
    %add3A_648 = vector.broadcast %add3A_647 : i32 to vector<16xi32>
    %add3A_649 = arith.addi %add3A_634, %add3A_648 : vector<16xi32>
    %min3A_650 = arith.constant 1023 : i32
    %min3A_651 = vector.broadcast %min3A_650 : i32 to vector<16xi32>
    %min3A_652 = arith.minsi %add3A_649, %min3A_651 : vector<16xi32>
    %gather3A_653 = tpu.vector_load_idx %arg9[%min3A_652] : memref<1024xi32, #tpu.memory_space<vmem>>[vector<16xi32>], vector<16xi32>,
    %exp3A_654 = math.exp %get3A_640 : vector<16xf32>
    %mul3A_655 = arith.mulf %exp3A_654, %get3A_644 : vector<16xf32>
    %broadcast_in_dim3A_656 = arith.constant true
    %broadcast_in_dim3A_657 = vector.broadcast %broadcast_in_dim3A_656 : i1 to vector<16xi1>
    %masked_cumsum3A_658 = tpu.scan <sum>, %exp3A_654 masked %broadcast_in_dim3A_657 : vector<16xf32>, vector<16xi1> -> vector<16xf32>
    %broadcast_in_dim3A_659 = arith.constant true
    %broadcast_in_dim3A_660 = vector.broadcast %broadcast_in_dim3A_659 : i1 to vector<16xi1>
    %masked_cumsum3A_661 = tpu.scan <sum>, %mul3A_655 masked %broadcast_in_dim3A_660 : vector<16xf32>, vector<16xi1> -> vector<16xf32>
    %ne3A_662 = arith.cmpi ne, %get3A_646, %gather3A_653 : vector<16xi32>
    %or3A_663 = arith.ori %ne3A_662, %eq3A_230 : vector<16xi1>
    %and3A_664 = arith.andi %ne3A_662, %lt3A_228 : vector<16xi1>
    tpu.vector_store_idx %arg13[%get3A_646], %masked_cumsum3A_658 masked %or3A_663 {add = true} : memref<16xf32, #tpu.memory_space<vmem>>[vector<16xi32>], vector<16xf32>, vector<16xi1>
    tpu.vector_store_idx %arg12[%get3A_646], %masked_cumsum3A_661 masked %or3A_663 {add = true} : memref<16xf32, #tpu.memory_space<vmem>>[vector<16xi32>], vector<16xf32>, vector<16xi1>
    %neg3A_665 = arith.constant 0.000000e+00 : f32
    %neg3A_666 = vector.broadcast %neg3A_665 : f32 to vector<16xf32>
    %neg3A_667 = arith.subf %neg3A_666, %masked_cumsum3A_658 : vector<16xf32>
    tpu.vector_store_idx %arg13[%gather3A_653], %neg3A_667 masked %and3A_664 {add = true} : memref<16xf32, #tpu.memory_space<vmem>>[vector<16xi32>], vector<16xf32>, vector<16xi1>
    %neg3A_668 = arith.constant 0.000000e+00 : f32
    %neg3A_669 = vector.broadcast %neg3A_668 : f32 to vector<16xf32>
    %neg3A_670 = arith.subf %neg3A_669, %masked_cumsum3A_661 : vector<16xf32>
    tpu.vector_store_idx %arg12[%gather3A_653], %neg3A_670 masked %and3A_664 {add = true} : memref<16xf32, #tpu.memory_space<vmem>>[vector<16xi32>], vector<16xf32>, vector<16xi1>
    %scan3A_671 = arith.constant 0 : i32
    %scan3A_672 = arith.constant 1 : i32
    %mul3A_673 = arith.constant 16 : i32
    %mul3A_674 = arith.muli %scan3A_672, %mul3A_673 : i32
    %add3A_675 = arith.constant 128 : i32
    %add3A_676 = arith.addi %add3A_675, %mul3A_674 : i32
    %add3A_677 = vector.broadcast %add3A_676 : i32 to vector<16xi32>
    %add3A_678 = arith.addi %iota3A, %add3A_677 : vector<16xi32>
    %mul3A_679 = arith.constant 16 : i32
    %mul3A_680 = arith.muli %scan3A_672, %mul3A_679 : i32
    %get3A_681 = arith.constant 1 : i32
    %get3A_682 = arith.index_cast %get3A_681 : i32 to index
    %get3A_683 = arith.index_cast %mul3A_680 : i32 to index
    %get3A_684 = tpu.vector_load %arg10[%get3A_682, %get3A_683] {strides = array<i32>} : memref<8x128xf32, #tpu.memory_space<vmem>>, vector<16xf32>,
    %get3A_685 = arith.constant 1 : i32
    %get3A_686 = arith.index_cast %get3A_685 : i32 to index
    %get3A_687 = arith.index_cast %mul3A_680 : i32 to index
    %get3A_688 = tpu.vector_load %arg11[%get3A_686, %get3A_687] {strides = array<i32>} : memref<8x128xf32, #tpu.memory_space<vmem>>, vector<16xf32>,
    %get3A_689 = arith.index_cast %add3A_676 : i32 to index
    %get3A_690 = tpu.vector_load %arg9[%get3A_689] {strides = array<i32>} : memref<1024xi32, #tpu.memory_space<vmem>>, vector<16xi32>,
    %add3A_691 = arith.constant 1 : i32
    %add3A_692 = vector.broadcast %add3A_691 : i32 to vector<16xi32>
    %add3A_693 = arith.addi %add3A_678, %add3A_692 : vector<16xi32>
    %min3A_694 = arith.constant 1023 : i32
    %min3A_695 = vector.broadcast %min3A_694 : i32 to vector<16xi32>
    %min3A_696 = arith.minsi %add3A_693, %min3A_695 : vector<16xi32>
    %gather3A_697 = tpu.vector_load_idx %arg9[%min3A_696] : memref<1024xi32, #tpu.memory_space<vmem>>[vector<16xi32>], vector<16xi32>,
    %exp3A_698 = math.exp %get3A_684 : vector<16xf32>
    %mul3A_699 = arith.mulf %exp3A_698, %get3A_688 : vector<16xf32>
    %broadcast_in_dim3A_700 = arith.constant true
    %broadcast_in_dim3A_701 = vector.broadcast %broadcast_in_dim3A_700 : i1 to vector<16xi1>
    %masked_cumsum3A_702 = tpu.scan <sum>, %exp3A_698 masked %broadcast_in_dim3A_701 : vector<16xf32>, vector<16xi1> -> vector<16xf32>
    %broadcast_in_dim3A_703 = arith.constant true
    %broadcast_in_dim3A_704 = vector.broadcast %broadcast_in_dim3A_703 : i1 to vector<16xi1>
    %masked_cumsum3A_705 = tpu.scan <sum>, %mul3A_699 masked %broadcast_in_dim3A_704 : vector<16xf32>, vector<16xi1> -> vector<16xf32>
    %ne3A_706 = arith.cmpi ne, %get3A_690, %gather3A_697 : vector<16xi32>
    %or3A_707 = arith.ori %ne3A_706, %eq3A_230 : vector<16xi1>
    %and3A_708 = arith.andi %ne3A_706, %lt3A_228 : vector<16xi1>
    tpu.vector_store_idx %arg13[%get3A_690], %masked_cumsum3A_702 masked %or3A_707 {add = true} : memref<16xf32, #tpu.memory_space<vmem>>[vector<16xi32>], vector<16xf32>, vector<16xi1>
    tpu.vector_store_idx %arg12[%get3A_690], %masked_cumsum3A_705 masked %or3A_707 {add = true} : memref<16xf32, #tpu.memory_space<vmem>>[vector<16xi32>], vector<16xf32>, vector<16xi1>
    %neg3A_709 = arith.constant 0.000000e+00 : f32
    %neg3A_710 = vector.broadcast %neg3A_709 : f32 to vector<16xf32>
    %neg3A_711 = arith.subf %neg3A_710, %masked_cumsum3A_702 : vector<16xf32>
    tpu.vector_store_idx %arg13[%gather3A_697], %neg3A_711 masked %and3A_708 {add = true} : memref<16xf32, #tpu.memory_space<vmem>>[vector<16xi32>], vector<16xf32>, vector<16xi1>
    %neg3A_712 = arith.constant 0.000000e+00 : f32
    %neg3A_713 = vector.broadcast %neg3A_712 : f32 to vector<16xf32>
    %neg3A_714 = arith.subf %neg3A_713, %masked_cumsum3A_705 : vector<16xf32>
    tpu.vector_store_idx %arg12[%gather3A_697], %neg3A_714 masked %and3A_708 {add = true} : memref<16xf32, #tpu.memory_space<vmem>>[vector<16xi32>], vector<16xf32>, vector<16xi1>
    %scan3A_715 = arith.constant 0 : i32
    %scan3A_716 = arith.constant 2 : i32
    %mul3A_717 = arith.constant 16 : i32
    %mul3A_718 = arith.muli %scan3A_716, %mul3A_717 : i32
    %add3A_719 = arith.constant 128 : i32
    %add3A_720 = arith.addi %add3A_719, %mul3A_718 : i32
    %add3A_721 = vector.broadcast %add3A_720 : i32 to vector<16xi32>
    %add3A_722 = arith.addi %iota3A, %add3A_721 : vector<16xi32>
    %mul3A_723 = arith.constant 16 : i32
    %mul3A_724 = arith.muli %scan3A_716, %mul3A_723 : i32
    %get3A_725 = arith.constant 1 : i32
    %get3A_726 = arith.index_cast %get3A_725 : i32 to index
    %get3A_727 = arith.index_cast %mul3A_724 : i32 to index
    %get3A_728 = tpu.vector_load %arg10[%get3A_726, %get3A_727] {strides = array<i32>} : memref<8x128xf32, #tpu.memory_space<vmem>>, vector<16xf32>,
    %get3A_729 = arith.constant 1 : i32
    %get3A_730 = arith.index_cast %get3A_729 : i32 to index
    %get3A_731 = arith.index_cast %mul3A_724 : i32 to index
    %get3A_732 = tpu.vector_load %arg11[%get3A_730, %get3A_731] {strides = array<i32>} : memref<8x128xf32, #tpu.memory_space<vmem>>, vector<16xf32>,
    %get3A_733 = arith.index_cast %add3A_720 : i32 to index
    %get3A_734 = tpu.vector_load %arg9[%get3A_733] {strides = array<i32>} : memref<1024xi32, #tpu.memory_space<vmem>>, vector<16xi32>,
    %add3A_735 = arith.constant 1 : i32
    %add3A_736 = vector.broadcast %add3A_735 : i32 to vector<16xi32>
    %add3A_737 = arith.addi %add3A_722, %add3A_736 : vector<16xi32>
    %min3A_738 = arith.constant 1023 : i32
    %min3A_739 = vector.broadcast %min3A_738 : i32 to vector<16xi32>
    %min3A_740 = arith.minsi %add3A_737, %min3A_739 : vector<16xi32>
    %gather3A_741 = tpu.vector_load_idx %arg9[%min3A_740] : memref<1024xi32, #tpu.memory_space<vmem>>[vector<16xi32>], vector<16xi32>,
    %exp3A_742 = math.exp %get3A_728 : vector<16xf32>
    %mul3A_743 = arith.mulf %exp3A_742, %get3A_732 : vector<16xf32>
    %broadcast_in_dim3A_744 = arith.constant true
    %broadcast_in_dim3A_745 = vector.broadcast %broadcast_in_dim3A_744 : i1 to vector<16xi1>
    %masked_cumsum3A_746 = tpu.scan <sum>, %exp3A_742 masked %broadcast_in_dim3A_745 : vector<16xf32>, vector<16xi1> -> vector<16xf32>
    %broadcast_in_dim3A_747 = arith.constant true
    %broadcast_in_dim3A_748 = vector.broadcast %broadcast_in_dim3A_747 : i1 to vector<16xi1>
    %masked_cumsum3A_749 = tpu.scan <sum>, %mul3A_743 masked %broadcast_in_dim3A_748 : vector<16xf32>, vector<16xi1> -> vector<16xf32>
    %ne3A_750 = arith.cmpi ne, %get3A_734, %gather3A_741 : vector<16xi32>
    %or3A_751 = arith.ori %ne3A_750, %eq3A_230 : vector<16xi1>
    %and3A_752 = arith.andi %ne3A_750, %lt3A_228 : vector<16xi1>
    tpu.vector_store_idx %arg13[%get3A_734], %masked_cumsum3A_746 masked %or3A_751 {add = true} : memref<16xf32, #tpu.memory_space<vmem>>[vector<16xi32>], vector<16xf32>, vector<16xi1>
    tpu.vector_store_idx %arg12[%get3A_734], %masked_cumsum3A_749 masked %or3A_751 {add = true} : memref<16xf32, #tpu.memory_space<vmem>>[vector<16xi32>], vector<16xf32>, vector<16xi1>
    %neg3A_753 = arith.constant 0.000000e+00 : f32
    %neg3A_754 = vector.broadcast %neg3A_753 : f32 to vector<16xf32>
    %neg3A_755 = arith.subf %neg3A_754, %masked_cumsum3A_746 : vector<16xf32>
    tpu.vector_store_idx %arg13[%gather3A_741], %neg3A_755 masked %and3A_752 {add = true} : memref<16xf32, #tpu.memory_space<vmem>>[vector<16xi32>], vector<16xf32>, vector<16xi1>
    %neg3A_756 = arith.constant 0.000000e+00 : f32
    %neg3A_757 = vector.broadcast %neg3A_756 : f32 to vector<16xf32>
    %neg3A_758 = arith.subf %neg3A_757, %masked_cumsum3A_749 : vector<16xf32>
    tpu.vector_store_idx %arg12[%gather3A_741], %neg3A_758 masked %and3A_752 {add = true} : memref<16xf32, #tpu.memory_space<vmem>>[vector<16xi32>], vector<16xf32>, vector<16xi1>
    %scan3A_759 = arith.constant 0 : i32
    %scan3A_760 = arith.constant 3 : i32
    %mul3A_761 = arith.constant 16 : i32
    %mul3A_762 = arith.muli %scan3A_760, %mul3A_761 : i32
    %add3A_763 = arith.constant 128 : i32
    %add3A_764 = arith.addi %add3A_763, %mul3A_762 : i32
    %add3A_765 = vector.broadcast %add3A_764 : i32 to vector<16xi32>
    %add3A_766 = arith.addi %iota3A, %add3A_765 : vector<16xi32>
    %mul3A_767 = arith.constant 16 : i32
    %mul3A_768 = arith.muli %scan3A_760, %mul3A_767 : i32
    %get3A_769 = arith.constant 1 : i32
    %get3A_770 = arith.index_cast %get3A_769 : i32 to index
    %get3A_771 = arith.index_cast %mul3A_768 : i32 to index
    %get3A_772 = tpu.vector_load %arg10[%get3A_770, %get3A_771] {strides = array<i32>} : memref<8x128xf32, #tpu.memory_space<vmem>>, vector<16xf32>,
    %get3A_773 = arith.constant 1 : i32
    %get3A_774 = arith.index_cast %get3A_773 : i32 to index
    %get3A_775 = arith.index_cast %mul3A_768 : i32 to index
    %get3A_776 = tpu.vector_load %arg11[%get3A_774, %get3A_775] {strides = array<i32>} : memref<8x128xf32, #tpu.memory_space<vmem>>, vector<16xf32>,
    %get3A_777 = arith.index_cast %add3A_764 : i32 to index
    %get3A_778 = tpu.vector_load %arg9[%get3A_777] {strides = array<i32>} : memref<1024xi32, #tpu.memory_space<vmem>>, vector<16xi32>,
    %add3A_779 = arith.constant 1 : i32
    %add3A_780 = vector.broadcast %add3A_779 : i32 to vector<16xi32>
    %add3A_781 = arith.addi %add3A_766, %add3A_780 : vector<16xi32>
    %min3A_782 = arith.constant 1023 : i32
    %min3A_783 = vector.broadcast %min3A_782 : i32 to vector<16xi32>
    %min3A_784 = arith.minsi %add3A_781, %min3A_783 : vector<16xi32>
    %gather3A_785 = tpu.vector_load_idx %arg9[%min3A_784] : memref<1024xi32, #tpu.memory_space<vmem>>[vector<16xi32>], vector<16xi32>,
    %exp3A_786 = math.exp %get3A_772 : vector<16xf32>
    %mul3A_787 = arith.mulf %exp3A_786, %get3A_776 : vector<16xf32>
    %broadcast_in_dim3A_788 = arith.constant true
    %broadcast_in_dim3A_789 = vector.broadcast %broadcast_in_dim3A_788 : i1 to vector<16xi1>
    %masked_cumsum3A_790 = tpu.scan <sum>, %exp3A_786 masked %broadcast_in_dim3A_789 : vector<16xf32>, vector<16xi1> -> vector<16xf32>
    %broadcast_in_dim3A_791 = arith.constant true
    %broadcast_in_dim3A_792 = vector.broadcast %broadcast_in_dim3A_791 : i1 to vector<16xi1>
    %masked_cumsum3A_793 = tpu.scan <sum>, %mul3A_787 masked %broadcast_in_dim3A_792 : vector<16xf32>, vector<16xi1> -> vector<16xf32>
    %ne3A_794 = arith.cmpi ne, %get3A_778, %gather3A_785 : vector<16xi32>
    %or3A_795 = arith.ori %ne3A_794, %eq3A_230 : vector<16xi1>
    %and3A_796 = arith.andi %ne3A_794, %lt3A_228 : vector<16xi1>
    tpu.vector_store_idx %arg13[%get3A_778], %masked_cumsum3A_790 masked %or3A_795 {add = true} : memref<16xf32, #tpu.memory_space<vmem>>[vector<16xi32>], vector<16xf32>, vector<16xi1>
    tpu.vector_store_idx %arg12[%get3A_778], %masked_cumsum3A_793 masked %or3A_795 {add = true} : memref<16xf32, #tpu.memory_space<vmem>>[vector<16xi32>], vector<16xf32>, vector<16xi1>
    %neg3A_797 = arith.constant 0.000000e+00 : f32
    %neg3A_798 = vector.broadcast %neg3A_797 : f32 to vector<16xf32>
    %neg3A_799 = arith.subf %neg3A_798, %masked_cumsum3A_790 : vector<16xf32>
    tpu.vector_store_idx %arg13[%gather3A_785], %neg3A_799 masked %and3A_796 {add = true} : memref<16xf32, #tpu.memory_space<vmem>>[vector<16xi32>], vector<16xf32>, vector<16xi1>
    %neg3A_800 = arith.constant 0.000000e+00 : f32
    %neg3A_801 = vector.broadcast %neg3A_800 : f32 to vector<16xf32>
    %neg3A_802 = arith.subf %neg3A_801, %masked_cumsum3A_793 : vector<16xf32>
    tpu.vector_store_idx %arg12[%gather3A_785], %neg3A_802 masked %and3A_796 {add = true} : memref<16xf32, #tpu.memory_space<vmem>>[vector<16xi32>], vector<16xf32>, vector<16xi1>
    %scan3A_803 = arith.constant 0 : i32
    %scan3A_804 = arith.constant 4 : i32
    %mul3A_805 = arith.constant 16 : i32
    %mul3A_806 = arith.muli %scan3A_804, %mul3A_805 : i32
    %add3A_807 = arith.constant 128 : i32
    %add3A_808 = arith.addi %add3A_807, %mul3A_806 : i32
    %add3A_809 = vector.broadcast %add3A_808 : i32 to vector<16xi32>
    %add3A_810 = arith.addi %iota3A, %add3A_809 : vector<16xi32>
    %mul3A_811 = arith.constant 16 : i32
    %mul3A_812 = arith.muli %scan3A_804, %mul3A_811 : i32
    %get3A_813 = arith.constant 1 : i32
    %get3A_814 = arith.index_cast %get3A_813 : i32 to index
    %get3A_815 = arith.index_cast %mul3A_812 : i32 to index
    %get3A_816 = tpu.vector_load %arg10[%get3A_814, %get3A_815] {strides = array<i32>} : memref<8x128xf32, #tpu.memory_space<vmem>>, vector<16xf32>,
    %get3A_817 = arith.constant 1 : i32
    %get3A_818 = arith.index_cast %get3A_817 : i32 to index
    %get3A_819 = arith.index_cast %mul3A_812 : i32 to index
    %get3A_820 = tpu.vector_load %arg11[%get3A_818, %get3A_819] {strides = array<i32>} : memref<8x128xf32, #tpu.memory_space<vmem>>, vector<16xf32>,
    %get3A_821 = arith.index_cast %add3A_808 : i32 to index
    %get3A_822 = tpu.vector_load %arg9[%get3A_821] {strides = array<i32>} : memref<1024xi32, #tpu.memory_space<vmem>>, vector<16xi32>,
    %add3A_823 = arith.constant 1 : i32
    %add3A_824 = vector.broadcast %add3A_823 : i32 to vector<16xi32>
    %add3A_825 = arith.addi %add3A_810, %add3A_824 : vector<16xi32>
    %min3A_826 = arith.constant 1023 : i32
    %min3A_827 = vector.broadcast %min3A_826 : i32 to vector<16xi32>
    %min3A_828 = arith.minsi %add3A_825, %min3A_827 : vector<16xi32>
    %gather3A_829 = tpu.vector_load_idx %arg9[%min3A_828] : memref<1024xi32, #tpu.memory_space<vmem>>[vector<16xi32>], vector<16xi32>,
    %exp3A_830 = math.exp %get3A_816 : vector<16xf32>
    %mul3A_831 = arith.mulf %exp3A_830, %get3A_820 : vector<16xf32>
    %broadcast_in_dim3A_832 = arith.constant true
    %broadcast_in_dim3A_833 = vector.broadcast %broadcast_in_dim3A_832 : i1 to vector<16xi1>
    %masked_cumsum3A_834 = tpu.scan <sum>, %exp3A_830 masked %broadcast_in_dim3A_833 : vector<16xf32>, vector<16xi1> -> vector<16xf32>
    %broadcast_in_dim3A_835 = arith.constant true
    %broadcast_in_dim3A_836 = vector.broadcast %broadcast_in_dim3A_835 : i1 to vector<16xi1>
    %masked_cumsum3A_837 = tpu.scan <sum>, %mul3A_831 masked %broadcast_in_dim3A_836 : vector<16xf32>, vector<16xi1> -> vector<16xf32>
    %ne3A_838 = arith.cmpi ne, %get3A_822, %gather3A_829 : vector<16xi32>
    %or3A_839 = arith.ori %ne3A_838, %eq3A_230 : vector<16xi1>
    %and3A_840 = arith.andi %ne3A_838, %lt3A_228 : vector<16xi1>
    tpu.vector_store_idx %arg13[%get3A_822], %masked_cumsum3A_834 masked %or3A_839 {add = true} : memref<16xf32, #tpu.memory_space<vmem>>[vector<16xi32>], vector<16xf32>, vector<16xi1>
    tpu.vector_store_idx %arg12[%get3A_822], %masked_cumsum3A_837 masked %or3A_839 {add = true} : memref<16xf32, #tpu.memory_space<vmem>>[vector<16xi32>], vector<16xf32>, vector<16xi1>
    %neg3A_841 = arith.constant 0.000000e+00 : f32
    %neg3A_842 = vector.broadcast %neg3A_841 : f32 to vector<16xf32>
    %neg3A_843 = arith.subf %neg3A_842, %masked_cumsum3A_834 : vector<16xf32>
    tpu.vector_store_idx %arg13[%gather3A_829], %neg3A_843 masked %and3A_840 {add = true} : memref<16xf32, #tpu.memory_space<vmem>>[vector<16xi32>], vector<16xf32>, vector<16xi1>
    %neg3A_844 = arith.constant 0.000000e+00 : f32
    %neg3A_845 = vector.broadcast %neg3A_844 : f32 to vector<16xf32>
    %neg3A_846 = arith.subf %neg3A_845, %masked_cumsum3A_837 : vector<16xf32>
    tpu.vector_store_idx %arg12[%gather3A_829], %neg3A_846 masked %and3A_840 {add = true} : memref<16xf32, #tpu.memory_space<vmem>>[vector<16xi32>], vector<16xf32>, vector<16xi1>
    %scan3A_847 = arith.constant 0 : i32
    %scan3A_848 = arith.constant 5 : i32
    %mul3A_849 = arith.constant 16 : i32
    %mul3A_850 = arith.muli %scan3A_848, %mul3A_849 : i32
    %add3A_851 = arith.constant 128 : i32
    %add3A_852 = arith.addi %add3A_851, %mul3A_850 : i32
    %add3A_853 = vector.broadcast %add3A_852 : i32 to vector<16xi32>
    %add3A_854 = arith.addi %iota3A, %add3A_853 : vector<16xi32>
    %mul3A_855 = arith.constant 16 : i32
    %mul3A_856 = arith.muli %scan3A_848, %mul3A_855 : i32
    %get3A_857 = arith.constant 1 : i32
    %get3A_858 = arith.index_cast %get3A_857 : i32 to index
    %get3A_859 = arith.index_cast %mul3A_856 : i32 to index
    %get3A_860 = tpu.vector_load %arg10[%get3A_858, %get3A_859] {strides = array<i32>} : memref<8x128xf32, #tpu.memory_space<vmem>>, vector<16xf32>,
    %get3A_861 = arith.constant 1 : i32
    %get3A_862 = arith.index_cast %get3A_861 : i32 to index
    %get3A_863 = arith.index_cast %mul3A_856 : i32 to index
    %get3A_864 = tpu.vector_load %arg11[%get3A_862, %get3A_863] {strides = array<i32>} : memref<8x128xf32, #tpu.memory_space<vmem>>, vector<16xf32>,
    %get3A_865 = arith.index_cast %add3A_852 : i32 to index
    %get3A_866 = tpu.vector_load %arg9[%get3A_865] {strides = array<i32>} : memref<1024xi32, #tpu.memory_space<vmem>>, vector<16xi32>,
    %add3A_867 = arith.constant 1 : i32
    %add3A_868 = vector.broadcast %add3A_867 : i32 to vector<16xi32>
    %add3A_869 = arith.addi %add3A_854, %add3A_868 : vector<16xi32>
    %min3A_870 = arith.constant 1023 : i32
    %min3A_871 = vector.broadcast %min3A_870 : i32 to vector<16xi32>
    %min3A_872 = arith.minsi %add3A_869, %min3A_871 : vector<16xi32>
    %gather3A_873 = tpu.vector_load_idx %arg9[%min3A_872] : memref<1024xi32, #tpu.memory_space<vmem>>[vector<16xi32>], vector<16xi32>,
    %exp3A_874 = math.exp %get3A_860 : vector<16xf32>
    %mul3A_875 = arith.mulf %exp3A_874, %get3A_864 : vector<16xf32>
    %broadcast_in_dim3A_876 = arith.constant true
    %broadcast_in_dim3A_877 = vector.broadcast %broadcast_in_dim3A_876 : i1 to vector<16xi1>
    %masked_cumsum3A_878 = tpu.scan <sum>, %exp3A_874 masked %broadcast_in_dim3A_877 : vector<16xf32>, vector<16xi1> -> vector<16xf32>
    %broadcast_in_dim3A_879 = arith.constant true
    %broadcast_in_dim3A_880 = vector.broadcast %broadcast_in_dim3A_879 : i1 to vector<16xi1>
    %masked_cumsum3A_881 = tpu.scan <sum>, %mul3A_875 masked %broadcast_in_dim3A_880 : vector<16xf32>, vector<16xi1> -> vector<16xf32>
    %ne3A_882 = arith.cmpi ne, %get3A_866, %gather3A_873 : vector<16xi32>
    %or3A_883 = arith.ori %ne3A_882, %eq3A_230 : vector<16xi1>
    %and3A_884 = arith.andi %ne3A_882, %lt3A_228 : vector<16xi1>
    tpu.vector_store_idx %arg13[%get3A_866], %masked_cumsum3A_878 masked %or3A_883 {add = true} : memref<16xf32, #tpu.memory_space<vmem>>[vector<16xi32>], vector<16xf32>, vector<16xi1>
    tpu.vector_store_idx %arg12[%get3A_866], %masked_cumsum3A_881 masked %or3A_883 {add = true} : memref<16xf32, #tpu.memory_space<vmem>>[vector<16xi32>], vector<16xf32>, vector<16xi1>
    %neg3A_885 = arith.constant 0.000000e+00 : f32
    %neg3A_886 = vector.broadcast %neg3A_885 : f32 to vector<16xf32>
    %neg3A_887 = arith.subf %neg3A_886, %masked_cumsum3A_878 : vector<16xf32>
    tpu.vector_store_idx %arg13[%gather3A_873], %neg3A_887 masked %and3A_884 {add = true} : memref<16xf32, #tpu.memory_space<vmem>>[vector<16xi32>], vector<16xf32>, vector<16xi1>
    %neg3A_888 = arith.constant 0.000000e+00 : f32
    %neg3A_889 = vector.broadcast %neg3A_888 : f32 to vector<16xf32>
    %neg3A_890 = arith.subf %neg3A_889, %masked_cumsum3A_881 : vector<16xf32>
    tpu.vector_store_idx %arg12[%gather3A_873], %neg3A_890 masked %and3A_884 {add = true} : memref<16xf32, #tpu.memory_space<vmem>>[vector<16xi32>], vector<16xf32>, vector<16xi1>
    %scan3A_891 = arith.constant 0 : i32
    %scan3A_892 = arith.constant 6 : i32
    %mul3A_893 = arith.constant 16 : i32
    %mul3A_894 = arith.muli %scan3A_892, %mul3A_893 : i32
    %add3A_895 = arith.constant 128 : i32
    %add3A_896 = arith.addi %add3A_895, %mul3A_894 : i32
    %add3A_897 = vector.broadcast %add3A_896 : i32 to vector<16xi32>
    %add3A_898 = arith.addi %iota3A, %add3A_897 : vector<16xi32>
    %mul3A_899 = arith.constant 16 : i32
    %mul3A_900 = arith.muli %scan3A_892, %mul3A_899 : i32
    %get3A_901 = arith.constant 1 : i32
    %get3A_902 = arith.index_cast %get3A_901 : i32 to index
    %get3A_903 = arith.index_cast %mul3A_900 : i32 to index
    %get3A_904 = tpu.vector_load %arg10[%get3A_902, %get3A_903] {strides = array<i32>} : memref<8x128xf32, #tpu.memory_space<vmem>>, vector<16xf32>,
    %get3A_905 = arith.constant 1 : i32
    %get3A_906 = arith.index_cast %get3A_905 : i32 to index
    %get3A_907 = arith.index_cast %mul3A_900 : i32 to index
    %get3A_908 = tpu.vector_load %arg11[%get3A_906, %get3A_907] {strides = array<i32>} : memref<8x128xf32, #tpu.memory_space<vmem>>, vector<16xf32>,
    %get3A_909 = arith.index_cast %add3A_896 : i32 to index
    %get3A_910 = tpu.vector_load %arg9[%get3A_909] {strides = array<i32>} : memref<1024xi32, #tpu.memory_space<vmem>>, vector<16xi32>,
    %add3A_911 = arith.constant 1 : i32
    %add3A_912 = vector.broadcast %add3A_911 : i32 to vector<16xi32>
    %add3A_913 = arith.addi %add3A_898, %add3A_912 : vector<16xi32>
    %min3A_914 = arith.constant 1023 : i32
    %min3A_915 = vector.broadcast %min3A_914 : i32 to vector<16xi32>
    %min3A_916 = arith.minsi %add3A_913, %min3A_915 : vector<16xi32>
    %gather3A_917 = tpu.vector_load_idx %arg9[%min3A_916] : memref<1024xi32, #tpu.memory_space<vmem>>[vector<16xi32>], vector<16xi32>,
    %exp3A_918 = math.exp %get3A_904 : vector<16xf32>
    %mul3A_919 = arith.mulf %exp3A_918, %get3A_908 : vector<16xf32>
    %broadcast_in_dim3A_920 = arith.constant true
    %broadcast_in_dim3A_921 = vector.broadcast %broadcast_in_dim3A_920 : i1 to vector<16xi1>
    %masked_cumsum3A_922 = tpu.scan <sum>, %exp3A_918 masked %broadcast_in_dim3A_921 : vector<16xf32>, vector<16xi1> -> vector<16xf32>
    %broadcast_in_dim3A_923 = arith.constant true
    %broadcast_in_dim3A_924 = vector.broadcast %broadcast_in_dim3A_923 : i1 to vector<16xi1>
    %masked_cumsum3A_925 = tpu.scan <sum>, %mul3A_919 masked %broadcast_in_dim3A_924 : vector<16xf32>, vector<16xi1> -> vector<16xf32>
    %ne3A_926 = arith.cmpi ne, %get3A_910, %gather3A_917 : vector<16xi32>
    %or3A_927 = arith.ori %ne3A_926, %eq3A_230 : vector<16xi1>
    %and3A_928 = arith.andi %ne3A_926, %lt3A_228 : vector<16xi1>
    tpu.vector_store_idx %arg13[%get3A_910], %masked_cumsum3A_922 masked %or3A_927 {add = true} : memref<16xf32, #tpu.memory_space<vmem>>[vector<16xi32>], vector<16xf32>, vector<16xi1>
    tpu.vector_store_idx %arg12[%get3A_910], %masked_cumsum3A_925 masked %or3A_927 {add = true} : memref<16xf32, #tpu.memory_space<vmem>>[vector<16xi32>], vector<16xf32>, vector<16xi1>
    %neg3A_929 = arith.constant 0.000000e+00 : f32
    %neg3A_930 = vector.broadcast %neg3A_929 : f32 to vector<16xf32>
    %neg3A_931 = arith.subf %neg3A_930, %masked_cumsum3A_922 : vector<16xf32>
    tpu.vector_store_idx %arg13[%gather3A_917], %neg3A_931 masked %and3A_928 {add = true} : memref<16xf32, #tpu.memory_space<vmem>>[vector<16xi32>], vector<16xf32>, vector<16xi1>
    %neg3A_932 = arith.constant 0.000000e+00 : f32
    %neg3A_933 = vector.broadcast %neg3A_932 : f32 to vector<16xf32>
    %neg3A_934 = arith.subf %neg3A_933, %masked_cumsum3A_925 : vector<16xf32>
    tpu.vector_store_idx %arg12[%gather3A_917], %neg3A_934 masked %and3A_928 {add = true} : memref<16xf32, #tpu.memory_space<vmem>>[vector<16xi32>], vector<16xf32>, vector<16xi1>
    %scan3A_935 = arith.constant 0 : i32
    %scan3A_936 = arith.constant 7 : i32
    %mul3A_937 = arith.constant 16 : i32
    %mul3A_938 = arith.muli %scan3A_936, %mul3A_937 : i32
    %add3A_939 = arith.constant 128 : i32
    %add3A_940 = arith.addi %add3A_939, %mul3A_938 : i32
    %add3A_941 = vector.broadcast %add3A_940 : i32 to vector<16xi32>
    %add3A_942 = arith.addi %iota3A, %add3A_941 : vector<16xi32>
    %mul3A_943 = arith.constant 16 : i32
    %mul3A_944 = arith.muli %scan3A_936, %mul3A_943 : i32
    %get3A_945 = arith.constant 1 : i32
    %get3A_946 = arith.index_cast %get3A_945 : i32 to index
    %get3A_947 = arith.index_cast %mul3A_944 : i32 to index
    %get3A_948 = tpu.vector_load %arg10[%get3A_946, %get3A_947] {strides = array<i32>} : memref<8x128xf32, #tpu.memory_space<vmem>>, vector<16xf32>,
    %get3A_949 = arith.constant 1 : i32
    %get3A_950 = arith.index_cast %get3A_949 : i32 to index
    %get3A_951 = arith.index_cast %mul3A_944 : i32 to index
    %get3A_952 = tpu.vector_load %arg11[%get3A_950, %get3A_951] {strides = array<i32>} : memref<8x128xf32, #tpu.memory_space<vmem>>, vector<16xf32>,
    %get3A_953 = arith.index_cast %add3A_940 : i32 to index
    %get3A_954 = tpu.vector_load %arg9[%get3A_953] {strides = array<i32>} : memref<1024xi32, #tpu.memory_space<vmem>>, vector<16xi32>,
    %add3A_955 = arith.constant 1 : i32
    %add3A_956 = vector.broadcast %add3A_955 : i32 to vector<16xi32>
    %add3A_957 = arith.addi %add3A_942, %add3A_956 : vector<16xi32>
    %min3A_958 = arith.constant 1023 : i32
    %min3A_959 = vector.broadcast %min3A_958 : i32 to vector<16xi32>
    %min3A_960 = arith.minsi %add3A_957, %min3A_959 : vector<16xi32>
    %gather3A_961 = tpu.vector_load_idx %arg9[%min3A_960] : memref<1024xi32, #tpu.memory_space<vmem>>[vector<16xi32>], vector<16xi32>,
    %exp3A_962 = math.exp %get3A_948 : vector<16xf32>
    %mul3A_963 = arith.mulf %exp3A_962, %get3A_952 : vector<16xf32>
    %broadcast_in_dim3A_964 = arith.constant true
    %broadcast_in_dim3A_965 = vector.broadcast %broadcast_in_dim3A_964 : i1 to vector<16xi1>
    %masked_cumsum3A_966 = tpu.scan <sum>, %exp3A_962 masked %broadcast_in_dim3A_965 : vector<16xf32>, vector<16xi1> -> vector<16xf32>
    %broadcast_in_dim3A_967 = arith.constant true
    %broadcast_in_dim3A_968 = vector.broadcast %broadcast_in_dim3A_967 : i1 to vector<16xi1>
    %masked_cumsum3A_969 = tpu.scan <sum>, %mul3A_963 masked %broadcast_in_dim3A_968 : vector<16xf32>, vector<16xi1> -> vector<16xf32>
    %ne3A_970 = arith.cmpi ne, %get3A_954, %gather3A_961 : vector<16xi32>
    %or3A_971 = arith.ori %ne3A_970, %eq3A_230 : vector<16xi1>
    %and3A_972 = arith.andi %ne3A_970, %lt3A_228 : vector<16xi1>
    tpu.vector_store_idx %arg13[%get3A_954], %masked_cumsum3A_966 masked %or3A_971 {add = true} : memref<16xf32, #tpu.memory_space<vmem>>[vector<16xi32>], vector<16xf32>, vector<16xi1>
    tpu.vector_store_idx %arg12[%get3A_954], %masked_cumsum3A_969 masked %or3A_971 {add = true} : memref<16xf32, #tpu.memory_space<vmem>>[vector<16xi32>], vector<16xf32>, vector<16xi1>
    %neg3A_973 = arith.constant 0.000000e+00 : f32
    %neg3A_974 = vector.broadcast %neg3A_973 : f32 to vector<16xf32>
    %neg3A_975 = arith.subf %neg3A_974, %masked_cumsum3A_966 : vector<16xf32>
    tpu.vector_store_idx %arg13[%gather3A_961], %neg3A_975 masked %and3A_972 {add = true} : memref<16xf32, #tpu.memory_space<vmem>>[vector<16xi32>], vector<16xf32>, vector<16xi1>
    %neg3A_976 = arith.constant 0.000000e+00 : f32
    %neg3A_977 = vector.broadcast %neg3A_976 : f32 to vector<16xf32>
    %neg3A_978 = arith.subf %neg3A_977, %masked_cumsum3A_969 : vector<16xf32>
    tpu.vector_store_idx %arg12[%gather3A_961], %neg3A_978 masked %and3A_972 {add = true} : memref<16xf32, #tpu.memory_space<vmem>>[vector<16xi32>], vector<16xf32>, vector<16xi1>
    %scan3A_979 = arith.constant 0 : i32
    %scan3A_980 = arith.constant 8 : i32
    %dma_wait3A_981 = arith.constant 5 : i32
    %dma_wait3A_982 = arith.constant 2 : i32
    %dma_wait3A_983 = arith.constant 2 : i32
    %dma_wait3A_984 = arith.constant 0 : i32
    %dma_wait3A_985 = tpu.memref_slice %arg10[%dma_wait3A_982, %dma_wait3A_984] : memref<8x128xf32, #tpu.memory_space<vmem>> -> memref<1x128xf32, #tpu.memory_space<vmem>>
    %dma_wait3A_986 = tpu.memref_squeeze %dma_wait3A_985 : memref<1x128xf32, #tpu.memory_space<vmem>> -> memref<128xf32, #tpu.memory_space<vmem>>
    %dma_wait3A_987 = arith.constant 0 : i32
    %dma_wait3A_988 = tpu.memref_slice %arg8[%dma_wait3A_981, %dma_wait3A_987] : memref<16x128xi32, #tpu.memory_space<vmem>> -> memref<1x128xi32, #tpu.memory_space<vmem>>
    %dma_wait3A_989 = tpu.memref_squeeze %dma_wait3A_988 : memref<1x128xi32, #tpu.memory_space<vmem>> -> memref<128xi32, #tpu.memory_space<vmem>>
    %dma_wait3A_990 = arith.constant 0 : i32
    %dma_wait3A_991 = tpu.memref_slice %arg14[%dma_wait3A_990] : memref<100000xf32, #tpu.memory_space<vmem_shared>> -> memref<100000xf32, #tpu.memory_space<vmem_shared>>
    %dma_wait3A_992 = tpu.memref_slice %arg18[%dma_wait3A_983] : memref<8x!tpu.dma_semaphore, #tpu.memory_space<semaphore_mem>> -> memref<1x!tpu.dma_semaphore, #tpu.memory_space<semaphore_mem>>
    %dma_wait3A_993 = tpu.memref_squeeze %dma_wait3A_992 : memref<1x!tpu.dma_semaphore, #tpu.memory_space<semaphore_mem>> -> memref<!tpu.dma_semaphore, #tpu.memory_space<semaphore_mem>>
    tpu.wait_indirect_dma semaphore(%dma_wait3A_993 : memref<!tpu.dma_semaphore, #tpu.memory_space<semaphore_mem>>) src(%dma_wait3A_991 : memref<100000xf32, #tpu.memory_space<vmem_shared>>) dst(%dma_wait3A_986 : memref<128xf32, #tpu.memory_space<vmem>>)
    %dma_wait3A_994 = arith.constant 4 : i32
    %dma_wait3A_995 = arith.constant 2 : i32
    %dma_wait3A_996 = arith.constant 2 : i32
    %dma_wait3A_997 = arith.constant 0 : i32
    %dma_wait3A_998 = tpu.memref_slice %arg11[%dma_wait3A_995, %dma_wait3A_997] : memref<8x128xf32, #tpu.memory_space<vmem>> -> memref<1x128xf32, #tpu.memory_space<vmem>>
    %dma_wait3A_999 = tpu.memref_squeeze %dma_wait3A_998 : memref<1x128xf32, #tpu.memory_space<vmem>> -> memref<128xf32, #tpu.memory_space<vmem>>
    %dma_wait3A_1000 = arith.constant 0 : i32
    %dma_wait3A_1001 = tpu.memref_slice %arg8[%dma_wait3A_994, %dma_wait3A_1000] : memref<16x128xi32, #tpu.memory_space<vmem>> -> memref<1x128xi32, #tpu.memory_space<vmem>>
    %dma_wait3A_1002 = tpu.memref_squeeze %dma_wait3A_1001 : memref<1x128xi32, #tpu.memory_space<vmem>> -> memref<128xi32, #tpu.memory_space<vmem>>
    %dma_wait3A_1003 = arith.constant 0 : i32
    %dma_wait3A_1004 = tpu.memref_slice %arg15[%dma_wait3A_1003] : memref<100000xf32, #tpu.memory_space<vmem_shared>> -> memref<100000xf32, #tpu.memory_space<vmem_shared>>
    %dma_wait3A_1005 = tpu.memref_slice %arg18[%dma_wait3A_996] : memref<8x!tpu.dma_semaphore, #tpu.memory_space<semaphore_mem>> -> memref<1x!tpu.dma_semaphore, #tpu.memory_space<semaphore_mem>>
    %dma_wait3A_1006 = tpu.memref_squeeze %dma_wait3A_1005 : memref<1x!tpu.dma_semaphore, #tpu.memory_space<semaphore_mem>> -> memref<!tpu.dma_semaphore, #tpu.memory_space<semaphore_mem>>
    tpu.wait_indirect_dma semaphore(%dma_wait3A_1006 : memref<!tpu.dma_semaphore, #tpu.memory_space<semaphore_mem>>) src(%dma_wait3A_1004 : memref<100000xf32, #tpu.memory_space<vmem_shared>>) dst(%dma_wait3A_999 : memref<128xf32, #tpu.memory_space<vmem>>)
    %scan3A_1007 = arith.constant 0 : i32
    %scan3A_1008 = arith.constant 0 : i32
    %mul3A_1009 = arith.constant 16 : i32
    %mul3A_1010 = arith.muli %scan3A_1008, %mul3A_1009 : i32
    %add3A_1011 = arith.constant 256 : i32
    %add3A_1012 = arith.addi %add3A_1011, %mul3A_1010 : i32
    %add3A_1013 = vector.broadcast %add3A_1012 : i32 to vector<16xi32>
    %add3A_1014 = arith.addi %iota3A, %add3A_1013 : vector<16xi32>
    %mul3A_1015 = arith.constant 16 : i32
    %mul3A_1016 = arith.muli %scan3A_1008, %mul3A_1015 : i32
    %get3A_1017 = arith.constant 2 : i32
    %get3A_1018 = arith.index_cast %get3A_1017 : i32 to index
    %get3A_1019 = arith.index_cast %mul3A_1016 : i32 to index
    %get3A_1020 = tpu.vector_load %arg10[%get3A_1018, %get3A_1019] {strides = array<i32>} : memref<8x128xf32, #tpu.memory_space<vmem>>, vector<16xf32>,
    %get3A_1021 = arith.constant 2 : i32
    %get3A_1022 = arith.index_cast %get3A_1021 : i32 to index
    %get3A_1023 = arith.index_cast %mul3A_1016 : i32 to index
    %get3A_1024 = tpu.vector_load %arg11[%get3A_1022, %get3A_1023] {strides = array<i32>} : memref<8x128xf32, #tpu.memory_space<vmem>>, vector<16xf32>,
    %get3A_1025 = arith.index_cast %add3A_1012 : i32 to index
    %get3A_1026 = tpu.vector_load %arg9[%get3A_1025] {strides = array<i32>} : memref<1024xi32, #tpu.memory_space<vmem>>, vector<16xi32>,
    %add3A_1027 = arith.constant 1 : i32
    %add3A_1028 = vector.broadcast %add3A_1027 : i32 to vector<16xi32>
    %add3A_1029 = arith.addi %add3A_1014, %add3A_1028 : vector<16xi32>
    %min3A_1030 = arith.constant 1023 : i32
    %min3A_1031 = vector.broadcast %min3A_1030 : i32 to vector<16xi32>
    %min3A_1032 = arith.minsi %add3A_1029, %min3A_1031 : vector<16xi32>
    %gather3A_1033 = tpu.vector_load_idx %arg9[%min3A_1032] : memref<1024xi32, #tpu.memory_space<vmem>>[vector<16xi32>], vector<16xi32>,
    %exp3A_1034 = math.exp %get3A_1020 : vector<16xf32>
    %mul3A_1035 = arith.mulf %exp3A_1034, %get3A_1024 : vector<16xf32>
    %broadcast_in_dim3A_1036 = arith.constant true
    %broadcast_in_dim3A_1037 = vector.broadcast %broadcast_in_dim3A_1036 : i1 to vector<16xi1>
    %masked_cumsum3A_1038 = tpu.scan <sum>, %exp3A_1034 masked %broadcast_in_dim3A_1037 : vector<16xf32>, vector<16xi1> -> vector<16xf32>
    %broadcast_in_dim3A_1039 = arith.constant true
    %broadcast_in_dim3A_1040 = vector.broadcast %broadcast_in_dim3A_1039 : i1 to vector<16xi1>
    %masked_cumsum3A_1041 = tpu.scan <sum>, %mul3A_1035 masked %broadcast_in_dim3A_1040 : vector<16xf32>, vector<16xi1> -> vector<16xf32>
    %ne3A_1042 = arith.cmpi ne, %get3A_1026, %gather3A_1033 : vector<16xi32>
    %or3A_1043 = arith.ori %ne3A_1042, %eq3A_230 : vector<16xi1>
    %and3A_1044 = arith.andi %ne3A_1042, %lt3A_228 : vector<16xi1>
    tpu.vector_store_idx %arg13[%get3A_1026], %masked_cumsum3A_1038 masked %or3A_1043 {add = true} : memref<16xf32, #tpu.memory_space<vmem>>[vector<16xi32>], vector<16xf32>, vector<16xi1>
    tpu.vector_store_idx %arg12[%get3A_1026], %masked_cumsum3A_1041 masked %or3A_1043 {add = true} : memref<16xf32, #tpu.memory_space<vmem>>[vector<16xi32>], vector<16xf32>, vector<16xi1>
    %neg3A_1045 = arith.constant 0.000000e+00 : f32
    %neg3A_1046 = vector.broadcast %neg3A_1045 : f32 to vector<16xf32>
    %neg3A_1047 = arith.subf %neg3A_1046, %masked_cumsum3A_1038 : vector<16xf32>
    tpu.vector_store_idx %arg13[%gather3A_1033], %neg3A_1047 masked %and3A_1044 {add = true} : memref<16xf32, #tpu.memory_space<vmem>>[vector<16xi32>], vector<16xf32>, vector<16xi1>
    %neg3A_1048 = arith.constant 0.000000e+00 : f32
    %neg3A_1049 = vector.broadcast %neg3A_1048 : f32 to vector<16xf32>
    %neg3A_1050 = arith.subf %neg3A_1049, %masked_cumsum3A_1041 : vector<16xf32>
    tpu.vector_store_idx %arg12[%gather3A_1033], %neg3A_1050 masked %and3A_1044 {add = true} : memref<16xf32, #tpu.memory_space<vmem>>[vector<16xi32>], vector<16xf32>, vector<16xi1>
    %scan3A_1051 = arith.constant 0 : i32
    %scan3A_1052 = arith.constant 1 : i32
    %mul3A_1053 = arith.constant 16 : i32
    %mul3A_1054 = arith.muli %scan3A_1052, %mul3A_1053 : i32
    %add3A_1055 = arith.constant 256 : i32
    %add3A_1056 = arith.addi %add3A_1055, %mul3A_1054 : i32
    %add3A_1057 = vector.broadcast %add3A_1056 : i32 to vector<16xi32>
    %add3A_1058 = arith.addi %iota3A, %add3A_1057 : vector<16xi32>
    %mul3A_1059 = arith.constant 16 : i32
    %mul3A_1060 = arith.muli %scan3A_1052, %mul3A_1059 : i32
    %get3A_1061 = arith.constant 2 : i32
    %get3A_1062 = arith.index_cast %get3A_1061 : i32 to index
    %get3A_1063 = arith.index_cast %mul3A_1060 : i32 to index
    %get3A_1064 = tpu.vector_load %arg10[%get3A_1062, %get3A_1063] {strides = array<i32>} : memref<8x128xf32, #tpu.memory_space<vmem>>, vector<16xf32>,
    %get3A_1065 = arith.constant 2 : i32
    %get3A_1066 = arith.index_cast %get3A_1065 : i32 to index
    %get3A_1067 = arith.index_cast %mul3A_1060 : i32 to index
    %get3A_1068 = tpu.vector_load %arg11[%get3A_1066, %get3A_1067] {strides = array<i32>} : memref<8x128xf32, #tpu.memory_space<vmem>>, vector<16xf32>,
    %get3A_1069 = arith.index_cast %add3A_1056 : i32 to index
    %get3A_1070 = tpu.vector_load %arg9[%get3A_1069] {strides = array<i32>} : memref<1024xi32, #tpu.memory_space<vmem>>, vector<16xi32>,
    %add3A_1071 = arith.constant 1 : i32
    %add3A_1072 = vector.broadcast %add3A_1071 : i32 to vector<16xi32>
    %add3A_1073 = arith.addi %add3A_1058, %add3A_1072 : vector<16xi32>
    %min3A_1074 = arith.constant 1023 : i32
    %min3A_1075 = vector.broadcast %min3A_1074 : i32 to vector<16xi32>
    %min3A_1076 = arith.minsi %add3A_1073, %min3A_1075 : vector<16xi32>
    %gather3A_1077 = tpu.vector_load_idx %arg9[%min3A_1076] : memref<1024xi32, #tpu.memory_space<vmem>>[vector<16xi32>], vector<16xi32>,
    %exp3A_1078 = math.exp %get3A_1064 : vector<16xf32>
    %mul3A_1079 = arith.mulf %exp3A_1078, %get3A_1068 : vector<16xf32>
    %broadcast_in_dim3A_1080 = arith.constant true
    %broadcast_in_dim3A_1081 = vector.broadcast %broadcast_in_dim3A_1080 : i1 to vector<16xi1>
    %masked_cumsum3A_1082 = tpu.scan <sum>, %exp3A_1078 masked %broadcast_in_dim3A_1081 : vector<16xf32>, vector<16xi1> -> vector<16xf32>
    %broadcast_in_dim3A_1083 = arith.constant true
    %broadcast_in_dim3A_1084 = vector.broadcast %broadcast_in_dim3A_1083 : i1 to vector<16xi1>
    %masked_cumsum3A_1085 = tpu.scan <sum>, %mul3A_1079 masked %broadcast_in_dim3A_1084 : vector<16xf32>, vector<16xi1> -> vector<16xf32>
    %ne3A_1086 = arith.cmpi ne, %get3A_1070, %gather3A_1077 : vector<16xi32>
    %or3A_1087 = arith.ori %ne3A_1086, %eq3A_230 : vector<16xi1>
    %and3A_1088 = arith.andi %ne3A_1086, %lt3A_228 : vector<16xi1>
    tpu.vector_store_idx %arg13[%get3A_1070], %masked_cumsum3A_1082 masked %or3A_1087 {add = true} : memref<16xf32, #tpu.memory_space<vmem>>[vector<16xi32>], vector<16xf32>, vector<16xi1>
    tpu.vector_store_idx %arg12[%get3A_1070], %masked_cumsum3A_1085 masked %or3A_1087 {add = true} : memref<16xf32, #tpu.memory_space<vmem>>[vector<16xi32>], vector<16xf32>, vector<16xi1>
    %neg3A_1089 = arith.constant 0.000000e+00 : f32
    %neg3A_1090 = vector.broadcast %neg3A_1089 : f32 to vector<16xf32>
    %neg3A_1091 = arith.subf %neg3A_1090, %masked_cumsum3A_1082 : vector<16xf32>
    tpu.vector_store_idx %arg13[%gather3A_1077], %neg3A_1091 masked %and3A_1088 {add = true} : memref<16xf32, #tpu.memory_space<vmem>>[vector<16xi32>], vector<16xf32>, vector<16xi1>
    %neg3A_1092 = arith.constant 0.000000e+00 : f32
    %neg3A_1093 = vector.broadcast %neg3A_1092 : f32 to vector<16xf32>
    %neg3A_1094 = arith.subf %neg3A_1093, %masked_cumsum3A_1085 : vector<16xf32>
    tpu.vector_store_idx %arg12[%gather3A_1077], %neg3A_1094 masked %and3A_1088 {add = true} : memref<16xf32, #tpu.memory_space<vmem>>[vector<16xi32>], vector<16xf32>, vector<16xi1>
    %scan3A_1095 = arith.constant 0 : i32
    %scan3A_1096 = arith.constant 2 : i32
    %mul3A_1097 = arith.constant 16 : i32
    %mul3A_1098 = arith.muli %scan3A_1096, %mul3A_1097 : i32
    %add3A_1099 = arith.constant 256 : i32
    %add3A_1100 = arith.addi %add3A_1099, %mul3A_1098 : i32
    %add3A_1101 = vector.broadcast %add3A_1100 : i32 to vector<16xi32>
    %add3A_1102 = arith.addi %iota3A, %add3A_1101 : vector<16xi32>
    %mul3A_1103 = arith.constant 16 : i32
    %mul3A_1104 = arith.muli %scan3A_1096, %mul3A_1103 : i32
    %get3A_1105 = arith.constant 2 : i32
    %get3A_1106 = arith.index_cast %get3A_1105 : i32 to index
    %get3A_1107 = arith.index_cast %mul3A_1104 : i32 to index
    %get3A_1108 = tpu.vector_load %arg10[%get3A_1106, %get3A_1107] {strides = array<i32>} : memref<8x128xf32, #tpu.memory_space<vmem>>, vector<16xf32>,
    %get3A_1109 = arith.constant 2 : i32
    %get3A_1110 = arith.index_cast %get3A_1109 : i32 to index
    %get3A_1111 = arith.index_cast %mul3A_1104 : i32 to index
    %get3A_1112 = tpu.vector_load %arg11[%get3A_1110, %get3A_1111] {strides = array<i32>} : memref<8x128xf32, #tpu.memory_space<vmem>>, vector<16xf32>,
    %get3A_1113 = arith.index_cast %add3A_1100 : i32 to index
    %get3A_1114 = tpu.vector_load %arg9[%get3A_1113] {strides = array<i32>} : memref<1024xi32, #tpu.memory_space<vmem>>, vector<16xi32>,
    %add3A_1115 = arith.constant 1 : i32
    %add3A_1116 = vector.broadcast %add3A_1115 : i32 to vector<16xi32>
    %add3A_1117 = arith.addi %add3A_1102, %add3A_1116 : vector<16xi32>
    %min3A_1118 = arith.constant 1023 : i32
    %min3A_1119 = vector.broadcast %min3A_1118 : i32 to vector<16xi32>
    %min3A_1120 = arith.minsi %add3A_1117, %min3A_1119 : vector<16xi32>
    %gather3A_1121 = tpu.vector_load_idx %arg9[%min3A_1120] : memref<1024xi32, #tpu.memory_space<vmem>>[vector<16xi32>], vector<16xi32>,
    %exp3A_1122 = math.exp %get3A_1108 : vector<16xf32>
    %mul3A_1123 = arith.mulf %exp3A_1122, %get3A_1112 : vector<16xf32>
    %broadcast_in_dim3A_1124 = arith.constant true
    %broadcast_in_dim3A_1125 = vector.broadcast %broadcast_in_dim3A_1124 : i1 to vector<16xi1>
    %masked_cumsum3A_1126 = tpu.scan <sum>, %exp3A_1122 masked %broadcast_in_dim3A_1125 : vector<16xf32>, vector<16xi1> -> vector<16xf32>
    %broadcast_in_dim3A_1127 = arith.constant true
    %broadcast_in_dim3A_1128 = vector.broadcast %broadcast_in_dim3A_1127 : i1 to vector<16xi1>
    %masked_cumsum3A_1129 = tpu.scan <sum>, %mul3A_1123 masked %broadcast_in_dim3A_1128 : vector<16xf32>, vector<16xi1> -> vector<16xf32>
    %ne3A_1130 = arith.cmpi ne, %get3A_1114, %gather3A_1121 : vector<16xi32>
    %or3A_1131 = arith.ori %ne3A_1130, %eq3A_230 : vector<16xi1>
    %and3A_1132 = arith.andi %ne3A_1130, %lt3A_228 : vector<16xi1>
    tpu.vector_store_idx %arg13[%get3A_1114], %masked_cumsum3A_1126 masked %or3A_1131 {add = true} : memref<16xf32, #tpu.memory_space<vmem>>[vector<16xi32>], vector<16xf32>, vector<16xi1>
    tpu.vector_store_idx %arg12[%get3A_1114], %masked_cumsum3A_1129 masked %or3A_1131 {add = true} : memref<16xf32, #tpu.memory_space<vmem>>[vector<16xi32>], vector<16xf32>, vector<16xi1>
    %neg3A_1133 = arith.constant 0.000000e+00 : f32
    %neg3A_1134 = vector.broadcast %neg3A_1133 : f32 to vector<16xf32>
    %neg3A_1135 = arith.subf %neg3A_1134, %masked_cumsum3A_1126 : vector<16xf32>
    tpu.vector_store_idx %arg13[%gather3A_1121], %neg3A_1135 masked %and3A_1132 {add = true} : memref<16xf32, #tpu.memory_space<vmem>>[vector<16xi32>], vector<16xf32>, vector<16xi1>
    %neg3A_1136 = arith.constant 0.000000e+00 : f32
    %neg3A_1137 = vector.broadcast %neg3A_1136 : f32 to vector<16xf32>
    %neg3A_1138 = arith.subf %neg3A_1137, %masked_cumsum3A_1129 : vector<16xf32>
    tpu.vector_store_idx %arg12[%gather3A_1121], %neg3A_1138 masked %and3A_1132 {add = true} : memref<16xf32, #tpu.memory_space<vmem>>[vector<16xi32>], vector<16xf32>, vector<16xi1>
    %scan3A_1139 = arith.constant 0 : i32
    %scan3A_1140 = arith.constant 3 : i32
    %mul3A_1141 = arith.constant 16 : i32
    %mul3A_1142 = arith.muli %scan3A_1140, %mul3A_1141 : i32
    %add3A_1143 = arith.constant 256 : i32
    %add3A_1144 = arith.addi %add3A_1143, %mul3A_1142 : i32
    %add3A_1145 = vector.broadcast %add3A_1144 : i32 to vector<16xi32>
    %add3A_1146 = arith.addi %iota3A, %add3A_1145 : vector<16xi32>
    %mul3A_1147 = arith.constant 16 : i32
    %mul3A_1148 = arith.muli %scan3A_1140, %mul3A_1147 : i32
    %get3A_1149 = arith.constant 2 : i32
    %get3A_1150 = arith.index_cast %get3A_1149 : i32 to index
    %get3A_1151 = arith.index_cast %mul3A_1148 : i32 to index
    %get3A_1152 = tpu.vector_load %arg10[%get3A_1150, %get3A_1151] {strides = array<i32>} : memref<8x128xf32, #tpu.memory_space<vmem>>, vector<16xf32>,
    %get3A_1153 = arith.constant 2 : i32
    %get3A_1154 = arith.index_cast %get3A_1153 : i32 to index
    %get3A_1155 = arith.index_cast %mul3A_1148 : i32 to index
    %get3A_1156 = tpu.vector_load %arg11[%get3A_1154, %get3A_1155] {strides = array<i32>} : memref<8x128xf32, #tpu.memory_space<vmem>>, vector<16xf32>,
    %get3A_1157 = arith.index_cast %add3A_1144 : i32 to index
    %get3A_1158 = tpu.vector_load %arg9[%get3A_1157] {strides = array<i32>} : memref<1024xi32, #tpu.memory_space<vmem>>, vector<16xi32>,
    %add3A_1159 = arith.constant 1 : i32
    %add3A_1160 = vector.broadcast %add3A_1159 : i32 to vector<16xi32>
    %add3A_1161 = arith.addi %add3A_1146, %add3A_1160 : vector<16xi32>
    %min3A_1162 = arith.constant 1023 : i32
    %min3A_1163 = vector.broadcast %min3A_1162 : i32 to vector<16xi32>
    %min3A_1164 = arith.minsi %add3A_1161, %min3A_1163 : vector<16xi32>
    %gather3A_1165 = tpu.vector_load_idx %arg9[%min3A_1164] : memref<1024xi32, #tpu.memory_space<vmem>>[vector<16xi32>], vector<16xi32>,
    %exp3A_1166 = math.exp %get3A_1152 : vector<16xf32>
    %mul3A_1167 = arith.mulf %exp3A_1166, %get3A_1156 : vector<16xf32>
    %broadcast_in_dim3A_1168 = arith.constant true
    %broadcast_in_dim3A_1169 = vector.broadcast %broadcast_in_dim3A_1168 : i1 to vector<16xi1>
    %masked_cumsum3A_1170 = tpu.scan <sum>, %exp3A_1166 masked %broadcast_in_dim3A_1169 : vector<16xf32>, vector<16xi1> -> vector<16xf32>
    %broadcast_in_dim3A_1171 = arith.constant true
    %broadcast_in_dim3A_1172 = vector.broadcast %broadcast_in_dim3A_1171 : i1 to vector<16xi1>
    %masked_cumsum3A_1173 = tpu.scan <sum>, %mul3A_1167 masked %broadcast_in_dim3A_1172 : vector<16xf32>, vector<16xi1> -> vector<16xf32>
    %ne3A_1174 = arith.cmpi ne, %get3A_1158, %gather3A_1165 : vector<16xi32>
    %or3A_1175 = arith.ori %ne3A_1174, %eq3A_230 : vector<16xi1>
    %and3A_1176 = arith.andi %ne3A_1174, %lt3A_228 : vector<16xi1>
    tpu.vector_store_idx %arg13[%get3A_1158], %masked_cumsum3A_1170 masked %or3A_1175 {add = true} : memref<16xf32, #tpu.memory_space<vmem>>[vector<16xi32>], vector<16xf32>, vector<16xi1>
    tpu.vector_store_idx %arg12[%get3A_1158], %masked_cumsum3A_1173 masked %or3A_1175 {add = true} : memref<16xf32, #tpu.memory_space<vmem>>[vector<16xi32>], vector<16xf32>, vector<16xi1>
    %neg3A_1177 = arith.constant 0.000000e+00 : f32
    %neg3A_1178 = vector.broadcast %neg3A_1177 : f32 to vector<16xf32>
    %neg3A_1179 = arith.subf %neg3A_1178, %masked_cumsum3A_1170 : vector<16xf32>
    tpu.vector_store_idx %arg13[%gather3A_1165], %neg3A_1179 masked %and3A_1176 {add = true} : memref<16xf32, #tpu.memory_space<vmem>>[vector<16xi32>], vector<16xf32>, vector<16xi1>
    %neg3A_1180 = arith.constant 0.000000e+00 : f32
    %neg3A_1181 = vector.broadcast %neg3A_1180 : f32 to vector<16xf32>
    %neg3A_1182 = arith.subf %neg3A_1181, %masked_cumsum3A_1173 : vector<16xf32>
    tpu.vector_store_idx %arg12[%gather3A_1165], %neg3A_1182 masked %and3A_1176 {add = true} : memref<16xf32, #tpu.memory_space<vmem>>[vector<16xi32>], vector<16xf32>, vector<16xi1>
    %scan3A_1183 = arith.constant 0 : i32
    %scan3A_1184 = arith.constant 4 : i32
    %mul3A_1185 = arith.constant 16 : i32
    %mul3A_1186 = arith.muli %scan3A_1184, %mul3A_1185 : i32
    %add3A_1187 = arith.constant 256 : i32
    %add3A_1188 = arith.addi %add3A_1187, %mul3A_1186 : i32
    %add3A_1189 = vector.broadcast %add3A_1188 : i32 to vector<16xi32>
    %add3A_1190 = arith.addi %iota3A, %add3A_1189 : vector<16xi32>
    %mul3A_1191 = arith.constant 16 : i32
    %mul3A_1192 = arith.muli %scan3A_1184, %mul3A_1191 : i32
    %get3A_1193 = arith.constant 2 : i32
    %get3A_1194 = arith.index_cast %get3A_1193 : i32 to index
    %get3A_1195 = arith.index_cast %mul3A_1192 : i32 to index
    %get3A_1196 = tpu.vector_load %arg10[%get3A_1194, %get3A_1195] {strides = array<i32>} : memref<8x128xf32, #tpu.memory_space<vmem>>, vector<16xf32>,
    %get3A_1197 = arith.constant 2 : i32
    %get3A_1198 = arith.index_cast %get3A_1197 : i32 to index
    %get3A_1199 = arith.index_cast %mul3A_1192 : i32 to index
    %get3A_1200 = tpu.vector_load %arg11[%get3A_1198, %get3A_1199] {strides = array<i32>} : memref<8x128xf32, #tpu.memory_space<vmem>>, vector<16xf32>,
    %get3A_1201 = arith.index_cast %add3A_1188 : i32 to index
    %get3A_1202 = tpu.vector_load %arg9[%get3A_1201] {strides = array<i32>} : memref<1024xi32, #tpu.memory_space<vmem>>, vector<16xi32>,
    %add3A_1203 = arith.constant 1 : i32
    %add3A_1204 = vector.broadcast %add3A_1203 : i32 to vector<16xi32>
    %add3A_1205 = arith.addi %add3A_1190, %add3A_1204 : vector<16xi32>
    %min3A_1206 = arith.constant 1023 : i32
    %min3A_1207 = vector.broadcast %min3A_1206 : i32 to vector<16xi32>
    %min3A_1208 = arith.minsi %add3A_1205, %min3A_1207 : vector<16xi32>
    %gather3A_1209 = tpu.vector_load_idx %arg9[%min3A_1208] : memref<1024xi32, #tpu.memory_space<vmem>>[vector<16xi32>], vector<16xi32>,
    %exp3A_1210 = math.exp %get3A_1196 : vector<16xf32>
    %mul3A_1211 = arith.mulf %exp3A_1210, %get3A_1200 : vector<16xf32>
    %broadcast_in_dim3A_1212 = arith.constant true
    %broadcast_in_dim3A_1213 = vector.broadcast %broadcast_in_dim3A_1212 : i1 to vector<16xi1>
    %masked_cumsum3A_1214 = tpu.scan <sum>, %exp3A_1210 masked %broadcast_in_dim3A_1213 : vector<16xf32>, vector<16xi1> -> vector<16xf32>
    %broadcast_in_dim3A_1215 = arith.constant true
    %broadcast_in_dim3A_1216 = vector.broadcast %broadcast_in_dim3A_1215 : i1 to vector<16xi1>
    %masked_cumsum3A_1217 = tpu.scan <sum>, %mul3A_1211 masked %broadcast_in_dim3A_1216 : vector<16xf32>, vector<16xi1> -> vector<16xf32>
    %ne3A_1218 = arith.cmpi ne, %get3A_1202, %gather3A_1209 : vector<16xi32>
    %or3A_1219 = arith.ori %ne3A_1218, %eq3A_230 : vector<16xi1>
    %and3A_1220 = arith.andi %ne3A_1218, %lt3A_228 : vector<16xi1>
    tpu.vector_store_idx %arg13[%get3A_1202], %masked_cumsum3A_1214 masked %or3A_1219 {add = true} : memref<16xf32, #tpu.memory_space<vmem>>[vector<16xi32>], vector<16xf32>, vector<16xi1>
    tpu.vector_store_idx %arg12[%get3A_1202], %masked_cumsum3A_1217 masked %or3A_1219 {add = true} : memref<16xf32, #tpu.memory_space<vmem>>[vector<16xi32>], vector<16xf32>, vector<16xi1>
    %neg3A_1221 = arith.constant 0.000000e+00 : f32
    %neg3A_1222 = vector.broadcast %neg3A_1221 : f32 to vector<16xf32>
    %neg3A_1223 = arith.subf %neg3A_1222, %masked_cumsum3A_1214 : vector<16xf32>
    tpu.vector_store_idx %arg13[%gather3A_1209], %neg3A_1223 masked %and3A_1220 {add = true} : memref<16xf32, #tpu.memory_space<vmem>>[vector<16xi32>], vector<16xf32>, vector<16xi1>
    %neg3A_1224 = arith.constant 0.000000e+00 : f32
    %neg3A_1225 = vector.broadcast %neg3A_1224 : f32 to vector<16xf32>
    %neg3A_1226 = arith.subf %neg3A_1225, %masked_cumsum3A_1217 : vector<16xf32>
    tpu.vector_store_idx %arg12[%gather3A_1209], %neg3A_1226 masked %and3A_1220 {add = true} : memref<16xf32, #tpu.memory_space<vmem>>[vector<16xi32>], vector<16xf32>, vector<16xi1>
    %scan3A_1227 = arith.constant 0 : i32
    %scan3A_1228 = arith.constant 5 : i32
    %mul3A_1229 = arith.constant 16 : i32
    %mul3A_1230 = arith.muli %scan3A_1228, %mul3A_1229 : i32
    %add3A_1231 = arith.constant 256 : i32
    %add3A_1232 = arith.addi %add3A_1231, %mul3A_1230 : i32
    %add3A_1233 = vector.broadcast %add3A_1232 : i32 to vector<16xi32>
    %add3A_1234 = arith.addi %iota3A, %add3A_1233 : vector<16xi32>
    %mul3A_1235 = arith.constant 16 : i32
    %mul3A_1236 = arith.muli %scan3A_1228, %mul3A_1235 : i32
    %get3A_1237 = arith.constant 2 : i32
    %get3A_1238 = arith.index_cast %get3A_1237 : i32 to index
    %get3A_1239 = arith.index_cast %mul3A_1236 : i32 to index
    %get3A_1240 = tpu.vector_load %arg10[%get3A_1238, %get3A_1239] {strides = array<i32>} : memref<8x128xf32, #tpu.memory_space<vmem>>, vector<16xf32>,
    %get3A_1241 = arith.constant 2 : i32
    %get3A_1242 = arith.index_cast %get3A_1241 : i32 to index
    %get3A_1243 = arith.index_cast %mul3A_1236 : i32 to index
    %get3A_1244 = tpu.vector_load %arg11[%get3A_1242, %get3A_1243] {strides = array<i32>} : memref<8x128xf32, #tpu.memory_space<vmem>>, vector<16xf32>,
    %get3A_1245 = arith.index_cast %add3A_1232 : i32 to index
    %get3A_1246 = tpu.vector_load %arg9[%get3A_1245] {strides = array<i32>} : memref<1024xi32, #tpu.memory_space<vmem>>, vector<16xi32>,
    %add3A_1247 = arith.constant 1 : i32
    %add3A_1248 = vector.broadcast %add3A_1247 : i32 to vector<16xi32>
    %add3A_1249 = arith.addi %add3A_1234, %add3A_1248 : vector<16xi32>
    %min3A_1250 = arith.constant 1023 : i32
    %min3A_1251 = vector.broadcast %min3A_1250 : i32 to vector<16xi32>
    %min3A_1252 = arith.minsi %add3A_1249, %min3A_1251 : vector<16xi32>
    %gather3A_1253 = tpu.vector_load_idx %arg9[%min3A_1252] : memref<1024xi32, #tpu.memory_space<vmem>>[vector<16xi32>], vector<16xi32>,
    %exp3A_1254 = math.exp %get3A_1240 : vector<16xf32>
    %mul3A_1255 = arith.mulf %exp3A_1254, %get3A_1244 : vector<16xf32>
    %broadcast_in_dim3A_1256 = arith.constant true
    %broadcast_in_dim3A_1257 = vector.broadcast %broadcast_in_dim3A_1256 : i1 to vector<16xi1>
    %masked_cumsum3A_1258 = tpu.scan <sum>, %exp3A_1254 masked %broadcast_in_dim3A_1257 : vector<16xf32>, vector<16xi1> -> vector<16xf32>
    %broadcast_in_dim3A_1259 = arith.constant true
    %broadcast_in_dim3A_1260 = vector.broadcast %broadcast_in_dim3A_1259 : i1 to vector<16xi1>
    %masked_cumsum3A_1261 = tpu.scan <sum>, %mul3A_1255 masked %broadcast_in_dim3A_1260 : vector<16xf32>, vector<16xi1> -> vector<16xf32>
    %ne3A_1262 = arith.cmpi ne, %get3A_1246, %gather3A_1253 : vector<16xi32>
    %or3A_1263 = arith.ori %ne3A_1262, %eq3A_230 : vector<16xi1>
    %and3A_1264 = arith.andi %ne3A_1262, %lt3A_228 : vector<16xi1>
    tpu.vector_store_idx %arg13[%get3A_1246], %masked_cumsum3A_1258 masked %or3A_1263 {add = true} : memref<16xf32, #tpu.memory_space<vmem>>[vector<16xi32>], vector<16xf32>, vector<16xi1>
    tpu.vector_store_idx %arg12[%get3A_1246], %masked_cumsum3A_1261 masked %or3A_1263 {add = true} : memref<16xf32, #tpu.memory_space<vmem>>[vector<16xi32>], vector<16xf32>, vector<16xi1>
    %neg3A_1265 = arith.constant 0.000000e+00 : f32
    %neg3A_1266 = vector.broadcast %neg3A_1265 : f32 to vector<16xf32>
    %neg3A_1267 = arith.subf %neg3A_1266, %masked_cumsum3A_1258 : vector<16xf32>
    tpu.vector_store_idx %arg13[%gather3A_1253], %neg3A_1267 masked %and3A_1264 {add = true} : memref<16xf32, #tpu.memory_space<vmem>>[vector<16xi32>], vector<16xf32>, vector<16xi1>
    %neg3A_1268 = arith.constant 0.000000e+00 : f32
    %neg3A_1269 = vector.broadcast %neg3A_1268 : f32 to vector<16xf32>
    %neg3A_1270 = arith.subf %neg3A_1269, %masked_cumsum3A_1261 : vector<16xf32>
    tpu.vector_store_idx %arg12[%gather3A_1253], %neg3A_1270 masked %and3A_1264 {add = true} : memref<16xf32, #tpu.memory_space<vmem>>[vector<16xi32>], vector<16xf32>, vector<16xi1>
    %scan3A_1271 = arith.constant 0 : i32
    %scan3A_1272 = arith.constant 6 : i32
    %mul3A_1273 = arith.constant 16 : i32
    %mul3A_1274 = arith.muli %scan3A_1272, %mul3A_1273 : i32
    %add3A_1275 = arith.constant 256 : i32
    %add3A_1276 = arith.addi %add3A_1275, %mul3A_1274 : i32
    %add3A_1277 = vector.broadcast %add3A_1276 : i32 to vector<16xi32>
    %add3A_1278 = arith.addi %iota3A, %add3A_1277 : vector<16xi32>
    %mul3A_1279 = arith.constant 16 : i32
    %mul3A_1280 = arith.muli %scan3A_1272, %mul3A_1279 : i32
    %get3A_1281 = arith.constant 2 : i32
    %get3A_1282 = arith.index_cast %get3A_1281 : i32 to index
    %get3A_1283 = arith.index_cast %mul3A_1280 : i32 to index
    %get3A_1284 = tpu.vector_load %arg10[%get3A_1282, %get3A_1283] {strides = array<i32>} : memref<8x128xf32, #tpu.memory_space<vmem>>, vector<16xf32>,
    %get3A_1285 = arith.constant 2 : i32
    %get3A_1286 = arith.index_cast %get3A_1285 : i32 to index
    %get3A_1287 = arith.index_cast %mul3A_1280 : i32 to index
    %get3A_1288 = tpu.vector_load %arg11[%get3A_1286, %get3A_1287] {strides = array<i32>} : memref<8x128xf32, #tpu.memory_space<vmem>>, vector<16xf32>,
    %get3A_1289 = arith.index_cast %add3A_1276 : i32 to index
    %get3A_1290 = tpu.vector_load %arg9[%get3A_1289] {strides = array<i32>} : memref<1024xi32, #tpu.memory_space<vmem>>, vector<16xi32>,
    %add3A_1291 = arith.constant 1 : i32
    %add3A_1292 = vector.broadcast %add3A_1291 : i32 to vector<16xi32>
    %add3A_1293 = arith.addi %add3A_1278, %add3A_1292 : vector<16xi32>
    %min3A_1294 = arith.constant 1023 : i32
    %min3A_1295 = vector.broadcast %min3A_1294 : i32 to vector<16xi32>
    %min3A_1296 = arith.minsi %add3A_1293, %min3A_1295 : vector<16xi32>
    %gather3A_1297 = tpu.vector_load_idx %arg9[%min3A_1296] : memref<1024xi32, #tpu.memory_space<vmem>>[vector<16xi32>], vector<16xi32>,
    %exp3A_1298 = math.exp %get3A_1284 : vector<16xf32>
    %mul3A_1299 = arith.mulf %exp3A_1298, %get3A_1288 : vector<16xf32>
    %broadcast_in_dim3A_1300 = arith.constant true
    %broadcast_in_dim3A_1301 = vector.broadcast %broadcast_in_dim3A_1300 : i1 to vector<16xi1>
    %masked_cumsum3A_1302 = tpu.scan <sum>, %exp3A_1298 masked %broadcast_in_dim3A_1301 : vector<16xf32>, vector<16xi1> -> vector<16xf32>
    %broadcast_in_dim3A_1303 = arith.constant true
    %broadcast_in_dim3A_1304 = vector.broadcast %broadcast_in_dim3A_1303 : i1 to vector<16xi1>
    %masked_cumsum3A_1305 = tpu.scan <sum>, %mul3A_1299 masked %broadcast_in_dim3A_1304 : vector<16xf32>, vector<16xi1> -> vector<16xf32>
    %ne3A_1306 = arith.cmpi ne, %get3A_1290, %gather3A_1297 : vector<16xi32>
    %or3A_1307 = arith.ori %ne3A_1306, %eq3A_230 : vector<16xi1>
    %and3A_1308 = arith.andi %ne3A_1306, %lt3A_228 : vector<16xi1>
    tpu.vector_store_idx %arg13[%get3A_1290], %masked_cumsum3A_1302 masked %or3A_1307 {add = true} : memref<16xf32, #tpu.memory_space<vmem>>[vector<16xi32>], vector<16xf32>, vector<16xi1>
    tpu.vector_store_idx %arg12[%get3A_1290], %masked_cumsum3A_1305 masked %or3A_1307 {add = true} : memref<16xf32, #tpu.memory_space<vmem>>[vector<16xi32>], vector<16xf32>, vector<16xi1>
    %neg3A_1309 = arith.constant 0.000000e+00 : f32
    %neg3A_1310 = vector.broadcast %neg3A_1309 : f32 to vector<16xf32>
    %neg3A_1311 = arith.subf %neg3A_1310, %masked_cumsum3A_1302 : vector<16xf32>
    tpu.vector_store_idx %arg13[%gather3A_1297], %neg3A_1311 masked %and3A_1308 {add = true} : memref<16xf32, #tpu.memory_space<vmem>>[vector<16xi32>], vector<16xf32>, vector<16xi1>
    %neg3A_1312 = arith.constant 0.000000e+00 : f32
    %neg3A_1313 = vector.broadcast %neg3A_1312 : f32 to vector<16xf32>
    %neg3A_1314 = arith.subf %neg3A_1313, %masked_cumsum3A_1305 : vector<16xf32>
    tpu.vector_store_idx %arg12[%gather3A_1297], %neg3A_1314 masked %and3A_1308 {add = true} : memref<16xf32, #tpu.memory_space<vmem>>[vector<16xi32>], vector<16xf32>, vector<16xi1>
    %scan3A_1315 = arith.constant 0 : i32
    %scan3A_1316 = arith.constant 7 : i32
    %mul3A_1317 = arith.constant 16 : i32
    %mul3A_1318 = arith.muli %scan3A_1316, %mul3A_1317 : i32
    %add3A_1319 = arith.constant 256 : i32
    %add3A_1320 = arith.addi %add3A_1319, %mul3A_1318 : i32
    %add3A_1321 = vector.broadcast %add3A_1320 : i32 to vector<16xi32>
    %add3A_1322 = arith.addi %iota3A, %add3A_1321 : vector<16xi32>
    %mul3A_1323 = arith.constant 16 : i32
    %mul3A_1324 = arith.muli %scan3A_1316, %mul3A_1323 : i32
    %get3A_1325 = arith.constant 2 : i32
    %get3A_1326 = arith.index_cast %get3A_1325 : i32 to index
    %get3A_1327 = arith.index_cast %mul3A_1324 : i32 to index
    %get3A_1328 = tpu.vector_load %arg10[%get3A_1326, %get3A_1327] {strides = array<i32>} : memref<8x128xf32, #tpu.memory_space<vmem>>, vector<16xf32>,
    %get3A_1329 = arith.constant 2 : i32
    %get3A_1330 = arith.index_cast %get3A_1329 : i32 to index
    %get3A_1331 = arith.index_cast %mul3A_1324 : i32 to index
    %get3A_1332 = tpu.vector_load %arg11[%get3A_1330, %get3A_1331] {strides = array<i32>} : memref<8x128xf32, #tpu.memory_space<vmem>>, vector<16xf32>,
    %get3A_1333 = arith.index_cast %add3A_1320 : i32 to index
    %get3A_1334 = tpu.vector_load %arg9[%get3A_1333] {strides = array<i32>} : memref<1024xi32, #tpu.memory_space<vmem>>, vector<16xi32>,
    %add3A_1335 = arith.constant 1 : i32
    %add3A_1336 = vector.broadcast %add3A_1335 : i32 to vector<16xi32>
    %add3A_1337 = arith.addi %add3A_1322, %add3A_1336 : vector<16xi32>
    %min3A_1338 = arith.constant 1023 : i32
    %min3A_1339 = vector.broadcast %min3A_1338 : i32 to vector<16xi32>
    %min3A_1340 = arith.minsi %add3A_1337, %min3A_1339 : vector<16xi32>
    %gather3A_1341 = tpu.vector_load_idx %arg9[%min3A_1340] : memref<1024xi32, #tpu.memory_space<vmem>>[vector<16xi32>], vector<16xi32>,
    %exp3A_1342 = math.exp %get3A_1328 : vector<16xf32>
    %mul3A_1343 = arith.mulf %exp3A_1342, %get3A_1332 : vector<16xf32>
    %broadcast_in_dim3A_1344 = arith.constant true
    %broadcast_in_dim3A_1345 = vector.broadcast %broadcast_in_dim3A_1344 : i1 to vector<16xi1>
    %masked_cumsum3A_1346 = tpu.scan <sum>, %exp3A_1342 masked %broadcast_in_dim3A_1345 : vector<16xf32>, vector<16xi1> -> vector<16xf32>
    %broadcast_in_dim3A_1347 = arith.constant true
    %broadcast_in_dim3A_1348 = vector.broadcast %broadcast_in_dim3A_1347 : i1 to vector<16xi1>
    %masked_cumsum3A_1349 = tpu.scan <sum>, %mul3A_1343 masked %broadcast_in_dim3A_1348 : vector<16xf32>, vector<16xi1> -> vector<16xf32>
    %ne3A_1350 = arith.cmpi ne, %get3A_1334, %gather3A_1341 : vector<16xi32>
    %or3A_1351 = arith.ori %ne3A_1350, %eq3A_230 : vector<16xi1>
    %and3A_1352 = arith.andi %ne3A_1350, %lt3A_228 : vector<16xi1>
    tpu.vector_store_idx %arg13[%get3A_1334], %masked_cumsum3A_1346 masked %or3A_1351 {add = true} : memref<16xf32, #tpu.memory_space<vmem>>[vector<16xi32>], vector<16xf32>, vector<16xi1>
    tpu.vector_store_idx %arg12[%get3A_1334], %masked_cumsum3A_1349 masked %or3A_1351 {add = true} : memref<16xf32, #tpu.memory_space<vmem>>[vector<16xi32>], vector<16xf32>, vector<16xi1>
    %neg3A_1353 = arith.constant 0.000000e+00 : f32
    %neg3A_1354 = vector.broadcast %neg3A_1353 : f32 to vector<16xf32>
    %neg3A_1355 = arith.subf %neg3A_1354, %masked_cumsum3A_1346 : vector<16xf32>
    tpu.vector_store_idx %arg13[%gather3A_1341], %neg3A_1355 masked %and3A_1352 {add = true} : memref<16xf32, #tpu.memory_space<vmem>>[vector<16xi32>], vector<16xf32>, vector<16xi1>
    %neg3A_1356 = arith.constant 0.000000e+00 : f32
    %neg3A_1357 = vector.broadcast %neg3A_1356 : f32 to vector<16xf32>
    %neg3A_1358 = arith.subf %neg3A_1357, %masked_cumsum3A_1349 : vector<16xf32>
    tpu.vector_store_idx %arg12[%gather3A_1341], %neg3A_1358 masked %and3A_1352 {add = true} : memref<16xf32, #tpu.memory_space<vmem>>[vector<16xi32>], vector<16xf32>, vector<16xi1>
    %scan3A_1359 = arith.constant 0 : i32
    %scan3A_1360 = arith.constant 8 : i32
    %dma_wait3A_1361 = arith.constant 7 : i32
    %dma_wait3A_1362 = arith.constant 3 : i32
    %dma_wait3A_1363 = arith.constant 3 : i32
    %dma_wait3A_1364 = arith.constant 0 : i32
    %dma_wait3A_1365 = tpu.memref_slice %arg10[%dma_wait3A_1362, %dma_wait3A_1364] : memref<8x128xf32, #tpu.memory_space<vmem>> -> memref<1x128xf32, #tpu.memory_space<vmem>>
    %dma_wait3A_1366 = tpu.memref_squeeze %dma_wait3A_1365 : memref<1x128xf32, #tpu.memory_space<vmem>> -> memref<128xf32, #tpu.memory_space<vmem>>
    %dma_wait3A_1367 = arith.constant 0 : i32
    %dma_wait3A_1368 = tpu.memref_slice %arg8[%dma_wait3A_1361, %dma_wait3A_1367] : memref<16x128xi32, #tpu.memory_space<vmem>> -> memref<1x128xi32, #tpu.memory_space<vmem>>
    %dma_wait3A_1369 = tpu.memref_squeeze %dma_wait3A_1368 : memref<1x128xi32, #tpu.memory_space<vmem>> -> memref<128xi32, #tpu.memory_space<vmem>>
    %dma_wait3A_1370 = arith.constant 0 : i32
    %dma_wait3A_1371 = tpu.memref_slice %arg14[%dma_wait3A_1370] : memref<100000xf32, #tpu.memory_space<vmem_shared>> -> memref<100000xf32, #tpu.memory_space<vmem_shared>>
    %dma_wait3A_1372 = tpu.memref_slice %arg18[%dma_wait3A_1363] : memref<8x!tpu.dma_semaphore, #tpu.memory_space<semaphore_mem>> -> memref<1x!tpu.dma_semaphore, #tpu.memory_space<semaphore_mem>>
    %dma_wait3A_1373 = tpu.memref_squeeze %dma_wait3A_1372 : memref<1x!tpu.dma_semaphore, #tpu.memory_space<semaphore_mem>> -> memref<!tpu.dma_semaphore, #tpu.memory_space<semaphore_mem>>
    tpu.wait_indirect_dma semaphore(%dma_wait3A_1373 : memref<!tpu.dma_semaphore, #tpu.memory_space<semaphore_mem>>) src(%dma_wait3A_1371 : memref<100000xf32, #tpu.memory_space<vmem_shared>>) dst(%dma_wait3A_1366 : memref<128xf32, #tpu.memory_space<vmem>>)
    %dma_wait3A_1374 = arith.constant 6 : i32
    %dma_wait3A_1375 = arith.constant 3 : i32
    %dma_wait3A_1376 = arith.constant 3 : i32
    %dma_wait3A_1377 = arith.constant 0 : i32
    %dma_wait3A_1378 = tpu.memref_slice %arg11[%dma_wait3A_1375, %dma_wait3A_1377] : memref<8x128xf32, #tpu.memory_space<vmem>> -> memref<1x128xf32, #tpu.memory_space<vmem>>
    %dma_wait3A_1379 = tpu.memref_squeeze %dma_wait3A_1378 : memref<1x128xf32, #tpu.memory_space<vmem>> -> memref<128xf32, #tpu.memory_space<vmem>>
    %dma_wait3A_1380 = arith.constant 0 : i32
    %dma_wait3A_1381 = tpu.memref_slice %arg8[%dma_wait3A_1374, %dma_wait3A_1380] : memref<16x128xi32, #tpu.memory_space<vmem>> -> memref<1x128xi32, #tpu.memory_space<vmem>>
    %dma_wait3A_1382 = tpu.memref_squeeze %dma_wait3A_1381 : memref<1x128xi32, #tpu.memory_space<vmem>> -> memref<128xi32, #tpu.memory_space<vmem>>
    %dma_wait3A_1383 = arith.constant 0 : i32
    %dma_wait3A_1384 = tpu.memref_slice %arg15[%dma_wait3A_1383] : memref<100000xf32, #tpu.memory_space<vmem_shared>> -> memref<100000xf32, #tpu.memory_space<vmem_shared>>
    %dma_wait3A_1385 = tpu.memref_slice %arg18[%dma_wait3A_1376] : memref<8x!tpu.dma_semaphore, #tpu.memory_space<semaphore_mem>> -> memref<1x!tpu.dma_semaphore, #tpu.memory_space<semaphore_mem>>
    %dma_wait3A_1386 = tpu.memref_squeeze %dma_wait3A_1385 : memref<1x!tpu.dma_semaphore, #tpu.memory_space<semaphore_mem>> -> memref<!tpu.dma_semaphore, #tpu.memory_space<semaphore_mem>>
    tpu.wait_indirect_dma semaphore(%dma_wait3A_1386 : memref<!tpu.dma_semaphore, #tpu.memory_space<semaphore_mem>>) src(%dma_wait3A_1384 : memref<100000xf32, #tpu.memory_space<vmem_shared>>) dst(%dma_wait3A_1379 : memref<128xf32, #tpu.memory_space<vmem>>)
    %scan3A_1387 = arith.constant 0 : i32
    %scan3A_1388 = arith.constant 0 : i32
    %mul3A_1389 = arith.constant 16 : i32
    %mul3A_1390 = arith.muli %scan3A_1388, %mul3A_1389 : i32
    %add3A_1391 = arith.constant 384 : i32
    %add3A_1392 = arith.addi %add3A_1391, %mul3A_1390 : i32
    %add3A_1393 = vector.broadcast %add3A_1392 : i32 to vector<16xi32>
    %add3A_1394 = arith.addi %iota3A, %add3A_1393 : vector<16xi32>
    %mul3A_1395 = arith.constant 16 : i32
    %mul3A_1396 = arith.muli %scan3A_1388, %mul3A_1395 : i32
    %get3A_1397 = arith.constant 3 : i32
    %get3A_1398 = arith.index_cast %get3A_1397 : i32 to index
    %get3A_1399 = arith.index_cast %mul3A_1396 : i32 to index
    %get3A_1400 = tpu.vector_load %arg10[%get3A_1398, %get3A_1399] {strides = array<i32>} : memref<8x128xf32, #tpu.memory_space<vmem>>, vector<16xf32>,
    %get3A_1401 = arith.constant 3 : i32
    %get3A_1402 = arith.index_cast %get3A_1401 : i32 to index
    %get3A_1403 = arith.index_cast %mul3A_1396 : i32 to index
    %get3A_1404 = tpu.vector_load %arg11[%get3A_1402, %get3A_1403] {strides = array<i32>} : memref<8x128xf32, #tpu.memory_space<vmem>>, vector<16xf32>,
    %get3A_1405 = arith.index_cast %add3A_1392 : i32 to index
    %get3A_1406 = tpu.vector_load %arg9[%get3A_1405] {strides = array<i32>} : memref<1024xi32, #tpu.memory_space<vmem>>, vector<16xi32>,
    %add3A_1407 = arith.constant 1 : i32
    %add3A_1408 = vector.broadcast %add3A_1407 : i32 to vector<16xi32>
    %add3A_1409 = arith.addi %add3A_1394, %add3A_1408 : vector<16xi32>
    %min3A_1410 = arith.constant 1023 : i32
    %min3A_1411 = vector.broadcast %min3A_1410 : i32 to vector<16xi32>
    %min3A_1412 = arith.minsi %add3A_1409, %min3A_1411 : vector<16xi32>
    %gather3A_1413 = tpu.vector_load_idx %arg9[%min3A_1412] : memref<1024xi32, #tpu.memory_space<vmem>>[vector<16xi32>], vector<16xi32>,
    %exp3A_1414 = math.exp %get3A_1400 : vector<16xf32>
    %mul3A_1415 = arith.mulf %exp3A_1414, %get3A_1404 : vector<16xf32>
    %broadcast_in_dim3A_1416 = arith.constant true
    %broadcast_in_dim3A_1417 = vector.broadcast %broadcast_in_dim3A_1416 : i1 to vector<16xi1>
    %masked_cumsum3A_1418 = tpu.scan <sum>, %exp3A_1414 masked %broadcast_in_dim3A_1417 : vector<16xf32>, vector<16xi1> -> vector<16xf32>
    %broadcast_in_dim3A_1419 = arith.constant true
    %broadcast_in_dim3A_1420 = vector.broadcast %broadcast_in_dim3A_1419 : i1 to vector<16xi1>
    %masked_cumsum3A_1421 = tpu.scan <sum>, %mul3A_1415 masked %broadcast_in_dim3A_1420 : vector<16xf32>, vector<16xi1> -> vector<16xf32>
    %ne3A_1422 = arith.cmpi ne, %get3A_1406, %gather3A_1413 : vector<16xi32>
    %or3A_1423 = arith.ori %ne3A_1422, %eq3A_230 : vector<16xi1>
    %and3A_1424 = arith.andi %ne3A_1422, %lt3A_228 : vector<16xi1>
    tpu.vector_store_idx %arg13[%get3A_1406], %masked_cumsum3A_1418 masked %or3A_1423 {add = true} : memref<16xf32, #tpu.memory_space<vmem>>[vector<16xi32>], vector<16xf32>, vector<16xi1>
    tpu.vector_store_idx %arg12[%get3A_1406], %masked_cumsum3A_1421 masked %or3A_1423 {add = true} : memref<16xf32, #tpu.memory_space<vmem>>[vector<16xi32>], vector<16xf32>, vector<16xi1>
    %neg3A_1425 = arith.constant 0.000000e+00 : f32
    %neg3A_1426 = vector.broadcast %neg3A_1425 : f32 to vector<16xf32>
    %neg3A_1427 = arith.subf %neg3A_1426, %masked_cumsum3A_1418 : vector<16xf32>
    tpu.vector_store_idx %arg13[%gather3A_1413], %neg3A_1427 masked %and3A_1424 {add = true} : memref<16xf32, #tpu.memory_space<vmem>>[vector<16xi32>], vector<16xf32>, vector<16xi1>
    %neg3A_1428 = arith.constant 0.000000e+00 : f32
    %neg3A_1429 = vector.broadcast %neg3A_1428 : f32 to vector<16xf32>
    %neg3A_1430 = arith.subf %neg3A_1429, %masked_cumsum3A_1421 : vector<16xf32>
    tpu.vector_store_idx %arg12[%gather3A_1413], %neg3A_1430 masked %and3A_1424 {add = true} : memref<16xf32, #tpu.memory_space<vmem>>[vector<16xi32>], vector<16xf32>, vector<16xi1>
    %scan3A_1431 = arith.constant 0 : i32
    %scan3A_1432 = arith.constant 1 : i32
    %mul3A_1433 = arith.constant 16 : i32
    %mul3A_1434 = arith.muli %scan3A_1432, %mul3A_1433 : i32
    %add3A_1435 = arith.constant 384 : i32
    %add3A_1436 = arith.addi %add3A_1435, %mul3A_1434 : i32
    %add3A_1437 = vector.broadcast %add3A_1436 : i32 to vector<16xi32>
    %add3A_1438 = arith.addi %iota3A, %add3A_1437 : vector<16xi32>
    %mul3A_1439 = arith.constant 16 : i32
    %mul3A_1440 = arith.muli %scan3A_1432, %mul3A_1439 : i32
    %get3A_1441 = arith.constant 3 : i32
    %get3A_1442 = arith.index_cast %get3A_1441 : i32 to index
    %get3A_1443 = arith.index_cast %mul3A_1440 : i32 to index
    %get3A_1444 = tpu.vector_load %arg10[%get3A_1442, %get3A_1443] {strides = array<i32>} : memref<8x128xf32, #tpu.memory_space<vmem>>, vector<16xf32>,
    %get3A_1445 = arith.constant 3 : i32
    %get3A_1446 = arith.index_cast %get3A_1445 : i32 to index
    %get3A_1447 = arith.index_cast %mul3A_1440 : i32 to index
    %get3A_1448 = tpu.vector_load %arg11[%get3A_1446, %get3A_1447] {strides = array<i32>} : memref<8x128xf32, #tpu.memory_space<vmem>>, vector<16xf32>,
    %get3A_1449 = arith.index_cast %add3A_1436 : i32 to index
    %get3A_1450 = tpu.vector_load %arg9[%get3A_1449] {strides = array<i32>} : memref<1024xi32, #tpu.memory_space<vmem>>, vector<16xi32>,
    %add3A_1451 = arith.constant 1 : i32
    %add3A_1452 = vector.broadcast %add3A_1451 : i32 to vector<16xi32>
    %add3A_1453 = arith.addi %add3A_1438, %add3A_1452 : vector<16xi32>
    %min3A_1454 = arith.constant 1023 : i32
    %min3A_1455 = vector.broadcast %min3A_1454 : i32 to vector<16xi32>
    %min3A_1456 = arith.minsi %add3A_1453, %min3A_1455 : vector<16xi32>
    %gather3A_1457 = tpu.vector_load_idx %arg9[%min3A_1456] : memref<1024xi32, #tpu.memory_space<vmem>>[vector<16xi32>], vector<16xi32>,
    %exp3A_1458 = math.exp %get3A_1444 : vector<16xf32>
    %mul3A_1459 = arith.mulf %exp3A_1458, %get3A_1448 : vector<16xf32>
    %broadcast_in_dim3A_1460 = arith.constant true
    %broadcast_in_dim3A_1461 = vector.broadcast %broadcast_in_dim3A_1460 : i1 to vector<16xi1>
    %masked_cumsum3A_1462 = tpu.scan <sum>, %exp3A_1458 masked %broadcast_in_dim3A_1461 : vector<16xf32>, vector<16xi1> -> vector<16xf32>
    %broadcast_in_dim3A_1463 = arith.constant true
    %broadcast_in_dim3A_1464 = vector.broadcast %broadcast_in_dim3A_1463 : i1 to vector<16xi1>
    %masked_cumsum3A_1465 = tpu.scan <sum>, %mul3A_1459 masked %broadcast_in_dim3A_1464 : vector<16xf32>, vector<16xi1> -> vector<16xf32>
    %ne3A_1466 = arith.cmpi ne, %get3A_1450, %gather3A_1457 : vector<16xi32>
    %or3A_1467 = arith.ori %ne3A_1466, %eq3A_230 : vector<16xi1>
    %and3A_1468 = arith.andi %ne3A_1466, %lt3A_228 : vector<16xi1>
    tpu.vector_store_idx %arg13[%get3A_1450], %masked_cumsum3A_1462 masked %or3A_1467 {add = true} : memref<16xf32, #tpu.memory_space<vmem>>[vector<16xi32>], vector<16xf32>, vector<16xi1>
    tpu.vector_store_idx %arg12[%get3A_1450], %masked_cumsum3A_1465 masked %or3A_1467 {add = true} : memref<16xf32, #tpu.memory_space<vmem>>[vector<16xi32>], vector<16xf32>, vector<16xi1>
    %neg3A_1469 = arith.constant 0.000000e+00 : f32
    %neg3A_1470 = vector.broadcast %neg3A_1469 : f32 to vector<16xf32>
    %neg3A_1471 = arith.subf %neg3A_1470, %masked_cumsum3A_1462 : vector<16xf32>
    tpu.vector_store_idx %arg13[%gather3A_1457], %neg3A_1471 masked %and3A_1468 {add = true} : memref<16xf32, #tpu.memory_space<vmem>>[vector<16xi32>], vector<16xf32>, vector<16xi1>
    %neg3A_1472 = arith.constant 0.000000e+00 : f32
    %neg3A_1473 = vector.broadcast %neg3A_1472 : f32 to vector<16xf32>
    %neg3A_1474 = arith.subf %neg3A_1473, %masked_cumsum3A_1465 : vector<16xf32>
    tpu.vector_store_idx %arg12[%gather3A_1457], %neg3A_1474 masked %and3A_1468 {add = true} : memref<16xf32, #tpu.memory_space<vmem>>[vector<16xi32>], vector<16xf32>, vector<16xi1>
    %scan3A_1475 = arith.constant 0 : i32
    %scan3A_1476 = arith.constant 2 : i32
    %mul3A_1477 = arith.constant 16 : i32
    %mul3A_1478 = arith.muli %scan3A_1476, %mul3A_1477 : i32
    %add3A_1479 = arith.constant 384 : i32
    %add3A_1480 = arith.addi %add3A_1479, %mul3A_1478 : i32
    %add3A_1481 = vector.broadcast %add3A_1480 : i32 to vector<16xi32>
    %add3A_1482 = arith.addi %iota3A, %add3A_1481 : vector<16xi32>
    %mul3A_1483 = arith.constant 16 : i32
    %mul3A_1484 = arith.muli %scan3A_1476, %mul3A_1483 : i32
    %get3A_1485 = arith.constant 3 : i32
    %get3A_1486 = arith.index_cast %get3A_1485 : i32 to index
    %get3A_1487 = arith.index_cast %mul3A_1484 : i32 to index
    %get3A_1488 = tpu.vector_load %arg10[%get3A_1486, %get3A_1487] {strides = array<i32>} : memref<8x128xf32, #tpu.memory_space<vmem>>, vector<16xf32>,
    %get3A_1489 = arith.constant 3 : i32
    %get3A_1490 = arith.index_cast %get3A_1489 : i32 to index
    %get3A_1491 = arith.index_cast %mul3A_1484 : i32 to index
    %get3A_1492 = tpu.vector_load %arg11[%get3A_1490, %get3A_1491] {strides = array<i32>} : memref<8x128xf32, #tpu.memory_space<vmem>>, vector<16xf32>,
    %get3A_1493 = arith.index_cast %add3A_1480 : i32 to index
    %get3A_1494 = tpu.vector_load %arg9[%get3A_1493] {strides = array<i32>} : memref<1024xi32, #tpu.memory_space<vmem>>, vector<16xi32>,
    %add3A_1495 = arith.constant 1 : i32
    %add3A_1496 = vector.broadcast %add3A_1495 : i32 to vector<16xi32>
    %add3A_1497 = arith.addi %add3A_1482, %add3A_1496 : vector<16xi32>
    %min3A_1498 = arith.constant 1023 : i32
    %min3A_1499 = vector.broadcast %min3A_1498 : i32 to vector<16xi32>
    %min3A_1500 = arith.minsi %add3A_1497, %min3A_1499 : vector<16xi32>
    %gather3A_1501 = tpu.vector_load_idx %arg9[%min3A_1500] : memref<1024xi32, #tpu.memory_space<vmem>>[vector<16xi32>], vector<16xi32>,
    %exp3A_1502 = math.exp %get3A_1488 : vector<16xf32>
    %mul3A_1503 = arith.mulf %exp3A_1502, %get3A_1492 : vector<16xf32>
    %broadcast_in_dim3A_1504 = arith.constant true
    %broadcast_in_dim3A_1505 = vector.broadcast %broadcast_in_dim3A_1504 : i1 to vector<16xi1>
    %masked_cumsum3A_1506 = tpu.scan <sum>, %exp3A_1502 masked %broadcast_in_dim3A_1505 : vector<16xf32>, vector<16xi1> -> vector<16xf32>
    %broadcast_in_dim3A_1507 = arith.constant true
    %broadcast_in_dim3A_1508 = vector.broadcast %broadcast_in_dim3A_1507 : i1 to vector<16xi1>
    %masked_cumsum3A_1509 = tpu.scan <sum>, %mul3A_1503 masked %broadcast_in_dim3A_1508 : vector<16xf32>, vector<16xi1> -> vector<16xf32>
    %ne3A_1510 = arith.cmpi ne, %get3A_1494, %gather3A_1501 : vector<16xi32>
    %or3A_1511 = arith.ori %ne3A_1510, %eq3A_230 : vector<16xi1>
    %and3A_1512 = arith.andi %ne3A_1510, %lt3A_228 : vector<16xi1>
    tpu.vector_store_idx %arg13[%get3A_1494], %masked_cumsum3A_1506 masked %or3A_1511 {add = true} : memref<16xf32, #tpu.memory_space<vmem>>[vector<16xi32>], vector<16xf32>, vector<16xi1>
    tpu.vector_store_idx %arg12[%get3A_1494], %masked_cumsum3A_1509 masked %or3A_1511 {add = true} : memref<16xf32, #tpu.memory_space<vmem>>[vector<16xi32>], vector<16xf32>, vector<16xi1>
    %neg3A_1513 = arith.constant 0.000000e+00 : f32
    %neg3A_1514 = vector.broadcast %neg3A_1513 : f32 to vector<16xf32>
    %neg3A_1515 = arith.subf %neg3A_1514, %masked_cumsum3A_1506 : vector<16xf32>
    tpu.vector_store_idx %arg13[%gather3A_1501], %neg3A_1515 masked %and3A_1512 {add = true} : memref<16xf32, #tpu.memory_space<vmem>>[vector<16xi32>], vector<16xf32>, vector<16xi1>
    %neg3A_1516 = arith.constant 0.000000e+00 : f32
    %neg3A_1517 = vector.broadcast %neg3A_1516 : f32 to vector<16xf32>
    %neg3A_1518 = arith.subf %neg3A_1517, %masked_cumsum3A_1509 : vector<16xf32>
    tpu.vector_store_idx %arg12[%gather3A_1501], %neg3A_1518 masked %and3A_1512 {add = true} : memref<16xf32, #tpu.memory_space<vmem>>[vector<16xi32>], vector<16xf32>, vector<16xi1>
    %scan3A_1519 = arith.constant 0 : i32
    %scan3A_1520 = arith.constant 3 : i32
    %mul3A_1521 = arith.constant 16 : i32
    %mul3A_1522 = arith.muli %scan3A_1520, %mul3A_1521 : i32
    %add3A_1523 = arith.constant 384 : i32
    %add3A_1524 = arith.addi %add3A_1523, %mul3A_1522 : i32
    %add3A_1525 = vector.broadcast %add3A_1524 : i32 to vector<16xi32>
    %add3A_1526 = arith.addi %iota3A, %add3A_1525 : vector<16xi32>
    %mul3A_1527 = arith.constant 16 : i32
    %mul3A_1528 = arith.muli %scan3A_1520, %mul3A_1527 : i32
    %get3A_1529 = arith.constant 3 : i32
    %get3A_1530 = arith.index_cast %get3A_1529 : i32 to index
    %get3A_1531 = arith.index_cast %mul3A_1528 : i32 to index
    %get3A_1532 = tpu.vector_load %arg10[%get3A_1530, %get3A_1531] {strides = array<i32>} : memref<8x128xf32, #tpu.memory_space<vmem>>, vector<16xf32>,
    %get3A_1533 = arith.constant 3 : i32
    %get3A_1534 = arith.index_cast %get3A_1533 : i32 to index
    %get3A_1535 = arith.index_cast %mul3A_1528 : i32 to index
    %get3A_1536 = tpu.vector_load %arg11[%get3A_1534, %get3A_1535] {strides = array<i32>} : memref<8x128xf32, #tpu.memory_space<vmem>>, vector<16xf32>,
    %get3A_1537 = arith.index_cast %add3A_1524 : i32 to index
    %get3A_1538 = tpu.vector_load %arg9[%get3A_1537] {strides = array<i32>} : memref<1024xi32, #tpu.memory_space<vmem>>, vector<16xi32>,
    %add3A_1539 = arith.constant 1 : i32
    %add3A_1540 = vector.broadcast %add3A_1539 : i32 to vector<16xi32>
    %add3A_1541 = arith.addi %add3A_1526, %add3A_1540 : vector<16xi32>
    %min3A_1542 = arith.constant 1023 : i32
    %min3A_1543 = vector.broadcast %min3A_1542 : i32 to vector<16xi32>
    %min3A_1544 = arith.minsi %add3A_1541, %min3A_1543 : vector<16xi32>
    %gather3A_1545 = tpu.vector_load_idx %arg9[%min3A_1544] : memref<1024xi32, #tpu.memory_space<vmem>>[vector<16xi32>], vector<16xi32>,
    %exp3A_1546 = math.exp %get3A_1532 : vector<16xf32>
    %mul3A_1547 = arith.mulf %exp3A_1546, %get3A_1536 : vector<16xf32>
    %broadcast_in_dim3A_1548 = arith.constant true
    %broadcast_in_dim3A_1549 = vector.broadcast %broadcast_in_dim3A_1548 : i1 to vector<16xi1>
    %masked_cumsum3A_1550 = tpu.scan <sum>, %exp3A_1546 masked %broadcast_in_dim3A_1549 : vector<16xf32>, vector<16xi1> -> vector<16xf32>
    %broadcast_in_dim3A_1551 = arith.constant true
    %broadcast_in_dim3A_1552 = vector.broadcast %broadcast_in_dim3A_1551 : i1 to vector<16xi1>
    %masked_cumsum3A_1553 = tpu.scan <sum>, %mul3A_1547 masked %broadcast_in_dim3A_1552 : vector<16xf32>, vector<16xi1> -> vector<16xf32>
    %ne3A_1554 = arith.cmpi ne, %get3A_1538, %gather3A_1545 : vector<16xi32>
    %or3A_1555 = arith.ori %ne3A_1554, %eq3A_230 : vector<16xi1>
    %and3A_1556 = arith.andi %ne3A_1554, %lt3A_228 : vector<16xi1>
    tpu.vector_store_idx %arg13[%get3A_1538], %masked_cumsum3A_1550 masked %or3A_1555 {add = true} : memref<16xf32, #tpu.memory_space<vmem>>[vector<16xi32>], vector<16xf32>, vector<16xi1>
    tpu.vector_store_idx %arg12[%get3A_1538], %masked_cumsum3A_1553 masked %or3A_1555 {add = true} : memref<16xf32, #tpu.memory_space<vmem>>[vector<16xi32>], vector<16xf32>, vector<16xi1>
    %neg3A_1557 = arith.constant 0.000000e+00 : f32
    %neg3A_1558 = vector.broadcast %neg3A_1557 : f32 to vector<16xf32>
    %neg3A_1559 = arith.subf %neg3A_1558, %masked_cumsum3A_1550 : vector<16xf32>
    tpu.vector_store_idx %arg13[%gather3A_1545], %neg3A_1559 masked %and3A_1556 {add = true} : memref<16xf32, #tpu.memory_space<vmem>>[vector<16xi32>], vector<16xf32>, vector<16xi1>
    %neg3A_1560 = arith.constant 0.000000e+00 : f32
    %neg3A_1561 = vector.broadcast %neg3A_1560 : f32 to vector<16xf32>
    %neg3A_1562 = arith.subf %neg3A_1561, %masked_cumsum3A_1553 : vector<16xf32>
    tpu.vector_store_idx %arg12[%gather3A_1545], %neg3A_1562 masked %and3A_1556 {add = true} : memref<16xf32, #tpu.memory_space<vmem>>[vector<16xi32>], vector<16xf32>, vector<16xi1>
    %scan3A_1563 = arith.constant 0 : i32
    %scan3A_1564 = arith.constant 4 : i32
    %mul3A_1565 = arith.constant 16 : i32
    %mul3A_1566 = arith.muli %scan3A_1564, %mul3A_1565 : i32
    %add3A_1567 = arith.constant 384 : i32
    %add3A_1568 = arith.addi %add3A_1567, %mul3A_1566 : i32
    %add3A_1569 = vector.broadcast %add3A_1568 : i32 to vector<16xi32>
    %add3A_1570 = arith.addi %iota3A, %add3A_1569 : vector<16xi32>
    %mul3A_1571 = arith.constant 16 : i32
    %mul3A_1572 = arith.muli %scan3A_1564, %mul3A_1571 : i32
    %get3A_1573 = arith.constant 3 : i32
    %get3A_1574 = arith.index_cast %get3A_1573 : i32 to index
    %get3A_1575 = arith.index_cast %mul3A_1572 : i32 to index
    %get3A_1576 = tpu.vector_load %arg10[%get3A_1574, %get3A_1575] {strides = array<i32>} : memref<8x128xf32, #tpu.memory_space<vmem>>, vector<16xf32>,
    %get3A_1577 = arith.constant 3 : i32
    %get3A_1578 = arith.index_cast %get3A_1577 : i32 to index
    %get3A_1579 = arith.index_cast %mul3A_1572 : i32 to index
    %get3A_1580 = tpu.vector_load %arg11[%get3A_1578, %get3A_1579] {strides = array<i32>} : memref<8x128xf32, #tpu.memory_space<vmem>>, vector<16xf32>,
    %get3A_1581 = arith.index_cast %add3A_1568 : i32 to index
    %get3A_1582 = tpu.vector_load %arg9[%get3A_1581] {strides = array<i32>} : memref<1024xi32, #tpu.memory_space<vmem>>, vector<16xi32>,
    %add3A_1583 = arith.constant 1 : i32
    %add3A_1584 = vector.broadcast %add3A_1583 : i32 to vector<16xi32>
    %add3A_1585 = arith.addi %add3A_1570, %add3A_1584 : vector<16xi32>
    %min3A_1586 = arith.constant 1023 : i32
    %min3A_1587 = vector.broadcast %min3A_1586 : i32 to vector<16xi32>
    %min3A_1588 = arith.minsi %add3A_1585, %min3A_1587 : vector<16xi32>
    %gather3A_1589 = tpu.vector_load_idx %arg9[%min3A_1588] : memref<1024xi32, #tpu.memory_space<vmem>>[vector<16xi32>], vector<16xi32>,
    %exp3A_1590 = math.exp %get3A_1576 : vector<16xf32>
    %mul3A_1591 = arith.mulf %exp3A_1590, %get3A_1580 : vector<16xf32>
    %broadcast_in_dim3A_1592 = arith.constant true
    %broadcast_in_dim3A_1593 = vector.broadcast %broadcast_in_dim3A_1592 : i1 to vector<16xi1>
    %masked_cumsum3A_1594 = tpu.scan <sum>, %exp3A_1590 masked %broadcast_in_dim3A_1593 : vector<16xf32>, vector<16xi1> -> vector<16xf32>
    %broadcast_in_dim3A_1595 = arith.constant true
    %broadcast_in_dim3A_1596 = vector.broadcast %broadcast_in_dim3A_1595 : i1 to vector<16xi1>
    %masked_cumsum3A_1597 = tpu.scan <sum>, %mul3A_1591 masked %broadcast_in_dim3A_1596 : vector<16xf32>, vector<16xi1> -> vector<16xf32>
    %ne3A_1598 = arith.cmpi ne, %get3A_1582, %gather3A_1589 : vector<16xi32>
    %or3A_1599 = arith.ori %ne3A_1598, %eq3A_230 : vector<16xi1>
    %and3A_1600 = arith.andi %ne3A_1598, %lt3A_228 : vector<16xi1>
    tpu.vector_store_idx %arg13[%get3A_1582], %masked_cumsum3A_1594 masked %or3A_1599 {add = true} : memref<16xf32, #tpu.memory_space<vmem>>[vector<16xi32>], vector<16xf32>, vector<16xi1>
    tpu.vector_store_idx %arg12[%get3A_1582], %masked_cumsum3A_1597 masked %or3A_1599 {add = true} : memref<16xf32, #tpu.memory_space<vmem>>[vector<16xi32>], vector<16xf32>, vector<16xi1>
    %neg3A_1601 = arith.constant 0.000000e+00 : f32
    %neg3A_1602 = vector.broadcast %neg3A_1601 : f32 to vector<16xf32>
    %neg3A_1603 = arith.subf %neg3A_1602, %masked_cumsum3A_1594 : vector<16xf32>
    tpu.vector_store_idx %arg13[%gather3A_1589], %neg3A_1603 masked %and3A_1600 {add = true} : memref<16xf32, #tpu.memory_space<vmem>>[vector<16xi32>], vector<16xf32>, vector<16xi1>
    %neg3A_1604 = arith.constant 0.000000e+00 : f32
    %neg3A_1605 = vector.broadcast %neg3A_1604 : f32 to vector<16xf32>
    %neg3A_1606 = arith.subf %neg3A_1605, %masked_cumsum3A_1597 : vector<16xf32>
    tpu.vector_store_idx %arg12[%gather3A_1589], %neg3A_1606 masked %and3A_1600 {add = true} : memref<16xf32, #tpu.memory_space<vmem>>[vector<16xi32>], vector<16xf32>, vector<16xi1>
    %scan3A_1607 = arith.constant 0 : i32
    %scan3A_1608 = arith.constant 5 : i32
    %mul3A_1609 = arith.constant 16 : i32
    %mul3A_1610 = arith.muli %scan3A_1608, %mul3A_1609 : i32
    %add3A_1611 = arith.constant 384 : i32
    %add3A_1612 = arith.addi %add3A_1611, %mul3A_1610 : i32
    %add3A_1613 = vector.broadcast %add3A_1612 : i32 to vector<16xi32>
    %add3A_1614 = arith.addi %iota3A, %add3A_1613 : vector<16xi32>
    %mul3A_1615 = arith.constant 16 : i32
    %mul3A_1616 = arith.muli %scan3A_1608, %mul3A_1615 : i32
    %get3A_1617 = arith.constant 3 : i32
    %get3A_1618 = arith.index_cast %get3A_1617 : i32 to index
    %get3A_1619 = arith.index_cast %mul3A_1616 : i32 to index
    %get3A_1620 = tpu.vector_load %arg10[%get3A_1618, %get3A_1619] {strides = array<i32>} : memref<8x128xf32, #tpu.memory_space<vmem>>, vector<16xf32>,
    %get3A_1621 = arith.constant 3 : i32
    %get3A_1622 = arith.index_cast %get3A_1621 : i32 to index
    %get3A_1623 = arith.index_cast %mul3A_1616 : i32 to index
    %get3A_1624 = tpu.vector_load %arg11[%get3A_1622, %get3A_1623] {strides = array<i32>} : memref<8x128xf32, #tpu.memory_space<vmem>>, vector<16xf32>,
    %get3A_1625 = arith.index_cast %add3A_1612 : i32 to index
    %get3A_1626 = tpu.vector_load %arg9[%get3A_1625] {strides = array<i32>} : memref<1024xi32, #tpu.memory_space<vmem>>, vector<16xi32>,
    %add3A_1627 = arith.constant 1 : i32
    %add3A_1628 = vector.broadcast %add3A_1627 : i32 to vector<16xi32>
    %add3A_1629 = arith.addi %add3A_1614, %add3A_1628 : vector<16xi32>
    %min3A_1630 = arith.constant 1023 : i32
    %min3A_1631 = vector.broadcast %min3A_1630 : i32 to vector<16xi32>
    %min3A_1632 = arith.minsi %add3A_1629, %min3A_1631 : vector<16xi32>
    %gather3A_1633 = tpu.vector_load_idx %arg9[%min3A_1632] : memref<1024xi32, #tpu.memory_space<vmem>>[vector<16xi32>], vector<16xi32>,
    %exp3A_1634 = math.exp %get3A_1620 : vector<16xf32>
    %mul3A_1635 = arith.mulf %exp3A_1634, %get3A_1624 : vector<16xf32>
    %broadcast_in_dim3A_1636 = arith.constant true
    %broadcast_in_dim3A_1637 = vector.broadcast %broadcast_in_dim3A_1636 : i1 to vector<16xi1>
    %masked_cumsum3A_1638 = tpu.scan <sum>, %exp3A_1634 masked %broadcast_in_dim3A_1637 : vector<16xf32>, vector<16xi1> -> vector<16xf32>
    %broadcast_in_dim3A_1639 = arith.constant true
    %broadcast_in_dim3A_1640 = vector.broadcast %broadcast_in_dim3A_1639 : i1 to vector<16xi1>
    %masked_cumsum3A_1641 = tpu.scan <sum>, %mul3A_1635 masked %broadcast_in_dim3A_1640 : vector<16xf32>, vector<16xi1> -> vector<16xf32>
    %ne3A_1642 = arith.cmpi ne, %get3A_1626, %gather3A_1633 : vector<16xi32>
    %or3A_1643 = arith.ori %ne3A_1642, %eq3A_230 : vector<16xi1>
    %and3A_1644 = arith.andi %ne3A_1642, %lt3A_228 : vector<16xi1>
    tpu.vector_store_idx %arg13[%get3A_1626], %masked_cumsum3A_1638 masked %or3A_1643 {add = true} : memref<16xf32, #tpu.memory_space<vmem>>[vector<16xi32>], vector<16xf32>, vector<16xi1>
    tpu.vector_store_idx %arg12[%get3A_1626], %masked_cumsum3A_1641 masked %or3A_1643 {add = true} : memref<16xf32, #tpu.memory_space<vmem>>[vector<16xi32>], vector<16xf32>, vector<16xi1>
    %neg3A_1645 = arith.constant 0.000000e+00 : f32
    %neg3A_1646 = vector.broadcast %neg3A_1645 : f32 to vector<16xf32>
    %neg3A_1647 = arith.subf %neg3A_1646, %masked_cumsum3A_1638 : vector<16xf32>
    tpu.vector_store_idx %arg13[%gather3A_1633], %neg3A_1647 masked %and3A_1644 {add = true} : memref<16xf32, #tpu.memory_space<vmem>>[vector<16xi32>], vector<16xf32>, vector<16xi1>
    %neg3A_1648 = arith.constant 0.000000e+00 : f32
    %neg3A_1649 = vector.broadcast %neg3A_1648 : f32 to vector<16xf32>
    %neg3A_1650 = arith.subf %neg3A_1649, %masked_cumsum3A_1641 : vector<16xf32>
    tpu.vector_store_idx %arg12[%gather3A_1633], %neg3A_1650 masked %and3A_1644 {add = true} : memref<16xf32, #tpu.memory_space<vmem>>[vector<16xi32>], vector<16xf32>, vector<16xi1>
    %scan3A_1651 = arith.constant 0 : i32
    %scan3A_1652 = arith.constant 6 : i32
    %mul3A_1653 = arith.constant 16 : i32
    %mul3A_1654 = arith.muli %scan3A_1652, %mul3A_1653 : i32
    %add3A_1655 = arith.constant 384 : i32
    %add3A_1656 = arith.addi %add3A_1655, %mul3A_1654 : i32
    %add3A_1657 = vector.broadcast %add3A_1656 : i32 to vector<16xi32>
    %add3A_1658 = arith.addi %iota3A, %add3A_1657 : vector<16xi32>
    %mul3A_1659 = arith.constant 16 : i32
    %mul3A_1660 = arith.muli %scan3A_1652, %mul3A_1659 : i32
    %get3A_1661 = arith.constant 3 : i32
    %get3A_1662 = arith.index_cast %get3A_1661 : i32 to index
    %get3A_1663 = arith.index_cast %mul3A_1660 : i32 to index
    %get3A_1664 = tpu.vector_load %arg10[%get3A_1662, %get3A_1663] {strides = array<i32>} : memref<8x128xf32, #tpu.memory_space<vmem>>, vector<16xf32>,
    %get3A_1665 = arith.constant 3 : i32
    %get3A_1666 = arith.index_cast %get3A_1665 : i32 to index
    %get3A_1667 = arith.index_cast %mul3A_1660 : i32 to index
    %get3A_1668 = tpu.vector_load %arg11[%get3A_1666, %get3A_1667] {strides = array<i32>} : memref<8x128xf32, #tpu.memory_space<vmem>>, vector<16xf32>,
    %get3A_1669 = arith.index_cast %add3A_1656 : i32 to index
    %get3A_1670 = tpu.vector_load %arg9[%get3A_1669] {strides = array<i32>} : memref<1024xi32, #tpu.memory_space<vmem>>, vector<16xi32>,
    %add3A_1671 = arith.constant 1 : i32
    %add3A_1672 = vector.broadcast %add3A_1671 : i32 to vector<16xi32>
    %add3A_1673 = arith.addi %add3A_1658, %add3A_1672 : vector<16xi32>
    %min3A_1674 = arith.constant 1023 : i32
    %min3A_1675 = vector.broadcast %min3A_1674 : i32 to vector<16xi32>
    %min3A_1676 = arith.minsi %add3A_1673, %min3A_1675 : vector<16xi32>
    %gather3A_1677 = tpu.vector_load_idx %arg9[%min3A_1676] : memref<1024xi32, #tpu.memory_space<vmem>>[vector<16xi32>], vector<16xi32>,
    %exp3A_1678 = math.exp %get3A_1664 : vector<16xf32>
    %mul3A_1679 = arith.mulf %exp3A_1678, %get3A_1668 : vector<16xf32>
    %broadcast_in_dim3A_1680 = arith.constant true
    %broadcast_in_dim3A_1681 = vector.broadcast %broadcast_in_dim3A_1680 : i1 to vector<16xi1>
    %masked_cumsum3A_1682 = tpu.scan <sum>, %exp3A_1678 masked %broadcast_in_dim3A_1681 : vector<16xf32>, vector<16xi1> -> vector<16xf32>
    %broadcast_in_dim3A_1683 = arith.constant true
    %broadcast_in_dim3A_1684 = vector.broadcast %broadcast_in_dim3A_1683 : i1 to vector<16xi1>
    %masked_cumsum3A_1685 = tpu.scan <sum>, %mul3A_1679 masked %broadcast_in_dim3A_1684 : vector<16xf32>, vector<16xi1> -> vector<16xf32>
    %ne3A_1686 = arith.cmpi ne, %get3A_1670, %gather3A_1677 : vector<16xi32>
    %or3A_1687 = arith.ori %ne3A_1686, %eq3A_230 : vector<16xi1>
    %and3A_1688 = arith.andi %ne3A_1686, %lt3A_228 : vector<16xi1>
    tpu.vector_store_idx %arg13[%get3A_1670], %masked_cumsum3A_1682 masked %or3A_1687 {add = true} : memref<16xf32, #tpu.memory_space<vmem>>[vector<16xi32>], vector<16xf32>, vector<16xi1>
    tpu.vector_store_idx %arg12[%get3A_1670], %masked_cumsum3A_1685 masked %or3A_1687 {add = true} : memref<16xf32, #tpu.memory_space<vmem>>[vector<16xi32>], vector<16xf32>, vector<16xi1>
    %neg3A_1689 = arith.constant 0.000000e+00 : f32
    %neg3A_1690 = vector.broadcast %neg3A_1689 : f32 to vector<16xf32>
    %neg3A_1691 = arith.subf %neg3A_1690, %masked_cumsum3A_1682 : vector<16xf32>
    tpu.vector_store_idx %arg13[%gather3A_1677], %neg3A_1691 masked %and3A_1688 {add = true} : memref<16xf32, #tpu.memory_space<vmem>>[vector<16xi32>], vector<16xf32>, vector<16xi1>
    %neg3A_1692 = arith.constant 0.000000e+00 : f32
    %neg3A_1693 = vector.broadcast %neg3A_1692 : f32 to vector<16xf32>
    %neg3A_1694 = arith.subf %neg3A_1693, %masked_cumsum3A_1685 : vector<16xf32>
    tpu.vector_store_idx %arg12[%gather3A_1677], %neg3A_1694 masked %and3A_1688 {add = true} : memref<16xf32, #tpu.memory_space<vmem>>[vector<16xi32>], vector<16xf32>, vector<16xi1>
    %scan3A_1695 = arith.constant 0 : i32
    %scan3A_1696 = arith.constant 7 : i32
    %mul3A_1697 = arith.constant 16 : i32
    %mul3A_1698 = arith.muli %scan3A_1696, %mul3A_1697 : i32
    %add3A_1699 = arith.constant 384 : i32
    %add3A_1700 = arith.addi %add3A_1699, %mul3A_1698 : i32
    %add3A_1701 = vector.broadcast %add3A_1700 : i32 to vector<16xi32>
    %add3A_1702 = arith.addi %iota3A, %add3A_1701 : vector<16xi32>
    %mul3A_1703 = arith.constant 16 : i32
    %mul3A_1704 = arith.muli %scan3A_1696, %mul3A_1703 : i32
    %get3A_1705 = arith.constant 3 : i32
    %get3A_1706 = arith.index_cast %get3A_1705 : i32 to index
    %get3A_1707 = arith.index_cast %mul3A_1704 : i32 to index
    %get3A_1708 = tpu.vector_load %arg10[%get3A_1706, %get3A_1707] {strides = array<i32>} : memref<8x128xf32, #tpu.memory_space<vmem>>, vector<16xf32>,
    %get3A_1709 = arith.constant 3 : i32
    %get3A_1710 = arith.index_cast %get3A_1709 : i32 to index
    %get3A_1711 = arith.index_cast %mul3A_1704 : i32 to index
    %get3A_1712 = tpu.vector_load %arg11[%get3A_1710, %get3A_1711] {strides = array<i32>} : memref<8x128xf32, #tpu.memory_space<vmem>>, vector<16xf32>,
    %get3A_1713 = arith.index_cast %add3A_1700 : i32 to index
    %get3A_1714 = tpu.vector_load %arg9[%get3A_1713] {strides = array<i32>} : memref<1024xi32, #tpu.memory_space<vmem>>, vector<16xi32>,
    %add3A_1715 = arith.constant 1 : i32
    %add3A_1716 = vector.broadcast %add3A_1715 : i32 to vector<16xi32>
    %add3A_1717 = arith.addi %add3A_1702, %add3A_1716 : vector<16xi32>
    %min3A_1718 = arith.constant 1023 : i32
    %min3A_1719 = vector.broadcast %min3A_1718 : i32 to vector<16xi32>
    %min3A_1720 = arith.minsi %add3A_1717, %min3A_1719 : vector<16xi32>
    %gather3A_1721 = tpu.vector_load_idx %arg9[%min3A_1720] : memref<1024xi32, #tpu.memory_space<vmem>>[vector<16xi32>], vector<16xi32>,
    %exp3A_1722 = math.exp %get3A_1708 : vector<16xf32>
    %mul3A_1723 = arith.mulf %exp3A_1722, %get3A_1712 : vector<16xf32>
    %broadcast_in_dim3A_1724 = arith.constant true
    %broadcast_in_dim3A_1725 = vector.broadcast %broadcast_in_dim3A_1724 : i1 to vector<16xi1>
    %masked_cumsum3A_1726 = tpu.scan <sum>, %exp3A_1722 masked %broadcast_in_dim3A_1725 : vector<16xf32>, vector<16xi1> -> vector<16xf32>
    %broadcast_in_dim3A_1727 = arith.constant true
    %broadcast_in_dim3A_1728 = vector.broadcast %broadcast_in_dim3A_1727 : i1 to vector<16xi1>
    %masked_cumsum3A_1729 = tpu.scan <sum>, %mul3A_1723 masked %broadcast_in_dim3A_1728 : vector<16xf32>, vector<16xi1> -> vector<16xf32>
    %ne3A_1730 = arith.cmpi ne, %get3A_1714, %gather3A_1721 : vector<16xi32>
    %or3A_1731 = arith.ori %ne3A_1730, %eq3A_230 : vector<16xi1>
    %and3A_1732 = arith.andi %ne3A_1730, %lt3A_228 : vector<16xi1>
    tpu.vector_store_idx %arg13[%get3A_1714], %masked_cumsum3A_1726 masked %or3A_1731 {add = true} : memref<16xf32, #tpu.memory_space<vmem>>[vector<16xi32>], vector<16xf32>, vector<16xi1>
    tpu.vector_store_idx %arg12[%get3A_1714], %masked_cumsum3A_1729 masked %or3A_1731 {add = true} : memref<16xf32, #tpu.memory_space<vmem>>[vector<16xi32>], vector<16xf32>, vector<16xi1>
    %neg3A_1733 = arith.constant 0.000000e+00 : f32
    %neg3A_1734 = vector.broadcast %neg3A_1733 : f32 to vector<16xf32>
    %neg3A_1735 = arith.subf %neg3A_1734, %masked_cumsum3A_1726 : vector<16xf32>
    tpu.vector_store_idx %arg13[%gather3A_1721], %neg3A_1735 masked %and3A_1732 {add = true} : memref<16xf32, #tpu.memory_space<vmem>>[vector<16xi32>], vector<16xf32>, vector<16xi1>
    %neg3A_1736 = arith.constant 0.000000e+00 : f32
    %neg3A_1737 = vector.broadcast %neg3A_1736 : f32 to vector<16xf32>
    %neg3A_1738 = arith.subf %neg3A_1737, %masked_cumsum3A_1729 : vector<16xf32>
    tpu.vector_store_idx %arg12[%gather3A_1721], %neg3A_1738 masked %and3A_1732 {add = true} : memref<16xf32, #tpu.memory_space<vmem>>[vector<16xi32>], vector<16xf32>, vector<16xi1>
    %scan3A_1739 = arith.constant 0 : i32
    %scan3A_1740 = arith.constant 8 : i32
    %dma_wait3A_1741 = arith.constant 9 : i32
    %dma_wait3A_1742 = arith.constant 4 : i32
    %dma_wait3A_1743 = arith.constant 4 : i32
    %dma_wait3A_1744 = arith.constant 0 : i32
    %dma_wait3A_1745 = tpu.memref_slice %arg10[%dma_wait3A_1742, %dma_wait3A_1744] : memref<8x128xf32, #tpu.memory_space<vmem>> -> memref<1x128xf32, #tpu.memory_space<vmem>>
    %dma_wait3A_1746 = tpu.memref_squeeze %dma_wait3A_1745 : memref<1x128xf32, #tpu.memory_space<vmem>> -> memref<128xf32, #tpu.memory_space<vmem>>
    %dma_wait3A_1747 = arith.constant 0 : i32
    %dma_wait3A_1748 = tpu.memref_slice %arg8[%dma_wait3A_1741, %dma_wait3A_1747] : memref<16x128xi32, #tpu.memory_space<vmem>> -> memref<1x128xi32, #tpu.memory_space<vmem>>
    %dma_wait3A_1749 = tpu.memref_squeeze %dma_wait3A_1748 : memref<1x128xi32, #tpu.memory_space<vmem>> -> memref<128xi32, #tpu.memory_space<vmem>>
    %dma_wait3A_1750 = arith.constant 0 : i32
    %dma_wait3A_1751 = tpu.memref_slice %arg14[%dma_wait3A_1750] : memref<100000xf32, #tpu.memory_space<vmem_shared>> -> memref<100000xf32, #tpu.memory_space<vmem_shared>>
    %dma_wait3A_1752 = tpu.memref_slice %arg18[%dma_wait3A_1743] : memref<8x!tpu.dma_semaphore, #tpu.memory_space<semaphore_mem>> -> memref<1x!tpu.dma_semaphore, #tpu.memory_space<semaphore_mem>>
    %dma_wait3A_1753 = tpu.memref_squeeze %dma_wait3A_1752 : memref<1x!tpu.dma_semaphore, #tpu.memory_space<semaphore_mem>> -> memref<!tpu.dma_semaphore, #tpu.memory_space<semaphore_mem>>
    tpu.wait_indirect_dma semaphore(%dma_wait3A_1753 : memref<!tpu.dma_semaphore, #tpu.memory_space<semaphore_mem>>) src(%dma_wait3A_1751 : memref<100000xf32, #tpu.memory_space<vmem_shared>>) dst(%dma_wait3A_1746 : memref<128xf32, #tpu.memory_space<vmem>>)
    %dma_wait3A_1754 = arith.constant 8 : i32
    %dma_wait3A_1755 = arith.constant 4 : i32
    %dma_wait3A_1756 = arith.constant 4 : i32
    %dma_wait3A_1757 = arith.constant 0 : i32
    %dma_wait3A_1758 = tpu.memref_slice %arg11[%dma_wait3A_1755, %dma_wait3A_1757] : memref<8x128xf32, #tpu.memory_space<vmem>> -> memref<1x128xf32, #tpu.memory_space<vmem>>
    %dma_wait3A_1759 = tpu.memref_squeeze %dma_wait3A_1758 : memref<1x128xf32, #tpu.memory_space<vmem>> -> memref<128xf32, #tpu.memory_space<vmem>>
    %dma_wait3A_1760 = arith.constant 0 : i32
    %dma_wait3A_1761 = tpu.memref_slice %arg8[%dma_wait3A_1754, %dma_wait3A_1760] : memref<16x128xi32, #tpu.memory_space<vmem>> -> memref<1x128xi32, #tpu.memory_space<vmem>>
    %dma_wait3A_1762 = tpu.memref_squeeze %dma_wait3A_1761 : memref<1x128xi32, #tpu.memory_space<vmem>> -> memref<128xi32, #tpu.memory_space<vmem>>
    %dma_wait3A_1763 = arith.constant 0 : i32
    %dma_wait3A_1764 = tpu.memref_slice %arg15[%dma_wait3A_1763] : memref<100000xf32, #tpu.memory_space<vmem_shared>> -> memref<100000xf32, #tpu.memory_space<vmem_shared>>
    %dma_wait3A_1765 = tpu.memref_slice %arg18[%dma_wait3A_1756] : memref<8x!tpu.dma_semaphore, #tpu.memory_space<semaphore_mem>> -> memref<1x!tpu.dma_semaphore, #tpu.memory_space<semaphore_mem>>
    %dma_wait3A_1766 = tpu.memref_squeeze %dma_wait3A_1765 : memref<1x!tpu.dma_semaphore, #tpu.memory_space<semaphore_mem>> -> memref<!tpu.dma_semaphore, #tpu.memory_space<semaphore_mem>>
    tpu.wait_indirect_dma semaphore(%dma_wait3A_1766 : memref<!tpu.dma_semaphore, #tpu.memory_space<semaphore_mem>>) src(%dma_wait3A_1764 : memref<100000xf32, #tpu.memory_space<vmem_shared>>) dst(%dma_wait3A_1759 : memref<128xf32, #tpu.memory_space<vmem>>)
    %scan3A_1767 = arith.constant 0 : i32
    %scan3A_1768 = arith.constant 0 : i32
    %mul3A_1769 = arith.constant 16 : i32
    %mul3A_1770 = arith.muli %scan3A_1768, %mul3A_1769 : i32
    %add3A_1771 = arith.constant 512 : i32
    %add3A_1772 = arith.addi %add3A_1771, %mul3A_1770 : i32
    %add3A_1773 = vector.broadcast %add3A_1772 : i32 to vector<16xi32>
    %add3A_1774 = arith.addi %iota3A, %add3A_1773 : vector<16xi32>
    %mul3A_1775 = arith.constant 16 : i32
    %mul3A_1776 = arith.muli %scan3A_1768, %mul3A_1775 : i32
    %get3A_1777 = arith.constant 4 : i32
    %get3A_1778 = arith.index_cast %get3A_1777 : i32 to index
    %get3A_1779 = arith.index_cast %mul3A_1776 : i32 to index
    %get3A_1780 = tpu.vector_load %arg10[%get3A_1778, %get3A_1779] {strides = array<i32>} : memref<8x128xf32, #tpu.memory_space<vmem>>, vector<16xf32>,
    %get3A_1781 = arith.constant 4 : i32
    %get3A_1782 = arith.index_cast %get3A_1781 : i32 to index
    %get3A_1783 = arith.index_cast %mul3A_1776 : i32 to index
    %get3A_1784 = tpu.vector_load %arg11[%get3A_1782, %get3A_1783] {strides = array<i32>} : memref<8x128xf32, #tpu.memory_space<vmem>>, vector<16xf32>,
    %get3A_1785 = arith.index_cast %add3A_1772 : i32 to index
    %get3A_1786 = tpu.vector_load %arg9[%get3A_1785] {strides = array<i32>} : memref<1024xi32, #tpu.memory_space<vmem>>, vector<16xi32>,
    %add3A_1787 = arith.constant 1 : i32
    %add3A_1788 = vector.broadcast %add3A_1787 : i32 to vector<16xi32>
    %add3A_1789 = arith.addi %add3A_1774, %add3A_1788 : vector<16xi32>
    %min3A_1790 = arith.constant 1023 : i32
    %min3A_1791 = vector.broadcast %min3A_1790 : i32 to vector<16xi32>
    %min3A_1792 = arith.minsi %add3A_1789, %min3A_1791 : vector<16xi32>
    %gather3A_1793 = tpu.vector_load_idx %arg9[%min3A_1792] : memref<1024xi32, #tpu.memory_space<vmem>>[vector<16xi32>], vector<16xi32>,
    %exp3A_1794 = math.exp %get3A_1780 : vector<16xf32>
    %mul3A_1795 = arith.mulf %exp3A_1794, %get3A_1784 : vector<16xf32>
    %broadcast_in_dim3A_1796 = arith.constant true
    %broadcast_in_dim3A_1797 = vector.broadcast %broadcast_in_dim3A_1796 : i1 to vector<16xi1>
    %masked_cumsum3A_1798 = tpu.scan <sum>, %exp3A_1794 masked %broadcast_in_dim3A_1797 : vector<16xf32>, vector<16xi1> -> vector<16xf32>
    %broadcast_in_dim3A_1799 = arith.constant true
    %broadcast_in_dim3A_1800 = vector.broadcast %broadcast_in_dim3A_1799 : i1 to vector<16xi1>
    %masked_cumsum3A_1801 = tpu.scan <sum>, %mul3A_1795 masked %broadcast_in_dim3A_1800 : vector<16xf32>, vector<16xi1> -> vector<16xf32>
    %ne3A_1802 = arith.cmpi ne, %get3A_1786, %gather3A_1793 : vector<16xi32>
    %or3A_1803 = arith.ori %ne3A_1802, %eq3A_230 : vector<16xi1>
    %and3A_1804 = arith.andi %ne3A_1802, %lt3A_228 : vector<16xi1>
    tpu.vector_store_idx %arg13[%get3A_1786], %masked_cumsum3A_1798 masked %or3A_1803 {add = true} : memref<16xf32, #tpu.memory_space<vmem>>[vector<16xi32>], vector<16xf32>, vector<16xi1>
    tpu.vector_store_idx %arg12[%get3A_1786], %masked_cumsum3A_1801 masked %or3A_1803 {add = true} : memref<16xf32, #tpu.memory_space<vmem>>[vector<16xi32>], vector<16xf32>, vector<16xi1>
    %neg3A_1805 = arith.constant 0.000000e+00 : f32
    %neg3A_1806 = vector.broadcast %neg3A_1805 : f32 to vector<16xf32>
    %neg3A_1807 = arith.subf %neg3A_1806, %masked_cumsum3A_1798 : vector<16xf32>
    tpu.vector_store_idx %arg13[%gather3A_1793], %neg3A_1807 masked %and3A_1804 {add = true} : memref<16xf32, #tpu.memory_space<vmem>>[vector<16xi32>], vector<16xf32>, vector<16xi1>
    %neg3A_1808 = arith.constant 0.000000e+00 : f32
    %neg3A_1809 = vector.broadcast %neg3A_1808 : f32 to vector<16xf32>
    %neg3A_1810 = arith.subf %neg3A_1809, %masked_cumsum3A_1801 : vector<16xf32>
    tpu.vector_store_idx %arg12[%gather3A_1793], %neg3A_1810 masked %and3A_1804 {add = true} : memref<16xf32, #tpu.memory_space<vmem>>[vector<16xi32>], vector<16xf32>, vector<16xi1>
    %scan3A_1811 = arith.constant 0 : i32
    %scan3A_1812 = arith.constant 1 : i32
    %mul3A_1813 = arith.constant 16 : i32
    %mul3A_1814 = arith.muli %scan3A_1812, %mul3A_1813 : i32
    %add3A_1815 = arith.constant 512 : i32
    %add3A_1816 = arith.addi %add3A_1815, %mul3A_1814 : i32
    %add3A_1817 = vector.broadcast %add3A_1816 : i32 to vector<16xi32>
    %add3A_1818 = arith.addi %iota3A, %add3A_1817 : vector<16xi32>
    %mul3A_1819 = arith.constant 16 : i32
    %mul3A_1820 = arith.muli %scan3A_1812, %mul3A_1819 : i32
    %get3A_1821 = arith.constant 4 : i32
    %get3A_1822 = arith.index_cast %get3A_1821 : i32 to index
    %get3A_1823 = arith.index_cast %mul3A_1820 : i32 to index
    %get3A_1824 = tpu.vector_load %arg10[%get3A_1822, %get3A_1823] {strides = array<i32>} : memref<8x128xf32, #tpu.memory_space<vmem>>, vector<16xf32>,
    %get3A_1825 = arith.constant 4 : i32
    %get3A_1826 = arith.index_cast %get3A_1825 : i32 to index
    %get3A_1827 = arith.index_cast %mul3A_1820 : i32 to index
    %get3A_1828 = tpu.vector_load %arg11[%get3A_1826, %get3A_1827] {strides = array<i32>} : memref<8x128xf32, #tpu.memory_space<vmem>>, vector<16xf32>,
    %get3A_1829 = arith.index_cast %add3A_1816 : i32 to index
    %get3A_1830 = tpu.vector_load %arg9[%get3A_1829] {strides = array<i32>} : memref<1024xi32, #tpu.memory_space<vmem>>, vector<16xi32>,
    %add3A_1831 = arith.constant 1 : i32
    %add3A_1832 = vector.broadcast %add3A_1831 : i32 to vector<16xi32>
    %add3A_1833 = arith.addi %add3A_1818, %add3A_1832 : vector<16xi32>
    %min3A_1834 = arith.constant 1023 : i32
    %min3A_1835 = vector.broadcast %min3A_1834 : i32 to vector<16xi32>
    %min3A_1836 = arith.minsi %add3A_1833, %min3A_1835 : vector<16xi32>
    %gather3A_1837 = tpu.vector_load_idx %arg9[%min3A_1836] : memref<1024xi32, #tpu.memory_space<vmem>>[vector<16xi32>], vector<16xi32>,
    %exp3A_1838 = math.exp %get3A_1824 : vector<16xf32>
    %mul3A_1839 = arith.mulf %exp3A_1838, %get3A_1828 : vector<16xf32>
    %broadcast_in_dim3A_1840 = arith.constant true
    %broadcast_in_dim3A_1841 = vector.broadcast %broadcast_in_dim3A_1840 : i1 to vector<16xi1>
    %masked_cumsum3A_1842 = tpu.scan <sum>, %exp3A_1838 masked %broadcast_in_dim3A_1841 : vector<16xf32>, vector<16xi1> -> vector<16xf32>
    %broadcast_in_dim3A_1843 = arith.constant true
    %broadcast_in_dim3A_1844 = vector.broadcast %broadcast_in_dim3A_1843 : i1 to vector<16xi1>
    %masked_cumsum3A_1845 = tpu.scan <sum>, %mul3A_1839 masked %broadcast_in_dim3A_1844 : vector<16xf32>, vector<16xi1> -> vector<16xf32>
    %ne3A_1846 = arith.cmpi ne, %get3A_1830, %gather3A_1837 : vector<16xi32>
    %or3A_1847 = arith.ori %ne3A_1846, %eq3A_230 : vector<16xi1>
    %and3A_1848 = arith.andi %ne3A_1846, %lt3A_228 : vector<16xi1>
    tpu.vector_store_idx %arg13[%get3A_1830], %masked_cumsum3A_1842 masked %or3A_1847 {add = true} : memref<16xf32, #tpu.memory_space<vmem>>[vector<16xi32>], vector<16xf32>, vector<16xi1>
    tpu.vector_store_idx %arg12[%get3A_1830], %masked_cumsum3A_1845 masked %or3A_1847 {add = true} : memref<16xf32, #tpu.memory_space<vmem>>[vector<16xi32>], vector<16xf32>, vector<16xi1>
    %neg3A_1849 = arith.constant 0.000000e+00 : f32
    %neg3A_1850 = vector.broadcast %neg3A_1849 : f32 to vector<16xf32>
    %neg3A_1851 = arith.subf %neg3A_1850, %masked_cumsum3A_1842 : vector<16xf32>
    tpu.vector_store_idx %arg13[%gather3A_1837], %neg3A_1851 masked %and3A_1848 {add = true} : memref<16xf32, #tpu.memory_space<vmem>>[vector<16xi32>], vector<16xf32>, vector<16xi1>
    %neg3A_1852 = arith.constant 0.000000e+00 : f32
    %neg3A_1853 = vector.broadcast %neg3A_1852 : f32 to vector<16xf32>
    %neg3A_1854 = arith.subf %neg3A_1853, %masked_cumsum3A_1845 : vector<16xf32>
    tpu.vector_store_idx %arg12[%gather3A_1837], %neg3A_1854 masked %and3A_1848 {add = true} : memref<16xf32, #tpu.memory_space<vmem>>[vector<16xi32>], vector<16xf32>, vector<16xi1>
    %scan3A_1855 = arith.constant 0 : i32
    %scan3A_1856 = arith.constant 2 : i32
    %mul3A_1857 = arith.constant 16 : i32
    %mul3A_1858 = arith.muli %scan3A_1856, %mul3A_1857 : i32
    %add3A_1859 = arith.constant 512 : i32
    %add3A_1860 = arith.addi %add3A_1859, %mul3A_1858 : i32
    %add3A_1861 = vector.broadcast %add3A_1860 : i32 to vector<16xi32>
    %add3A_1862 = arith.addi %iota3A, %add3A_1861 : vector<16xi32>
    %mul3A_1863 = arith.constant 16 : i32
    %mul3A_1864 = arith.muli %scan3A_1856, %mul3A_1863 : i32
    %get3A_1865 = arith.constant 4 : i32
    %get3A_1866 = arith.index_cast %get3A_1865 : i32 to index
    %get3A_1867 = arith.index_cast %mul3A_1864 : i32 to index
    %get3A_1868 = tpu.vector_load %arg10[%get3A_1866, %get3A_1867] {strides = array<i32>} : memref<8x128xf32, #tpu.memory_space<vmem>>, vector<16xf32>,
    %get3A_1869 = arith.constant 4 : i32
    %get3A_1870 = arith.index_cast %get3A_1869 : i32 to index
    %get3A_1871 = arith.index_cast %mul3A_1864 : i32 to index
    %get3A_1872 = tpu.vector_load %arg11[%get3A_1870, %get3A_1871] {strides = array<i32>} : memref<8x128xf32, #tpu.memory_space<vmem>>, vector<16xf32>,
    %get3A_1873 = arith.index_cast %add3A_1860 : i32 to index
    %get3A_1874 = tpu.vector_load %arg9[%get3A_1873] {strides = array<i32>} : memref<1024xi32, #tpu.memory_space<vmem>>, vector<16xi32>,
    %add3A_1875 = arith.constant 1 : i32
    %add3A_1876 = vector.broadcast %add3A_1875 : i32 to vector<16xi32>
    %add3A_1877 = arith.addi %add3A_1862, %add3A_1876 : vector<16xi32>
    %min3A_1878 = arith.constant 1023 : i32
    %min3A_1879 = vector.broadcast %min3A_1878 : i32 to vector<16xi32>
    %min3A_1880 = arith.minsi %add3A_1877, %min3A_1879 : vector<16xi32>
    %gather3A_1881 = tpu.vector_load_idx %arg9[%min3A_1880] : memref<1024xi32, #tpu.memory_space<vmem>>[vector<16xi32>], vector<16xi32>,
    %exp3A_1882 = math.exp %get3A_1868 : vector<16xf32>
    %mul3A_1883 = arith.mulf %exp3A_1882, %get3A_1872 : vector<16xf32>
    %broadcast_in_dim3A_1884 = arith.constant true
    %broadcast_in_dim3A_1885 = vector.broadcast %broadcast_in_dim3A_1884 : i1 to vector<16xi1>
    %masked_cumsum3A_1886 = tpu.scan <sum>, %exp3A_1882 masked %broadcast_in_dim3A_1885 : vector<16xf32>, vector<16xi1> -> vector<16xf32>
    %broadcast_in_dim3A_1887 = arith.constant true
    %broadcast_in_dim3A_1888 = vector.broadcast %broadcast_in_dim3A_1887 : i1 to vector<16xi1>
    %masked_cumsum3A_1889 = tpu.scan <sum>, %mul3A_1883 masked %broadcast_in_dim3A_1888 : vector<16xf32>, vector<16xi1> -> vector<16xf32>
    %ne3A_1890 = arith.cmpi ne, %get3A_1874, %gather3A_1881 : vector<16xi32>
    %or3A_1891 = arith.ori %ne3A_1890, %eq3A_230 : vector<16xi1>
    %and3A_1892 = arith.andi %ne3A_1890, %lt3A_228 : vector<16xi1>
    tpu.vector_store_idx %arg13[%get3A_1874], %masked_cumsum3A_1886 masked %or3A_1891 {add = true} : memref<16xf32, #tpu.memory_space<vmem>>[vector<16xi32>], vector<16xf32>, vector<16xi1>
    tpu.vector_store_idx %arg12[%get3A_1874], %masked_cumsum3A_1889 masked %or3A_1891 {add = true} : memref<16xf32, #tpu.memory_space<vmem>>[vector<16xi32>], vector<16xf32>, vector<16xi1>
    %neg3A_1893 = arith.constant 0.000000e+00 : f32
    %neg3A_1894 = vector.broadcast %neg3A_1893 : f32 to vector<16xf32>
    %neg3A_1895 = arith.subf %neg3A_1894, %masked_cumsum3A_1886 : vector<16xf32>
    tpu.vector_store_idx %arg13[%gather3A_1881], %neg3A_1895 masked %and3A_1892 {add = true} : memref<16xf32, #tpu.memory_space<vmem>>[vector<16xi32>], vector<16xf32>, vector<16xi1>
    %neg3A_1896 = arith.constant 0.000000e+00 : f32
    %neg3A_1897 = vector.broadcast %neg3A_1896 : f32 to vector<16xf32>
    %neg3A_1898 = arith.subf %neg3A_1897, %masked_cumsum3A_1889 : vector<16xf32>
    tpu.vector_store_idx %arg12[%gather3A_1881], %neg3A_1898 masked %and3A_1892 {add = true} : memref<16xf32, #tpu.memory_space<vmem>>[vector<16xi32>], vector<16xf32>, vector<16xi1>
    %scan3A_1899 = arith.constant 0 : i32
    %scan3A_1900 = arith.constant 3 : i32
    %mul3A_1901 = arith.constant 16 : i32
    %mul3A_1902 = arith.muli %scan3A_1900, %mul3A_1901 : i32
    %add3A_1903 = arith.constant 512 : i32
    %add3A_1904 = arith.addi %add3A_1903, %mul3A_1902 : i32
    %add3A_1905 = vector.broadcast %add3A_1904 : i32 to vector<16xi32>
    %add3A_1906 = arith.addi %iota3A, %add3A_1905 : vector<16xi32>
    %mul3A_1907 = arith.constant 16 : i32
    %mul3A_1908 = arith.muli %scan3A_1900, %mul3A_1907 : i32
    %get3A_1909 = arith.constant 4 : i32
    %get3A_1910 = arith.index_cast %get3A_1909 : i32 to index
    %get3A_1911 = arith.index_cast %mul3A_1908 : i32 to index
    %get3A_1912 = tpu.vector_load %arg10[%get3A_1910, %get3A_1911] {strides = array<i32>} : memref<8x128xf32, #tpu.memory_space<vmem>>, vector<16xf32>,
    %get3A_1913 = arith.constant 4 : i32
    %get3A_1914 = arith.index_cast %get3A_1913 : i32 to index
    %get3A_1915 = arith.index_cast %mul3A_1908 : i32 to index
    %get3A_1916 = tpu.vector_load %arg11[%get3A_1914, %get3A_1915] {strides = array<i32>} : memref<8x128xf32, #tpu.memory_space<vmem>>, vector<16xf32>,
    %get3A_1917 = arith.index_cast %add3A_1904 : i32 to index
    %get3A_1918 = tpu.vector_load %arg9[%get3A_1917] {strides = array<i32>} : memref<1024xi32, #tpu.memory_space<vmem>>, vector<16xi32>,
    %add3A_1919 = arith.constant 1 : i32
    %add3A_1920 = vector.broadcast %add3A_1919 : i32 to vector<16xi32>
    %add3A_1921 = arith.addi %add3A_1906, %add3A_1920 : vector<16xi32>
    %min3A_1922 = arith.constant 1023 : i32
    %min3A_1923 = vector.broadcast %min3A_1922 : i32 to vector<16xi32>
    %min3A_1924 = arith.minsi %add3A_1921, %min3A_1923 : vector<16xi32>
    %gather3A_1925 = tpu.vector_load_idx %arg9[%min3A_1924] : memref<1024xi32, #tpu.memory_space<vmem>>[vector<16xi32>], vector<16xi32>,
    %exp3A_1926 = math.exp %get3A_1912 : vector<16xf32>
    %mul3A_1927 = arith.mulf %exp3A_1926, %get3A_1916 : vector<16xf32>
    %broadcast_in_dim3A_1928 = arith.constant true
    %broadcast_in_dim3A_1929 = vector.broadcast %broadcast_in_dim3A_1928 : i1 to vector<16xi1>
    %masked_cumsum3A_1930 = tpu.scan <sum>, %exp3A_1926 masked %broadcast_in_dim3A_1929 : vector<16xf32>, vector<16xi1> -> vector<16xf32>
    %broadcast_in_dim3A_1931 = arith.constant true
    %broadcast_in_dim3A_1932 = vector.broadcast %broadcast_in_dim3A_1931 : i1 to vector<16xi1>
    %masked_cumsum3A_1933 = tpu.scan <sum>, %mul3A_1927 masked %broadcast_in_dim3A_1932 : vector<16xf32>, vector<16xi1> -> vector<16xf32>
    %ne3A_1934 = arith.cmpi ne, %get3A_1918, %gather3A_1925 : vector<16xi32>
    %or3A_1935 = arith.ori %ne3A_1934, %eq3A_230 : vector<16xi1>
    %and3A_1936 = arith.andi %ne3A_1934, %lt3A_228 : vector<16xi1>
    tpu.vector_store_idx %arg13[%get3A_1918], %masked_cumsum3A_1930 masked %or3A_1935 {add = true} : memref<16xf32, #tpu.memory_space<vmem>>[vector<16xi32>], vector<16xf32>, vector<16xi1>
    tpu.vector_store_idx %arg12[%get3A_1918], %masked_cumsum3A_1933 masked %or3A_1935 {add = true} : memref<16xf32, #tpu.memory_space<vmem>>[vector<16xi32>], vector<16xf32>, vector<16xi1>
    %neg3A_1937 = arith.constant 0.000000e+00 : f32
    %neg3A_1938 = vector.broadcast %neg3A_1937 : f32 to vector<16xf32>
    %neg3A_1939 = arith.subf %neg3A_1938, %masked_cumsum3A_1930 : vector<16xf32>
    tpu.vector_store_idx %arg13[%gather3A_1925], %neg3A_1939 masked %and3A_1936 {add = true} : memref<16xf32, #tpu.memory_space<vmem>>[vector<16xi32>], vector<16xf32>, vector<16xi1>
    %neg3A_1940 = arith.constant 0.000000e+00 : f32
    %neg3A_1941 = vector.broadcast %neg3A_1940 : f32 to vector<16xf32>
    %neg3A_1942 = arith.subf %neg3A_1941, %masked_cumsum3A_1933 : vector<16xf32>
    tpu.vector_store_idx %arg12[%gather3A_1925], %neg3A_1942 masked %and3A_1936 {add = true} : memref<16xf32, #tpu.memory_space<vmem>>[vector<16xi32>], vector<16xf32>, vector<16xi1>
    %scan3A_1943 = arith.constant 0 : i32
    %scan3A_1944 = arith.constant 4 : i32
    %mul3A_1945 = arith.constant 16 : i32
    %mul3A_1946 = arith.muli %scan3A_1944, %mul3A_1945 : i32
    %add3A_1947 = arith.constant 512 : i32
    %add3A_1948 = arith.addi %add3A_1947, %mul3A_1946 : i32
    %add3A_1949 = vector.broadcast %add3A_1948 : i32 to vector<16xi32>
    %add3A_1950 = arith.addi %iota3A, %add3A_1949 : vector<16xi32>
    %mul3A_1951 = arith.constant 16 : i32
    %mul3A_1952 = arith.muli %scan3A_1944, %mul3A_1951 : i32
    %get3A_1953 = arith.constant 4 : i32
    %get3A_1954 = arith.index_cast %get3A_1953 : i32 to index
    %get3A_1955 = arith.index_cast %mul3A_1952 : i32 to index
    %get3A_1956 = tpu.vector_load %arg10[%get3A_1954, %get3A_1955] {strides = array<i32>} : memref<8x128xf32, #tpu.memory_space<vmem>>, vector<16xf32>,
    %get3A_1957 = arith.constant 4 : i32
    %get3A_1958 = arith.index_cast %get3A_1957 : i32 to index
    %get3A_1959 = arith.index_cast %mul3A_1952 : i32 to index
    %get3A_1960 = tpu.vector_load %arg11[%get3A_1958, %get3A_1959] {strides = array<i32>} : memref<8x128xf32, #tpu.memory_space<vmem>>, vector<16xf32>,
    %get3A_1961 = arith.index_cast %add3A_1948 : i32 to index
    %get3A_1962 = tpu.vector_load %arg9[%get3A_1961] {strides = array<i32>} : memref<1024xi32, #tpu.memory_space<vmem>>, vector<16xi32>,
    %add3A_1963 = arith.constant 1 : i32
    %add3A_1964 = vector.broadcast %add3A_1963 : i32 to vector<16xi32>
    %add3A_1965 = arith.addi %add3A_1950, %add3A_1964 : vector<16xi32>
    %min3A_1966 = arith.constant 1023 : i32
    %min3A_1967 = vector.broadcast %min3A_1966 : i32 to vector<16xi32>
    %min3A_1968 = arith.minsi %add3A_1965, %min3A_1967 : vector<16xi32>
    %gather3A_1969 = tpu.vector_load_idx %arg9[%min3A_1968] : memref<1024xi32, #tpu.memory_space<vmem>>[vector<16xi32>], vector<16xi32>,
    %exp3A_1970 = math.exp %get3A_1956 : vector<16xf32>
    %mul3A_1971 = arith.mulf %exp3A_1970, %get3A_1960 : vector<16xf32>
    %broadcast_in_dim3A_1972 = arith.constant true
    %broadcast_in_dim3A_1973 = vector.broadcast %broadcast_in_dim3A_1972 : i1 to vector<16xi1>
    %masked_cumsum3A_1974 = tpu.scan <sum>, %exp3A_1970 masked %broadcast_in_dim3A_1973 : vector<16xf32>, vector<16xi1> -> vector<16xf32>
    %broadcast_in_dim3A_1975 = arith.constant true
    %broadcast_in_dim3A_1976 = vector.broadcast %broadcast_in_dim3A_1975 : i1 to vector<16xi1>
    %masked_cumsum3A_1977 = tpu.scan <sum>, %mul3A_1971 masked %broadcast_in_dim3A_1976 : vector<16xf32>, vector<16xi1> -> vector<16xf32>
    %ne3A_1978 = arith.cmpi ne, %get3A_1962, %gather3A_1969 : vector<16xi32>
    %or3A_1979 = arith.ori %ne3A_1978, %eq3A_230 : vector<16xi1>
    %and3A_1980 = arith.andi %ne3A_1978, %lt3A_228 : vector<16xi1>
    tpu.vector_store_idx %arg13[%get3A_1962], %masked_cumsum3A_1974 masked %or3A_1979 {add = true} : memref<16xf32, #tpu.memory_space<vmem>>[vector<16xi32>], vector<16xf32>, vector<16xi1>
    tpu.vector_store_idx %arg12[%get3A_1962], %masked_cumsum3A_1977 masked %or3A_1979 {add = true} : memref<16xf32, #tpu.memory_space<vmem>>[vector<16xi32>], vector<16xf32>, vector<16xi1>
    %neg3A_1981 = arith.constant 0.000000e+00 : f32
    %neg3A_1982 = vector.broadcast %neg3A_1981 : f32 to vector<16xf32>
    %neg3A_1983 = arith.subf %neg3A_1982, %masked_cumsum3A_1974 : vector<16xf32>
    tpu.vector_store_idx %arg13[%gather3A_1969], %neg3A_1983 masked %and3A_1980 {add = true} : memref<16xf32, #tpu.memory_space<vmem>>[vector<16xi32>], vector<16xf32>, vector<16xi1>
    %neg3A_1984 = arith.constant 0.000000e+00 : f32
    %neg3A_1985 = vector.broadcast %neg3A_1984 : f32 to vector<16xf32>
    %neg3A_1986 = arith.subf %neg3A_1985, %masked_cumsum3A_1977 : vector<16xf32>
    tpu.vector_store_idx %arg12[%gather3A_1969], %neg3A_1986 masked %and3A_1980 {add = true} : memref<16xf32, #tpu.memory_space<vmem>>[vector<16xi32>], vector<16xf32>, vector<16xi1>
    %scan3A_1987 = arith.constant 0 : i32
    %scan3A_1988 = arith.constant 5 : i32
    %mul3A_1989 = arith.constant 16 : i32
    %mul3A_1990 = arith.muli %scan3A_1988, %mul3A_1989 : i32
    %add3A_1991 = arith.constant 512 : i32
    %add3A_1992 = arith.addi %add3A_1991, %mul3A_1990 : i32
    %add3A_1993 = vector.broadcast %add3A_1992 : i32 to vector<16xi32>
    %add3A_1994 = arith.addi %iota3A, %add3A_1993 : vector<16xi32>
    %mul3A_1995 = arith.constant 16 : i32
    %mul3A_1996 = arith.muli %scan3A_1988, %mul3A_1995 : i32
    %get3A_1997 = arith.constant 4 : i32
    %get3A_1998 = arith.index_cast %get3A_1997 : i32 to index
    %get3A_1999 = arith.index_cast %mul3A_1996 : i32 to index
    %get3A_2000 = tpu.vector_load %arg10[%get3A_1998, %get3A_1999] {strides = array<i32>} : memref<8x128xf32, #tpu.memory_space<vmem>>, vector<16xf32>,
    %get3A_2001 = arith.constant 4 : i32
    %get3A_2002 = arith.index_cast %get3A_2001 : i32 to index
    %get3A_2003 = arith.index_cast %mul3A_1996 : i32 to index
    %get3A_2004 = tpu.vector_load %arg11[%get3A_2002, %get3A_2003] {strides = array<i32>} : memref<8x128xf32, #tpu.memory_space<vmem>>, vector<16xf32>,
    %get3A_2005 = arith.index_cast %add3A_1992 : i32 to index
    %get3A_2006 = tpu.vector_load %arg9[%get3A_2005] {strides = array<i32>} : memref<1024xi32, #tpu.memory_space<vmem>>, vector<16xi32>,
    %add3A_2007 = arith.constant 1 : i32
    %add3A_2008 = vector.broadcast %add3A_2007 : i32 to vector<16xi32>
    %add3A_2009 = arith.addi %add3A_1994, %add3A_2008 : vector<16xi32>
    %min3A_2010 = arith.constant 1023 : i32
    %min3A_2011 = vector.broadcast %min3A_2010 : i32 to vector<16xi32>
    %min3A_2012 = arith.minsi %add3A_2009, %min3A_2011 : vector<16xi32>
    %gather3A_2013 = tpu.vector_load_idx %arg9[%min3A_2012] : memref<1024xi32, #tpu.memory_space<vmem>>[vector<16xi32>], vector<16xi32>,
    %exp3A_2014 = math.exp %get3A_2000 : vector<16xf32>
    %mul3A_2015 = arith.mulf %exp3A_2014, %get3A_2004 : vector<16xf32>
    %broadcast_in_dim3A_2016 = arith.constant true
    %broadcast_in_dim3A_2017 = vector.broadcast %broadcast_in_dim3A_2016 : i1 to vector<16xi1>
    %masked_cumsum3A_2018 = tpu.scan <sum>, %exp3A_2014 masked %broadcast_in_dim3A_2017 : vector<16xf32>, vector<16xi1> -> vector<16xf32>
    %broadcast_in_dim3A_2019 = arith.constant true
    %broadcast_in_dim3A_2020 = vector.broadcast %broadcast_in_dim3A_2019 : i1 to vector<16xi1>
    %masked_cumsum3A_2021 = tpu.scan <sum>, %mul3A_2015 masked %broadcast_in_dim3A_2020 : vector<16xf32>, vector<16xi1> -> vector<16xf32>
    %ne3A_2022 = arith.cmpi ne, %get3A_2006, %gather3A_2013 : vector<16xi32>
    %or3A_2023 = arith.ori %ne3A_2022, %eq3A_230 : vector<16xi1>
    %and3A_2024 = arith.andi %ne3A_2022, %lt3A_228 : vector<16xi1>
    tpu.vector_store_idx %arg13[%get3A_2006], %masked_cumsum3A_2018 masked %or3A_2023 {add = true} : memref<16xf32, #tpu.memory_space<vmem>>[vector<16xi32>], vector<16xf32>, vector<16xi1>
    tpu.vector_store_idx %arg12[%get3A_2006], %masked_cumsum3A_2021 masked %or3A_2023 {add = true} : memref<16xf32, #tpu.memory_space<vmem>>[vector<16xi32>], vector<16xf32>, vector<16xi1>
    %neg3A_2025 = arith.constant 0.000000e+00 : f32
    %neg3A_2026 = vector.broadcast %neg3A_2025 : f32 to vector<16xf32>
    %neg3A_2027 = arith.subf %neg3A_2026, %masked_cumsum3A_2018 : vector<16xf32>
    tpu.vector_store_idx %arg13[%gather3A_2013], %neg3A_2027 masked %and3A_2024 {add = true} : memref<16xf32, #tpu.memory_space<vmem>>[vector<16xi32>], vector<16xf32>, vector<16xi1>
    %neg3A_2028 = arith.constant 0.000000e+00 : f32
    %neg3A_2029 = vector.broadcast %neg3A_2028 : f32 to vector<16xf32>
    %neg3A_2030 = arith.subf %neg3A_2029, %masked_cumsum3A_2021 : vector<16xf32>
    tpu.vector_store_idx %arg12[%gather3A_2013], %neg3A_2030 masked %and3A_2024 {add = true} : memref<16xf32, #tpu.memory_space<vmem>>[vector<16xi32>], vector<16xf32>, vector<16xi1>
    %scan3A_2031 = arith.constant 0 : i32
    %scan3A_2032 = arith.constant 6 : i32
    %mul3A_2033 = arith.constant 16 : i32
    %mul3A_2034 = arith.muli %scan3A_2032, %mul3A_2033 : i32
    %add3A_2035 = arith.constant 512 : i32
    %add3A_2036 = arith.addi %add3A_2035, %mul3A_2034 : i32
    %add3A_2037 = vector.broadcast %add3A_2036 : i32 to vector<16xi32>
    %add3A_2038 = arith.addi %iota3A, %add3A_2037 : vector<16xi32>
    %mul3A_2039 = arith.constant 16 : i32
    %mul3A_2040 = arith.muli %scan3A_2032, %mul3A_2039 : i32
    %get3A_2041 = arith.constant 4 : i32
    %get3A_2042 = arith.index_cast %get3A_2041 : i32 to index
    %get3A_2043 = arith.index_cast %mul3A_2040 : i32 to index
    %get3A_2044 = tpu.vector_load %arg10[%get3A_2042, %get3A_2043] {strides = array<i32>} : memref<8x128xf32, #tpu.memory_space<vmem>>, vector<16xf32>,
    %get3A_2045 = arith.constant 4 : i32
    %get3A_2046 = arith.index_cast %get3A_2045 : i32 to index
    %get3A_2047 = arith.index_cast %mul3A_2040 : i32 to index
    %get3A_2048 = tpu.vector_load %arg11[%get3A_2046, %get3A_2047] {strides = array<i32>} : memref<8x128xf32, #tpu.memory_space<vmem>>, vector<16xf32>,
    %get3A_2049 = arith.index_cast %add3A_2036 : i32 to index
    %get3A_2050 = tpu.vector_load %arg9[%get3A_2049] {strides = array<i32>} : memref<1024xi32, #tpu.memory_space<vmem>>, vector<16xi32>,
    %add3A_2051 = arith.constant 1 : i32
    %add3A_2052 = vector.broadcast %add3A_2051 : i32 to vector<16xi32>
    %add3A_2053 = arith.addi %add3A_2038, %add3A_2052 : vector<16xi32>
    %min3A_2054 = arith.constant 1023 : i32
    %min3A_2055 = vector.broadcast %min3A_2054 : i32 to vector<16xi32>
    %min3A_2056 = arith.minsi %add3A_2053, %min3A_2055 : vector<16xi32>
    %gather3A_2057 = tpu.vector_load_idx %arg9[%min3A_2056] : memref<1024xi32, #tpu.memory_space<vmem>>[vector<16xi32>], vector<16xi32>,
    %exp3A_2058 = math.exp %get3A_2044 : vector<16xf32>
    %mul3A_2059 = arith.mulf %exp3A_2058, %get3A_2048 : vector<16xf32>
    %broadcast_in_dim3A_2060 = arith.constant true
    %broadcast_in_dim3A_2061 = vector.broadcast %broadcast_in_dim3A_2060 : i1 to vector<16xi1>
    %masked_cumsum3A_2062 = tpu.scan <sum>, %exp3A_2058 masked %broadcast_in_dim3A_2061 : vector<16xf32>, vector<16xi1> -> vector<16xf32>
    %broadcast_in_dim3A_2063 = arith.constant true
    %broadcast_in_dim3A_2064 = vector.broadcast %broadcast_in_dim3A_2063 : i1 to vector<16xi1>
    %masked_cumsum3A_2065 = tpu.scan <sum>, %mul3A_2059 masked %broadcast_in_dim3A_2064 : vector<16xf32>, vector<16xi1> -> vector<16xf32>
    %ne3A_2066 = arith.cmpi ne, %get3A_2050, %gather3A_2057 : vector<16xi32>
    %or3A_2067 = arith.ori %ne3A_2066, %eq3A_230 : vector<16xi1>
    %and3A_2068 = arith.andi %ne3A_2066, %lt3A_228 : vector<16xi1>
    tpu.vector_store_idx %arg13[%get3A_2050], %masked_cumsum3A_2062 masked %or3A_2067 {add = true} : memref<16xf32, #tpu.memory_space<vmem>>[vector<16xi32>], vector<16xf32>, vector<16xi1>
    tpu.vector_store_idx %arg12[%get3A_2050], %masked_cumsum3A_2065 masked %or3A_2067 {add = true} : memref<16xf32, #tpu.memory_space<vmem>>[vector<16xi32>], vector<16xf32>, vector<16xi1>
    %neg3A_2069 = arith.constant 0.000000e+00 : f32
    %neg3A_2070 = vector.broadcast %neg3A_2069 : f32 to vector<16xf32>
    %neg3A_2071 = arith.subf %neg3A_2070, %masked_cumsum3A_2062 : vector<16xf32>
    tpu.vector_store_idx %arg13[%gather3A_2057], %neg3A_2071 masked %and3A_2068 {add = true} : memref<16xf32, #tpu.memory_space<vmem>>[vector<16xi32>], vector<16xf32>, vector<16xi1>
    %neg3A_2072 = arith.constant 0.000000e+00 : f32
    %neg3A_2073 = vector.broadcast %neg3A_2072 : f32 to vector<16xf32>
    %neg3A_2074 = arith.subf %neg3A_2073, %masked_cumsum3A_2065 : vector<16xf32>
    tpu.vector_store_idx %arg12[%gather3A_2057], %neg3A_2074 masked %and3A_2068 {add = true} : memref<16xf32, #tpu.memory_space<vmem>>[vector<16xi32>], vector<16xf32>, vector<16xi1>
    %scan3A_2075 = arith.constant 0 : i32
    %scan3A_2076 = arith.constant 7 : i32
    %mul3A_2077 = arith.constant 16 : i32
    %mul3A_2078 = arith.muli %scan3A_2076, %mul3A_2077 : i32
    %add3A_2079 = arith.constant 512 : i32
    %add3A_2080 = arith.addi %add3A_2079, %mul3A_2078 : i32
    %add3A_2081 = vector.broadcast %add3A_2080 : i32 to vector<16xi32>
    %add3A_2082 = arith.addi %iota3A, %add3A_2081 : vector<16xi32>
    %mul3A_2083 = arith.constant 16 : i32
    %mul3A_2084 = arith.muli %scan3A_2076, %mul3A_2083 : i32
    %get3A_2085 = arith.constant 4 : i32
    %get3A_2086 = arith.index_cast %get3A_2085 : i32 to index
    %get3A_2087 = arith.index_cast %mul3A_2084 : i32 to index
    %get3A_2088 = tpu.vector_load %arg10[%get3A_2086, %get3A_2087] {strides = array<i32>} : memref<8x128xf32, #tpu.memory_space<vmem>>, vector<16xf32>,
    %get3A_2089 = arith.constant 4 : i32
    %get3A_2090 = arith.index_cast %get3A_2089 : i32 to index
    %get3A_2091 = arith.index_cast %mul3A_2084 : i32 to index
    %get3A_2092 = tpu.vector_load %arg11[%get3A_2090, %get3A_2091] {strides = array<i32>} : memref<8x128xf32, #tpu.memory_space<vmem>>, vector<16xf32>,
    %get3A_2093 = arith.index_cast %add3A_2080 : i32 to index
    %get3A_2094 = tpu.vector_load %arg9[%get3A_2093] {strides = array<i32>} : memref<1024xi32, #tpu.memory_space<vmem>>, vector<16xi32>,
    %add3A_2095 = arith.constant 1 : i32
    %add3A_2096 = vector.broadcast %add3A_2095 : i32 to vector<16xi32>
    %add3A_2097 = arith.addi %add3A_2082, %add3A_2096 : vector<16xi32>
    %min3A_2098 = arith.constant 1023 : i32
    %min3A_2099 = vector.broadcast %min3A_2098 : i32 to vector<16xi32>
    %min3A_2100 = arith.minsi %add3A_2097, %min3A_2099 : vector<16xi32>
    %gather3A_2101 = tpu.vector_load_idx %arg9[%min3A_2100] : memref<1024xi32, #tpu.memory_space<vmem>>[vector<16xi32>], vector<16xi32>,
    %exp3A_2102 = math.exp %get3A_2088 : vector<16xf32>
    %mul3A_2103 = arith.mulf %exp3A_2102, %get3A_2092 : vector<16xf32>
    %broadcast_in_dim3A_2104 = arith.constant true
    %broadcast_in_dim3A_2105 = vector.broadcast %broadcast_in_dim3A_2104 : i1 to vector<16xi1>
    %masked_cumsum3A_2106 = tpu.scan <sum>, %exp3A_2102 masked %broadcast_in_dim3A_2105 : vector<16xf32>, vector<16xi1> -> vector<16xf32>
    %broadcast_in_dim3A_2107 = arith.constant true
    %broadcast_in_dim3A_2108 = vector.broadcast %broadcast_in_dim3A_2107 : i1 to vector<16xi1>
    %masked_cumsum3A_2109 = tpu.scan <sum>, %mul3A_2103 masked %broadcast_in_dim3A_2108 : vector<16xf32>, vector<16xi1> -> vector<16xf32>
    %ne3A_2110 = arith.cmpi ne, %get3A_2094, %gather3A_2101 : vector<16xi32>
    %or3A_2111 = arith.ori %ne3A_2110, %eq3A_230 : vector<16xi1>
    %and3A_2112 = arith.andi %ne3A_2110, %lt3A_228 : vector<16xi1>
    tpu.vector_store_idx %arg13[%get3A_2094], %masked_cumsum3A_2106 masked %or3A_2111 {add = true} : memref<16xf32, #tpu.memory_space<vmem>>[vector<16xi32>], vector<16xf32>, vector<16xi1>
    tpu.vector_store_idx %arg12[%get3A_2094], %masked_cumsum3A_2109 masked %or3A_2111 {add = true} : memref<16xf32, #tpu.memory_space<vmem>>[vector<16xi32>], vector<16xf32>, vector<16xi1>
    %neg3A_2113 = arith.constant 0.000000e+00 : f32
    %neg3A_2114 = vector.broadcast %neg3A_2113 : f32 to vector<16xf32>
    %neg3A_2115 = arith.subf %neg3A_2114, %masked_cumsum3A_2106 : vector<16xf32>
    tpu.vector_store_idx %arg13[%gather3A_2101], %neg3A_2115 masked %and3A_2112 {add = true} : memref<16xf32, #tpu.memory_space<vmem>>[vector<16xi32>], vector<16xf32>, vector<16xi1>
    %neg3A_2116 = arith.constant 0.000000e+00 : f32
    %neg3A_2117 = vector.broadcast %neg3A_2116 : f32 to vector<16xf32>
    %neg3A_2118 = arith.subf %neg3A_2117, %masked_cumsum3A_2109 : vector<16xf32>
    tpu.vector_store_idx %arg12[%gather3A_2101], %neg3A_2118 masked %and3A_2112 {add = true} : memref<16xf32, #tpu.memory_space<vmem>>[vector<16xi32>], vector<16xf32>, vector<16xi1>
    %scan3A_2119 = arith.constant 0 : i32
    %scan3A_2120 = arith.constant 8 : i32
    %dma_wait3A_2121 = arith.constant 11 : i32
    %dma_wait3A_2122 = arith.constant 5 : i32
    %dma_wait3A_2123 = arith.constant 5 : i32
    %dma_wait3A_2124 = arith.constant 0 : i32
    %dma_wait3A_2125 = tpu.memref_slice %arg10[%dma_wait3A_2122, %dma_wait3A_2124] : memref<8x128xf32, #tpu.memory_space<vmem>> -> memref<1x128xf32, #tpu.memory_space<vmem>>
    %dma_wait3A_2126 = tpu.memref_squeeze %dma_wait3A_2125 : memref<1x128xf32, #tpu.memory_space<vmem>> -> memref<128xf32, #tpu.memory_space<vmem>>
    %dma_wait3A_2127 = arith.constant 0 : i32
    %dma_wait3A_2128 = tpu.memref_slice %arg8[%dma_wait3A_2121, %dma_wait3A_2127] : memref<16x128xi32, #tpu.memory_space<vmem>> -> memref<1x128xi32, #tpu.memory_space<vmem>>
    %dma_wait3A_2129 = tpu.memref_squeeze %dma_wait3A_2128 : memref<1x128xi32, #tpu.memory_space<vmem>> -> memref<128xi32, #tpu.memory_space<vmem>>
    %dma_wait3A_2130 = arith.constant 0 : i32
    %dma_wait3A_2131 = tpu.memref_slice %arg14[%dma_wait3A_2130] : memref<100000xf32, #tpu.memory_space<vmem_shared>> -> memref<100000xf32, #tpu.memory_space<vmem_shared>>
    %dma_wait3A_2132 = tpu.memref_slice %arg18[%dma_wait3A_2123] : memref<8x!tpu.dma_semaphore, #tpu.memory_space<semaphore_mem>> -> memref<1x!tpu.dma_semaphore, #tpu.memory_space<semaphore_mem>>
    %dma_wait3A_2133 = tpu.memref_squeeze %dma_wait3A_2132 : memref<1x!tpu.dma_semaphore, #tpu.memory_space<semaphore_mem>> -> memref<!tpu.dma_semaphore, #tpu.memory_space<semaphore_mem>>
    tpu.wait_indirect_dma semaphore(%dma_wait3A_2133 : memref<!tpu.dma_semaphore, #tpu.memory_space<semaphore_mem>>) src(%dma_wait3A_2131 : memref<100000xf32, #tpu.memory_space<vmem_shared>>) dst(%dma_wait3A_2126 : memref<128xf32, #tpu.memory_space<vmem>>)
    %dma_wait3A_2134 = arith.constant 10 : i32
    %dma_wait3A_2135 = arith.constant 5 : i32
    %dma_wait3A_2136 = arith.constant 5 : i32
    %dma_wait3A_2137 = arith.constant 0 : i32
    %dma_wait3A_2138 = tpu.memref_slice %arg11[%dma_wait3A_2135, %dma_wait3A_2137] : memref<8x128xf32, #tpu.memory_space<vmem>> -> memref<1x128xf32, #tpu.memory_space<vmem>>
    %dma_wait3A_2139 = tpu.memref_squeeze %dma_wait3A_2138 : memref<1x128xf32, #tpu.memory_space<vmem>> -> memref<128xf32, #tpu.memory_space<vmem>>
    %dma_wait3A_2140 = arith.constant 0 : i32
    %dma_wait3A_2141 = tpu.memref_slice %arg8[%dma_wait3A_2134, %dma_wait3A_2140] : memref<16x128xi32, #tpu.memory_space<vmem>> -> memref<1x128xi32, #tpu.memory_space<vmem>>
    %dma_wait3A_2142 = tpu.memref_squeeze %dma_wait3A_2141 : memref<1x128xi32, #tpu.memory_space<vmem>> -> memref<128xi32, #tpu.memory_space<vmem>>
    %dma_wait3A_2143 = arith.constant 0 : i32
    %dma_wait3A_2144 = tpu.memref_slice %arg15[%dma_wait3A_2143] : memref<100000xf32, #tpu.memory_space<vmem_shared>> -> memref<100000xf32, #tpu.memory_space<vmem_shared>>
    %dma_wait3A_2145 = tpu.memref_slice %arg18[%dma_wait3A_2136] : memref<8x!tpu.dma_semaphore, #tpu.memory_space<semaphore_mem>> -> memref<1x!tpu.dma_semaphore, #tpu.memory_space<semaphore_mem>>
    %dma_wait3A_2146 = tpu.memref_squeeze %dma_wait3A_2145 : memref<1x!tpu.dma_semaphore, #tpu.memory_space<semaphore_mem>> -> memref<!tpu.dma_semaphore, #tpu.memory_space<semaphore_mem>>
    tpu.wait_indirect_dma semaphore(%dma_wait3A_2146 : memref<!tpu.dma_semaphore, #tpu.memory_space<semaphore_mem>>) src(%dma_wait3A_2144 : memref<100000xf32, #tpu.memory_space<vmem_shared>>) dst(%dma_wait3A_2139 : memref<128xf32, #tpu.memory_space<vmem>>)
    %scan3A_2147 = arith.constant 0 : i32
    %scan3A_2148 = arith.constant 0 : i32
    %mul3A_2149 = arith.constant 16 : i32
    %mul3A_2150 = arith.muli %scan3A_2148, %mul3A_2149 : i32
    %add3A_2151 = arith.constant 640 : i32
    %add3A_2152 = arith.addi %add3A_2151, %mul3A_2150 : i32
    %add3A_2153 = vector.broadcast %add3A_2152 : i32 to vector<16xi32>
    %add3A_2154 = arith.addi %iota3A, %add3A_2153 : vector<16xi32>
    %mul3A_2155 = arith.constant 16 : i32
    %mul3A_2156 = arith.muli %scan3A_2148, %mul3A_2155 : i32
    %get3A_2157 = arith.constant 5 : i32
    %get3A_2158 = arith.index_cast %get3A_2157 : i32 to index
    %get3A_2159 = arith.index_cast %mul3A_2156 : i32 to index
    %get3A_2160 = tpu.vector_load %arg10[%get3A_2158, %get3A_2159] {strides = array<i32>} : memref<8x128xf32, #tpu.memory_space<vmem>>, vector<16xf32>,
    %get3A_2161 = arith.constant 5 : i32
    %get3A_2162 = arith.index_cast %get3A_2161 : i32 to index
    %get3A_2163 = arith.index_cast %mul3A_2156 : i32 to index
    %get3A_2164 = tpu.vector_load %arg11[%get3A_2162, %get3A_2163] {strides = array<i32>} : memref<8x128xf32, #tpu.memory_space<vmem>>, vector<16xf32>,
    %get3A_2165 = arith.index_cast %add3A_2152 : i32 to index
    %get3A_2166 = tpu.vector_load %arg9[%get3A_2165] {strides = array<i32>} : memref<1024xi32, #tpu.memory_space<vmem>>, vector<16xi32>,
    %add3A_2167 = arith.constant 1 : i32
    %add3A_2168 = vector.broadcast %add3A_2167 : i32 to vector<16xi32>
    %add3A_2169 = arith.addi %add3A_2154, %add3A_2168 : vector<16xi32>
    %min3A_2170 = arith.constant 1023 : i32
    %min3A_2171 = vector.broadcast %min3A_2170 : i32 to vector<16xi32>
    %min3A_2172 = arith.minsi %add3A_2169, %min3A_2171 : vector<16xi32>
    %gather3A_2173 = tpu.vector_load_idx %arg9[%min3A_2172] : memref<1024xi32, #tpu.memory_space<vmem>>[vector<16xi32>], vector<16xi32>,
    %exp3A_2174 = math.exp %get3A_2160 : vector<16xf32>
    %mul3A_2175 = arith.mulf %exp3A_2174, %get3A_2164 : vector<16xf32>
    %broadcast_in_dim3A_2176 = arith.constant true
    %broadcast_in_dim3A_2177 = vector.broadcast %broadcast_in_dim3A_2176 : i1 to vector<16xi1>
    %masked_cumsum3A_2178 = tpu.scan <sum>, %exp3A_2174 masked %broadcast_in_dim3A_2177 : vector<16xf32>, vector<16xi1> -> vector<16xf32>
    %broadcast_in_dim3A_2179 = arith.constant true
    %broadcast_in_dim3A_2180 = vector.broadcast %broadcast_in_dim3A_2179 : i1 to vector<16xi1>
    %masked_cumsum3A_2181 = tpu.scan <sum>, %mul3A_2175 masked %broadcast_in_dim3A_2180 : vector<16xf32>, vector<16xi1> -> vector<16xf32>
    %ne3A_2182 = arith.cmpi ne, %get3A_2166, %gather3A_2173 : vector<16xi32>
    %or3A_2183 = arith.ori %ne3A_2182, %eq3A_230 : vector<16xi1>
    %and3A_2184 = arith.andi %ne3A_2182, %lt3A_228 : vector<16xi1>
    tpu.vector_store_idx %arg13[%get3A_2166], %masked_cumsum3A_2178 masked %or3A_2183 {add = true} : memref<16xf32, #tpu.memory_space<vmem>>[vector<16xi32>], vector<16xf32>, vector<16xi1>
    tpu.vector_store_idx %arg12[%get3A_2166], %masked_cumsum3A_2181 masked %or3A_2183 {add = true} : memref<16xf32, #tpu.memory_space<vmem>>[vector<16xi32>], vector<16xf32>, vector<16xi1>
    %neg3A_2185 = arith.constant 0.000000e+00 : f32
    %neg3A_2186 = vector.broadcast %neg3A_2185 : f32 to vector<16xf32>
    %neg3A_2187 = arith.subf %neg3A_2186, %masked_cumsum3A_2178 : vector<16xf32>
    tpu.vector_store_idx %arg13[%gather3A_2173], %neg3A_2187 masked %and3A_2184 {add = true} : memref<16xf32, #tpu.memory_space<vmem>>[vector<16xi32>], vector<16xf32>, vector<16xi1>
    %neg3A_2188 = arith.constant 0.000000e+00 : f32
    %neg3A_2189 = vector.broadcast %neg3A_2188 : f32 to vector<16xf32>
    %neg3A_2190 = arith.subf %neg3A_2189, %masked_cumsum3A_2181 : vector<16xf32>
    tpu.vector_store_idx %arg12[%gather3A_2173], %neg3A_2190 masked %and3A_2184 {add = true} : memref<16xf32, #tpu.memory_space<vmem>>[vector<16xi32>], vector<16xf32>, vector<16xi1>
    %scan3A_2191 = arith.constant 0 : i32
    %scan3A_2192 = arith.constant 1 : i32
    %mul3A_2193 = arith.constant 16 : i32
    %mul3A_2194 = arith.muli %scan3A_2192, %mul3A_2193 : i32
    %add3A_2195 = arith.constant 640 : i32
    %add3A_2196 = arith.addi %add3A_2195, %mul3A_2194 : i32
    %add3A_2197 = vector.broadcast %add3A_2196 : i32 to vector<16xi32>
    %add3A_2198 = arith.addi %iota3A, %add3A_2197 : vector<16xi32>
    %mul3A_2199 = arith.constant 16 : i32
    %mul3A_2200 = arith.muli %scan3A_2192, %mul3A_2199 : i32
    %get3A_2201 = arith.constant 5 : i32
    %get3A_2202 = arith.index_cast %get3A_2201 : i32 to index
    %get3A_2203 = arith.index_cast %mul3A_2200 : i32 to index
    %get3A_2204 = tpu.vector_load %arg10[%get3A_2202, %get3A_2203] {strides = array<i32>} : memref<8x128xf32, #tpu.memory_space<vmem>>, vector<16xf32>,
    %get3A_2205 = arith.constant 5 : i32
    %get3A_2206 = arith.index_cast %get3A_2205 : i32 to index
    %get3A_2207 = arith.index_cast %mul3A_2200 : i32 to index
    %get3A_2208 = tpu.vector_load %arg11[%get3A_2206, %get3A_2207] {strides = array<i32>} : memref<8x128xf32, #tpu.memory_space<vmem>>, vector<16xf32>,
    %get3A_2209 = arith.index_cast %add3A_2196 : i32 to index
    %get3A_2210 = tpu.vector_load %arg9[%get3A_2209] {strides = array<i32>} : memref<1024xi32, #tpu.memory_space<vmem>>, vector<16xi32>,
    %add3A_2211 = arith.constant 1 : i32
    %add3A_2212 = vector.broadcast %add3A_2211 : i32 to vector<16xi32>
    %add3A_2213 = arith.addi %add3A_2198, %add3A_2212 : vector<16xi32>
    %min3A_2214 = arith.constant 1023 : i32
    %min3A_2215 = vector.broadcast %min3A_2214 : i32 to vector<16xi32>
    %min3A_2216 = arith.minsi %add3A_2213, %min3A_2215 : vector<16xi32>
    %gather3A_2217 = tpu.vector_load_idx %arg9[%min3A_2216] : memref<1024xi32, #tpu.memory_space<vmem>>[vector<16xi32>], vector<16xi32>,
    %exp3A_2218 = math.exp %get3A_2204 : vector<16xf32>
    %mul3A_2219 = arith.mulf %exp3A_2218, %get3A_2208 : vector<16xf32>
    %broadcast_in_dim3A_2220 = arith.constant true
    %broadcast_in_dim3A_2221 = vector.broadcast %broadcast_in_dim3A_2220 : i1 to vector<16xi1>
    %masked_cumsum3A_2222 = tpu.scan <sum>, %exp3A_2218 masked %broadcast_in_dim3A_2221 : vector<16xf32>, vector<16xi1> -> vector<16xf32>
    %broadcast_in_dim3A_2223 = arith.constant true
    %broadcast_in_dim3A_2224 = vector.broadcast %broadcast_in_dim3A_2223 : i1 to vector<16xi1>
    %masked_cumsum3A_2225 = tpu.scan <sum>, %mul3A_2219 masked %broadcast_in_dim3A_2224 : vector<16xf32>, vector<16xi1> -> vector<16xf32>
    %ne3A_2226 = arith.cmpi ne, %get3A_2210, %gather3A_2217 : vector<16xi32>
    %or3A_2227 = arith.ori %ne3A_2226, %eq3A_230 : vector<16xi1>
    %and3A_2228 = arith.andi %ne3A_2226, %lt3A_228 : vector<16xi1>
    tpu.vector_store_idx %arg13[%get3A_2210], %masked_cumsum3A_2222 masked %or3A_2227 {add = true} : memref<16xf32, #tpu.memory_space<vmem>>[vector<16xi32>], vector<16xf32>, vector<16xi1>
    tpu.vector_store_idx %arg12[%get3A_2210], %masked_cumsum3A_2225 masked %or3A_2227 {add = true} : memref<16xf32, #tpu.memory_space<vmem>>[vector<16xi32>], vector<16xf32>, vector<16xi1>
    %neg3A_2229 = arith.constant 0.000000e+00 : f32
    %neg3A_2230 = vector.broadcast %neg3A_2229 : f32 to vector<16xf32>
    %neg3A_2231 = arith.subf %neg3A_2230, %masked_cumsum3A_2222 : vector<16xf32>
    tpu.vector_store_idx %arg13[%gather3A_2217], %neg3A_2231 masked %and3A_2228 {add = true} : memref<16xf32, #tpu.memory_space<vmem>>[vector<16xi32>], vector<16xf32>, vector<16xi1>
    %neg3A_2232 = arith.constant 0.000000e+00 : f32
    %neg3A_2233 = vector.broadcast %neg3A_2232 : f32 to vector<16xf32>
    %neg3A_2234 = arith.subf %neg3A_2233, %masked_cumsum3A_2225 : vector<16xf32>
    tpu.vector_store_idx %arg12[%gather3A_2217], %neg3A_2234 masked %and3A_2228 {add = true} : memref<16xf32, #tpu.memory_space<vmem>>[vector<16xi32>], vector<16xf32>, vector<16xi1>
    %scan3A_2235 = arith.constant 0 : i32
    %scan3A_2236 = arith.constant 2 : i32
    %mul3A_2237 = arith.constant 16 : i32
    %mul3A_2238 = arith.muli %scan3A_2236, %mul3A_2237 : i32
    %add3A_2239 = arith.constant 640 : i32
    %add3A_2240 = arith.addi %add3A_2239, %mul3A_2238 : i32
    %add3A_2241 = vector.broadcast %add3A_2240 : i32 to vector<16xi32>
    %add3A_2242 = arith.addi %iota3A, %add3A_2241 : vector<16xi32>
    %mul3A_2243 = arith.constant 16 : i32
    %mul3A_2244 = arith.muli %scan3A_2236, %mul3A_2243 : i32
    %get3A_2245 = arith.constant 5 : i32
    %get3A_2246 = arith.index_cast %get3A_2245 : i32 to index
    %get3A_2247 = arith.index_cast %mul3A_2244 : i32 to index
    %get3A_2248 = tpu.vector_load %arg10[%get3A_2246, %get3A_2247] {strides = array<i32>} : memref<8x128xf32, #tpu.memory_space<vmem>>, vector<16xf32>,
    %get3A_2249 = arith.constant 5 : i32
    %get3A_2250 = arith.index_cast %get3A_2249 : i32 to index
    %get3A_2251 = arith.index_cast %mul3A_2244 : i32 to index
    %get3A_2252 = tpu.vector_load %arg11[%get3A_2250, %get3A_2251] {strides = array<i32>} : memref<8x128xf32, #tpu.memory_space<vmem>>, vector<16xf32>,
    %get3A_2253 = arith.index_cast %add3A_2240 : i32 to index
    %get3A_2254 = tpu.vector_load %arg9[%get3A_2253] {strides = array<i32>} : memref<1024xi32, #tpu.memory_space<vmem>>, vector<16xi32>,
    %add3A_2255 = arith.constant 1 : i32
    %add3A_2256 = vector.broadcast %add3A_2255 : i32 to vector<16xi32>
    %add3A_2257 = arith.addi %add3A_2242, %add3A_2256 : vector<16xi32>
    %min3A_2258 = arith.constant 1023 : i32
    %min3A_2259 = vector.broadcast %min3A_2258 : i32 to vector<16xi32>
    %min3A_2260 = arith.minsi %add3A_2257, %min3A_2259 : vector<16xi32>
    %gather3A_2261 = tpu.vector_load_idx %arg9[%min3A_2260] : memref<1024xi32, #tpu.memory_space<vmem>>[vector<16xi32>], vector<16xi32>,
    %exp3A_2262 = math.exp %get3A_2248 : vector<16xf32>
    %mul3A_2263 = arith.mulf %exp3A_2262, %get3A_2252 : vector<16xf32>
    %broadcast_in_dim3A_2264 = arith.constant true
    %broadcast_in_dim3A_2265 = vector.broadcast %broadcast_in_dim3A_2264 : i1 to vector<16xi1>
    %masked_cumsum3A_2266 = tpu.scan <sum>, %exp3A_2262 masked %broadcast_in_dim3A_2265 : vector<16xf32>, vector<16xi1> -> vector<16xf32>
    %broadcast_in_dim3A_2267 = arith.constant true
    %broadcast_in_dim3A_2268 = vector.broadcast %broadcast_in_dim3A_2267 : i1 to vector<16xi1>
    %masked_cumsum3A_2269 = tpu.scan <sum>, %mul3A_2263 masked %broadcast_in_dim3A_2268 : vector<16xf32>, vector<16xi1> -> vector<16xf32>
    %ne3A_2270 = arith.cmpi ne, %get3A_2254, %gather3A_2261 : vector<16xi32>
    %or3A_2271 = arith.ori %ne3A_2270, %eq3A_230 : vector<16xi1>
    %and3A_2272 = arith.andi %ne3A_2270, %lt3A_228 : vector<16xi1>
    tpu.vector_store_idx %arg13[%get3A_2254], %masked_cumsum3A_2266 masked %or3A_2271 {add = true} : memref<16xf32, #tpu.memory_space<vmem>>[vector<16xi32>], vector<16xf32>, vector<16xi1>
    tpu.vector_store_idx %arg12[%get3A_2254], %masked_cumsum3A_2269 masked %or3A_2271 {add = true} : memref<16xf32, #tpu.memory_space<vmem>>[vector<16xi32>], vector<16xf32>, vector<16xi1>
    %neg3A_2273 = arith.constant 0.000000e+00 : f32
    %neg3A_2274 = vector.broadcast %neg3A_2273 : f32 to vector<16xf32>
    %neg3A_2275 = arith.subf %neg3A_2274, %masked_cumsum3A_2266 : vector<16xf32>
    tpu.vector_store_idx %arg13[%gather3A_2261], %neg3A_2275 masked %and3A_2272 {add = true} : memref<16xf32, #tpu.memory_space<vmem>>[vector<16xi32>], vector<16xf32>, vector<16xi1>
    %neg3A_2276 = arith.constant 0.000000e+00 : f32
    %neg3A_2277 = vector.broadcast %neg3A_2276 : f32 to vector<16xf32>
    %neg3A_2278 = arith.subf %neg3A_2277, %masked_cumsum3A_2269 : vector<16xf32>
    tpu.vector_store_idx %arg12[%gather3A_2261], %neg3A_2278 masked %and3A_2272 {add = true} : memref<16xf32, #tpu.memory_space<vmem>>[vector<16xi32>], vector<16xf32>, vector<16xi1>
    %scan3A_2279 = arith.constant 0 : i32
    %scan3A_2280 = arith.constant 3 : i32
    %mul3A_2281 = arith.constant 16 : i32
    %mul3A_2282 = arith.muli %scan3A_2280, %mul3A_2281 : i32
    %add3A_2283 = arith.constant 640 : i32
    %add3A_2284 = arith.addi %add3A_2283, %mul3A_2282 : i32
    %add3A_2285 = vector.broadcast %add3A_2284 : i32 to vector<16xi32>
    %add3A_2286 = arith.addi %iota3A, %add3A_2285 : vector<16xi32>
    %mul3A_2287 = arith.constant 16 : i32
    %mul3A_2288 = arith.muli %scan3A_2280, %mul3A_2287 : i32
    %get3A_2289 = arith.constant 5 : i32
    %get3A_2290 = arith.index_cast %get3A_2289 : i32 to index
    %get3A_2291 = arith.index_cast %mul3A_2288 : i32 to index
    %get3A_2292 = tpu.vector_load %arg10[%get3A_2290, %get3A_2291] {strides = array<i32>} : memref<8x128xf32, #tpu.memory_space<vmem>>, vector<16xf32>,
    %get3A_2293 = arith.constant 5 : i32
    %get3A_2294 = arith.index_cast %get3A_2293 : i32 to index
    %get3A_2295 = arith.index_cast %mul3A_2288 : i32 to index
    %get3A_2296 = tpu.vector_load %arg11[%get3A_2294, %get3A_2295] {strides = array<i32>} : memref<8x128xf32, #tpu.memory_space<vmem>>, vector<16xf32>,
    %get3A_2297 = arith.index_cast %add3A_2284 : i32 to index
    %get3A_2298 = tpu.vector_load %arg9[%get3A_2297] {strides = array<i32>} : memref<1024xi32, #tpu.memory_space<vmem>>, vector<16xi32>,
    %add3A_2299 = arith.constant 1 : i32
    %add3A_2300 = vector.broadcast %add3A_2299 : i32 to vector<16xi32>
    %add3A_2301 = arith.addi %add3A_2286, %add3A_2300 : vector<16xi32>
    %min3A_2302 = arith.constant 1023 : i32
    %min3A_2303 = vector.broadcast %min3A_2302 : i32 to vector<16xi32>
    %min3A_2304 = arith.minsi %add3A_2301, %min3A_2303 : vector<16xi32>
    %gather3A_2305 = tpu.vector_load_idx %arg9[%min3A_2304] : memref<1024xi32, #tpu.memory_space<vmem>>[vector<16xi32>], vector<16xi32>,
    %exp3A_2306 = math.exp %get3A_2292 : vector<16xf32>
    %mul3A_2307 = arith.mulf %exp3A_2306, %get3A_2296 : vector<16xf32>
    %broadcast_in_dim3A_2308 = arith.constant true
    %broadcast_in_dim3A_2309 = vector.broadcast %broadcast_in_dim3A_2308 : i1 to vector<16xi1>
    %masked_cumsum3A_2310 = tpu.scan <sum>, %exp3A_2306 masked %broadcast_in_dim3A_2309 : vector<16xf32>, vector<16xi1> -> vector<16xf32>
    %broadcast_in_dim3A_2311 = arith.constant true
    %broadcast_in_dim3A_2312 = vector.broadcast %broadcast_in_dim3A_2311 : i1 to vector<16xi1>
    %masked_cumsum3A_2313 = tpu.scan <sum>, %mul3A_2307 masked %broadcast_in_dim3A_2312 : vector<16xf32>, vector<16xi1> -> vector<16xf32>
    %ne3A_2314 = arith.cmpi ne, %get3A_2298, %gather3A_2305 : vector<16xi32>
    %or3A_2315 = arith.ori %ne3A_2314, %eq3A_230 : vector<16xi1>
    %and3A_2316 = arith.andi %ne3A_2314, %lt3A_228 : vector<16xi1>
    tpu.vector_store_idx %arg13[%get3A_2298], %masked_cumsum3A_2310 masked %or3A_2315 {add = true} : memref<16xf32, #tpu.memory_space<vmem>>[vector<16xi32>], vector<16xf32>, vector<16xi1>
    tpu.vector_store_idx %arg12[%get3A_2298], %masked_cumsum3A_2313 masked %or3A_2315 {add = true} : memref<16xf32, #tpu.memory_space<vmem>>[vector<16xi32>], vector<16xf32>, vector<16xi1>
    %neg3A_2317 = arith.constant 0.000000e+00 : f32
    %neg3A_2318 = vector.broadcast %neg3A_2317 : f32 to vector<16xf32>
    %neg3A_2319 = arith.subf %neg3A_2318, %masked_cumsum3A_2310 : vector<16xf32>
    tpu.vector_store_idx %arg13[%gather3A_2305], %neg3A_2319 masked %and3A_2316 {add = true} : memref<16xf32, #tpu.memory_space<vmem>>[vector<16xi32>], vector<16xf32>, vector<16xi1>
    %neg3A_2320 = arith.constant 0.000000e+00 : f32
    %neg3A_2321 = vector.broadcast %neg3A_2320 : f32 to vector<16xf32>
    %neg3A_2322 = arith.subf %neg3A_2321, %masked_cumsum3A_2313 : vector<16xf32>
    tpu.vector_store_idx %arg12[%gather3A_2305], %neg3A_2322 masked %and3A_2316 {add = true} : memref<16xf32, #tpu.memory_space<vmem>>[vector<16xi32>], vector<16xf32>, vector<16xi1>
    %scan3A_2323 = arith.constant 0 : i32
    %scan3A_2324 = arith.constant 4 : i32
    %mul3A_2325 = arith.constant 16 : i32
    %mul3A_2326 = arith.muli %scan3A_2324, %mul3A_2325 : i32
    %add3A_2327 = arith.constant 640 : i32
    %add3A_2328 = arith.addi %add3A_2327, %mul3A_2326 : i32
    %add3A_2329 = vector.broadcast %add3A_2328 : i32 to vector<16xi32>
    %add3A_2330 = arith.addi %iota3A, %add3A_2329 : vector<16xi32>
    %mul3A_2331 = arith.constant 16 : i32
    %mul3A_2332 = arith.muli %scan3A_2324, %mul3A_2331 : i32
    %get3A_2333 = arith.constant 5 : i32
    %get3A_2334 = arith.index_cast %get3A_2333 : i32 to index
    %get3A_2335 = arith.index_cast %mul3A_2332 : i32 to index
    %get3A_2336 = tpu.vector_load %arg10[%get3A_2334, %get3A_2335] {strides = array<i32>} : memref<8x128xf32, #tpu.memory_space<vmem>>, vector<16xf32>,
    %get3A_2337 = arith.constant 5 : i32
    %get3A_2338 = arith.index_cast %get3A_2337 : i32 to index
    %get3A_2339 = arith.index_cast %mul3A_2332 : i32 to index
    %get3A_2340 = tpu.vector_load %arg11[%get3A_2338, %get3A_2339] {strides = array<i32>} : memref<8x128xf32, #tpu.memory_space<vmem>>, vector<16xf32>,
    %get3A_2341 = arith.index_cast %add3A_2328 : i32 to index
    %get3A_2342 = tpu.vector_load %arg9[%get3A_2341] {strides = array<i32>} : memref<1024xi32, #tpu.memory_space<vmem>>, vector<16xi32>,
    %add3A_2343 = arith.constant 1 : i32
    %add3A_2344 = vector.broadcast %add3A_2343 : i32 to vector<16xi32>
    %add3A_2345 = arith.addi %add3A_2330, %add3A_2344 : vector<16xi32>
    %min3A_2346 = arith.constant 1023 : i32
    %min3A_2347 = vector.broadcast %min3A_2346 : i32 to vector<16xi32>
    %min3A_2348 = arith.minsi %add3A_2345, %min3A_2347 : vector<16xi32>
    %gather3A_2349 = tpu.vector_load_idx %arg9[%min3A_2348] : memref<1024xi32, #tpu.memory_space<vmem>>[vector<16xi32>], vector<16xi32>,
    %exp3A_2350 = math.exp %get3A_2336 : vector<16xf32>
    %mul3A_2351 = arith.mulf %exp3A_2350, %get3A_2340 : vector<16xf32>
    %broadcast_in_dim3A_2352 = arith.constant true
    %broadcast_in_dim3A_2353 = vector.broadcast %broadcast_in_dim3A_2352 : i1 to vector<16xi1>
    %masked_cumsum3A_2354 = tpu.scan <sum>, %exp3A_2350 masked %broadcast_in_dim3A_2353 : vector<16xf32>, vector<16xi1> -> vector<16xf32>
    %broadcast_in_dim3A_2355 = arith.constant true
    %broadcast_in_dim3A_2356 = vector.broadcast %broadcast_in_dim3A_2355 : i1 to vector<16xi1>
    %masked_cumsum3A_2357 = tpu.scan <sum>, %mul3A_2351 masked %broadcast_in_dim3A_2356 : vector<16xf32>, vector<16xi1> -> vector<16xf32>
    %ne3A_2358 = arith.cmpi ne, %get3A_2342, %gather3A_2349 : vector<16xi32>
    %or3A_2359 = arith.ori %ne3A_2358, %eq3A_230 : vector<16xi1>
    %and3A_2360 = arith.andi %ne3A_2358, %lt3A_228 : vector<16xi1>
    tpu.vector_store_idx %arg13[%get3A_2342], %masked_cumsum3A_2354 masked %or3A_2359 {add = true} : memref<16xf32, #tpu.memory_space<vmem>>[vector<16xi32>], vector<16xf32>, vector<16xi1>
    tpu.vector_store_idx %arg12[%get3A_2342], %masked_cumsum3A_2357 masked %or3A_2359 {add = true} : memref<16xf32, #tpu.memory_space<vmem>>[vector<16xi32>], vector<16xf32>, vector<16xi1>
    %neg3A_2361 = arith.constant 0.000000e+00 : f32
    %neg3A_2362 = vector.broadcast %neg3A_2361 : f32 to vector<16xf32>
    %neg3A_2363 = arith.subf %neg3A_2362, %masked_cumsum3A_2354 : vector<16xf32>
    tpu.vector_store_idx %arg13[%gather3A_2349], %neg3A_2363 masked %and3A_2360 {add = true} : memref<16xf32, #tpu.memory_space<vmem>>[vector<16xi32>], vector<16xf32>, vector<16xi1>
    %neg3A_2364 = arith.constant 0.000000e+00 : f32
    %neg3A_2365 = vector.broadcast %neg3A_2364 : f32 to vector<16xf32>
    %neg3A_2366 = arith.subf %neg3A_2365, %masked_cumsum3A_2357 : vector<16xf32>
    tpu.vector_store_idx %arg12[%gather3A_2349], %neg3A_2366 masked %and3A_2360 {add = true} : memref<16xf32, #tpu.memory_space<vmem>>[vector<16xi32>], vector<16xf32>, vector<16xi1>
    %scan3A_2367 = arith.constant 0 : i32
    %scan3A_2368 = arith.constant 5 : i32
    %mul3A_2369 = arith.constant 16 : i32
    %mul3A_2370 = arith.muli %scan3A_2368, %mul3A_2369 : i32
    %add3A_2371 = arith.constant 640 : i32
    %add3A_2372 = arith.addi %add3A_2371, %mul3A_2370 : i32
    %add3A_2373 = vector.broadcast %add3A_2372 : i32 to vector<16xi32>
    %add3A_2374 = arith.addi %iota3A, %add3A_2373 : vector<16xi32>
    %mul3A_2375 = arith.constant 16 : i32
    %mul3A_2376 = arith.muli %scan3A_2368, %mul3A_2375 : i32
    %get3A_2377 = arith.constant 5 : i32
    %get3A_2378 = arith.index_cast %get3A_2377 : i32 to index
    %get3A_2379 = arith.index_cast %mul3A_2376 : i32 to index
    %get3A_2380 = tpu.vector_load %arg10[%get3A_2378, %get3A_2379] {strides = array<i32>} : memref<8x128xf32, #tpu.memory_space<vmem>>, vector<16xf32>,
    %get3A_2381 = arith.constant 5 : i32
    %get3A_2382 = arith.index_cast %get3A_2381 : i32 to index
    %get3A_2383 = arith.index_cast %mul3A_2376 : i32 to index
    %get3A_2384 = tpu.vector_load %arg11[%get3A_2382, %get3A_2383] {strides = array<i32>} : memref<8x128xf32, #tpu.memory_space<vmem>>, vector<16xf32>,
    %get3A_2385 = arith.index_cast %add3A_2372 : i32 to index
    %get3A_2386 = tpu.vector_load %arg9[%get3A_2385] {strides = array<i32>} : memref<1024xi32, #tpu.memory_space<vmem>>, vector<16xi32>,
    %add3A_2387 = arith.constant 1 : i32
    %add3A_2388 = vector.broadcast %add3A_2387 : i32 to vector<16xi32>
    %add3A_2389 = arith.addi %add3A_2374, %add3A_2388 : vector<16xi32>
    %min3A_2390 = arith.constant 1023 : i32
    %min3A_2391 = vector.broadcast %min3A_2390 : i32 to vector<16xi32>
    %min3A_2392 = arith.minsi %add3A_2389, %min3A_2391 : vector<16xi32>
    %gather3A_2393 = tpu.vector_load_idx %arg9[%min3A_2392] : memref<1024xi32, #tpu.memory_space<vmem>>[vector<16xi32>], vector<16xi32>,
    %exp3A_2394 = math.exp %get3A_2380 : vector<16xf32>
    %mul3A_2395 = arith.mulf %exp3A_2394, %get3A_2384 : vector<16xf32>
    %broadcast_in_dim3A_2396 = arith.constant true
    %broadcast_in_dim3A_2397 = vector.broadcast %broadcast_in_dim3A_2396 : i1 to vector<16xi1>
    %masked_cumsum3A_2398 = tpu.scan <sum>, %exp3A_2394 masked %broadcast_in_dim3A_2397 : vector<16xf32>, vector<16xi1> -> vector<16xf32>
    %broadcast_in_dim3A_2399 = arith.constant true
    %broadcast_in_dim3A_2400 = vector.broadcast %broadcast_in_dim3A_2399 : i1 to vector<16xi1>
    %masked_cumsum3A_2401 = tpu.scan <sum>, %mul3A_2395 masked %broadcast_in_dim3A_2400 : vector<16xf32>, vector<16xi1> -> vector<16xf32>
    %ne3A_2402 = arith.cmpi ne, %get3A_2386, %gather3A_2393 : vector<16xi32>
    %or3A_2403 = arith.ori %ne3A_2402, %eq3A_230 : vector<16xi1>
    %and3A_2404 = arith.andi %ne3A_2402, %lt3A_228 : vector<16xi1>
    tpu.vector_store_idx %arg13[%get3A_2386], %masked_cumsum3A_2398 masked %or3A_2403 {add = true} : memref<16xf32, #tpu.memory_space<vmem>>[vector<16xi32>], vector<16xf32>, vector<16xi1>
    tpu.vector_store_idx %arg12[%get3A_2386], %masked_cumsum3A_2401 masked %or3A_2403 {add = true} : memref<16xf32, #tpu.memory_space<vmem>>[vector<16xi32>], vector<16xf32>, vector<16xi1>
    %neg3A_2405 = arith.constant 0.000000e+00 : f32
    %neg3A_2406 = vector.broadcast %neg3A_2405 : f32 to vector<16xf32>
    %neg3A_2407 = arith.subf %neg3A_2406, %masked_cumsum3A_2398 : vector<16xf32>
    tpu.vector_store_idx %arg13[%gather3A_2393], %neg3A_2407 masked %and3A_2404 {add = true} : memref<16xf32, #tpu.memory_space<vmem>>[vector<16xi32>], vector<16xf32>, vector<16xi1>
    %neg3A_2408 = arith.constant 0.000000e+00 : f32
    %neg3A_2409 = vector.broadcast %neg3A_2408 : f32 to vector<16xf32>
    %neg3A_2410 = arith.subf %neg3A_2409, %masked_cumsum3A_2401 : vector<16xf32>
    tpu.vector_store_idx %arg12[%gather3A_2393], %neg3A_2410 masked %and3A_2404 {add = true} : memref<16xf32, #tpu.memory_space<vmem>>[vector<16xi32>], vector<16xf32>, vector<16xi1>
    %scan3A_2411 = arith.constant 0 : i32
    %scan3A_2412 = arith.constant 6 : i32
    %mul3A_2413 = arith.constant 16 : i32
    %mul3A_2414 = arith.muli %scan3A_2412, %mul3A_2413 : i32
    %add3A_2415 = arith.constant 640 : i32
    %add3A_2416 = arith.addi %add3A_2415, %mul3A_2414 : i32
    %add3A_2417 = vector.broadcast %add3A_2416 : i32 to vector<16xi32>
    %add3A_2418 = arith.addi %iota3A, %add3A_2417 : vector<16xi32>
    %mul3A_2419 = arith.constant 16 : i32
    %mul3A_2420 = arith.muli %scan3A_2412, %mul3A_2419 : i32
    %get3A_2421 = arith.constant 5 : i32
    %get3A_2422 = arith.index_cast %get3A_2421 : i32 to index
    %get3A_2423 = arith.index_cast %mul3A_2420 : i32 to index
    %get3A_2424 = tpu.vector_load %arg10[%get3A_2422, %get3A_2423] {strides = array<i32>} : memref<8x128xf32, #tpu.memory_space<vmem>>, vector<16xf32>,
    %get3A_2425 = arith.constant 5 : i32
    %get3A_2426 = arith.index_cast %get3A_2425 : i32 to index
    %get3A_2427 = arith.index_cast %mul3A_2420 : i32 to index
    %get3A_2428 = tpu.vector_load %arg11[%get3A_2426, %get3A_2427] {strides = array<i32>} : memref<8x128xf32, #tpu.memory_space<vmem>>, vector<16xf32>,
    %get3A_2429 = arith.index_cast %add3A_2416 : i32 to index
    %get3A_2430 = tpu.vector_load %arg9[%get3A_2429] {strides = array<i32>} : memref<1024xi32, #tpu.memory_space<vmem>>, vector<16xi32>,
    %add3A_2431 = arith.constant 1 : i32
    %add3A_2432 = vector.broadcast %add3A_2431 : i32 to vector<16xi32>
    %add3A_2433 = arith.addi %add3A_2418, %add3A_2432 : vector<16xi32>
    %min3A_2434 = arith.constant 1023 : i32
    %min3A_2435 = vector.broadcast %min3A_2434 : i32 to vector<16xi32>
    %min3A_2436 = arith.minsi %add3A_2433, %min3A_2435 : vector<16xi32>
    %gather3A_2437 = tpu.vector_load_idx %arg9[%min3A_2436] : memref<1024xi32, #tpu.memory_space<vmem>>[vector<16xi32>], vector<16xi32>,
    %exp3A_2438 = math.exp %get3A_2424 : vector<16xf32>
    %mul3A_2439 = arith.mulf %exp3A_2438, %get3A_2428 : vector<16xf32>
    %broadcast_in_dim3A_2440 = arith.constant true
    %broadcast_in_dim3A_2441 = vector.broadcast %broadcast_in_dim3A_2440 : i1 to vector<16xi1>
    %masked_cumsum3A_2442 = tpu.scan <sum>, %exp3A_2438 masked %broadcast_in_dim3A_2441 : vector<16xf32>, vector<16xi1> -> vector<16xf32>
    %broadcast_in_dim3A_2443 = arith.constant true
    %broadcast_in_dim3A_2444 = vector.broadcast %broadcast_in_dim3A_2443 : i1 to vector<16xi1>
    %masked_cumsum3A_2445 = tpu.scan <sum>, %mul3A_2439 masked %broadcast_in_dim3A_2444 : vector<16xf32>, vector<16xi1> -> vector<16xf32>
    %ne3A_2446 = arith.cmpi ne, %get3A_2430, %gather3A_2437 : vector<16xi32>
    %or3A_2447 = arith.ori %ne3A_2446, %eq3A_230 : vector<16xi1>
    %and3A_2448 = arith.andi %ne3A_2446, %lt3A_228 : vector<16xi1>
    tpu.vector_store_idx %arg13[%get3A_2430], %masked_cumsum3A_2442 masked %or3A_2447 {add = true} : memref<16xf32, #tpu.memory_space<vmem>>[vector<16xi32>], vector<16xf32>, vector<16xi1>
    tpu.vector_store_idx %arg12[%get3A_2430], %masked_cumsum3A_2445 masked %or3A_2447 {add = true} : memref<16xf32, #tpu.memory_space<vmem>>[vector<16xi32>], vector<16xf32>, vector<16xi1>
    %neg3A_2449 = arith.constant 0.000000e+00 : f32
    %neg3A_2450 = vector.broadcast %neg3A_2449 : f32 to vector<16xf32>
    %neg3A_2451 = arith.subf %neg3A_2450, %masked_cumsum3A_2442 : vector<16xf32>
    tpu.vector_store_idx %arg13[%gather3A_2437], %neg3A_2451 masked %and3A_2448 {add = true} : memref<16xf32, #tpu.memory_space<vmem>>[vector<16xi32>], vector<16xf32>, vector<16xi1>
    %neg3A_2452 = arith.constant 0.000000e+00 : f32
    %neg3A_2453 = vector.broadcast %neg3A_2452 : f32 to vector<16xf32>
    %neg3A_2454 = arith.subf %neg3A_2453, %masked_cumsum3A_2445 : vector<16xf32>
    tpu.vector_store_idx %arg12[%gather3A_2437], %neg3A_2454 masked %and3A_2448 {add = true} : memref<16xf32, #tpu.memory_space<vmem>>[vector<16xi32>], vector<16xf32>, vector<16xi1>
    %scan3A_2455 = arith.constant 0 : i32
    %scan3A_2456 = arith.constant 7 : i32
    %mul3A_2457 = arith.constant 16 : i32
    %mul3A_2458 = arith.muli %scan3A_2456, %mul3A_2457 : i32
    %add3A_2459 = arith.constant 640 : i32
    %add3A_2460 = arith.addi %add3A_2459, %mul3A_2458 : i32
    %add3A_2461 = vector.broadcast %add3A_2460 : i32 to vector<16xi32>
    %add3A_2462 = arith.addi %iota3A, %add3A_2461 : vector<16xi32>
    %mul3A_2463 = arith.constant 16 : i32
    %mul3A_2464 = arith.muli %scan3A_2456, %mul3A_2463 : i32
    %get3A_2465 = arith.constant 5 : i32
    %get3A_2466 = arith.index_cast %get3A_2465 : i32 to index
    %get3A_2467 = arith.index_cast %mul3A_2464 : i32 to index
    %get3A_2468 = tpu.vector_load %arg10[%get3A_2466, %get3A_2467] {strides = array<i32>} : memref<8x128xf32, #tpu.memory_space<vmem>>, vector<16xf32>,
    %get3A_2469 = arith.constant 5 : i32
    %get3A_2470 = arith.index_cast %get3A_2469 : i32 to index
    %get3A_2471 = arith.index_cast %mul3A_2464 : i32 to index
    %get3A_2472 = tpu.vector_load %arg11[%get3A_2470, %get3A_2471] {strides = array<i32>} : memref<8x128xf32, #tpu.memory_space<vmem>>, vector<16xf32>,
    %get3A_2473 = arith.index_cast %add3A_2460 : i32 to index
    %get3A_2474 = tpu.vector_load %arg9[%get3A_2473] {strides = array<i32>} : memref<1024xi32, #tpu.memory_space<vmem>>, vector<16xi32>,
    %add3A_2475 = arith.constant 1 : i32
    %add3A_2476 = vector.broadcast %add3A_2475 : i32 to vector<16xi32>
    %add3A_2477 = arith.addi %add3A_2462, %add3A_2476 : vector<16xi32>
    %min3A_2478 = arith.constant 1023 : i32
    %min3A_2479 = vector.broadcast %min3A_2478 : i32 to vector<16xi32>
    %min3A_2480 = arith.minsi %add3A_2477, %min3A_2479 : vector<16xi32>
    %gather3A_2481 = tpu.vector_load_idx %arg9[%min3A_2480] : memref<1024xi32, #tpu.memory_space<vmem>>[vector<16xi32>], vector<16xi32>,
    %exp3A_2482 = math.exp %get3A_2468 : vector<16xf32>
    %mul3A_2483 = arith.mulf %exp3A_2482, %get3A_2472 : vector<16xf32>
    %broadcast_in_dim3A_2484 = arith.constant true
    %broadcast_in_dim3A_2485 = vector.broadcast %broadcast_in_dim3A_2484 : i1 to vector<16xi1>
    %masked_cumsum3A_2486 = tpu.scan <sum>, %exp3A_2482 masked %broadcast_in_dim3A_2485 : vector<16xf32>, vector<16xi1> -> vector<16xf32>
    %broadcast_in_dim3A_2487 = arith.constant true
    %broadcast_in_dim3A_2488 = vector.broadcast %broadcast_in_dim3A_2487 : i1 to vector<16xi1>
    %masked_cumsum3A_2489 = tpu.scan <sum>, %mul3A_2483 masked %broadcast_in_dim3A_2488 : vector<16xf32>, vector<16xi1> -> vector<16xf32>
    %ne3A_2490 = arith.cmpi ne, %get3A_2474, %gather3A_2481 : vector<16xi32>
    %or3A_2491 = arith.ori %ne3A_2490, %eq3A_230 : vector<16xi1>
    %and3A_2492 = arith.andi %ne3A_2490, %lt3A_228 : vector<16xi1>
    tpu.vector_store_idx %arg13[%get3A_2474], %masked_cumsum3A_2486 masked %or3A_2491 {add = true} : memref<16xf32, #tpu.memory_space<vmem>>[vector<16xi32>], vector<16xf32>, vector<16xi1>
    tpu.vector_store_idx %arg12[%get3A_2474], %masked_cumsum3A_2489 masked %or3A_2491 {add = true} : memref<16xf32, #tpu.memory_space<vmem>>[vector<16xi32>], vector<16xf32>, vector<16xi1>
    %neg3A_2493 = arith.constant 0.000000e+00 : f32
    %neg3A_2494 = vector.broadcast %neg3A_2493 : f32 to vector<16xf32>
    %neg3A_2495 = arith.subf %neg3A_2494, %masked_cumsum3A_2486 : vector<16xf32>
    tpu.vector_store_idx %arg13[%gather3A_2481], %neg3A_2495 masked %and3A_2492 {add = true} : memref<16xf32, #tpu.memory_space<vmem>>[vector<16xi32>], vector<16xf32>, vector<16xi1>
    %neg3A_2496 = arith.constant 0.000000e+00 : f32
    %neg3A_2497 = vector.broadcast %neg3A_2496 : f32 to vector<16xf32>
    %neg3A_2498 = arith.subf %neg3A_2497, %masked_cumsum3A_2489 : vector<16xf32>
    tpu.vector_store_idx %arg12[%gather3A_2481], %neg3A_2498 masked %and3A_2492 {add = true} : memref<16xf32, #tpu.memory_space<vmem>>[vector<16xi32>], vector<16xf32>, vector<16xi1>
    %scan3A_2499 = arith.constant 0 : i32
    %scan3A_2500 = arith.constant 8 : i32
    %dma_wait3A_2501 = arith.constant 13 : i32
    %dma_wait3A_2502 = arith.constant 6 : i32
    %dma_wait3A_2503 = arith.constant 6 : i32
    %dma_wait3A_2504 = arith.constant 0 : i32
    %dma_wait3A_2505 = tpu.memref_slice %arg10[%dma_wait3A_2502, %dma_wait3A_2504] : memref<8x128xf32, #tpu.memory_space<vmem>> -> memref<1x128xf32, #tpu.memory_space<vmem>>
    %dma_wait3A_2506 = tpu.memref_squeeze %dma_wait3A_2505 : memref<1x128xf32, #tpu.memory_space<vmem>> -> memref<128xf32, #tpu.memory_space<vmem>>
    %dma_wait3A_2507 = arith.constant 0 : i32
    %dma_wait3A_2508 = tpu.memref_slice %arg8[%dma_wait3A_2501, %dma_wait3A_2507] : memref<16x128xi32, #tpu.memory_space<vmem>> -> memref<1x128xi32, #tpu.memory_space<vmem>>
    %dma_wait3A_2509 = tpu.memref_squeeze %dma_wait3A_2508 : memref<1x128xi32, #tpu.memory_space<vmem>> -> memref<128xi32, #tpu.memory_space<vmem>>
    %dma_wait3A_2510 = arith.constant 0 : i32
    %dma_wait3A_2511 = tpu.memref_slice %arg14[%dma_wait3A_2510] : memref<100000xf32, #tpu.memory_space<vmem_shared>> -> memref<100000xf32, #tpu.memory_space<vmem_shared>>
    %dma_wait3A_2512 = tpu.memref_slice %arg18[%dma_wait3A_2503] : memref<8x!tpu.dma_semaphore, #tpu.memory_space<semaphore_mem>> -> memref<1x!tpu.dma_semaphore, #tpu.memory_space<semaphore_mem>>
    %dma_wait3A_2513 = tpu.memref_squeeze %dma_wait3A_2512 : memref<1x!tpu.dma_semaphore, #tpu.memory_space<semaphore_mem>> -> memref<!tpu.dma_semaphore, #tpu.memory_space<semaphore_mem>>
    tpu.wait_indirect_dma semaphore(%dma_wait3A_2513 : memref<!tpu.dma_semaphore, #tpu.memory_space<semaphore_mem>>) src(%dma_wait3A_2511 : memref<100000xf32, #tpu.memory_space<vmem_shared>>) dst(%dma_wait3A_2506 : memref<128xf32, #tpu.memory_space<vmem>>)
    %dma_wait3A_2514 = arith.constant 12 : i32
    %dma_wait3A_2515 = arith.constant 6 : i32
    %dma_wait3A_2516 = arith.constant 6 : i32
    %dma_wait3A_2517 = arith.constant 0 : i32
    %dma_wait3A_2518 = tpu.memref_slice %arg11[%dma_wait3A_2515, %dma_wait3A_2517] : memref<8x128xf32, #tpu.memory_space<vmem>> -> memref<1x128xf32, #tpu.memory_space<vmem>>
    %dma_wait3A_2519 = tpu.memref_squeeze %dma_wait3A_2518 : memref<1x128xf32, #tpu.memory_space<vmem>> -> memref<128xf32, #tpu.memory_space<vmem>>
    %dma_wait3A_2520 = arith.constant 0 : i32
    %dma_wait3A_2521 = tpu.memref_slice %arg8[%dma_wait3A_2514, %dma_wait3A_2520] : memref<16x128xi32, #tpu.memory_space<vmem>> -> memref<1x128xi32, #tpu.memory_space<vmem>>
    %dma_wait3A_2522 = tpu.memref_squeeze %dma_wait3A_2521 : memref<1x128xi32, #tpu.memory_space<vmem>> -> memref<128xi32, #tpu.memory_space<vmem>>
    %dma_wait3A_2523 = arith.constant 0 : i32
    %dma_wait3A_2524 = tpu.memref_slice %arg15[%dma_wait3A_2523] : memref<100000xf32, #tpu.memory_space<vmem_shared>> -> memref<100000xf32, #tpu.memory_space<vmem_shared>>
    %dma_wait3A_2525 = tpu.memref_slice %arg18[%dma_wait3A_2516] : memref<8x!tpu.dma_semaphore, #tpu.memory_space<semaphore_mem>> -> memref<1x!tpu.dma_semaphore, #tpu.memory_space<semaphore_mem>>
    %dma_wait3A_2526 = tpu.memref_squeeze %dma_wait3A_2525 : memref<1x!tpu.dma_semaphore, #tpu.memory_space<semaphore_mem>> -> memref<!tpu.dma_semaphore, #tpu.memory_space<semaphore_mem>>
    tpu.wait_indirect_dma semaphore(%dma_wait3A_2526 : memref<!tpu.dma_semaphore, #tpu.memory_space<semaphore_mem>>) src(%dma_wait3A_2524 : memref<100000xf32, #tpu.memory_space<vmem_shared>>) dst(%dma_wait3A_2519 : memref<128xf32, #tpu.memory_space<vmem>>)
    %scan3A_2527 = arith.constant 0 : i32
    %scan3A_2528 = arith.constant 0 : i32
    %mul3A_2529 = arith.constant 16 : i32
    %mul3A_2530 = arith.muli %scan3A_2528, %mul3A_2529 : i32
    %add3A_2531 = arith.constant 768 : i32
    %add3A_2532 = arith.addi %add3A_2531, %mul3A_2530 : i32
    %add3A_2533 = vector.broadcast %add3A_2532 : i32 to vector<16xi32>
    %add3A_2534 = arith.addi %iota3A, %add3A_2533 : vector<16xi32>
    %mul3A_2535 = arith.constant 16 : i32
    %mul3A_2536 = arith.muli %scan3A_2528, %mul3A_2535 : i32
    %get3A_2537 = arith.constant 6 : i32
    %get3A_2538 = arith.index_cast %get3A_2537 : i32 to index
    %get3A_2539 = arith.index_cast %mul3A_2536 : i32 to index
    %get3A_2540 = tpu.vector_load %arg10[%get3A_2538, %get3A_2539] {strides = array<i32>} : memref<8x128xf32, #tpu.memory_space<vmem>>, vector<16xf32>,
    %get3A_2541 = arith.constant 6 : i32
    %get3A_2542 = arith.index_cast %get3A_2541 : i32 to index
    %get3A_2543 = arith.index_cast %mul3A_2536 : i32 to index
    %get3A_2544 = tpu.vector_load %arg11[%get3A_2542, %get3A_2543] {strides = array<i32>} : memref<8x128xf32, #tpu.memory_space<vmem>>, vector<16xf32>,
    %get3A_2545 = arith.index_cast %add3A_2532 : i32 to index
    %get3A_2546 = tpu.vector_load %arg9[%get3A_2545] {strides = array<i32>} : memref<1024xi32, #tpu.memory_space<vmem>>, vector<16xi32>,
    %add3A_2547 = arith.constant 1 : i32
    %add3A_2548 = vector.broadcast %add3A_2547 : i32 to vector<16xi32>
    %add3A_2549 = arith.addi %add3A_2534, %add3A_2548 : vector<16xi32>
    %min3A_2550 = arith.constant 1023 : i32
    %min3A_2551 = vector.broadcast %min3A_2550 : i32 to vector<16xi32>
    %min3A_2552 = arith.minsi %add3A_2549, %min3A_2551 : vector<16xi32>
    %gather3A_2553 = tpu.vector_load_idx %arg9[%min3A_2552] : memref<1024xi32, #tpu.memory_space<vmem>>[vector<16xi32>], vector<16xi32>,
    %exp3A_2554 = math.exp %get3A_2540 : vector<16xf32>
    %mul3A_2555 = arith.mulf %exp3A_2554, %get3A_2544 : vector<16xf32>
    %broadcast_in_dim3A_2556 = arith.constant true
    %broadcast_in_dim3A_2557 = vector.broadcast %broadcast_in_dim3A_2556 : i1 to vector<16xi1>
    %masked_cumsum3A_2558 = tpu.scan <sum>, %exp3A_2554 masked %broadcast_in_dim3A_2557 : vector<16xf32>, vector<16xi1> -> vector<16xf32>
    %broadcast_in_dim3A_2559 = arith.constant true
    %broadcast_in_dim3A_2560 = vector.broadcast %broadcast_in_dim3A_2559 : i1 to vector<16xi1>
    %masked_cumsum3A_2561 = tpu.scan <sum>, %mul3A_2555 masked %broadcast_in_dim3A_2560 : vector<16xf32>, vector<16xi1> -> vector<16xf32>
    %ne3A_2562 = arith.cmpi ne, %get3A_2546, %gather3A_2553 : vector<16xi32>
    %or3A_2563 = arith.ori %ne3A_2562, %eq3A_230 : vector<16xi1>
    %and3A_2564 = arith.andi %ne3A_2562, %lt3A_228 : vector<16xi1>
    tpu.vector_store_idx %arg13[%get3A_2546], %masked_cumsum3A_2558 masked %or3A_2563 {add = true} : memref<16xf32, #tpu.memory_space<vmem>>[vector<16xi32>], vector<16xf32>, vector<16xi1>
    tpu.vector_store_idx %arg12[%get3A_2546], %masked_cumsum3A_2561 masked %or3A_2563 {add = true} : memref<16xf32, #tpu.memory_space<vmem>>[vector<16xi32>], vector<16xf32>, vector<16xi1>
    %neg3A_2565 = arith.constant 0.000000e+00 : f32
    %neg3A_2566 = vector.broadcast %neg3A_2565 : f32 to vector<16xf32>
    %neg3A_2567 = arith.subf %neg3A_2566, %masked_cumsum3A_2558 : vector<16xf32>
    tpu.vector_store_idx %arg13[%gather3A_2553], %neg3A_2567 masked %and3A_2564 {add = true} : memref<16xf32, #tpu.memory_space<vmem>>[vector<16xi32>], vector<16xf32>, vector<16xi1>
    %neg3A_2568 = arith.constant 0.000000e+00 : f32
    %neg3A_2569 = vector.broadcast %neg3A_2568 : f32 to vector<16xf32>
    %neg3A_2570 = arith.subf %neg3A_2569, %masked_cumsum3A_2561 : vector<16xf32>
    tpu.vector_store_idx %arg12[%gather3A_2553], %neg3A_2570 masked %and3A_2564 {add = true} : memref<16xf32, #tpu.memory_space<vmem>>[vector<16xi32>], vector<16xf32>, vector<16xi1>
    %scan3A_2571 = arith.constant 0 : i32
    %scan3A_2572 = arith.constant 1 : i32
    %mul3A_2573 = arith.constant 16 : i32
    %mul3A_2574 = arith.muli %scan3A_2572, %mul3A_2573 : i32
    %add3A_2575 = arith.constant 768 : i32
    %add3A_2576 = arith.addi %add3A_2575, %mul3A_2574 : i32
    %add3A_2577 = vector.broadcast %add3A_2576 : i32 to vector<16xi32>
    %add3A_2578 = arith.addi %iota3A, %add3A_2577 : vector<16xi32>
    %mul3A_2579 = arith.constant 16 : i32
    %mul3A_2580 = arith.muli %scan3A_2572, %mul3A_2579 : i32
    %get3A_2581 = arith.constant 6 : i32
    %get3A_2582 = arith.index_cast %get3A_2581 : i32 to index
    %get3A_2583 = arith.index_cast %mul3A_2580 : i32 to index
    %get3A_2584 = tpu.vector_load %arg10[%get3A_2582, %get3A_2583] {strides = array<i32>} : memref<8x128xf32, #tpu.memory_space<vmem>>, vector<16xf32>,
    %get3A_2585 = arith.constant 6 : i32
    %get3A_2586 = arith.index_cast %get3A_2585 : i32 to index
    %get3A_2587 = arith.index_cast %mul3A_2580 : i32 to index
    %get3A_2588 = tpu.vector_load %arg11[%get3A_2586, %get3A_2587] {strides = array<i32>} : memref<8x128xf32, #tpu.memory_space<vmem>>, vector<16xf32>,
    %get3A_2589 = arith.index_cast %add3A_2576 : i32 to index
    %get3A_2590 = tpu.vector_load %arg9[%get3A_2589] {strides = array<i32>} : memref<1024xi32, #tpu.memory_space<vmem>>, vector<16xi32>,
    %add3A_2591 = arith.constant 1 : i32
    %add3A_2592 = vector.broadcast %add3A_2591 : i32 to vector<16xi32>
    %add3A_2593 = arith.addi %add3A_2578, %add3A_2592 : vector<16xi32>
    %min3A_2594 = arith.constant 1023 : i32
    %min3A_2595 = vector.broadcast %min3A_2594 : i32 to vector<16xi32>
    %min3A_2596 = arith.minsi %add3A_2593, %min3A_2595 : vector<16xi32>
    %gather3A_2597 = tpu.vector_load_idx %arg9[%min3A_2596] : memref<1024xi32, #tpu.memory_space<vmem>>[vector<16xi32>], vector<16xi32>,
    %exp3A_2598 = math.exp %get3A_2584 : vector<16xf32>
    %mul3A_2599 = arith.mulf %exp3A_2598, %get3A_2588 : vector<16xf32>
    %broadcast_in_dim3A_2600 = arith.constant true
    %broadcast_in_dim3A_2601 = vector.broadcast %broadcast_in_dim3A_2600 : i1 to vector<16xi1>
    %masked_cumsum3A_2602 = tpu.scan <sum>, %exp3A_2598 masked %broadcast_in_dim3A_2601 : vector<16xf32>, vector<16xi1> -> vector<16xf32>
    %broadcast_in_dim3A_2603 = arith.constant true
    %broadcast_in_dim3A_2604 = vector.broadcast %broadcast_in_dim3A_2603 : i1 to vector<16xi1>
    %masked_cumsum3A_2605 = tpu.scan <sum>, %mul3A_2599 masked %broadcast_in_dim3A_2604 : vector<16xf32>, vector<16xi1> -> vector<16xf32>
    %ne3A_2606 = arith.cmpi ne, %get3A_2590, %gather3A_2597 : vector<16xi32>
    %or3A_2607 = arith.ori %ne3A_2606, %eq3A_230 : vector<16xi1>
    %and3A_2608 = arith.andi %ne3A_2606, %lt3A_228 : vector<16xi1>
    tpu.vector_store_idx %arg13[%get3A_2590], %masked_cumsum3A_2602 masked %or3A_2607 {add = true} : memref<16xf32, #tpu.memory_space<vmem>>[vector<16xi32>], vector<16xf32>, vector<16xi1>
    tpu.vector_store_idx %arg12[%get3A_2590], %masked_cumsum3A_2605 masked %or3A_2607 {add = true} : memref<16xf32, #tpu.memory_space<vmem>>[vector<16xi32>], vector<16xf32>, vector<16xi1>
    %neg3A_2609 = arith.constant 0.000000e+00 : f32
    %neg3A_2610 = vector.broadcast %neg3A_2609 : f32 to vector<16xf32>
    %neg3A_2611 = arith.subf %neg3A_2610, %masked_cumsum3A_2602 : vector<16xf32>
    tpu.vector_store_idx %arg13[%gather3A_2597], %neg3A_2611 masked %and3A_2608 {add = true} : memref<16xf32, #tpu.memory_space<vmem>>[vector<16xi32>], vector<16xf32>, vector<16xi1>
    %neg3A_2612 = arith.constant 0.000000e+00 : f32
    %neg3A_2613 = vector.broadcast %neg3A_2612 : f32 to vector<16xf32>
    %neg3A_2614 = arith.subf %neg3A_2613, %masked_cumsum3A_2605 : vector<16xf32>
    tpu.vector_store_idx %arg12[%gather3A_2597], %neg3A_2614 masked %and3A_2608 {add = true} : memref<16xf32, #tpu.memory_space<vmem>>[vector<16xi32>], vector<16xf32>, vector<16xi1>
    %scan3A_2615 = arith.constant 0 : i32
    %scan3A_2616 = arith.constant 2 : i32
    %mul3A_2617 = arith.constant 16 : i32
    %mul3A_2618 = arith.muli %scan3A_2616, %mul3A_2617 : i32
    %add3A_2619 = arith.constant 768 : i32
    %add3A_2620 = arith.addi %add3A_2619, %mul3A_2618 : i32
    %add3A_2621 = vector.broadcast %add3A_2620 : i32 to vector<16xi32>
    %add3A_2622 = arith.addi %iota3A, %add3A_2621 : vector<16xi32>
    %mul3A_2623 = arith.constant 16 : i32
    %mul3A_2624 = arith.muli %scan3A_2616, %mul3A_2623 : i32
    %get3A_2625 = arith.constant 6 : i32
    %get3A_2626 = arith.index_cast %get3A_2625 : i32 to index
    %get3A_2627 = arith.index_cast %mul3A_2624 : i32 to index
    %get3A_2628 = tpu.vector_load %arg10[%get3A_2626, %get3A_2627] {strides = array<i32>} : memref<8x128xf32, #tpu.memory_space<vmem>>, vector<16xf32>,
    %get3A_2629 = arith.constant 6 : i32
    %get3A_2630 = arith.index_cast %get3A_2629 : i32 to index
    %get3A_2631 = arith.index_cast %mul3A_2624 : i32 to index
    %get3A_2632 = tpu.vector_load %arg11[%get3A_2630, %get3A_2631] {strides = array<i32>} : memref<8x128xf32, #tpu.memory_space<vmem>>, vector<16xf32>,
    %get3A_2633 = arith.index_cast %add3A_2620 : i32 to index
    %get3A_2634 = tpu.vector_load %arg9[%get3A_2633] {strides = array<i32>} : memref<1024xi32, #tpu.memory_space<vmem>>, vector<16xi32>,
    %add3A_2635 = arith.constant 1 : i32
    %add3A_2636 = vector.broadcast %add3A_2635 : i32 to vector<16xi32>
    %add3A_2637 = arith.addi %add3A_2622, %add3A_2636 : vector<16xi32>
    %min3A_2638 = arith.constant 1023 : i32
    %min3A_2639 = vector.broadcast %min3A_2638 : i32 to vector<16xi32>
    %min3A_2640 = arith.minsi %add3A_2637, %min3A_2639 : vector<16xi32>
    %gather3A_2641 = tpu.vector_load_idx %arg9[%min3A_2640] : memref<1024xi32, #tpu.memory_space<vmem>>[vector<16xi32>], vector<16xi32>,
    %exp3A_2642 = math.exp %get3A_2628 : vector<16xf32>
    %mul3A_2643 = arith.mulf %exp3A_2642, %get3A_2632 : vector<16xf32>
    %broadcast_in_dim3A_2644 = arith.constant true
    %broadcast_in_dim3A_2645 = vector.broadcast %broadcast_in_dim3A_2644 : i1 to vector<16xi1>
    %masked_cumsum3A_2646 = tpu.scan <sum>, %exp3A_2642 masked %broadcast_in_dim3A_2645 : vector<16xf32>, vector<16xi1> -> vector<16xf32>
    %broadcast_in_dim3A_2647 = arith.constant true
    %broadcast_in_dim3A_2648 = vector.broadcast %broadcast_in_dim3A_2647 : i1 to vector<16xi1>
    %masked_cumsum3A_2649 = tpu.scan <sum>, %mul3A_2643 masked %broadcast_in_dim3A_2648 : vector<16xf32>, vector<16xi1> -> vector<16xf32>
    %ne3A_2650 = arith.cmpi ne, %get3A_2634, %gather3A_2641 : vector<16xi32>
    %or3A_2651 = arith.ori %ne3A_2650, %eq3A_230 : vector<16xi1>
    %and3A_2652 = arith.andi %ne3A_2650, %lt3A_228 : vector<16xi1>
    tpu.vector_store_idx %arg13[%get3A_2634], %masked_cumsum3A_2646 masked %or3A_2651 {add = true} : memref<16xf32, #tpu.memory_space<vmem>>[vector<16xi32>], vector<16xf32>, vector<16xi1>
    tpu.vector_store_idx %arg12[%get3A_2634], %masked_cumsum3A_2649 masked %or3A_2651 {add = true} : memref<16xf32, #tpu.memory_space<vmem>>[vector<16xi32>], vector<16xf32>, vector<16xi1>
    %neg3A_2653 = arith.constant 0.000000e+00 : f32
    %neg3A_2654 = vector.broadcast %neg3A_2653 : f32 to vector<16xf32>
    %neg3A_2655 = arith.subf %neg3A_2654, %masked_cumsum3A_2646 : vector<16xf32>
    tpu.vector_store_idx %arg13[%gather3A_2641], %neg3A_2655 masked %and3A_2652 {add = true} : memref<16xf32, #tpu.memory_space<vmem>>[vector<16xi32>], vector<16xf32>, vector<16xi1>
    %neg3A_2656 = arith.constant 0.000000e+00 : f32
    %neg3A_2657 = vector.broadcast %neg3A_2656 : f32 to vector<16xf32>
    %neg3A_2658 = arith.subf %neg3A_2657, %masked_cumsum3A_2649 : vector<16xf32>
    tpu.vector_store_idx %arg12[%gather3A_2641], %neg3A_2658 masked %and3A_2652 {add = true} : memref<16xf32, #tpu.memory_space<vmem>>[vector<16xi32>], vector<16xf32>, vector<16xi1>
    %scan3A_2659 = arith.constant 0 : i32
    %scan3A_2660 = arith.constant 3 : i32
    %mul3A_2661 = arith.constant 16 : i32
    %mul3A_2662 = arith.muli %scan3A_2660, %mul3A_2661 : i32
    %add3A_2663 = arith.constant 768 : i32
    %add3A_2664 = arith.addi %add3A_2663, %mul3A_2662 : i32
    %add3A_2665 = vector.broadcast %add3A_2664 : i32 to vector<16xi32>
    %add3A_2666 = arith.addi %iota3A, %add3A_2665 : vector<16xi32>
    %mul3A_2667 = arith.constant 16 : i32
    %mul3A_2668 = arith.muli %scan3A_2660, %mul3A_2667 : i32
    %get3A_2669 = arith.constant 6 : i32
    %get3A_2670 = arith.index_cast %get3A_2669 : i32 to index
    %get3A_2671 = arith.index_cast %mul3A_2668 : i32 to index
    %get3A_2672 = tpu.vector_load %arg10[%get3A_2670, %get3A_2671] {strides = array<i32>} : memref<8x128xf32, #tpu.memory_space<vmem>>, vector<16xf32>,
    %get3A_2673 = arith.constant 6 : i32
    %get3A_2674 = arith.index_cast %get3A_2673 : i32 to index
    %get3A_2675 = arith.index_cast %mul3A_2668 : i32 to index
    %get3A_2676 = tpu.vector_load %arg11[%get3A_2674, %get3A_2675] {strides = array<i32>} : memref<8x128xf32, #tpu.memory_space<vmem>>, vector<16xf32>,
    %get3A_2677 = arith.index_cast %add3A_2664 : i32 to index
    %get3A_2678 = tpu.vector_load %arg9[%get3A_2677] {strides = array<i32>} : memref<1024xi32, #tpu.memory_space<vmem>>, vector<16xi32>,
    %add3A_2679 = arith.constant 1 : i32
    %add3A_2680 = vector.broadcast %add3A_2679 : i32 to vector<16xi32>
    %add3A_2681 = arith.addi %add3A_2666, %add3A_2680 : vector<16xi32>
    %min3A_2682 = arith.constant 1023 : i32
    %min3A_2683 = vector.broadcast %min3A_2682 : i32 to vector<16xi32>
    %min3A_2684 = arith.minsi %add3A_2681, %min3A_2683 : vector<16xi32>
    %gather3A_2685 = tpu.vector_load_idx %arg9[%min3A_2684] : memref<1024xi32, #tpu.memory_space<vmem>>[vector<16xi32>], vector<16xi32>,
    %exp3A_2686 = math.exp %get3A_2672 : vector<16xf32>
    %mul3A_2687 = arith.mulf %exp3A_2686, %get3A_2676 : vector<16xf32>
    %broadcast_in_dim3A_2688 = arith.constant true
    %broadcast_in_dim3A_2689 = vector.broadcast %broadcast_in_dim3A_2688 : i1 to vector<16xi1>
    %masked_cumsum3A_2690 = tpu.scan <sum>, %exp3A_2686 masked %broadcast_in_dim3A_2689 : vector<16xf32>, vector<16xi1> -> vector<16xf32>
    %broadcast_in_dim3A_2691 = arith.constant true
    %broadcast_in_dim3A_2692 = vector.broadcast %broadcast_in_dim3A_2691 : i1 to vector<16xi1>
    %masked_cumsum3A_2693 = tpu.scan <sum>, %mul3A_2687 masked %broadcast_in_dim3A_2692 : vector<16xf32>, vector<16xi1> -> vector<16xf32>
    %ne3A_2694 = arith.cmpi ne, %get3A_2678, %gather3A_2685 : vector<16xi32>
    %or3A_2695 = arith.ori %ne3A_2694, %eq3A_230 : vector<16xi1>
    %and3A_2696 = arith.andi %ne3A_2694, %lt3A_228 : vector<16xi1>
    tpu.vector_store_idx %arg13[%get3A_2678], %masked_cumsum3A_2690 masked %or3A_2695 {add = true} : memref<16xf32, #tpu.memory_space<vmem>>[vector<16xi32>], vector<16xf32>, vector<16xi1>
    tpu.vector_store_idx %arg12[%get3A_2678], %masked_cumsum3A_2693 masked %or3A_2695 {add = true} : memref<16xf32, #tpu.memory_space<vmem>>[vector<16xi32>], vector<16xf32>, vector<16xi1>
    %neg3A_2697 = arith.constant 0.000000e+00 : f32
    %neg3A_2698 = vector.broadcast %neg3A_2697 : f32 to vector<16xf32>
    %neg3A_2699 = arith.subf %neg3A_2698, %masked_cumsum3A_2690 : vector<16xf32>
    tpu.vector_store_idx %arg13[%gather3A_2685], %neg3A_2699 masked %and3A_2696 {add = true} : memref<16xf32, #tpu.memory_space<vmem>>[vector<16xi32>], vector<16xf32>, vector<16xi1>
    %neg3A_2700 = arith.constant 0.000000e+00 : f32
    %neg3A_2701 = vector.broadcast %neg3A_2700 : f32 to vector<16xf32>
    %neg3A_2702 = arith.subf %neg3A_2701, %masked_cumsum3A_2693 : vector<16xf32>
    tpu.vector_store_idx %arg12[%gather3A_2685], %neg3A_2702 masked %and3A_2696 {add = true} : memref<16xf32, #tpu.memory_space<vmem>>[vector<16xi32>], vector<16xf32>, vector<16xi1>
    %scan3A_2703 = arith.constant 0 : i32
    %scan3A_2704 = arith.constant 4 : i32
    %mul3A_2705 = arith.constant 16 : i32
    %mul3A_2706 = arith.muli %scan3A_2704, %mul3A_2705 : i32
    %add3A_2707 = arith.constant 768 : i32
    %add3A_2708 = arith.addi %add3A_2707, %mul3A_2706 : i32
    %add3A_2709 = vector.broadcast %add3A_2708 : i32 to vector<16xi32>
    %add3A_2710 = arith.addi %iota3A, %add3A_2709 : vector<16xi32>
    %mul3A_2711 = arith.constant 16 : i32
    %mul3A_2712 = arith.muli %scan3A_2704, %mul3A_2711 : i32
    %get3A_2713 = arith.constant 6 : i32
    %get3A_2714 = arith.index_cast %get3A_2713 : i32 to index
    %get3A_2715 = arith.index_cast %mul3A_2712 : i32 to index
    %get3A_2716 = tpu.vector_load %arg10[%get3A_2714, %get3A_2715] {strides = array<i32>} : memref<8x128xf32, #tpu.memory_space<vmem>>, vector<16xf32>,
    %get3A_2717 = arith.constant 6 : i32
    %get3A_2718 = arith.index_cast %get3A_2717 : i32 to index
    %get3A_2719 = arith.index_cast %mul3A_2712 : i32 to index
    %get3A_2720 = tpu.vector_load %arg11[%get3A_2718, %get3A_2719] {strides = array<i32>} : memref<8x128xf32, #tpu.memory_space<vmem>>, vector<16xf32>,
    %get3A_2721 = arith.index_cast %add3A_2708 : i32 to index
    %get3A_2722 = tpu.vector_load %arg9[%get3A_2721] {strides = array<i32>} : memref<1024xi32, #tpu.memory_space<vmem>>, vector<16xi32>,
    %add3A_2723 = arith.constant 1 : i32
    %add3A_2724 = vector.broadcast %add3A_2723 : i32 to vector<16xi32>
    %add3A_2725 = arith.addi %add3A_2710, %add3A_2724 : vector<16xi32>
    %min3A_2726 = arith.constant 1023 : i32
    %min3A_2727 = vector.broadcast %min3A_2726 : i32 to vector<16xi32>
    %min3A_2728 = arith.minsi %add3A_2725, %min3A_2727 : vector<16xi32>
    %gather3A_2729 = tpu.vector_load_idx %arg9[%min3A_2728] : memref<1024xi32, #tpu.memory_space<vmem>>[vector<16xi32>], vector<16xi32>,
    %exp3A_2730 = math.exp %get3A_2716 : vector<16xf32>
    %mul3A_2731 = arith.mulf %exp3A_2730, %get3A_2720 : vector<16xf32>
    %broadcast_in_dim3A_2732 = arith.constant true
    %broadcast_in_dim3A_2733 = vector.broadcast %broadcast_in_dim3A_2732 : i1 to vector<16xi1>
    %masked_cumsum3A_2734 = tpu.scan <sum>, %exp3A_2730 masked %broadcast_in_dim3A_2733 : vector<16xf32>, vector<16xi1> -> vector<16xf32>
    %broadcast_in_dim3A_2735 = arith.constant true
    %broadcast_in_dim3A_2736 = vector.broadcast %broadcast_in_dim3A_2735 : i1 to vector<16xi1>
    %masked_cumsum3A_2737 = tpu.scan <sum>, %mul3A_2731 masked %broadcast_in_dim3A_2736 : vector<16xf32>, vector<16xi1> -> vector<16xf32>
    %ne3A_2738 = arith.cmpi ne, %get3A_2722, %gather3A_2729 : vector<16xi32>
    %or3A_2739 = arith.ori %ne3A_2738, %eq3A_230 : vector<16xi1>
    %and3A_2740 = arith.andi %ne3A_2738, %lt3A_228 : vector<16xi1>
    tpu.vector_store_idx %arg13[%get3A_2722], %masked_cumsum3A_2734 masked %or3A_2739 {add = true} : memref<16xf32, #tpu.memory_space<vmem>>[vector<16xi32>], vector<16xf32>, vector<16xi1>
    tpu.vector_store_idx %arg12[%get3A_2722], %masked_cumsum3A_2737 masked %or3A_2739 {add = true} : memref<16xf32, #tpu.memory_space<vmem>>[vector<16xi32>], vector<16xf32>, vector<16xi1>
    %neg3A_2741 = arith.constant 0.000000e+00 : f32
    %neg3A_2742 = vector.broadcast %neg3A_2741 : f32 to vector<16xf32>
    %neg3A_2743 = arith.subf %neg3A_2742, %masked_cumsum3A_2734 : vector<16xf32>
    tpu.vector_store_idx %arg13[%gather3A_2729], %neg3A_2743 masked %and3A_2740 {add = true} : memref<16xf32, #tpu.memory_space<vmem>>[vector<16xi32>], vector<16xf32>, vector<16xi1>
    %neg3A_2744 = arith.constant 0.000000e+00 : f32
    %neg3A_2745 = vector.broadcast %neg3A_2744 : f32 to vector<16xf32>
    %neg3A_2746 = arith.subf %neg3A_2745, %masked_cumsum3A_2737 : vector<16xf32>
    tpu.vector_store_idx %arg12[%gather3A_2729], %neg3A_2746 masked %and3A_2740 {add = true} : memref<16xf32, #tpu.memory_space<vmem>>[vector<16xi32>], vector<16xf32>, vector<16xi1>
    %scan3A_2747 = arith.constant 0 : i32
    %scan3A_2748 = arith.constant 5 : i32
    %mul3A_2749 = arith.constant 16 : i32
    %mul3A_2750 = arith.muli %scan3A_2748, %mul3A_2749 : i32
    %add3A_2751 = arith.constant 768 : i32
    %add3A_2752 = arith.addi %add3A_2751, %mul3A_2750 : i32
    %add3A_2753 = vector.broadcast %add3A_2752 : i32 to vector<16xi32>
    %add3A_2754 = arith.addi %iota3A, %add3A_2753 : vector<16xi32>
    %mul3A_2755 = arith.constant 16 : i32
    %mul3A_2756 = arith.muli %scan3A_2748, %mul3A_2755 : i32
    %get3A_2757 = arith.constant 6 : i32
    %get3A_2758 = arith.index_cast %get3A_2757 : i32 to index
    %get3A_2759 = arith.index_cast %mul3A_2756 : i32 to index
    %get3A_2760 = tpu.vector_load %arg10[%get3A_2758, %get3A_2759] {strides = array<i32>} : memref<8x128xf32, #tpu.memory_space<vmem>>, vector<16xf32>,
    %get3A_2761 = arith.constant 6 : i32
    %get3A_2762 = arith.index_cast %get3A_2761 : i32 to index
    %get3A_2763 = arith.index_cast %mul3A_2756 : i32 to index
    %get3A_2764 = tpu.vector_load %arg11[%get3A_2762, %get3A_2763] {strides = array<i32>} : memref<8x128xf32, #tpu.memory_space<vmem>>, vector<16xf32>,
    %get3A_2765 = arith.index_cast %add3A_2752 : i32 to index
    %get3A_2766 = tpu.vector_load %arg9[%get3A_2765] {strides = array<i32>} : memref<1024xi32, #tpu.memory_space<vmem>>, vector<16xi32>,
    %add3A_2767 = arith.constant 1 : i32
    %add3A_2768 = vector.broadcast %add3A_2767 : i32 to vector<16xi32>
    %add3A_2769 = arith.addi %add3A_2754, %add3A_2768 : vector<16xi32>
    %min3A_2770 = arith.constant 1023 : i32
    %min3A_2771 = vector.broadcast %min3A_2770 : i32 to vector<16xi32>
    %min3A_2772 = arith.minsi %add3A_2769, %min3A_2771 : vector<16xi32>
    %gather3A_2773 = tpu.vector_load_idx %arg9[%min3A_2772] : memref<1024xi32, #tpu.memory_space<vmem>>[vector<16xi32>], vector<16xi32>,
    %exp3A_2774 = math.exp %get3A_2760 : vector<16xf32>
    %mul3A_2775 = arith.mulf %exp3A_2774, %get3A_2764 : vector<16xf32>
    %broadcast_in_dim3A_2776 = arith.constant true
    %broadcast_in_dim3A_2777 = vector.broadcast %broadcast_in_dim3A_2776 : i1 to vector<16xi1>
    %masked_cumsum3A_2778 = tpu.scan <sum>, %exp3A_2774 masked %broadcast_in_dim3A_2777 : vector<16xf32>, vector<16xi1> -> vector<16xf32>
    %broadcast_in_dim3A_2779 = arith.constant true
    %broadcast_in_dim3A_2780 = vector.broadcast %broadcast_in_dim3A_2779 : i1 to vector<16xi1>
    %masked_cumsum3A_2781 = tpu.scan <sum>, %mul3A_2775 masked %broadcast_in_dim3A_2780 : vector<16xf32>, vector<16xi1> -> vector<16xf32>
    %ne3A_2782 = arith.cmpi ne, %get3A_2766, %gather3A_2773 : vector<16xi32>
    %or3A_2783 = arith.ori %ne3A_2782, %eq3A_230 : vector<16xi1>
    %and3A_2784 = arith.andi %ne3A_2782, %lt3A_228 : vector<16xi1>
    tpu.vector_store_idx %arg13[%get3A_2766], %masked_cumsum3A_2778 masked %or3A_2783 {add = true} : memref<16xf32, #tpu.memory_space<vmem>>[vector<16xi32>], vector<16xf32>, vector<16xi1>
    tpu.vector_store_idx %arg12[%get3A_2766], %masked_cumsum3A_2781 masked %or3A_2783 {add = true} : memref<16xf32, #tpu.memory_space<vmem>>[vector<16xi32>], vector<16xf32>, vector<16xi1>
    %neg3A_2785 = arith.constant 0.000000e+00 : f32
    %neg3A_2786 = vector.broadcast %neg3A_2785 : f32 to vector<16xf32>
    %neg3A_2787 = arith.subf %neg3A_2786, %masked_cumsum3A_2778 : vector<16xf32>
    tpu.vector_store_idx %arg13[%gather3A_2773], %neg3A_2787 masked %and3A_2784 {add = true} : memref<16xf32, #tpu.memory_space<vmem>>[vector<16xi32>], vector<16xf32>, vector<16xi1>
    %neg3A_2788 = arith.constant 0.000000e+00 : f32
    %neg3A_2789 = vector.broadcast %neg3A_2788 : f32 to vector<16xf32>
    %neg3A_2790 = arith.subf %neg3A_2789, %masked_cumsum3A_2781 : vector<16xf32>
    tpu.vector_store_idx %arg12[%gather3A_2773], %neg3A_2790 masked %and3A_2784 {add = true} : memref<16xf32, #tpu.memory_space<vmem>>[vector<16xi32>], vector<16xf32>, vector<16xi1>
    %scan3A_2791 = arith.constant 0 : i32
    %scan3A_2792 = arith.constant 6 : i32
    %mul3A_2793 = arith.constant 16 : i32
    %mul3A_2794 = arith.muli %scan3A_2792, %mul3A_2793 : i32
    %add3A_2795 = arith.constant 768 : i32
    %add3A_2796 = arith.addi %add3A_2795, %mul3A_2794 : i32
    %add3A_2797 = vector.broadcast %add3A_2796 : i32 to vector<16xi32>
    %add3A_2798 = arith.addi %iota3A, %add3A_2797 : vector<16xi32>
    %mul3A_2799 = arith.constant 16 : i32
    %mul3A_2800 = arith.muli %scan3A_2792, %mul3A_2799 : i32
    %get3A_2801 = arith.constant 6 : i32
    %get3A_2802 = arith.index_cast %get3A_2801 : i32 to index
    %get3A_2803 = arith.index_cast %mul3A_2800 : i32 to index
    %get3A_2804 = tpu.vector_load %arg10[%get3A_2802, %get3A_2803] {strides = array<i32>} : memref<8x128xf32, #tpu.memory_space<vmem>>, vector<16xf32>,
    %get3A_2805 = arith.constant 6 : i32
    %get3A_2806 = arith.index_cast %get3A_2805 : i32 to index
    %get3A_2807 = arith.index_cast %mul3A_2800 : i32 to index
    %get3A_2808 = tpu.vector_load %arg11[%get3A_2806, %get3A_2807] {strides = array<i32>} : memref<8x128xf32, #tpu.memory_space<vmem>>, vector<16xf32>,
    %get3A_2809 = arith.index_cast %add3A_2796 : i32 to index
    %get3A_2810 = tpu.vector_load %arg9[%get3A_2809] {strides = array<i32>} : memref<1024xi32, #tpu.memory_space<vmem>>, vector<16xi32>,
    %add3A_2811 = arith.constant 1 : i32
    %add3A_2812 = vector.broadcast %add3A_2811 : i32 to vector<16xi32>
    %add3A_2813 = arith.addi %add3A_2798, %add3A_2812 : vector<16xi32>
    %min3A_2814 = arith.constant 1023 : i32
    %min3A_2815 = vector.broadcast %min3A_2814 : i32 to vector<16xi32>
    %min3A_2816 = arith.minsi %add3A_2813, %min3A_2815 : vector<16xi32>
    %gather3A_2817 = tpu.vector_load_idx %arg9[%min3A_2816] : memref<1024xi32, #tpu.memory_space<vmem>>[vector<16xi32>], vector<16xi32>,
    %exp3A_2818 = math.exp %get3A_2804 : vector<16xf32>
    %mul3A_2819 = arith.mulf %exp3A_2818, %get3A_2808 : vector<16xf32>
    %broadcast_in_dim3A_2820 = arith.constant true
    %broadcast_in_dim3A_2821 = vector.broadcast %broadcast_in_dim3A_2820 : i1 to vector<16xi1>
    %masked_cumsum3A_2822 = tpu.scan <sum>, %exp3A_2818 masked %broadcast_in_dim3A_2821 : vector<16xf32>, vector<16xi1> -> vector<16xf32>
    %broadcast_in_dim3A_2823 = arith.constant true
    %broadcast_in_dim3A_2824 = vector.broadcast %broadcast_in_dim3A_2823 : i1 to vector<16xi1>
    %masked_cumsum3A_2825 = tpu.scan <sum>, %mul3A_2819 masked %broadcast_in_dim3A_2824 : vector<16xf32>, vector<16xi1> -> vector<16xf32>
    %ne3A_2826 = arith.cmpi ne, %get3A_2810, %gather3A_2817 : vector<16xi32>
    %or3A_2827 = arith.ori %ne3A_2826, %eq3A_230 : vector<16xi1>
    %and3A_2828 = arith.andi %ne3A_2826, %lt3A_228 : vector<16xi1>
    tpu.vector_store_idx %arg13[%get3A_2810], %masked_cumsum3A_2822 masked %or3A_2827 {add = true} : memref<16xf32, #tpu.memory_space<vmem>>[vector<16xi32>], vector<16xf32>, vector<16xi1>
    tpu.vector_store_idx %arg12[%get3A_2810], %masked_cumsum3A_2825 masked %or3A_2827 {add = true} : memref<16xf32, #tpu.memory_space<vmem>>[vector<16xi32>], vector<16xf32>, vector<16xi1>
    %neg3A_2829 = arith.constant 0.000000e+00 : f32
    %neg3A_2830 = vector.broadcast %neg3A_2829 : f32 to vector<16xf32>
    %neg3A_2831 = arith.subf %neg3A_2830, %masked_cumsum3A_2822 : vector<16xf32>
    tpu.vector_store_idx %arg13[%gather3A_2817], %neg3A_2831 masked %and3A_2828 {add = true} : memref<16xf32, #tpu.memory_space<vmem>>[vector<16xi32>], vector<16xf32>, vector<16xi1>
    %neg3A_2832 = arith.constant 0.000000e+00 : f32
    %neg3A_2833 = vector.broadcast %neg3A_2832 : f32 to vector<16xf32>
    %neg3A_2834 = arith.subf %neg3A_2833, %masked_cumsum3A_2825 : vector<16xf32>
    tpu.vector_store_idx %arg12[%gather3A_2817], %neg3A_2834 masked %and3A_2828 {add = true} : memref<16xf32, #tpu.memory_space<vmem>>[vector<16xi32>], vector<16xf32>, vector<16xi1>
    %scan3A_2835 = arith.constant 0 : i32
    %scan3A_2836 = arith.constant 7 : i32
    %mul3A_2837 = arith.constant 16 : i32
    %mul3A_2838 = arith.muli %scan3A_2836, %mul3A_2837 : i32
    %add3A_2839 = arith.constant 768 : i32
    %add3A_2840 = arith.addi %add3A_2839, %mul3A_2838 : i32
    %add3A_2841 = vector.broadcast %add3A_2840 : i32 to vector<16xi32>
    %add3A_2842 = arith.addi %iota3A, %add3A_2841 : vector<16xi32>
    %mul3A_2843 = arith.constant 16 : i32
    %mul3A_2844 = arith.muli %scan3A_2836, %mul3A_2843 : i32
    %get3A_2845 = arith.constant 6 : i32
    %get3A_2846 = arith.index_cast %get3A_2845 : i32 to index
    %get3A_2847 = arith.index_cast %mul3A_2844 : i32 to index
    %get3A_2848 = tpu.vector_load %arg10[%get3A_2846, %get3A_2847] {strides = array<i32>} : memref<8x128xf32, #tpu.memory_space<vmem>>, vector<16xf32>,
    %get3A_2849 = arith.constant 6 : i32
    %get3A_2850 = arith.index_cast %get3A_2849 : i32 to index
    %get3A_2851 = arith.index_cast %mul3A_2844 : i32 to index
    %get3A_2852 = tpu.vector_load %arg11[%get3A_2850, %get3A_2851] {strides = array<i32>} : memref<8x128xf32, #tpu.memory_space<vmem>>, vector<16xf32>,
    %get3A_2853 = arith.index_cast %add3A_2840 : i32 to index
    %get3A_2854 = tpu.vector_load %arg9[%get3A_2853] {strides = array<i32>} : memref<1024xi32, #tpu.memory_space<vmem>>, vector<16xi32>,
    %add3A_2855 = arith.constant 1 : i32
    %add3A_2856 = vector.broadcast %add3A_2855 : i32 to vector<16xi32>
    %add3A_2857 = arith.addi %add3A_2842, %add3A_2856 : vector<16xi32>
    %min3A_2858 = arith.constant 1023 : i32
    %min3A_2859 = vector.broadcast %min3A_2858 : i32 to vector<16xi32>
    %min3A_2860 = arith.minsi %add3A_2857, %min3A_2859 : vector<16xi32>
    %gather3A_2861 = tpu.vector_load_idx %arg9[%min3A_2860] : memref<1024xi32, #tpu.memory_space<vmem>>[vector<16xi32>], vector<16xi32>,
    %exp3A_2862 = math.exp %get3A_2848 : vector<16xf32>
    %mul3A_2863 = arith.mulf %exp3A_2862, %get3A_2852 : vector<16xf32>
    %broadcast_in_dim3A_2864 = arith.constant true
    %broadcast_in_dim3A_2865 = vector.broadcast %broadcast_in_dim3A_2864 : i1 to vector<16xi1>
    %masked_cumsum3A_2866 = tpu.scan <sum>, %exp3A_2862 masked %broadcast_in_dim3A_2865 : vector<16xf32>, vector<16xi1> -> vector<16xf32>
    %broadcast_in_dim3A_2867 = arith.constant true
    %broadcast_in_dim3A_2868 = vector.broadcast %broadcast_in_dim3A_2867 : i1 to vector<16xi1>
    %masked_cumsum3A_2869 = tpu.scan <sum>, %mul3A_2863 masked %broadcast_in_dim3A_2868 : vector<16xf32>, vector<16xi1> -> vector<16xf32>
    %ne3A_2870 = arith.cmpi ne, %get3A_2854, %gather3A_2861 : vector<16xi32>
    %or3A_2871 = arith.ori %ne3A_2870, %eq3A_230 : vector<16xi1>
    %and3A_2872 = arith.andi %ne3A_2870, %lt3A_228 : vector<16xi1>
    tpu.vector_store_idx %arg13[%get3A_2854], %masked_cumsum3A_2866 masked %or3A_2871 {add = true} : memref<16xf32, #tpu.memory_space<vmem>>[vector<16xi32>], vector<16xf32>, vector<16xi1>
    tpu.vector_store_idx %arg12[%get3A_2854], %masked_cumsum3A_2869 masked %or3A_2871 {add = true} : memref<16xf32, #tpu.memory_space<vmem>>[vector<16xi32>], vector<16xf32>, vector<16xi1>
    %neg3A_2873 = arith.constant 0.000000e+00 : f32
    %neg3A_2874 = vector.broadcast %neg3A_2873 : f32 to vector<16xf32>
    %neg3A_2875 = arith.subf %neg3A_2874, %masked_cumsum3A_2866 : vector<16xf32>
    tpu.vector_store_idx %arg13[%gather3A_2861], %neg3A_2875 masked %and3A_2872 {add = true} : memref<16xf32, #tpu.memory_space<vmem>>[vector<16xi32>], vector<16xf32>, vector<16xi1>
    %neg3A_2876 = arith.constant 0.000000e+00 : f32
    %neg3A_2877 = vector.broadcast %neg3A_2876 : f32 to vector<16xf32>
    %neg3A_2878 = arith.subf %neg3A_2877, %masked_cumsum3A_2869 : vector<16xf32>
    tpu.vector_store_idx %arg12[%gather3A_2861], %neg3A_2878 masked %and3A_2872 {add = true} : memref<16xf32, #tpu.memory_space<vmem>>[vector<16xi32>], vector<16xf32>, vector<16xi1>
    %scan3A_2879 = arith.constant 0 : i32
    %scan3A_2880 = arith.constant 8 : i32
    %dma_wait3A_2881 = arith.constant 15 : i32
    %dma_wait3A_2882 = arith.constant 7 : i32
    %dma_wait3A_2883 = arith.constant 7 : i32
    %dma_wait3A_2884 = arith.constant 0 : i32
    %dma_wait3A_2885 = tpu.memref_slice %arg10[%dma_wait3A_2882, %dma_wait3A_2884] : memref<8x128xf32, #tpu.memory_space<vmem>> -> memref<1x128xf32, #tpu.memory_space<vmem>>
    %dma_wait3A_2886 = tpu.memref_squeeze %dma_wait3A_2885 : memref<1x128xf32, #tpu.memory_space<vmem>> -> memref<128xf32, #tpu.memory_space<vmem>>
    %dma_wait3A_2887 = arith.constant 0 : i32
    %dma_wait3A_2888 = tpu.memref_slice %arg8[%dma_wait3A_2881, %dma_wait3A_2887] : memref<16x128xi32, #tpu.memory_space<vmem>> -> memref<1x128xi32, #tpu.memory_space<vmem>>
    %dma_wait3A_2889 = tpu.memref_squeeze %dma_wait3A_2888 : memref<1x128xi32, #tpu.memory_space<vmem>> -> memref<128xi32, #tpu.memory_space<vmem>>
    %dma_wait3A_2890 = arith.constant 0 : i32
    %dma_wait3A_2891 = tpu.memref_slice %arg14[%dma_wait3A_2890] : memref<100000xf32, #tpu.memory_space<vmem_shared>> -> memref<100000xf32, #tpu.memory_space<vmem_shared>>
    %dma_wait3A_2892 = tpu.memref_slice %arg18[%dma_wait3A_2883] : memref<8x!tpu.dma_semaphore, #tpu.memory_space<semaphore_mem>> -> memref<1x!tpu.dma_semaphore, #tpu.memory_space<semaphore_mem>>
    %dma_wait3A_2893 = tpu.memref_squeeze %dma_wait3A_2892 : memref<1x!tpu.dma_semaphore, #tpu.memory_space<semaphore_mem>> -> memref<!tpu.dma_semaphore, #tpu.memory_space<semaphore_mem>>
    tpu.wait_indirect_dma semaphore(%dma_wait3A_2893 : memref<!tpu.dma_semaphore, #tpu.memory_space<semaphore_mem>>) src(%dma_wait3A_2891 : memref<100000xf32, #tpu.memory_space<vmem_shared>>) dst(%dma_wait3A_2886 : memref<128xf32, #tpu.memory_space<vmem>>)
    %dma_wait3A_2894 = arith.constant 14 : i32
    %dma_wait3A_2895 = arith.constant 7 : i32
    %dma_wait3A_2896 = arith.constant 7 : i32
    %dma_wait3A_2897 = arith.constant 0 : i32
    %dma_wait3A_2898 = tpu.memref_slice %arg11[%dma_wait3A_2895, %dma_wait3A_2897] : memref<8x128xf32, #tpu.memory_space<vmem>> -> memref<1x128xf32, #tpu.memory_space<vmem>>
    %dma_wait3A_2899 = tpu.memref_squeeze %dma_wait3A_2898 : memref<1x128xf32, #tpu.memory_space<vmem>> -> memref<128xf32, #tpu.memory_space<vmem>>
    %dma_wait3A_2900 = arith.constant 0 : i32
    %dma_wait3A_2901 = tpu.memref_slice %arg8[%dma_wait3A_2894, %dma_wait3A_2900] : memref<16x128xi32, #tpu.memory_space<vmem>> -> memref<1x128xi32, #tpu.memory_space<vmem>>
    %dma_wait3A_2902 = tpu.memref_squeeze %dma_wait3A_2901 : memref<1x128xi32, #tpu.memory_space<vmem>> -> memref<128xi32, #tpu.memory_space<vmem>>
    %dma_wait3A_2903 = arith.constant 0 : i32
    %dma_wait3A_2904 = tpu.memref_slice %arg15[%dma_wait3A_2903] : memref<100000xf32, #tpu.memory_space<vmem_shared>> -> memref<100000xf32, #tpu.memory_space<vmem_shared>>
    %dma_wait3A_2905 = tpu.memref_slice %arg18[%dma_wait3A_2896] : memref<8x!tpu.dma_semaphore, #tpu.memory_space<semaphore_mem>> -> memref<1x!tpu.dma_semaphore, #tpu.memory_space<semaphore_mem>>
    %dma_wait3A_2906 = tpu.memref_squeeze %dma_wait3A_2905 : memref<1x!tpu.dma_semaphore, #tpu.memory_space<semaphore_mem>> -> memref<!tpu.dma_semaphore, #tpu.memory_space<semaphore_mem>>
    tpu.wait_indirect_dma semaphore(%dma_wait3A_2906 : memref<!tpu.dma_semaphore, #tpu.memory_space<semaphore_mem>>) src(%dma_wait3A_2904 : memref<100000xf32, #tpu.memory_space<vmem_shared>>) dst(%dma_wait3A_2899 : memref<128xf32, #tpu.memory_space<vmem>>)
    %scan3A_2907 = arith.constant 0 : i32
    %scan3A_2908 = arith.constant 0 : i32
    %mul3A_2909 = arith.constant 16 : i32
    %mul3A_2910 = arith.muli %scan3A_2908, %mul3A_2909 : i32
    %add3A_2911 = arith.constant 896 : i32
    %add3A_2912 = arith.addi %add3A_2911, %mul3A_2910 : i32
    %add3A_2913 = vector.broadcast %add3A_2912 : i32 to vector<16xi32>
    %add3A_2914 = arith.addi %iota3A, %add3A_2913 : vector<16xi32>
    %mul3A_2915 = arith.constant 16 : i32
    %mul3A_2916 = arith.muli %scan3A_2908, %mul3A_2915 : i32
    %get3A_2917 = arith.constant 7 : i32
    %get3A_2918 = arith.index_cast %get3A_2917 : i32 to index
    %get3A_2919 = arith.index_cast %mul3A_2916 : i32 to index
    %get3A_2920 = tpu.vector_load %arg10[%get3A_2918, %get3A_2919] {strides = array<i32>} : memref<8x128xf32, #tpu.memory_space<vmem>>, vector<16xf32>,
    %get3A_2921 = arith.constant 7 : i32
    %get3A_2922 = arith.index_cast %get3A_2921 : i32 to index
    %get3A_2923 = arith.index_cast %mul3A_2916 : i32 to index
    %get3A_2924 = tpu.vector_load %arg11[%get3A_2922, %get3A_2923] {strides = array<i32>} : memref<8x128xf32, #tpu.memory_space<vmem>>, vector<16xf32>,
    %get3A_2925 = arith.index_cast %add3A_2912 : i32 to index
    %get3A_2926 = tpu.vector_load %arg9[%get3A_2925] {strides = array<i32>} : memref<1024xi32, #tpu.memory_space<vmem>>, vector<16xi32>,
    %add3A_2927 = arith.constant 1 : i32
    %add3A_2928 = vector.broadcast %add3A_2927 : i32 to vector<16xi32>
    %add3A_2929 = arith.addi %add3A_2914, %add3A_2928 : vector<16xi32>
    %min3A_2930 = arith.constant 1023 : i32
    %min3A_2931 = vector.broadcast %min3A_2930 : i32 to vector<16xi32>
    %min3A_2932 = arith.minsi %add3A_2929, %min3A_2931 : vector<16xi32>
    %gather3A_2933 = tpu.vector_load_idx %arg9[%min3A_2932] : memref<1024xi32, #tpu.memory_space<vmem>>[vector<16xi32>], vector<16xi32>,
    %exp3A_2934 = math.exp %get3A_2920 : vector<16xf32>
    %mul3A_2935 = arith.mulf %exp3A_2934, %get3A_2924 : vector<16xf32>
    %broadcast_in_dim3A_2936 = arith.constant true
    %broadcast_in_dim3A_2937 = vector.broadcast %broadcast_in_dim3A_2936 : i1 to vector<16xi1>
    %masked_cumsum3A_2938 = tpu.scan <sum>, %exp3A_2934 masked %broadcast_in_dim3A_2937 : vector<16xf32>, vector<16xi1> -> vector<16xf32>
    %broadcast_in_dim3A_2939 = arith.constant true
    %broadcast_in_dim3A_2940 = vector.broadcast %broadcast_in_dim3A_2939 : i1 to vector<16xi1>
    %masked_cumsum3A_2941 = tpu.scan <sum>, %mul3A_2935 masked %broadcast_in_dim3A_2940 : vector<16xf32>, vector<16xi1> -> vector<16xf32>
    %ne3A_2942 = arith.cmpi ne, %get3A_2926, %gather3A_2933 : vector<16xi32>
    %or3A_2943 = arith.ori %ne3A_2942, %eq3A_230 : vector<16xi1>
    %and3A_2944 = arith.andi %ne3A_2942, %lt3A_228 : vector<16xi1>
    tpu.vector_store_idx %arg13[%get3A_2926], %masked_cumsum3A_2938 masked %or3A_2943 {add = true} : memref<16xf32, #tpu.memory_space<vmem>>[vector<16xi32>], vector<16xf32>, vector<16xi1>
    tpu.vector_store_idx %arg12[%get3A_2926], %masked_cumsum3A_2941 masked %or3A_2943 {add = true} : memref<16xf32, #tpu.memory_space<vmem>>[vector<16xi32>], vector<16xf32>, vector<16xi1>
    %neg3A_2945 = arith.constant 0.000000e+00 : f32
    %neg3A_2946 = vector.broadcast %neg3A_2945 : f32 to vector<16xf32>
    %neg3A_2947 = arith.subf %neg3A_2946, %masked_cumsum3A_2938 : vector<16xf32>
    tpu.vector_store_idx %arg13[%gather3A_2933], %neg3A_2947 masked %and3A_2944 {add = true} : memref<16xf32, #tpu.memory_space<vmem>>[vector<16xi32>], vector<16xf32>, vector<16xi1>
    %neg3A_2948 = arith.constant 0.000000e+00 : f32
    %neg3A_2949 = vector.broadcast %neg3A_2948 : f32 to vector<16xf32>
    %neg3A_2950 = arith.subf %neg3A_2949, %masked_cumsum3A_2941 : vector<16xf32>
    tpu.vector_store_idx %arg12[%gather3A_2933], %neg3A_2950 masked %and3A_2944 {add = true} : memref<16xf32, #tpu.memory_space<vmem>>[vector<16xi32>], vector<16xf32>, vector<16xi1>
    %scan3A_2951 = arith.constant 0 : i32
    %scan3A_2952 = arith.constant 1 : i32
    %mul3A_2953 = arith.constant 16 : i32
    %mul3A_2954 = arith.muli %scan3A_2952, %mul3A_2953 : i32
    %add3A_2955 = arith.constant 896 : i32
    %add3A_2956 = arith.addi %add3A_2955, %mul3A_2954 : i32
    %add3A_2957 = vector.broadcast %add3A_2956 : i32 to vector<16xi32>
    %add3A_2958 = arith.addi %iota3A, %add3A_2957 : vector<16xi32>
    %mul3A_2959 = arith.constant 16 : i32
    %mul3A_2960 = arith.muli %scan3A_2952, %mul3A_2959 : i32
    %get3A_2961 = arith.constant 7 : i32
    %get3A_2962 = arith.index_cast %get3A_2961 : i32 to index
    %get3A_2963 = arith.index_cast %mul3A_2960 : i32 to index
    %get3A_2964 = tpu.vector_load %arg10[%get3A_2962, %get3A_2963] {strides = array<i32>} : memref<8x128xf32, #tpu.memory_space<vmem>>, vector<16xf32>,
    %get3A_2965 = arith.constant 7 : i32
    %get3A_2966 = arith.index_cast %get3A_2965 : i32 to index
    %get3A_2967 = arith.index_cast %mul3A_2960 : i32 to index
    %get3A_2968 = tpu.vector_load %arg11[%get3A_2966, %get3A_2967] {strides = array<i32>} : memref<8x128xf32, #tpu.memory_space<vmem>>, vector<16xf32>,
    %get3A_2969 = arith.index_cast %add3A_2956 : i32 to index
    %get3A_2970 = tpu.vector_load %arg9[%get3A_2969] {strides = array<i32>} : memref<1024xi32, #tpu.memory_space<vmem>>, vector<16xi32>,
    %add3A_2971 = arith.constant 1 : i32
    %add3A_2972 = vector.broadcast %add3A_2971 : i32 to vector<16xi32>
    %add3A_2973 = arith.addi %add3A_2958, %add3A_2972 : vector<16xi32>
    %min3A_2974 = arith.constant 1023 : i32
    %min3A_2975 = vector.broadcast %min3A_2974 : i32 to vector<16xi32>
    %min3A_2976 = arith.minsi %add3A_2973, %min3A_2975 : vector<16xi32>
    %gather3A_2977 = tpu.vector_load_idx %arg9[%min3A_2976] : memref<1024xi32, #tpu.memory_space<vmem>>[vector<16xi32>], vector<16xi32>,
    %exp3A_2978 = math.exp %get3A_2964 : vector<16xf32>
    %mul3A_2979 = arith.mulf %exp3A_2978, %get3A_2968 : vector<16xf32>
    %broadcast_in_dim3A_2980 = arith.constant true
    %broadcast_in_dim3A_2981 = vector.broadcast %broadcast_in_dim3A_2980 : i1 to vector<16xi1>
    %masked_cumsum3A_2982 = tpu.scan <sum>, %exp3A_2978 masked %broadcast_in_dim3A_2981 : vector<16xf32>, vector<16xi1> -> vector<16xf32>
    %broadcast_in_dim3A_2983 = arith.constant true
    %broadcast_in_dim3A_2984 = vector.broadcast %broadcast_in_dim3A_2983 : i1 to vector<16xi1>
    %masked_cumsum3A_2985 = tpu.scan <sum>, %mul3A_2979 masked %broadcast_in_dim3A_2984 : vector<16xf32>, vector<16xi1> -> vector<16xf32>
    %ne3A_2986 = arith.cmpi ne, %get3A_2970, %gather3A_2977 : vector<16xi32>
    %or3A_2987 = arith.ori %ne3A_2986, %eq3A_230 : vector<16xi1>
    %and3A_2988 = arith.andi %ne3A_2986, %lt3A_228 : vector<16xi1>
    tpu.vector_store_idx %arg13[%get3A_2970], %masked_cumsum3A_2982 masked %or3A_2987 {add = true} : memref<16xf32, #tpu.memory_space<vmem>>[vector<16xi32>], vector<16xf32>, vector<16xi1>
    tpu.vector_store_idx %arg12[%get3A_2970], %masked_cumsum3A_2985 masked %or3A_2987 {add = true} : memref<16xf32, #tpu.memory_space<vmem>>[vector<16xi32>], vector<16xf32>, vector<16xi1>
    %neg3A_2989 = arith.constant 0.000000e+00 : f32
    %neg3A_2990 = vector.broadcast %neg3A_2989 : f32 to vector<16xf32>
    %neg3A_2991 = arith.subf %neg3A_2990, %masked_cumsum3A_2982 : vector<16xf32>
    tpu.vector_store_idx %arg13[%gather3A_2977], %neg3A_2991 masked %and3A_2988 {add = true} : memref<16xf32, #tpu.memory_space<vmem>>[vector<16xi32>], vector<16xf32>, vector<16xi1>
    %neg3A_2992 = arith.constant 0.000000e+00 : f32
    %neg3A_2993 = vector.broadcast %neg3A_2992 : f32 to vector<16xf32>
    %neg3A_2994 = arith.subf %neg3A_2993, %masked_cumsum3A_2985 : vector<16xf32>
    tpu.vector_store_idx %arg12[%gather3A_2977], %neg3A_2994 masked %and3A_2988 {add = true} : memref<16xf32, #tpu.memory_space<vmem>>[vector<16xi32>], vector<16xf32>, vector<16xi1>
    %scan3A_2995 = arith.constant 0 : i32
    %scan3A_2996 = arith.constant 2 : i32
    %mul3A_2997 = arith.constant 16 : i32
    %mul3A_2998 = arith.muli %scan3A_2996, %mul3A_2997 : i32
    %add3A_2999 = arith.constant 896 : i32
    %add3A_3000 = arith.addi %add3A_2999, %mul3A_2998 : i32
    %add3A_3001 = vector.broadcast %add3A_3000 : i32 to vector<16xi32>
    %add3A_3002 = arith.addi %iota3A, %add3A_3001 : vector<16xi32>
    %mul3A_3003 = arith.constant 16 : i32
    %mul3A_3004 = arith.muli %scan3A_2996, %mul3A_3003 : i32
    %get3A_3005 = arith.constant 7 : i32
    %get3A_3006 = arith.index_cast %get3A_3005 : i32 to index
    %get3A_3007 = arith.index_cast %mul3A_3004 : i32 to index
    %get3A_3008 = tpu.vector_load %arg10[%get3A_3006, %get3A_3007] {strides = array<i32>} : memref<8x128xf32, #tpu.memory_space<vmem>>, vector<16xf32>,
    %get3A_3009 = arith.constant 7 : i32
    %get3A_3010 = arith.index_cast %get3A_3009 : i32 to index
    %get3A_3011 = arith.index_cast %mul3A_3004 : i32 to index
    %get3A_3012 = tpu.vector_load %arg11[%get3A_3010, %get3A_3011] {strides = array<i32>} : memref<8x128xf32, #tpu.memory_space<vmem>>, vector<16xf32>,
    %get3A_3013 = arith.index_cast %add3A_3000 : i32 to index
    %get3A_3014 = tpu.vector_load %arg9[%get3A_3013] {strides = array<i32>} : memref<1024xi32, #tpu.memory_space<vmem>>, vector<16xi32>,
    %add3A_3015 = arith.constant 1 : i32
    %add3A_3016 = vector.broadcast %add3A_3015 : i32 to vector<16xi32>
    %add3A_3017 = arith.addi %add3A_3002, %add3A_3016 : vector<16xi32>
    %min3A_3018 = arith.constant 1023 : i32
    %min3A_3019 = vector.broadcast %min3A_3018 : i32 to vector<16xi32>
    %min3A_3020 = arith.minsi %add3A_3017, %min3A_3019 : vector<16xi32>
    %gather3A_3021 = tpu.vector_load_idx %arg9[%min3A_3020] : memref<1024xi32, #tpu.memory_space<vmem>>[vector<16xi32>], vector<16xi32>,
    %exp3A_3022 = math.exp %get3A_3008 : vector<16xf32>
    %mul3A_3023 = arith.mulf %exp3A_3022, %get3A_3012 : vector<16xf32>
    %broadcast_in_dim3A_3024 = arith.constant true
    %broadcast_in_dim3A_3025 = vector.broadcast %broadcast_in_dim3A_3024 : i1 to vector<16xi1>
    %masked_cumsum3A_3026 = tpu.scan <sum>, %exp3A_3022 masked %broadcast_in_dim3A_3025 : vector<16xf32>, vector<16xi1> -> vector<16xf32>
    %broadcast_in_dim3A_3027 = arith.constant true
    %broadcast_in_dim3A_3028 = vector.broadcast %broadcast_in_dim3A_3027 : i1 to vector<16xi1>
    %masked_cumsum3A_3029 = tpu.scan <sum>, %mul3A_3023 masked %broadcast_in_dim3A_3028 : vector<16xf32>, vector<16xi1> -> vector<16xf32>
    %ne3A_3030 = arith.cmpi ne, %get3A_3014, %gather3A_3021 : vector<16xi32>
    %or3A_3031 = arith.ori %ne3A_3030, %eq3A_230 : vector<16xi1>
    %and3A_3032 = arith.andi %ne3A_3030, %lt3A_228 : vector<16xi1>
    tpu.vector_store_idx %arg13[%get3A_3014], %masked_cumsum3A_3026 masked %or3A_3031 {add = true} : memref<16xf32, #tpu.memory_space<vmem>>[vector<16xi32>], vector<16xf32>, vector<16xi1>
    tpu.vector_store_idx %arg12[%get3A_3014], %masked_cumsum3A_3029 masked %or3A_3031 {add = true} : memref<16xf32, #tpu.memory_space<vmem>>[vector<16xi32>], vector<16xf32>, vector<16xi1>
    %neg3A_3033 = arith.constant 0.000000e+00 : f32
    %neg3A_3034 = vector.broadcast %neg3A_3033 : f32 to vector<16xf32>
    %neg3A_3035 = arith.subf %neg3A_3034, %masked_cumsum3A_3026 : vector<16xf32>
    tpu.vector_store_idx %arg13[%gather3A_3021], %neg3A_3035 masked %and3A_3032 {add = true} : memref<16xf32, #tpu.memory_space<vmem>>[vector<16xi32>], vector<16xf32>, vector<16xi1>
    %neg3A_3036 = arith.constant 0.000000e+00 : f32
    %neg3A_3037 = vector.broadcast %neg3A_3036 : f32 to vector<16xf32>
    %neg3A_3038 = arith.subf %neg3A_3037, %masked_cumsum3A_3029 : vector<16xf32>
    tpu.vector_store_idx %arg12[%gather3A_3021], %neg3A_3038 masked %and3A_3032 {add = true} : memref<16xf32, #tpu.memory_space<vmem>>[vector<16xi32>], vector<16xf32>, vector<16xi1>
    %scan3A_3039 = arith.constant 0 : i32
    %scan3A_3040 = arith.constant 3 : i32
    %mul3A_3041 = arith.constant 16 : i32
    %mul3A_3042 = arith.muli %scan3A_3040, %mul3A_3041 : i32
    %add3A_3043 = arith.constant 896 : i32
    %add3A_3044 = arith.addi %add3A_3043, %mul3A_3042 : i32
    %add3A_3045 = vector.broadcast %add3A_3044 : i32 to vector<16xi32>
    %add3A_3046 = arith.addi %iota3A, %add3A_3045 : vector<16xi32>
    %mul3A_3047 = arith.constant 16 : i32
    %mul3A_3048 = arith.muli %scan3A_3040, %mul3A_3047 : i32
    %get3A_3049 = arith.constant 7 : i32
    %get3A_3050 = arith.index_cast %get3A_3049 : i32 to index
    %get3A_3051 = arith.index_cast %mul3A_3048 : i32 to index
    %get3A_3052 = tpu.vector_load %arg10[%get3A_3050, %get3A_3051] {strides = array<i32>} : memref<8x128xf32, #tpu.memory_space<vmem>>, vector<16xf32>,
    %get3A_3053 = arith.constant 7 : i32
    %get3A_3054 = arith.index_cast %get3A_3053 : i32 to index
    %get3A_3055 = arith.index_cast %mul3A_3048 : i32 to index
    %get3A_3056 = tpu.vector_load %arg11[%get3A_3054, %get3A_3055] {strides = array<i32>} : memref<8x128xf32, #tpu.memory_space<vmem>>, vector<16xf32>,
    %get3A_3057 = arith.index_cast %add3A_3044 : i32 to index
    %get3A_3058 = tpu.vector_load %arg9[%get3A_3057] {strides = array<i32>} : memref<1024xi32, #tpu.memory_space<vmem>>, vector<16xi32>,
    %add3A_3059 = arith.constant 1 : i32
    %add3A_3060 = vector.broadcast %add3A_3059 : i32 to vector<16xi32>
    %add3A_3061 = arith.addi %add3A_3046, %add3A_3060 : vector<16xi32>
    %min3A_3062 = arith.constant 1023 : i32
    %min3A_3063 = vector.broadcast %min3A_3062 : i32 to vector<16xi32>
    %min3A_3064 = arith.minsi %add3A_3061, %min3A_3063 : vector<16xi32>
    %gather3A_3065 = tpu.vector_load_idx %arg9[%min3A_3064] : memref<1024xi32, #tpu.memory_space<vmem>>[vector<16xi32>], vector<16xi32>,
    %exp3A_3066 = math.exp %get3A_3052 : vector<16xf32>
    %mul3A_3067 = arith.mulf %exp3A_3066, %get3A_3056 : vector<16xf32>
    %broadcast_in_dim3A_3068 = arith.constant true
    %broadcast_in_dim3A_3069 = vector.broadcast %broadcast_in_dim3A_3068 : i1 to vector<16xi1>
    %masked_cumsum3A_3070 = tpu.scan <sum>, %exp3A_3066 masked %broadcast_in_dim3A_3069 : vector<16xf32>, vector<16xi1> -> vector<16xf32>
    %broadcast_in_dim3A_3071 = arith.constant true
    %broadcast_in_dim3A_3072 = vector.broadcast %broadcast_in_dim3A_3071 : i1 to vector<16xi1>
    %masked_cumsum3A_3073 = tpu.scan <sum>, %mul3A_3067 masked %broadcast_in_dim3A_3072 : vector<16xf32>, vector<16xi1> -> vector<16xf32>
    %ne3A_3074 = arith.cmpi ne, %get3A_3058, %gather3A_3065 : vector<16xi32>
    %or3A_3075 = arith.ori %ne3A_3074, %eq3A_230 : vector<16xi1>
    %and3A_3076 = arith.andi %ne3A_3074, %lt3A_228 : vector<16xi1>
    tpu.vector_store_idx %arg13[%get3A_3058], %masked_cumsum3A_3070 masked %or3A_3075 {add = true} : memref<16xf32, #tpu.memory_space<vmem>>[vector<16xi32>], vector<16xf32>, vector<16xi1>
    tpu.vector_store_idx %arg12[%get3A_3058], %masked_cumsum3A_3073 masked %or3A_3075 {add = true} : memref<16xf32, #tpu.memory_space<vmem>>[vector<16xi32>], vector<16xf32>, vector<16xi1>
    %neg3A_3077 = arith.constant 0.000000e+00 : f32
    %neg3A_3078 = vector.broadcast %neg3A_3077 : f32 to vector<16xf32>
    %neg3A_3079 = arith.subf %neg3A_3078, %masked_cumsum3A_3070 : vector<16xf32>
    tpu.vector_store_idx %arg13[%gather3A_3065], %neg3A_3079 masked %and3A_3076 {add = true} : memref<16xf32, #tpu.memory_space<vmem>>[vector<16xi32>], vector<16xf32>, vector<16xi1>
    %neg3A_3080 = arith.constant 0.000000e+00 : f32
    %neg3A_3081 = vector.broadcast %neg3A_3080 : f32 to vector<16xf32>
    %neg3A_3082 = arith.subf %neg3A_3081, %masked_cumsum3A_3073 : vector<16xf32>
    tpu.vector_store_idx %arg12[%gather3A_3065], %neg3A_3082 masked %and3A_3076 {add = true} : memref<16xf32, #tpu.memory_space<vmem>>[vector<16xi32>], vector<16xf32>, vector<16xi1>
    %scan3A_3083 = arith.constant 0 : i32
    %scan3A_3084 = arith.constant 4 : i32
    %mul3A_3085 = arith.constant 16 : i32
    %mul3A_3086 = arith.muli %scan3A_3084, %mul3A_3085 : i32
    %add3A_3087 = arith.constant 896 : i32
    %add3A_3088 = arith.addi %add3A_3087, %mul3A_3086 : i32
    %add3A_3089 = vector.broadcast %add3A_3088 : i32 to vector<16xi32>
    %add3A_3090 = arith.addi %iota3A, %add3A_3089 : vector<16xi32>
    %mul3A_3091 = arith.constant 16 : i32
    %mul3A_3092 = arith.muli %scan3A_3084, %mul3A_3091 : i32
    %get3A_3093 = arith.constant 7 : i32
    %get3A_3094 = arith.index_cast %get3A_3093 : i32 to index
    %get3A_3095 = arith.index_cast %mul3A_3092 : i32 to index
    %get3A_3096 = tpu.vector_load %arg10[%get3A_3094, %get3A_3095] {strides = array<i32>} : memref<8x128xf32, #tpu.memory_space<vmem>>, vector<16xf32>,
    %get3A_3097 = arith.constant 7 : i32
    %get3A_3098 = arith.index_cast %get3A_3097 : i32 to index
    %get3A_3099 = arith.index_cast %mul3A_3092 : i32 to index
    %get3A_3100 = tpu.vector_load %arg11[%get3A_3098, %get3A_3099] {strides = array<i32>} : memref<8x128xf32, #tpu.memory_space<vmem>>, vector<16xf32>,
    %get3A_3101 = arith.index_cast %add3A_3088 : i32 to index
    %get3A_3102 = tpu.vector_load %arg9[%get3A_3101] {strides = array<i32>} : memref<1024xi32, #tpu.memory_space<vmem>>, vector<16xi32>,
    %add3A_3103 = arith.constant 1 : i32
    %add3A_3104 = vector.broadcast %add3A_3103 : i32 to vector<16xi32>
    %add3A_3105 = arith.addi %add3A_3090, %add3A_3104 : vector<16xi32>
    %min3A_3106 = arith.constant 1023 : i32
    %min3A_3107 = vector.broadcast %min3A_3106 : i32 to vector<16xi32>
    %min3A_3108 = arith.minsi %add3A_3105, %min3A_3107 : vector<16xi32>
    %gather3A_3109 = tpu.vector_load_idx %arg9[%min3A_3108] : memref<1024xi32, #tpu.memory_space<vmem>>[vector<16xi32>], vector<16xi32>,
    %exp3A_3110 = math.exp %get3A_3096 : vector<16xf32>
    %mul3A_3111 = arith.mulf %exp3A_3110, %get3A_3100 : vector<16xf32>
    %broadcast_in_dim3A_3112 = arith.constant true
    %broadcast_in_dim3A_3113 = vector.broadcast %broadcast_in_dim3A_3112 : i1 to vector<16xi1>
    %masked_cumsum3A_3114 = tpu.scan <sum>, %exp3A_3110 masked %broadcast_in_dim3A_3113 : vector<16xf32>, vector<16xi1> -> vector<16xf32>
    %broadcast_in_dim3A_3115 = arith.constant true
    %broadcast_in_dim3A_3116 = vector.broadcast %broadcast_in_dim3A_3115 : i1 to vector<16xi1>
    %masked_cumsum3A_3117 = tpu.scan <sum>, %mul3A_3111 masked %broadcast_in_dim3A_3116 : vector<16xf32>, vector<16xi1> -> vector<16xf32>
    %ne3A_3118 = arith.cmpi ne, %get3A_3102, %gather3A_3109 : vector<16xi32>
    %or3A_3119 = arith.ori %ne3A_3118, %eq3A_230 : vector<16xi1>
    %and3A_3120 = arith.andi %ne3A_3118, %lt3A_228 : vector<16xi1>
    tpu.vector_store_idx %arg13[%get3A_3102], %masked_cumsum3A_3114 masked %or3A_3119 {add = true} : memref<16xf32, #tpu.memory_space<vmem>>[vector<16xi32>], vector<16xf32>, vector<16xi1>
    tpu.vector_store_idx %arg12[%get3A_3102], %masked_cumsum3A_3117 masked %or3A_3119 {add = true} : memref<16xf32, #tpu.memory_space<vmem>>[vector<16xi32>], vector<16xf32>, vector<16xi1>
    %neg3A_3121 = arith.constant 0.000000e+00 : f32
    %neg3A_3122 = vector.broadcast %neg3A_3121 : f32 to vector<16xf32>
    %neg3A_3123 = arith.subf %neg3A_3122, %masked_cumsum3A_3114 : vector<16xf32>
    tpu.vector_store_idx %arg13[%gather3A_3109], %neg3A_3123 masked %and3A_3120 {add = true} : memref<16xf32, #tpu.memory_space<vmem>>[vector<16xi32>], vector<16xf32>, vector<16xi1>
    %neg3A_3124 = arith.constant 0.000000e+00 : f32
    %neg3A_3125 = vector.broadcast %neg3A_3124 : f32 to vector<16xf32>
    %neg3A_3126 = arith.subf %neg3A_3125, %masked_cumsum3A_3117 : vector<16xf32>
    tpu.vector_store_idx %arg12[%gather3A_3109], %neg3A_3126 masked %and3A_3120 {add = true} : memref<16xf32, #tpu.memory_space<vmem>>[vector<16xi32>], vector<16xf32>, vector<16xi1>
    %scan3A_3127 = arith.constant 0 : i32
    %scan3A_3128 = arith.constant 5 : i32
    %mul3A_3129 = arith.constant 16 : i32
    %mul3A_3130 = arith.muli %scan3A_3128, %mul3A_3129 : i32
    %add3A_3131 = arith.constant 896 : i32
    %add3A_3132 = arith.addi %add3A_3131, %mul3A_3130 : i32
    %add3A_3133 = vector.broadcast %add3A_3132 : i32 to vector<16xi32>
    %add3A_3134 = arith.addi %iota3A, %add3A_3133 : vector<16xi32>
    %mul3A_3135 = arith.constant 16 : i32
    %mul3A_3136 = arith.muli %scan3A_3128, %mul3A_3135 : i32
    %get3A_3137 = arith.constant 7 : i32
    %get3A_3138 = arith.index_cast %get3A_3137 : i32 to index
    %get3A_3139 = arith.index_cast %mul3A_3136 : i32 to index
    %get3A_3140 = tpu.vector_load %arg10[%get3A_3138, %get3A_3139] {strides = array<i32>} : memref<8x128xf32, #tpu.memory_space<vmem>>, vector<16xf32>,
    %get3A_3141 = arith.constant 7 : i32
    %get3A_3142 = arith.index_cast %get3A_3141 : i32 to index
    %get3A_3143 = arith.index_cast %mul3A_3136 : i32 to index
    %get3A_3144 = tpu.vector_load %arg11[%get3A_3142, %get3A_3143] {strides = array<i32>} : memref<8x128xf32, #tpu.memory_space<vmem>>, vector<16xf32>,
    %get3A_3145 = arith.index_cast %add3A_3132 : i32 to index
    %get3A_3146 = tpu.vector_load %arg9[%get3A_3145] {strides = array<i32>} : memref<1024xi32, #tpu.memory_space<vmem>>, vector<16xi32>,
    %add3A_3147 = arith.constant 1 : i32
    %add3A_3148 = vector.broadcast %add3A_3147 : i32 to vector<16xi32>
    %add3A_3149 = arith.addi %add3A_3134, %add3A_3148 : vector<16xi32>
    %min3A_3150 = arith.constant 1023 : i32
    %min3A_3151 = vector.broadcast %min3A_3150 : i32 to vector<16xi32>
    %min3A_3152 = arith.minsi %add3A_3149, %min3A_3151 : vector<16xi32>
    %gather3A_3153 = tpu.vector_load_idx %arg9[%min3A_3152] : memref<1024xi32, #tpu.memory_space<vmem>>[vector<16xi32>], vector<16xi32>,
    %exp3A_3154 = math.exp %get3A_3140 : vector<16xf32>
    %mul3A_3155 = arith.mulf %exp3A_3154, %get3A_3144 : vector<16xf32>
    %broadcast_in_dim3A_3156 = arith.constant true
    %broadcast_in_dim3A_3157 = vector.broadcast %broadcast_in_dim3A_3156 : i1 to vector<16xi1>
    %masked_cumsum3A_3158 = tpu.scan <sum>, %exp3A_3154 masked %broadcast_in_dim3A_3157 : vector<16xf32>, vector<16xi1> -> vector<16xf32>
    %broadcast_in_dim3A_3159 = arith.constant true
    %broadcast_in_dim3A_3160 = vector.broadcast %broadcast_in_dim3A_3159 : i1 to vector<16xi1>
    %masked_cumsum3A_3161 = tpu.scan <sum>, %mul3A_3155 masked %broadcast_in_dim3A_3160 : vector<16xf32>, vector<16xi1> -> vector<16xf32>
    %ne3A_3162 = arith.cmpi ne, %get3A_3146, %gather3A_3153 : vector<16xi32>
    %or3A_3163 = arith.ori %ne3A_3162, %eq3A_230 : vector<16xi1>
    %and3A_3164 = arith.andi %ne3A_3162, %lt3A_228 : vector<16xi1>
    tpu.vector_store_idx %arg13[%get3A_3146], %masked_cumsum3A_3158 masked %or3A_3163 {add = true} : memref<16xf32, #tpu.memory_space<vmem>>[vector<16xi32>], vector<16xf32>, vector<16xi1>
    tpu.vector_store_idx %arg12[%get3A_3146], %masked_cumsum3A_3161 masked %or3A_3163 {add = true} : memref<16xf32, #tpu.memory_space<vmem>>[vector<16xi32>], vector<16xf32>, vector<16xi1>
    %neg3A_3165 = arith.constant 0.000000e+00 : f32
    %neg3A_3166 = vector.broadcast %neg3A_3165 : f32 to vector<16xf32>
    %neg3A_3167 = arith.subf %neg3A_3166, %masked_cumsum3A_3158 : vector<16xf32>
    tpu.vector_store_idx %arg13[%gather3A_3153], %neg3A_3167 masked %and3A_3164 {add = true} : memref<16xf32, #tpu.memory_space<vmem>>[vector<16xi32>], vector<16xf32>, vector<16xi1>
    %neg3A_3168 = arith.constant 0.000000e+00 : f32
    %neg3A_3169 = vector.broadcast %neg3A_3168 : f32 to vector<16xf32>
    %neg3A_3170 = arith.subf %neg3A_3169, %masked_cumsum3A_3161 : vector<16xf32>
    tpu.vector_store_idx %arg12[%gather3A_3153], %neg3A_3170 masked %and3A_3164 {add = true} : memref<16xf32, #tpu.memory_space<vmem>>[vector<16xi32>], vector<16xf32>, vector<16xi1>
    %scan3A_3171 = arith.constant 0 : i32
    %scan3A_3172 = arith.constant 6 : i32
    %mul3A_3173 = arith.constant 16 : i32
    %mul3A_3174 = arith.muli %scan3A_3172, %mul3A_3173 : i32
    %add3A_3175 = arith.constant 896 : i32
    %add3A_3176 = arith.addi %add3A_3175, %mul3A_3174 : i32
    %add3A_3177 = vector.broadcast %add3A_3176 : i32 to vector<16xi32>
    %add3A_3178 = arith.addi %iota3A, %add3A_3177 : vector<16xi32>
    %mul3A_3179 = arith.constant 16 : i32
    %mul3A_3180 = arith.muli %scan3A_3172, %mul3A_3179 : i32
    %get3A_3181 = arith.constant 7 : i32
    %get3A_3182 = arith.index_cast %get3A_3181 : i32 to index
    %get3A_3183 = arith.index_cast %mul3A_3180 : i32 to index
    %get3A_3184 = tpu.vector_load %arg10[%get3A_3182, %get3A_3183] {strides = array<i32>} : memref<8x128xf32, #tpu.memory_space<vmem>>, vector<16xf32>,
    %get3A_3185 = arith.constant 7 : i32
    %get3A_3186 = arith.index_cast %get3A_3185 : i32 to index
    %get3A_3187 = arith.index_cast %mul3A_3180 : i32 to index
    %get3A_3188 = tpu.vector_load %arg11[%get3A_3186, %get3A_3187] {strides = array<i32>} : memref<8x128xf32, #tpu.memory_space<vmem>>, vector<16xf32>,
    %get3A_3189 = arith.index_cast %add3A_3176 : i32 to index
    %get3A_3190 = tpu.vector_load %arg9[%get3A_3189] {strides = array<i32>} : memref<1024xi32, #tpu.memory_space<vmem>>, vector<16xi32>,
    %add3A_3191 = arith.constant 1 : i32
    %add3A_3192 = vector.broadcast %add3A_3191 : i32 to vector<16xi32>
    %add3A_3193 = arith.addi %add3A_3178, %add3A_3192 : vector<16xi32>
    %min3A_3194 = arith.constant 1023 : i32
    %min3A_3195 = vector.broadcast %min3A_3194 : i32 to vector<16xi32>
    %min3A_3196 = arith.minsi %add3A_3193, %min3A_3195 : vector<16xi32>
    %gather3A_3197 = tpu.vector_load_idx %arg9[%min3A_3196] : memref<1024xi32, #tpu.memory_space<vmem>>[vector<16xi32>], vector<16xi32>,
    %exp3A_3198 = math.exp %get3A_3184 : vector<16xf32>
    %mul3A_3199 = arith.mulf %exp3A_3198, %get3A_3188 : vector<16xf32>
    %broadcast_in_dim3A_3200 = arith.constant true
    %broadcast_in_dim3A_3201 = vector.broadcast %broadcast_in_dim3A_3200 : i1 to vector<16xi1>
    %masked_cumsum3A_3202 = tpu.scan <sum>, %exp3A_3198 masked %broadcast_in_dim3A_3201 : vector<16xf32>, vector<16xi1> -> vector<16xf32>
    %broadcast_in_dim3A_3203 = arith.constant true
    %broadcast_in_dim3A_3204 = vector.broadcast %broadcast_in_dim3A_3203 : i1 to vector<16xi1>
    %masked_cumsum3A_3205 = tpu.scan <sum>, %mul3A_3199 masked %broadcast_in_dim3A_3204 : vector<16xf32>, vector<16xi1> -> vector<16xf32>
    %ne3A_3206 = arith.cmpi ne, %get3A_3190, %gather3A_3197 : vector<16xi32>
    %or3A_3207 = arith.ori %ne3A_3206, %eq3A_230 : vector<16xi1>
    %and3A_3208 = arith.andi %ne3A_3206, %lt3A_228 : vector<16xi1>
    tpu.vector_store_idx %arg13[%get3A_3190], %masked_cumsum3A_3202 masked %or3A_3207 {add = true} : memref<16xf32, #tpu.memory_space<vmem>>[vector<16xi32>], vector<16xf32>, vector<16xi1>
    tpu.vector_store_idx %arg12[%get3A_3190], %masked_cumsum3A_3205 masked %or3A_3207 {add = true} : memref<16xf32, #tpu.memory_space<vmem>>[vector<16xi32>], vector<16xf32>, vector<16xi1>
    %neg3A_3209 = arith.constant 0.000000e+00 : f32
    %neg3A_3210 = vector.broadcast %neg3A_3209 : f32 to vector<16xf32>
    %neg3A_3211 = arith.subf %neg3A_3210, %masked_cumsum3A_3202 : vector<16xf32>
    tpu.vector_store_idx %arg13[%gather3A_3197], %neg3A_3211 masked %and3A_3208 {add = true} : memref<16xf32, #tpu.memory_space<vmem>>[vector<16xi32>], vector<16xf32>, vector<16xi1>
    %neg3A_3212 = arith.constant 0.000000e+00 : f32
    %neg3A_3213 = vector.broadcast %neg3A_3212 : f32 to vector<16xf32>
    %neg3A_3214 = arith.subf %neg3A_3213, %masked_cumsum3A_3205 : vector<16xf32>
    tpu.vector_store_idx %arg12[%gather3A_3197], %neg3A_3214 masked %and3A_3208 {add = true} : memref<16xf32, #tpu.memory_space<vmem>>[vector<16xi32>], vector<16xf32>, vector<16xi1>
    %scan3A_3215 = arith.constant 0 : i32
    %scan3A_3216 = arith.constant 7 : i32
    %mul3A_3217 = arith.constant 16 : i32
    %mul3A_3218 = arith.muli %scan3A_3216, %mul3A_3217 : i32
    %add3A_3219 = arith.constant 896 : i32
    %add3A_3220 = arith.addi %add3A_3219, %mul3A_3218 : i32
    %add3A_3221 = vector.broadcast %add3A_3220 : i32 to vector<16xi32>
    %add3A_3222 = arith.addi %iota3A, %add3A_3221 : vector<16xi32>
    %mul3A_3223 = arith.constant 16 : i32
    %mul3A_3224 = arith.muli %scan3A_3216, %mul3A_3223 : i32
    %get3A_3225 = arith.constant 7 : i32
    %get3A_3226 = arith.index_cast %get3A_3225 : i32 to index
    %get3A_3227 = arith.index_cast %mul3A_3224 : i32 to index
    %get3A_3228 = tpu.vector_load %arg10[%get3A_3226, %get3A_3227] {strides = array<i32>} : memref<8x128xf32, #tpu.memory_space<vmem>>, vector<16xf32>,
    %get3A_3229 = arith.constant 7 : i32
    %get3A_3230 = arith.index_cast %get3A_3229 : i32 to index
    %get3A_3231 = arith.index_cast %mul3A_3224 : i32 to index
    %get3A_3232 = tpu.vector_load %arg11[%get3A_3230, %get3A_3231] {strides = array<i32>} : memref<8x128xf32, #tpu.memory_space<vmem>>, vector<16xf32>,
    %get3A_3233 = arith.index_cast %add3A_3220 : i32 to index
    %get3A_3234 = tpu.vector_load %arg9[%get3A_3233] {strides = array<i32>} : memref<1024xi32, #tpu.memory_space<vmem>>, vector<16xi32>,
    %add3A_3235 = arith.constant 1 : i32
    %add3A_3236 = vector.broadcast %add3A_3235 : i32 to vector<16xi32>
    %add3A_3237 = arith.addi %add3A_3222, %add3A_3236 : vector<16xi32>
    %min3A_3238 = arith.constant 1023 : i32
    %min3A_3239 = vector.broadcast %min3A_3238 : i32 to vector<16xi32>
    %min3A_3240 = arith.minsi %add3A_3237, %min3A_3239 : vector<16xi32>
    %gather3A_3241 = tpu.vector_load_idx %arg9[%min3A_3240] : memref<1024xi32, #tpu.memory_space<vmem>>[vector<16xi32>], vector<16xi32>,
    %exp3A_3242 = math.exp %get3A_3228 : vector<16xf32>
    %mul3A_3243 = arith.mulf %exp3A_3242, %get3A_3232 : vector<16xf32>
    %broadcast_in_dim3A_3244 = arith.constant true
    %broadcast_in_dim3A_3245 = vector.broadcast %broadcast_in_dim3A_3244 : i1 to vector<16xi1>
    %masked_cumsum3A_3246 = tpu.scan <sum>, %exp3A_3242 masked %broadcast_in_dim3A_3245 : vector<16xf32>, vector<16xi1> -> vector<16xf32>
    %broadcast_in_dim3A_3247 = arith.constant true
    %broadcast_in_dim3A_3248 = vector.broadcast %broadcast_in_dim3A_3247 : i1 to vector<16xi1>
    %masked_cumsum3A_3249 = tpu.scan <sum>, %mul3A_3243 masked %broadcast_in_dim3A_3248 : vector<16xf32>, vector<16xi1> -> vector<16xf32>
    %ne3A_3250 = arith.cmpi ne, %get3A_3234, %gather3A_3241 : vector<16xi32>
    %or3A_3251 = arith.ori %ne3A_3250, %eq3A_230 : vector<16xi1>
    %and3A_3252 = arith.andi %ne3A_3250, %lt3A_228 : vector<16xi1>
    tpu.vector_store_idx %arg13[%get3A_3234], %masked_cumsum3A_3246 masked %or3A_3251 {add = true} : memref<16xf32, #tpu.memory_space<vmem>>[vector<16xi32>], vector<16xf32>, vector<16xi1>
    tpu.vector_store_idx %arg12[%get3A_3234], %masked_cumsum3A_3249 masked %or3A_3251 {add = true} : memref<16xf32, #tpu.memory_space<vmem>>[vector<16xi32>], vector<16xf32>, vector<16xi1>
    %neg3A_3253 = arith.constant 0.000000e+00 : f32
    %neg3A_3254 = vector.broadcast %neg3A_3253 : f32 to vector<16xf32>
    %neg3A_3255 = arith.subf %neg3A_3254, %masked_cumsum3A_3246 : vector<16xf32>
    tpu.vector_store_idx %arg13[%gather3A_3241], %neg3A_3255 masked %and3A_3252 {add = true} : memref<16xf32, #tpu.memory_space<vmem>>[vector<16xi32>], vector<16xf32>, vector<16xi1>
    %neg3A_3256 = arith.constant 0.000000e+00 : f32
    %neg3A_3257 = vector.broadcast %neg3A_3256 : f32 to vector<16xf32>
    %neg3A_3258 = arith.subf %neg3A_3257, %masked_cumsum3A_3249 : vector<16xf32>
    tpu.vector_store_idx %arg12[%gather3A_3241], %neg3A_3258 masked %and3A_3252 {add = true} : memref<16xf32, #tpu.memory_space<vmem>>[vector<16xi32>], vector<16xf32>, vector<16xi1>
    %scan3A_3259 = arith.constant 0 : i32
    %scan3A_3260 = arith.constant 8 : i32
    "tpu.region"() ({
      %run_scoped3A = tpu.sem_alloc : memref<!tpu.dma_semaphore, #tpu.memory_space<semaphore_mem>>
      %dma_start3A_3261 = arith.constant 0 : i32
      %dma_start3A_3262 = tpu.memref_slice %arg6[%add3A, %dma_start3A_3261] : memref<32x16xf32, #tpu.memory_space<hbm>> -> memref<1x16xf32, #tpu.memory_space<hbm>>
      %dma_start3A_3263 = tpu.memref_squeeze %dma_start3A_3262 : memref<1x16xf32, #tpu.memory_space<hbm>> -> memref<16xf32, #tpu.memory_space<hbm>>
      %dma_start3A_3264 = arith.constant 0 : i32
      %dma_start3A_3265 = tpu.memref_slice %arg6[%add3A, %dma_start3A_3264] : memref<32x16xf32, #tpu.memory_space<hbm>> -> memref<1x16xf32, #tpu.memory_space<hbm>>
      %dma_start3A_3266 = tpu.memref_squeeze %dma_start3A_3265 : memref<1x16xf32, #tpu.memory_space<hbm>> -> memref<16xf32, #tpu.memory_space<hbm>>
      tpu.enqueue_dma source(%arg12 : memref<16xf32, #tpu.memory_space<vmem>>) target(%dma_start3A_3266 : memref<16xf32, #tpu.memory_space<hbm>>) target_semaphore(%run_scoped3A : memref<!tpu.dma_semaphore, #tpu.memory_space<semaphore_mem>>)
      %dma_wait3A_3267 = arith.constant 0 : i32
      %dma_wait3A_3268 = tpu.memref_slice %arg6[%add3A, %dma_wait3A_3267] : memref<32x16xf32, #tpu.memory_space<hbm>> -> memref<1x16xf32, #tpu.memory_space<hbm>>
      %dma_wait3A_3269 = tpu.memref_squeeze %dma_wait3A_3268 : memref<1x16xf32, #tpu.memory_space<hbm>> -> memref<16xf32, #tpu.memory_space<hbm>>
      %dma_wait3A_3270 = arith.constant 0 : i32
      %dma_wait3A_3271 = tpu.memref_slice %arg6[%add3A, %dma_wait3A_3270] : memref<32x16xf32, #tpu.memory_space<hbm>> -> memref<1x16xf32, #tpu.memory_space<hbm>>
      %dma_wait3A_3272 = tpu.memref_squeeze %dma_wait3A_3271 : memref<1x16xf32, #tpu.memory_space<hbm>> -> memref<16xf32, #tpu.memory_space<hbm>>
      tpu.wait_dma2 semaphore(%run_scoped3A : memref<!tpu.dma_semaphore, #tpu.memory_space<semaphore_mem>>) src(%arg12 : memref<16xf32, #tpu.memory_space<vmem>>) dst(%dma_wait3A_3272 : memref<16xf32, #tpu.memory_space<hbm>>)
      tpu.yield
    }) : () -> ()
    "tpu.region"() ({
      %run_scoped3A = tpu.sem_alloc : memref<!tpu.dma_semaphore, #tpu.memory_space<semaphore_mem>>
      %dma_start3A_3261 = arith.constant 0 : i32
      %dma_start3A_3262 = tpu.memref_slice %arg7[%add3A, %dma_start3A_3261] : memref<32x16xf32, #tpu.memory_space<hbm>> -> memref<1x16xf32, #tpu.memory_space<hbm>>
      %dma_start3A_3263 = tpu.memref_squeeze %dma_start3A_3262 : memref<1x16xf32, #tpu.memory_space<hbm>> -> memref<16xf32, #tpu.memory_space<hbm>>
      %dma_start3A_3264 = arith.constant 0 : i32
      %dma_start3A_3265 = tpu.memref_slice %arg7[%add3A, %dma_start3A_3264] : memref<32x16xf32, #tpu.memory_space<hbm>> -> memref<1x16xf32, #tpu.memory_space<hbm>>
      %dma_start3A_3266 = tpu.memref_squeeze %dma_start3A_3265 : memref<1x16xf32, #tpu.memory_space<hbm>> -> memref<16xf32, #tpu.memory_space<hbm>>
      tpu.enqueue_dma source(%arg13 : memref<16xf32, #tpu.memory_space<vmem>>) target(%dma_start3A_3266 : memref<16xf32, #tpu.memory_space<hbm>>) target_semaphore(%run_scoped3A : memref<!tpu.dma_semaphore, #tpu.memory_space<semaphore_mem>>)
      %dma_wait3A_3267 = arith.constant 0 : i32
      %dma_wait3A_3268 = tpu.memref_slice %arg7[%add3A, %dma_wait3A_3267] : memref<32x16xf32, #tpu.memory_space<hbm>> -> memref<1x16xf32, #tpu.memory_space<hbm>>
      %dma_wait3A_3269 = tpu.memref_squeeze %dma_wait3A_3268 : memref<1x16xf32, #tpu.memory_space<hbm>> -> memref<16xf32, #tpu.memory_space<hbm>>
      %dma_wait3A_3270 = arith.constant 0 : i32
      %dma_wait3A_3271 = tpu.memref_slice %arg7[%add3A, %dma_wait3A_3270] : memref<32x16xf32, #tpu.memory_space<hbm>> -> memref<1x16xf32, #tpu.memory_space<hbm>>
      %dma_wait3A_3272 = tpu.memref_squeeze %dma_wait3A_3271 : memref<1x16xf32, #tpu.memory_space<hbm>> -> memref<16xf32, #tpu.memory_space<hbm>>
      tpu.wait_dma2 semaphore(%run_scoped3A : memref<!tpu.dma_semaphore, #tpu.memory_space<semaphore_mem>>) src(%arg13 : memref<16xf32, #tpu.memory_space<vmem>>) dst(%dma_wait3A_3272 : memref<16xf32, #tpu.memory_space<hbm>>)
      tpu.yield
    }) : () -> ()
    return
  }
}

module attributes {stable_mosaic.version = 14 : i64} {
  func.func @_combine_body(%arg0: memref<32x16xf32, #tpu.memory_space<vmem>>, %arg1: memref<32x16xf32, #tpu.memory_space<vmem>>, %arg2: memref<1xf32, #tpu.memory_space<vmem>>, %arg3: memref<16xf32, #tpu.memory_space<vmem>>) attributes {dimension_semantics = [], scalar_prefetch = 0 : i64, scratch_operands = 0 : i64, tpu.core_type = #tpu.core_type<tc>} {
    %get3A = arith.constant 0 : index
    %get3A_0 = arith.constant 0 : index
    %get3A_1 = vector.load %arg0[%get3A, %get3A_0] : memref<32x16xf32, #tpu.memory_space<vmem>>, vector<32x16xf32>
    %reduce_sum3A = arith.constant dense<0.000000e+00> : vector<16xf32>
    %reduce_sum3A_2 = vector.multi_reduction <add>, %get3A_1, %reduce_sum3A [0] : vector<32x16xf32> to vector<16xf32>
    %get3A_3 = arith.constant 0 : index
    %get3A_4 = arith.constant 0 : index
    %get3A_5 = vector.load %arg1[%get3A_3, %get3A_4] : memref<32x16xf32, #tpu.memory_space<vmem>>, vector<32x16xf32>
    %reduce_sum3A_6 = arith.constant dense<0.000000e+00> : vector<16xf32>
    %reduce_sum3A_7 = vector.multi_reduction <add>, %get3A_5, %reduce_sum3A_6 [0] : vector<32x16xf32> to vector<16xf32>
    %add3A = arith.constant 1.000000e-03 : f32
    %add3A_8 = vector.broadcast %add3A : f32 to vector<16xf32>
    %add3A_9 = arith.addf %reduce_sum3A_7, %add3A_8 : vector<16xf32>
    %div3A = arith.divf %reduce_sum3A_2, %add3A_9 : vector<16xf32>
    %get3A_10 = arith.constant 0 : index
    %get3A_11 = vector.load %arg2[%get3A_10] : memref<1xf32, #tpu.memory_space<vmem>>, vector<1xf32>
    %get3A_12 = vector.extract %get3A_11[0] : f32 from vector<1xf32>
    %add3A_13 = vector.broadcast %get3A_12 : f32 to vector<16xf32>
    %add3A_14 = arith.addf %div3A, %add3A_13 : vector<16xf32>
    %swap3A = arith.constant 0 : index
    %swap3A_15 = vector.load %arg3[%swap3A] : memref<16xf32, #tpu.memory_space<vmem>>, vector<16xf32>
    tpu.vector_store %arg3[%swap3A], %add3A_14 {strides = array<i32>} : memref<16xf32, #tpu.memory_space<vmem>>, vector<16xf32>,
    return
  }
}

</mosaic_0001>

<sc_bundles>
// kernel: kernel.4.cloned.1.call-start
scs
__scs_entry_jumppad:
0x0: {  	(pc) =	sbr.rel $0x88, $3  }
0x1: {  	(tag) =	ssettag $0x0;
	lr =	simm.s32 $0x1  }
0x2: {  	[smem:$0x3F9C] =	sst lr;
	_ =	strace $0xD0000000  }
0x3: {  	_ = 	snop  }
0x4: {  	_ = 	snop  }
0x5: {  	_ = 	snop  }
0x6: {  	_ = 	snop  }
0x7: {  	_ = 	snop  }
__scs_overlays_trampoline_lowered:
0x8: {  	[smem:$0x3FAB] =	sst s0  }
0x9: {  	[smem:$0x3FAC] =	sst s1  }
0xa: {  	[smem:$0x3FAD] =	sst s2  }
0xb: {  	[smem:$0x3FAE] =	sst s3  }
0xc: {  	[smem:$0x3FAF] =	sst s4  }
0xd: {  	[smem:$0x3FB0] =	sst s5  }
0xe: {  	[smem:$0x3FB1] =	sst s6  }
0xf: {  	[smem:$0x3FB2] =	sst s7  }
0x10: {  	[smem:$0x3FB3] =	sst s8  }
0x11: {  	[smem:$0x3FB4] =	sst s9;
	s0 =	simm.s32 @!p0 $0x0  }
0x12: {  	s1 =	sld [smem:$0x3F9A];
	s0 =	simm.s32 @p0 $0x1  }
0x13: {  	[smem:$0x3FB5] =	sst s0;
	s0 =	simm.s32 @!p1 $0x0  }
0x14: {  	s2 =	sld [smem:$0x3F99];
	s0 =	simm.s32 @p1 $0x1  }
0x15: {  	[smem:$0x3FB6] =	sst s0;
	s0 =	simm.s32 @!p2 $0x0  }
0x16: {  	s3 =	sld [smem:$0x3FDB];
	s0 =	simm.s32 @p2 $0x1  }
0x17: {  	s4 =	simm.s32 $0x1BF5;
	[smem:$0x3FB8] =	sst s0  }
0x18: {  	s0 =	sld [smem:$0x3F9B];
	_ =	swait.ge [sflag:s4], $0x0  }
0x19: {  	s7 =	sld [smem:$0x3F9C]  }
0x1a: {  	s8 =	sadd.s32 $0xFFFFE003, lr  }
0x1b: {  	s9 =	sadd.s32 $0xFFFFFEF7, lr;
	s5 =	simm.s32 $0xFFFFFFFF;
	p2 =	slt.u32 s8, $0xFFFFF086  }
0x1c: {  	p1 =	slt.u32 s9, $0xF7A;
	s5 =	simm.s32 @!p2 $0x0  }
0x1d: {  	s5 =	simm.s32 @p1 $0x1;
	p0 =	seq.s32 s7, s2  }
0x1e: {  	s7 =	smul.u32 @!p0 $0xF7A, s2;
	p2 =	seq.s32 @!p0 s5, $0x0  }
0x1f: {  	s9 =	smul.u32 $0xF7A, s1;
	s8 =	simm.s32 @!p0 $0x1BF5;
	p2 =	por !p2, p0  }
0x20: {  	[sflag:s8] =	ssyncset.s32 @!p0 $0xFFFFF086;
	s6 =	sadd.s32 @!p0 s3, s7;
	s7 =	simm.s32 @!p0 $0x108  }
0x21: {  	s3 =	sadd.s32 s3, s9;
	s6 =	sadd.s32 @!p0 $0x88, s6;
	s7 =	simm.s32 @p2 $0x1082  }
0x22: {  	[simem:s7], [sflag:s8] =	dma.local @!p0 [hbm:s6], $0xF7A  }
0x23: {  	s9 =	sor.u32 $0xD0000000, s2;
	s6 =	simm.s32 $0x108;
	_ =	swait.ge @!p0 [sflag:s8], $0x0  }
0x24: {  	s3 =	sadd.s32 $0x88, s3;
	s6 =	simm.s32 @!p1 $0x1082;
	[sflag:s4] =	ssyncset.s32 $0xFFFFF086  }
0x25: {  	[simem:s6], [sflag:s4] =	dma.local [hbm:s3], $0xF7A  }
0x26: {  	[smem:$0x3F9C] =	sst s1;
	(tag) =	ssettag s2;
	_ =	strace s9  }
0x27: {  	s1 =	sld [smem:$0x3FAC]  }
0x28: {  	s2 =	sld [smem:$0x3FAD]  }
0x29: {  	s4 =	sld [smem:$0x3FAF]  }
0x2a: {  	p0 =	seq.s32 s5, $0x0;
	s5 =	sld [smem:$0x3FB0]  }
0x2b: {  	s6 =	sld [smem:$0x3FB1]  }
0x2c: {  	s7 =	sld [smem:$0x3FB2]  }
0x2d: {  	s3 =	simm.s32 $0x108;
	s8 =	sld [smem:$0x3FB3]  }
0x2e: {  	s3 =	simm.s32 @!p0 $0x1082;
	s9 =	sld [smem:$0x3FB4]  }
0x2f: {  	lr =	sadd.s32 s0, s3;
	s0 =	sld [smem:$0x3FAB]  }
0x30: {  	s3 =	sld [smem:$0x3FAE]  }
0x31: {  	[smem:$0x3FB7] =	sst s10  }
0x32: {  	s10 =	sld [smem:$0x3FB5];
	_ =	sdelay $0x3  }
0x33: {  	p0 =	seq.s32 s10, $0x1;
	s10 =	sld [smem:$0x3FB7];
	_ =	sdelay $0x3  }
0x34: {  	[smem:$0x3FB7] =	sst s10  }
0x35: {  	s10 =	sld [smem:$0x3FB6];
	_ =	sdelay $0x3  }
0x36: {  	p1 =	seq.s32 s10, $0x1;
	s10 =	sld [smem:$0x3FB7];
	_ =	sdelay $0x3  }
0x37: {  	[smem:$0x3FB7] =	sst s10  }
0x38: {  	s10 =	sld [smem:$0x3FB8]  }
0x39: {  	_ = 	snop;
	(pc) =	sbr.ind lr, $3  }
0x3a: {  	_ = 	snop  }
0x3b: {  	_ = 	snop  }
0x3c: {  	p2 =	seq.s32 s10, $0x1;
	s10 =	sld [smem:$0x3FB7]  }
0x3d: {  	_ =	shalt  }
0x3e: {  	_ =	shalt  }
0x3f: {  	_ =	shalt  }
0x40: {  	_ =	shalt  }
0x41: {  	_ =	shalt  }
0x42: {  	_ =	shalt  }
0x43: {  	_ =	shalt  }
0x44: {  	_ =	shalt  }
0x45: {  	_ =	shalt  }
0x46: {  	_ =	shalt  }
0x47: {  	_ =	shalt  }
0x48: {  	_ =	shalt  }
0x49: {  	_ =	shalt  }
0x4a: {  	_ =	shalt  }
0x4b: {  	_ =	shalt  }
0x4c: {  	_ =	shalt  }
0x4d: {  	_ =	shalt  }
0x4e: {  	_ =	shalt  }
0x4f: {  	_ =	shalt  }
0x50: {  	_ =	shalt  }
0x51: {  	_ =	shalt  }
0x52: {  	_ =	shalt  }
0x53: {  	_ =	shalt  }
0x54: {  	_ =	shalt  }
0x55: {  	_ =	shalt  }
0x56: {  	_ =	shalt  }
0x57: {  	_ =	shalt  }
0x58: {  	_ =	shalt  }
0x59: {  	_ =	shalt  }
0x5a: {  	_ =	shalt  }
0x5b: {  	_ =	shalt  }
0x5c: {  	_ =	shalt  }
0x5d: {  	_ =	shalt  }
0x5e: {  	_ =	shalt  }
0x5f: {  	_ =	shalt  }
0x60: {  	_ =	shalt  }
0x61: {  	_ =	shalt  }
0x62: {  	_ =	shalt  }
0x63: {  	_ =	shalt  }
0x64: {  	_ =	shalt  }
0x65: {  	_ =	shalt  }
0x66: {  	_ =	shalt  }
0x67: {  	_ =	shalt  }
0x68: {  	_ =	shalt  }
0x69: {  	_ =	shalt  }
0x6a: {  	_ =	shalt  }
0x6b: {  	_ =	shalt  }
0x6c: {  	_ =	shalt  }
0x6d: {  	_ =	shalt  }
0x6e: {  	_ =	shalt  }
0x6f: {  	_ =	shalt  }
0x70: {  	_ =	shalt  }
0x71: {  	_ =	shalt  }
0x72: {  	_ =	shalt  }
0x73: {  	_ =	shalt  }
0x74: {  	_ =	shalt  }
0x75: {  	_ =	shalt  }
0x76: {  	_ =	shalt  }
0x77: {  	_ =	shalt  }
0x78: {  	_ =	shalt  }
0x79: {  	_ =	shalt  }
0x7a: {  	_ =	shalt  }
0x7b: {  	_ =	shalt  }
0x7c: {  	_ =	shalt  }
0x7d: {  	_ =	shalt  }
0x7e: {  	_ =	shalt  }
0x7f: {  	_ =	shalt  }
0x80: {  	_ =	shalt  }
0x81: {  	_ =	shalt  }
0x82: {  	_ =	shalt  }
0x83: {  	_ =	shalt  }
0x84: {  	_ =	shalt  }
0x85: {  	_ =	shalt  }
0x86: {  	_ =	shalt  }
0x87: {  	_ =	shalt  }
.Lfunc_end0:
.L_simem_size_0:
called_computation_lowered:
.L_overlay_start_0:
0x88: {  	s2 =	sld [smem:$0x3FD9]  }
0x89: {  	s3 =	sld [smem:$0x3FFE];
	_ =	sdelay $0x1  }
0x8a: {  	s1 =	srdreg.scid  }
0x8b: {  	s0 =	sand.u32 $0x1, s1  }
0x8c: {  	s17 =	sshll.u32 s0, $0xA;
	s2 =	sadd.s32 s3, s2  }
0x8d: {  	s2 =	sadd.s32 s2, s17  }
0x8e: {  	[smem:$0x3FC3] =	sst s2  }
0x8f: {  	_ = 	snop  }
0x90: {  	s2 =	sld [smem:$0x3FC9]  }
0x91: {  	s18 =	sld [smem:$0x3FC8];
	(tm) =	ssettm $0x1  }
0x92: {  	s4 =	sld [smem:$0x3FFB];
	_ =	sdelay $0x3  }
0x93: {  	_ =	strace s4  }
0x94: {  	s4 =	sld [smem:$0x3FFC];
	_ =	sdelay $0x3  }
0x95: {  	_ =	strace s4  }
0x96: {  	s4 =	sld [smem:$0x3FFD];
	_ =	sdelay $0x3  }
0x97: {  	_ =	strace s4  }
0x98: {  	_ =	strace $0x8FFFFFFF  }
0x99: {  	s19 =	sld [smem:$0x3FDB];
	_ =	sdelay $0x1  }
0x9a: {  	s5 =	simm.s32 $_scs_section_size  }
0x9b: {  	s6 =	simm.s32 $_size__tile_overlayer_lowered;
	s7 =	simm.s32 $_tile_overlayer_lowered  }
0x9c: {  	s22 =	simm.s32 $0x1BFF;
	s21 =	sshll.u32 s7, $0x1;
	s4 =	sadd.s32 s5, s19  }
0x9d: {  	s8 =	simm.s32 $0x0;
	s20 =	sshll.u32 s6, $0x1;
	s6 =	sadd.s32 s21, s4  }
0x9e: {  	[timem:s8], [sflag:s22] =	dma.local [hbm:s6], s20  }
0x9f: {  	_ =	swait.ge [sflag:s22], s20  }
0xa0: {  	s5 =	ssub.s32 $0x0, s20;
	[sflag:s22] =	ssyncset.done $0x0  }
0xa1: {  	[sflag:s22] =	ssyncadd.s32 s5;
	_ =	sdelay $0x1  }
0xa2: {  	s23 =	simm.s32 $0x1B8B  }
0xa3: {  	_ =	swait.ge [sflag:s23], $0x1  }
0xa4: {  	[sflag:s23] =	ssyncset.done $0x0  }
0xa5: {  	s25 =	simm.s32 $0x1B8E;
	s24 =	sld [smem:$0x3FFE];
	[sflag:s23] =	ssyncadd.s32 $0xFFFFFFFF  }
0xa6: {  	s26 =	simm.s32 $execute0_lowered;
	[smem:$0x3FD2] =	sst s25  }
0xa7: {  	s6 =	sshll.u32 s26, $0x1;
	_ =	strace $0x80000046;
	[dreg:$0x1] =	wrdreg $0xFFFFFFFF  }
0xa8: {  	s28 =	simm.s32 $_size_execute0_lowered;
	s4 =	sadd.s32 s4, s6;
	[dreg:$0x0] =	wrdreg $0x0  }
0xa9: {  	s6 =	sshll.u32 s28, $0x1;
	[dreg:$0x2] =	wrdreg s4  }
0xaa: {  	[dreg:$0x3] =	wrdreg s6  }
0xab: {  	[dreg:$0x4] =	wrdreg $0xC0  }
0xac: {  	_ =	task [dreg:s8], $0x5FFFF  }
0xad: {  	[dreg:$0x1] =	wrdreg $0xFFFFFFFF  }
0xae: {  	[dreg:$0x0] =	wrdreg $0x60  }
0xaf: {  	[dreg:$0x2] =	wrdreg s2  }
0xb0: {  	[dreg:$0x3] =	wrdreg s18  }
0xb1: {  	[dreg:$0x4] =	wrdreg s24  }
0xb2: {  	[dreg:$0x5] =	wrdreg $0x15000  }
0xb3: {  	[dreg:$0x6] =	wrdreg $0x2D700  }
0xb4: {  	[dreg:$0x7] =	wrdreg $0x9  }
0xb5: {  	_ =	task.clear_ibuf [dreg:s8], $0x8FFFF;
	_ =	strace $0x90000046  }
0xb6: {  	s29 =	simm.s32 $0x9;
	_ =	strace $0x80000048  }
0xb7: {  	_ =	swait.ge [sflag:s29], $0x1  }
0xb8: {  	[sflag:s29] =	ssyncadd.s32 $0xFFFFFFFF  }
0xb9: {  	_ =	strace $0x90000048  }
0xba: {  	_ =	sfence  }
0xbb: {  	s30 =	sld [smem:$0x0];
	_ =	sdelay $0x2  }
0xbc: {  	s31 =	sshll.u32 s1, $0xD;
	s1 =	sshrl.u32 s1, $0x2  }
0xbd: {  	s3 =	sand.u32 $0x4000, s31;
	s1 =	sadd.s32 s1, s30  }
0xbe: {  	s0 =	sor.u32 s3, s0;
	s1 =	sshll.u32 s1, $0x11  }
0xbf: {  	s0 =	sor.u32 s1, s0  }
0xc0: {  	s0 =	sadd.s32 $0x8F2B, s0  }
0xc1: {  	[sflag:s0] =	ssyncadd.remote.s32 $0x1  }
0xc2: {  	_ =	sfence.sel $0xFFFF  }
0xc3: {  	[dreg:$0x0] =	wrdreg $0xFFFFFFFF;
	(pc) =	sbr.abs _section_cstart, $3  }
0xc4: {  	[dreg:$0x1] =	wrdreg $0xFFFFFFFF  }
0xc5: {  	_ =	task.clear_ibuf [dreg:s8], $0x2FFFF;
	_ =	strace $0x9FFFFFFF  }
0xc6: {  	(tm) =	ssettm $0x7FFFFFFF  }
0xc7: {  	_ =	shalt  }
tec
execute0_lowered:
.L_overlay_start_1:
0x0: {  	(tag) =	ssettag $0x1  }
0x1: {  	s5 =	rddreg [dreg:$0x0]  }
0x2: {  	s6 =	rddreg [dreg:$0x1]  }
0x3: {  	s7 =	rddreg [dreg:$0x2]  }
0x4: {  	s2 =	rddreg [dreg:$0x3]  }
0x5: {  	s0 =	stileid.u32;
	s3 =	rddreg [dreg:$0x4]  }
0x6: {  	s4 =	simm.s32 $0x0;
	s9 =	srdreg.scid;
	s8 =	smul.u32 $0x1868, s0  }
0x7: {  	v1 =	vlaneseq.u32;
	[smem:$0x7FF] =	sst s4;
	s18 =	sshll.u32 s0, $0x1;
	s0 =	simm.s32 $0xC00  }
0x8: {  	vm0 =	vcmask $0x3F3C;
	vm1 =	vmmov $0x7fff;
	s12 =	simm.s32 $0xD00;
	vm2 =	vcmask $0x300;
	_ =	strace $0x80000047;
	[dreg:$0xe] =	wrdreg s0  }
0x9: {  	s13 =	simm.s32 $0x200;
	s14 =	simm.s32 $0x1100;
	v0 =	vadd.s32 $0x1, v1;
	v6 =	vadd.s32 $0x41, v1;
	v7 =	vadd.s32 $0x51, v1;
	[dreg:$0x15] =	wrdreg s12  }
0xa: {  	s15 =	simm.s32 $0x380;
	s16 =	simm.s32 $0xD80;
	v8 =	vadd.s32 $0x61, v1;
	v9 =	vadd.s32 $0x71, v1;
	v10 =	vadd.s32 $0x81, v1;
	[dreg:$0x16] =	wrdreg s13  }
0xb: {  	s28 =	simm.s32 $0x4;
	s29 =	simm.s32 $0x5;
	v11 =	vadd.s32 $0x91, v1;
	v12 =	vadd.s32 $0xA1, v1;
	v13 =	vadd.s32 $0xB1, v1;
	[dreg:$0x17] =	wrdreg s14  }
0xc: {  	s30 =	simm.s32 $0x6;
	s17 =	sand.u32 $0x1, s9;
	v14 =	vadd.s32 $0xC1, v1;
	v15 =	vadd.s32 $0xD1, v1;
	v16 =	vadd.s32 $0xE1, v1;
	[dreg:$0x18] =	wrdreg s15  }
0xd: {  	s31 =	simm.s32 $0x7;
	v17 =	vadd.s32 $0xF1, v1;
	v18 =	vadd.s32 $0x101, v1;
	v19 =	vadd.s32 $0x111, v1;
	s9 =	sor.u32 s17, s18;
	[dreg:$0x19] =	wrdreg s16  }
0xe: {  	v20 =	vadd.s32 $0x121, v1;
	v21 =	vadd.s32 $0x131, v1;
	v22 =	vadd.s32 $0x141, v1;
	s18 =	simm.s32 $0x300;
	s12 =	simm.s32 $0x80;
	s16 =	simm.s32 $0x600  }
0xf: {  	v23 =	vadd.s32 $0x151, v1;
	v24 =	vadd.s32 $0x161, v1;
	v25 =	vadd.s32 $0x171, v1;
	s1 =	sshrl.u32 s8, $0x3;
	s23 =	sadd.s32 s8, s2;
	[dreg:$0x1a] =	wrdreg s18  }
0x10: {  	v26 =	vadd.s32 $0x181, v1;
	v27 =	vadd.s32 $0x191, v1;
	v28 =	vadd.s32 $0x1A1, v1;
	s19 =	sshll.u32 s9, $0x8;
	s24 =	sadd.s32 s8, s3;
	[dreg:$0xa] =	wrdreg s23  }
0x11: {  	v29 =	vadd.s32 $0x1B1, v1;
	v30 =	vadd.s32 $0x1C1, v1;
	v31 =	vadd.s32 $0x1D1, v1;
	s20 =	sshll.u32 s9, $0x7;
	s8 =	simm.s32 $0xC80;
	[dreg:$0xb] =	wrdreg s24  }
0x12: {  	v32 =	vadd.s32 $0x1E1, v1;
	v33 =	vadd.s32 $0x1F1, v1;
	v34 =	vadd.s32 $0x201, v1;
	s22 =	sshll.u32 s9, $0x4;
	s9 =	simm.s32 $0x100;
	[dreg:$0x11] =	wrdreg s8  }
0x13: {  	v35 =	vadd.s32 $0x211, v1;
	v36 =	vadd.s32 $0x221, v1;
	v37 =	vadd.s32 $0x231, v1;
	s18 =	simm.s32 $0x780;
	s5 =	sadd.s32 s5, s19;
	[dreg:$0x12] =	wrdreg s9  }
0x14: {  	v38 =	vadd.s32 $0x241, v1;
	v39 =	vadd.s32 $0x251, v1;
	v40 =	vadd.s32 $0x261, v1;
	s10 =	sadd.s32 s1, s7;
	s21 =	sadd.s32 s6, s20;
	[dreg:$0x8] =	wrdreg s5  }
0x15: {  	v41 =	vadd.s32 $0x271, v1;
	v42 =	vadd.s32 $0x281, v1;
	[tilespmem:$0x1FFC0] =	vst v0;
	v0 =	vadd.s32 $0x11, v1;
	s6 =	sadd.s32 s22, s7;
	s7 =	simm.s32 $0x180;
	[dreg:$0x9] =	wrdreg s21  }
0x16: {  	v43 =	vadd.s32 $0x291, v1;
	v44 =	vadd.s32 $0x2A1, v1;
	[tilespmem:$0x1FFD0] =	vst v0;
	v0 =	vadd.s32 $0x21, v1;
	s1 =	ssub.s32 $0x2, s17;
	s19 =	simm.s32 $0x1180;
	[dreg:$0x10] =	wrdreg s7  }
0x17: {  	v45 =	vadd.s32 $0x2B1, v1;
	v46 =	vadd.s32 $0x2C1, v1;
	[tilespmem:$0x1FFE0] =	vst v0;
	v0 =	vadd.s32 $0x31, v1;
	s20 =	simm.s32 $0x480;
	s22 =	simm.s32 $0x400;
	[dreg:$0x1b] =	wrdreg s19  }
0x18: {  	v47 =	vadd.s32 $0x2D1, v1;
	v48 =	vadd.s32 $0x2E1, v1;
	s8 =	simm.s32 $0xB;
	s23 =	simm.s32 $0x1200;
	[tilespmem:$0x1FFF0] =	vst v0;
	v0 =	vimm.s32 $0x3FF;
	[dreg:$0x1c] =	wrdreg s20  }
0x19: {  	v49 =	vadd.s32 $0x2F1, v1;
	s9 =	simm.s32 $0x800;
	s24 =	simm.s32 $0x580;
	[dreg:$0x1e] =	wrdreg s22;
	v0 =	vsel vm2, $0x3F1, v0;
	vm2 =	vcmask $0x704  }
0x1a: {  	v50 =	vadd.s32 $0x301, v1;
	s11 =	sadd.s32 $0x400, s10;
	s10 =	sadd.s32 $0x3600, s10;
	[dreg:$0x1f] =	wrdreg s23;
	v0 =	vsel vm2, $0x3F2, v0;
	vm2 =	vcmask $0xB08  }
0x1b: {  	v51 =	vadd.s32 $0x311, v1;
	s25 =	sadd.s32 $0x6800, s6;
	s26 =	sadd.s32 $0x6A00, s6;
	[smem:$0x7FB] =	sst s24;
	v0 =	vsel vm2, $0x3F3, v0;
	vm2 =	vcmask $0xF0C  }
0x1c: {  	v52 =	vadd.s32 $0x321, v1;
	s6 =	simm.s32 $0x1000;
	s17 =	sshrl.u32 s1, $0x1;
	[dreg:$0x6] =	wrdreg s11;
	v0 =	vsel vm2, $0x3F4, v0;
	vm2 =	vcmask $0x1310  }
0x1d: {  	v53 =	vadd.s32 $0x331, v1;
	s21 =	simm.s32 $0xE00;
	s7 =	simm.s32 $0x5EE0;
	[dreg:$0x7] =	wrdreg s10;
	v0 =	vsel vm2, $0x3F5, v0;
	vm2 =	vcmask $0x1714  }
0x1e: {  	v54 =	vadd.s32 $0x341, v1;
	s19 =	simm.s32 $0xF80;
	s20 =	simm.s32 $0x700;
	[dreg:$0xc] =	wrdreg s25;
	v0 =	vsel vm2, $0x3F6, v0;
	vm2 =	vcmask $0x1B18  }
0x1f: {  	v55 =	vadd.s32 $0x351, v1;
	s22 =	simm.s32 $0x1;
	s23 =	simm.s32 $0x1480;
	[dreg:$0xd] =	wrdreg s26;
	v0 =	vsel vm2, $0x3F7, v0;
	vm2 =	vcmask $0x1F1C  }
0x20: {  	v56 =	vadd.s32 $0x361, v1;
	s24 =	simm.s32 $0x1400;
	[dreg:$0xf] =	wrdreg s6;
	s10 =	simm.s32 $0x1080;
	v0 =	vsel vm2, $0x3F8, v0;
	vm2 =	vcmask $0x2320  }
0x21: {  	v57 =	vadd.s32 $0x371, v1;
	s11 =	simm.s32 $0x280;
	s1 =	ssub.s32 s1, s17;
	[dreg:$0x1d] =	wrdreg s21;
	v0 =	vsel vm2, $0x3F9, v0;
	vm2 =	vcmask $0x2724  }
0x22: {  	v58 =	vadd.s32 $0x381, v1;
	s6 =	simm.s32 $0x45E0;
	s25 =	simm.s32 $0xE80;
	[dreg:$0x13] =	wrdreg s10;
	v0 =	vsel vm2, $0x3FA, v0;
	vm2 =	vcmask $0x2B28  }
0x23: {  	v59 =	vadd.s32 $0x391, v1;
	s26 =	simm.s32 $0x500;
	s17 =	simm.s32 $0x1300;
	[dreg:$0x14] =	wrdreg s11;
	v0 =	vsel vm2, $0x3FB, v0;
	vm2 =	vcmask $0x2F2C  }
0x24: {  	v60 =	vadd.s32 $0x3A1, v1;
	s21 =	simm.s32 $0x1380;
	s5 =	smax.u32 s1, $0x1;
	[smem:$0x7FC] =	sst s25;
	v0 =	vsel vm2, $0x3FC, v0;
	vm2 =	vcmask $0x3330  }
0x25: {  	v61 =	vadd.s32 $0x3B1, v1;
	s10 =	simm.s32 $0x9;
	s11 =	simm.s32 $0xA;
	[smem:$0x7FD] =	sst s26;
	v0 =	vsel vm2, $0x3FD, v0;
	vm2 =	vcmask $0x3734  }
0x26: {  	v62 =	vadd.s32 $0x3C1, v1;
	s25 =	simm.s32 $0x2;
	s26 =	simm.s32 $0x3;
	s1 =	simm.s32 $0x8;
	v63 =	vsel vm2, $0x3FE, v0;
	v0 =	vadd.s32 $0x3D1, v1  }
.LBB2_1:
0x27: {  	s0 =	rddreg [dreg:$0x6]  }
0x28: {  	s13 =	rddreg [dreg:$0x7]  }
0x29: {  	[tilespmem:s6], [sflag:$0x9] =	stream.linear.gather [hbm4b:s0+s4], $0x1888, $0x38;
	[tilespmem:$0x77E0] =	vst v63  }
0x2a: {  	s0 =	rddreg [dreg:$0x8]  }
0x2b: {  	[tilespmem:s7], [sflag:$0xA] =	stream.linear.gather [hbm4b:s13+s4], $0x1888, $0x38;
	[tilespmem:$0x77E0] =	vst v63  }
0x2c: {  	_ = 	snop  }
0x2d: {  	[tilespmem:s4], [sflag:$0xB] =	stream.linear.gather [hbm4b:s0+s4], $0x800, $0x38;
	[tilespmem:$0x77E0] =	vst v63  }
0x2e: {  	_ =	swait.ge [sflag:s8], $0x800  }
0x2f: {  	[sflag:s8] =	ssyncset.done $0x0  }
0x30: {  	s15 =	rddreg [dreg:$0x9];
	[sflag:s8] =	ssyncadd.s32 $0xFFFFF800  }
0x31: {  	[tilespmem:s9], [sflag:$0xB] =	stream.linear.gather [hbm4b:s15+s4], $0x400, $0x38;
	[tilespmem:$0x77E0] =	vst v63  }
0x32: {  	_ =	swait.ge [sflag:s8], $0x400  }
0x33: {  	[sflag:s8] =	ssyncset.done $0x0  }
0x34: {  	[sflag:s8] =	ssyncadd.s32 $0xFFFFFC00  }
0x35: {  	_ =	swait.ge [sflag:s10], $0x1888  }
0x36: {  	[sflag:s10] =	ssyncset.done $0x0  }
0x37: {  	s13 =	rddreg [dreg:$0xa];
	[sflag:s10] =	ssyncadd.s32 $0xFFFFE778  }
0x38: {  	[spmem:s13] =	stream.linear.scatter [tilespmem:s6], [sflag:$0xB], $0x1888, $0x38;
	[tilespmem:$0x77E0] =	vst v63  }
0x39: {  	_ =	swait.ge [sflag:s8], $0x1888  }
0x3a: {  	[sflag:s8] =	ssyncset.done $0x0  }
0x3b: {  	[sflag:s8] =	ssyncadd.s32 $0xFFFFE778  }
0x3c: {  	_ =	swait.ge [sflag:s11], $0x1888  }
0x3d: {  	[sflag:s11] =	ssyncset.done $0x0  }
0x3e: {  	s14 =	rddreg [dreg:$0xb];
	[sflag:s11] =	ssyncadd.s32 $0xFFFFE778  }
0x3f: {  	[spmem:s14] =	stream.linear.scatter [tilespmem:s7], [sflag:$0xB], $0x1888, $0x38;
	[tilespmem:$0x77E0] =	vst v63  }
0x40: {  	_ =	swait.ge [sflag:s8], $0x1888  }
0x41: {  	[sflag:s8] =	ssyncset.done $0x0  }
0x42: {  	[sflag:s8] =	ssyncadd.s32 $0xFFFFE778  }
0x43: {  	[bflag:$0x0] =	sbarrier.arrive $0xFFFF  }
0x44: {  	s15 =	rddreg [dreg:$0xe]  }
0x45: {  	s13 =	rddreg [dreg:$0xf]  }
0x46: {  	s14 =	rddreg [dreg:$0x11]  }
0x47: {  	s0 =	rddreg [dreg:$0x12]  }
0x48: {  	[tilespmem:s15], [sflag:$0x1] =	stream.indirect.gather [spmem:s2], $0x1, s12, s12, $0xb8;
	[tilespmem:$0x77E0] =	vst v63  }
0x49: {  	s15 =	rddreg [dreg:$0x10]  }
0x4a: {  	[tilespmem:s13], [sflag:$0x1] =	stream.indirect.gather [spmem:s3], $0x1, s4, s12, $0xb8;
	[tilespmem:$0x77E0] =	vst v63  }
0x4b: {  	s13 =	rddreg [dreg:$0x13]  }
0x4c: {  	[tilespmem:s14], [sflag:$0x2] =	stream.indirect.gather [spmem:s2], $0x1, s15, s12, $0xb8;
	[tilespmem:$0x77E0] =	vst v63  }
0x4d: {  	s14 =	rddreg [dreg:$0x14]  }
0x4e: {  	s15 =	rddreg [dreg:$0x15]  }
0x4f: {  	[tilespmem:s13], [sflag:$0x2] =	stream.indirect.gather [spmem:s3], $0x1, s0, s12, $0xb8;
	[tilespmem:$0x77E0] =	vst v63  }
0x50: {  	s0 =	rddreg [dreg:$0x16]  }
0x51: {  	s13 =	rddreg [dreg:$0x17]  }
0x52: {  	[tilespmem:s15], [sflag:$0x3] =	stream.indirect.gather [spmem:s2], $0x1, s14, s12, $0xb8;
	[tilespmem:$0x77E0] =	vst v63  }
0x53: {  	s14 =	rddreg [dreg:$0x18]  }
0x54: {  	s15 =	rddreg [dreg:$0x19]  }
0x55: {  	[tilespmem:s13], [sflag:$0x3] =	stream.indirect.gather [spmem:s3], $0x1, s0, s12, $0xb8;
	[tilespmem:$0x77E0] =	vst v63  }
0x56: {  	s0 =	rddreg [dreg:$0x1a]  }
0x57: {  	s13 =	rddreg [dreg:$0x1b]  }
0x58: {  	[tilespmem:s15], [sflag:$0x4] =	stream.indirect.gather [spmem:s2], $0x1, s14, s12, $0xb8;
	[tilespmem:$0x77E0] =	vst v63  }
0x59: {  	s14 =	rddreg [dreg:$0x1c]  }
0x5a: {  	s15 =	rddreg [dreg:$0x1d]  }
0x5b: {  	[tilespmem:s13], [sflag:$0x4] =	stream.indirect.gather [spmem:s3], $0x1, s0, s12, $0xb8;
	[tilespmem:$0x77E0] =	vst v63  }
0x5c: {  	s0 =	rddreg [dreg:$0x1e]  }
0x5d: {  	s13 =	rddreg [dreg:$0x1f]  }
0x5e: {  	[tilespmem:s15], [sflag:$0x5] =	stream.indirect.gather [spmem:s2], $0x1, s14, s12, $0xb8;
	[tilespmem:$0x77E0] =	vst v63  }
0x5f: {  	s14 =	sld [smem:$0x7FB]  }
0x60: {  	s15 =	sld [smem:$0x7FC]  }
0x61: {  	[tilespmem:s13], [sflag:$0x5] =	stream.indirect.gather [spmem:s3], $0x1, s0, s12, $0xb8;
	[tilespmem:$0x77E0] =	vst v63  }
0x62: {  	s13 =	sld [smem:$0x7FD]  }
0x63: {  	[tilespmem:s15], [sflag:$0x6] =	stream.indirect.gather [spmem:s2], $0x1, s14, s12, $0xb8;
	[tilespmem:$0x77E0] =	vst v63  }
0x64: {  	s15 =	simm.s32 $0x1280  }
0x65: {  	[tilespmem:s15], [sflag:$0x6] =	stream.indirect.gather [spmem:s3], $0x1, s13, s12, $0xb8;
	[tilespmem:$0x77E0] =	vst v63  }
0x66: {  	s14 =	simm.s32 $0x680;
	s15 =	simm.s32 $0xF00  }
0x67: {  	[tilespmem:s15], [sflag:$0x7] =	stream.indirect.gather [spmem:s2], $0x1, s14, s12, $0xb8;
	[tilespmem:$0x77E0] =	vst v63  }
0x68: {  	_ = 	snop  }
0x69: {  	[tilespmem:s17], [sflag:$0x7] =	stream.indirect.gather [spmem:s3], $0x1, s16, s12, $0xb8;
	[tilespmem:$0x77E0] =	vst v63  }
0x6a: {  	_ = 	snop  }
0x6b: {  	[tilespmem:s19], [sflag:$0x8] =	stream.indirect.gather [spmem:s2], $0x1, s18, s12, $0xb8;
	[tilespmem:$0x77E0] =	vst v63  }
0x6c: {  	_ = 	snop  }
0x6d: {  	v2 =	vimm.f32 $0.0e+00;
	[tilespmem:s21], [sflag:$0x8] =	stream.indirect.gather [spmem:s3], $0x1, s20, s12, $0xb8;
	[tilespmem:$0x77E0] =	vst v63  }
0x6e: {  	[tilespmem:$0x1400] =	vst v2  }
0x6f: {  	[tilespmem:$0x1480] =	vst v2  }
0x70: {  	_ =	swait.ge [sflag:s22], $0x80  }
0x71: {  	[sflag:s22] =	ssyncset.done $0x0  }
0x72: {  	[sflag:s22] =	ssyncadd.s32 $0xFFFFFF80  }
0x73: {  	_ =	swait.ge [sflag:s22], $0x80  }
0x74: {  	[sflag:s22] =	ssyncset.done $0x0  }
0x75: {  	[sflag:s22] =	ssyncadd.s32 $0xFFFFFF80  }
0x76: {  	v2 =	vld [tilespmem:$0xC00];
	_ =	sdelay $0x4  }
0x77: {  	v2 =	vmul.f32 $1.442695020e+00, v2;
	_ =	sdelay $0x1  }
0x78: {  	(erf) = vpow2.f32 v2;
	_ =	sdelay $0x1  }
0x79: {  	v5 =	vld [tilespmem:$0x1FFC0];
	_ =	sdelay $0x2  }
0x7a: {  	v2 =	vld [tilespmem:$0x1000];
	_ =	sdelay $0x3  }
0x7b: {  	v3 =	vld [tilespmem:$0x800];
	v4 =	vpop (erf)  }
0x7c: {  	v5 =	vld.idx.msk [tilespmem:v5+s9+$0x0], $0xffff;
	v2 =	vmul.f32 v4, v2  }
0x7d: {  	(xrf2) =	vadd.scan.msk.f32 $0xffff, v4  }
0x7e: {  	(xrf2) =	vadd.scan.msk.f32 $0xffff, v2;
	_ =	sdelay $0x2  }
0x7f: {  	vm2 =	vne.s32 v3, v5  }
0x80: {  	vm3 =	vmor vm2, vm0;
	_ =	sdelay $0x1  }
0x81: {  	vm2 =	vmand vm2, vm1;
	_ =	sdelay $0x2  }
0x82: {  	v2, _, _ =	vpop (xrf2)  }
0x83: {  	[tilespmem:v3+s23+$0x0] =	vst.idx.add.f32.msk vm3, v2;
	v2 =	vsub.f32 $0.0e+00, v2;
	v4, _, _ =	vpop (xrf2)  }
0x84: {  	[tilespmem:v3+s24+$0x0] =	vst.idx.add.f32.msk vm3, v4;
	v3 =	vsub.f32 $0.0e+00, v4  }
0x85: {  	[tilespmem:v5+s23+$0x0] =	vst.idx.add.f32.msk vm2, v2  }
0x86: {  	[tilespmem:v5+s24+$0x0] =	vst.idx.add.f32.msk vm2, v3  }
0x87: {  	v2 =	vld [tilespmem:$0xC10];
	_ =	sdelay $0x4  }
0x88: {  	v2 =	vmul.f32 $1.442695020e+00, v2;
	_ =	sdelay $0x1  }
0x89: {  	(erf) = vpow2.f32 v2;
	_ =	sdelay $0x1  }
0x8a: {  	v5 =	vld [tilespmem:$0x1FFD0];
	_ =	sdelay $0x2  }
0x8b: {  	v2 =	vld [tilespmem:$0x1010];
	_ =	sdelay $0x3  }
0x8c: {  	v3 =	vld [tilespmem:$0x810];
	v4 =	vpop (erf)  }
0x8d: {  	v5 =	vld.idx.msk [tilespmem:v5+s9+$0x0], $0xffff;
	v2 =	vmul.f32 v4, v2  }
0x8e: {  	(xrf2) =	vadd.scan.msk.f32 $0xffff, v4  }
0x8f: {  	(xrf2) =	vadd.scan.msk.f32 $0xffff, v2;
	_ =	sdelay $0x2  }
0x90: {  	vm2 =	vne.s32 v3, v5  }
0x91: {  	vm3 =	vmor vm2, vm0;
	_ =	sdelay $0x1  }
0x92: {  	vm2 =	vmand vm2, vm1;
	_ =	sdelay $0x2  }
0x93: {  	v2, _, _ =	vpop (xrf2)  }
0x94: {  	[tilespmem:v3+s23+$0x0] =	vst.idx.add.f32.msk vm3, v2;
	v2 =	vsub.f32 $0.0e+00, v2;
	v4, _, _ =	vpop (xrf2)  }
0x95: {  	[tilespmem:v3+s24+$0x0] =	vst.idx.add.f32.msk vm3, v4;
	v3 =	vsub.f32 $0.0e+00, v4  }
0x96: {  	[tilespmem:v5+s23+$0x0] =	vst.idx.add.f32.msk vm2, v2  }
0x97: {  	[tilespmem:v5+s24+$0x0] =	vst.idx.add.f32.msk vm2, v3  }
0x98: {  	v2 =	vld [tilespmem:$0xC20];
	_ =	sdelay $0x4  }
0x99: {  	v2 =	vmul.f32 $1.442695020e+00, v2;
	_ =	sdelay $0x1  }
0x9a: {  	(erf) = vpow2.f32 v2;
	_ =	sdelay $0x1  }
0x9b: {  	v5 =	vld [tilespmem:$0x1FFE0];
	_ =	sdelay $0x2  }
0x9c: {  	v2 =	vld [tilespmem:$0x1020];
	_ =	sdelay $0x3  }
0x9d: {  	v3 =	vld [tilespmem:$0x820];
	v4 =	vpop (erf)  }
0x9e: {  	v5 =	vld.idx.msk [tilespmem:v5+s9+$0x0], $0xffff;
	v2 =	vmul.f32 v4, v2  }
0x9f: {  	(xrf2) =	vadd.scan.msk.f32 $0xffff, v4  }
0xa0: {  	(xrf2) =	vadd.scan.msk.f32 $0xffff, v2;
	_ =	sdelay $0x2  }
0xa1: {  	vm2 =	vne.s32 v3, v5  }
0xa2: {  	vm3 =	vmor vm2, vm0;
	_ =	sdelay $0x1  }
0xa3: {  	vm2 =	vmand vm2, vm1;
	_ =	sdelay $0x2  }
0xa4: {  	v2, _, _ =	vpop (xrf2)  }
0xa5: {  	[tilespmem:v3+s23+$0x0] =	vst.idx.add.f32.msk vm3, v2;
	v2 =	vsub.f32 $0.0e+00, v2;
	v4, _, _ =	vpop (xrf2)  }
0xa6: {  	[tilespmem:v3+s24+$0x0] =	vst.idx.add.f32.msk vm3, v4;
	v3 =	vsub.f32 $0.0e+00, v4  }
0xa7: {  	[tilespmem:v5+s23+$0x0] =	vst.idx.add.f32.msk vm2, v2  }
0xa8: {  	[tilespmem:v5+s24+$0x0] =	vst.idx.add.f32.msk vm2, v3  }
0xa9: {  	v2 =	vld [tilespmem:$0xC30];
	_ =	sdelay $0x4  }
0xaa: {  	v2 =	vmul.f32 $1.442695020e+00, v2;
	_ =	sdelay $0x1  }
0xab: {  	(erf) = vpow2.f32 v2;
	_ =	sdelay $0x1  }
0xac: {  	v5 =	vld [tilespmem:$0x1FFF0];
	_ =	sdelay $0x2  }
0xad: {  	v2 =	vld [tilespmem:$0x1030];
	_ =	sdelay $0x3  }
0xae: {  	v3 =	vld [tilespmem:$0x830];
	v4 =	vpop (erf)  }
0xaf: {  	v5 =	vld.idx.msk [tilespmem:v5+s9+$0x0], $0xffff;
	v2 =	vmul.f32 v4, v2  }
0xb0: {  	(xrf2) =	vadd.scan.msk.f32 $0xffff, v4  }
0xb1: {  	(xrf2) =	vadd.scan.msk.f32 $0xffff, v2;
	_ =	sdelay $0x2  }
0xb2: {  	vm2 =	vne.s32 v3, v5  }
0xb3: {  	vm3 =	vmor vm2, vm0;
	_ =	sdelay $0x1  }
0xb4: {  	vm2 =	vmand vm2, vm1;
	_ =	sdelay $0x2  }
0xb5: {  	v2, _, _ =	vpop (xrf2)  }
0xb6: {  	[tilespmem:v3+s23+$0x0] =	vst.idx.add.f32.msk vm3, v2;
	v2 =	vsub.f32 $0.0e+00, v2;
	v4, _, _ =	vpop (xrf2)  }
0xb7: {  	[tilespmem:v3+s24+$0x0] =	vst.idx.add.f32.msk vm3, v4;
	v3 =	vsub.f32 $0.0e+00, v4  }
0xb8: {  	[tilespmem:v5+s23+$0x0] =	vst.idx.add.f32.msk vm2, v2  }
0xb9: {  	[tilespmem:v5+s24+$0x0] =	vst.idx.add.f32.msk vm2, v3  }
0xba: {  	v2 =	vld [tilespmem:$0xC40];
	_ =	sdelay $0x4  }
0xbb: {  	v2 =	vmul.f32 $1.442695020e+00, v2;
	_ =	sdelay $0x1  }
0xbc: {  	(erf) = vpow2.f32 v2;
	_ =	sdelay $0x4  }
0xbd: {  	v2 =	vld [tilespmem:$0x1040];
	_ =	sdelay $0x3  }
0xbe: {  	v3 =	vld [tilespmem:$0x840];
	v4 =	vpop (erf)  }
0xbf: {  	v5 =	vld.idx.msk [tilespmem:v6+s9+$0x0], $0xffff;
	v2 =	vmul.f32 v4, v2  }
0xc0: {  	(xrf2) =	vadd.scan.msk.f32 $0xffff, v4  }
0xc1: {  	(xrf2) =	vadd.scan.msk.f32 $0xffff, v2;
	_ =	sdelay $0x2  }
0xc2: {  	vm2 =	vne.s32 v3, v5  }
0xc3: {  	vm3 =	vmor vm2, vm0;
	_ =	sdelay $0x1  }
0xc4: {  	vm2 =	vmand vm2, vm1;
	_ =	sdelay $0x2  }
0xc5: {  	v2, _, _ =	vpop (xrf2)  }
0xc6: {  	[tilespmem:v3+s23+$0x0] =	vst.idx.add.f32.msk vm3, v2;
	v2 =	vsub.f32 $0.0e+00, v2;
	v4, _, _ =	vpop (xrf2)  }
0xc7: {  	[tilespmem:v3+s24+$0x0] =	vst.idx.add.f32.msk vm3, v4;
	v3 =	vsub.f32 $0.0e+00, v4  }
0xc8: {  	[tilespmem:v5+s23+$0x0] =	vst.idx.add.f32.msk vm2, v2  }
0xc9: {  	[tilespmem:v5+s24+$0x0] =	vst.idx.add.f32.msk vm2, v3  }
0xca: {  	v2 =	vld [tilespmem:$0xC50];
	_ =	sdelay $0x4  }
0xcb: {  	v2 =	vmul.f32 $1.442695020e+00, v2;
	_ =	sdelay $0x1  }
0xcc: {  	(erf) = vpow2.f32 v2;
	_ =	sdelay $0x4  }
0xcd: {  	v2 =	vld [tilespmem:$0x1050];
	_ =	sdelay $0x3  }
0xce: {  	v3 =	vld [tilespmem:$0x850];
	v4 =	vpop (erf)  }
0xcf: {  	v5 =	vld.idx.msk [tilespmem:v7+s9+$0x0], $0xffff;
	v2 =	vmul.f32 v4, v2  }
0xd0: {  	(xrf2) =	vadd.scan.msk.f32 $0xffff, v4  }
0xd1: {  	(xrf2) =	vadd.scan.msk.f32 $0xffff, v2;
	_ =	sdelay $0x2  }
0xd2: {  	vm2 =	vne.s32 v3, v5  }
0xd3: {  	vm3 =	vmor vm2, vm0;
	_ =	sdelay $0x1  }
0xd4: {  	vm2 =	vmand vm2, vm1;
	_ =	sdelay $0x2  }
0xd5: {  	v2, _, _ =	vpop (xrf2)  }
0xd6: {  	[tilespmem:v3+s23+$0x0] =	vst.idx.add.f32.msk vm3, v2;
	v2 =	vsub.f32 $0.0e+00, v2;
	v4, _, _ =	vpop (xrf2)  }
0xd7: {  	[tilespmem:v3+s24+$0x0] =	vst.idx.add.f32.msk vm3, v4;
	v3 =	vsub.f32 $0.0e+00, v4  }
0xd8: {  	[tilespmem:v5+s23+$0x0] =	vst.idx.add.f32.msk vm2, v2  }
0xd9: {  	[tilespmem:v5+s24+$0x0] =	vst.idx.add.f32.msk vm2, v3  }
0xda: {  	v2 =	vld [tilespmem:$0xC60];
	_ =	sdelay $0x4  }
0xdb: {  	v2 =	vmul.f32 $1.442695020e+00, v2;
	_ =	sdelay $0x1  }
0xdc: {  	(erf) = vpow2.f32 v2;
	_ =	sdelay $0x4  }
0xdd: {  	v2 =	vld [tilespmem:$0x1060];
	_ =	sdelay $0x3  }
0xde: {  	v3 =	vld [tilespmem:$0x860];
	v4 =	vpop (erf)  }
0xdf: {  	v5 =	vld.idx.msk [tilespmem:v8+s9+$0x0], $0xffff;
	v2 =	vmul.f32 v4, v2  }
0xe0: {  	(xrf2) =	vadd.scan.msk.f32 $0xffff, v4  }
0xe1: {  	(xrf2) =	vadd.scan.msk.f32 $0xffff, v2;
	_ =	sdelay $0x2  }
0xe2: {  	vm2 =	vne.s32 v3, v5  }
0xe3: {  	vm3 =	vmor vm2, vm0;
	_ =	sdelay $0x1  }
0xe4: {  	vm2 =	vmand vm2, vm1;
	_ =	sdelay $0x2  }
0xe5: {  	v2, _, _ =	vpop (xrf2)  }
0xe6: {  	[tilespmem:v3+s23+$0x0] =	vst.idx.add.f32.msk vm3, v2;
	v2 =	vsub.f32 $0.0e+00, v2;
	v4, _, _ =	vpop (xrf2)  }
0xe7: {  	[tilespmem:v3+s24+$0x0] =	vst.idx.add.f32.msk vm3, v4;
	v3 =	vsub.f32 $0.0e+00, v4  }
0xe8: {  	[tilespmem:v5+s23+$0x0] =	vst.idx.add.f32.msk vm2, v2  }
0xe9: {  	[tilespmem:v5+s24+$0x0] =	vst.idx.add.f32.msk vm2, v3  }
0xea: {  	v2 =	vld [tilespmem:$0xC70];
	_ =	sdelay $0x4  }
0xeb: {  	v2 =	vmul.f32 $1.442695020e+00, v2;
	_ =	sdelay $0x1  }
0xec: {  	(erf) = vpow2.f32 v2;
	_ =	sdelay $0x4  }
0xed: {  	v2 =	vld [tilespmem:$0x1070];
	_ =	sdelay $0x3  }
0xee: {  	v3 =	vld [tilespmem:$0x870];
	v4 =	vpop (erf)  }
0xef: {  	v5 =	vld.idx.msk [tilespmem:v9+s9+$0x0], $0xffff;
	v2 =	vmul.f32 v4, v2  }
0xf0: {  	(xrf2) =	vadd.scan.msk.f32 $0xffff, v4  }
0xf1: {  	(xrf2) =	vadd.scan.msk.f32 $0xffff, v2;
	_ =	sdelay $0x2  }
0xf2: {  	vm2 =	vne.s32 v3, v5  }
0xf3: {  	vm3 =	vmor vm2, vm0;
	_ =	sdelay $0x1  }
0xf4: {  	vm2 =	vmand vm2, vm1;
	_ =	sdelay $0x2  }
0xf5: {  	v2, _, _ =	vpop (xrf2)  }
0xf6: {  	[tilespmem:v3+s23+$0x0] =	vst.idx.add.f32.msk vm3, v2;
	v2 =	vsub.f32 $0.0e+00, v2;
	v4, _, _ =	vpop (xrf2)  }
0xf7: {  	[tilespmem:v3+s24+$0x0] =	vst.idx.add.f32.msk vm3, v4;
	v3 =	vsub.f32 $0.0e+00, v4  }
0xf8: {  	[tilespmem:v5+s23+$0x0] =	vst.idx.add.f32.msk vm2, v2  }
0xf9: {  	[tilespmem:v5+s24+$0x0] =	vst.idx.add.f32.msk vm2, v3  }
0xfa: {  	_ =	swait.ge [sflag:s25], $0x80  }
0xfb: {  	[sflag:s25] =	ssyncset.done $0x0  }
0xfc: {  	[sflag:s25] =	ssyncadd.s32 $0xFFFFFF80  }
0xfd: {  	_ =	swait.ge [sflag:s25], $0x80  }
0xfe: {  	[sflag:s25] =	ssyncset.done $0x0  }
0xff: {  	[sflag:s25] =	ssyncadd.s32 $0xFFFFFF80  }
0x100: {  	v2 =	vld [tilespmem:$0xC80];
	_ =	sdelay $0x4  }
0x101: {  	v2 =	vmul.f32 $1.442695020e+00, v2;
	_ =	sdelay $0x1  }
0x102: {  	(erf) = vpow2.f32 v2;
	_ =	sdelay $0x4  }
0x103: {  	v2 =	vld [tilespmem:$0x1080];
	_ =	sdelay $0x3  }
0x104: {  	v3 =	vld [tilespmem:$0x880];
	v4 =	vpop (erf)  }
0x105: {  	v5 =	vld.idx.msk [tilespmem:v10+s9+$0x0], $0xffff;
	v2 =	vmul.f32 v4, v2  }
0x106: {  	(xrf2) =	vadd.scan.msk.f32 $0xffff, v4  }
0x107: {  	(xrf2) =	vadd.scan.msk.f32 $0xffff, v2;
	_ =	sdelay $0x2  }
0x108: {  	vm2 =	vne.s32 v3, v5  }
0x109: {  	vm3 =	vmor vm2, vm0;
	_ =	sdelay $0x1  }
0x10a: {  	vm2 =	vmand vm2, vm1;
	_ =	sdelay $0x2  }
0x10b: {  	v2, _, _ =	vpop (xrf2)  }
0x10c: {  	[tilespmem:v3+s23+$0x0] =	vst.idx.add.f32.msk vm3, v2;
	v2 =	vsub.f32 $0.0e+00, v2;
	v4, _, _ =	vpop (xrf2)  }
0x10d: {  	[tilespmem:v3+s24+$0x0] =	vst.idx.add.f32.msk vm3, v4;
	v3 =	vsub.f32 $0.0e+00, v4  }
0x10e: {  	[tilespmem:v5+s23+$0x0] =	vst.idx.add.f32.msk vm2, v2  }
0x10f: {  	[tilespmem:v5+s24+$0x0] =	vst.idx.add.f32.msk vm2, v3  }
0x110: {  	v2 =	vld [tilespmem:$0xC90];
	_ =	sdelay $0x4  }
0x111: {  	v2 =	vmul.f32 $1.442695020e+00, v2;
	_ =	sdelay $0x1  }
0x112: {  	(erf) = vpow2.f32 v2;
	_ =	sdelay $0x4  }
0x113: {  	v2 =	vld [tilespmem:$0x1090];
	_ =	sdelay $0x3  }
0x114: {  	v3 =	vld [tilespmem:$0x890];
	v4 =	vpop (erf)  }
0x115: {  	v5 =	vld.idx.msk [tilespmem:v11+s9+$0x0], $0xffff;
	v2 =	vmul.f32 v4, v2  }
0x116: {  	(xrf2) =	vadd.scan.msk.f32 $0xffff, v4  }
0x117: {  	(xrf2) =	vadd.scan.msk.f32 $0xffff, v2;
	_ =	sdelay $0x2  }
0x118: {  	vm2 =	vne.s32 v3, v5  }
0x119: {  	vm3 =	vmor vm2, vm0;
	_ =	sdelay $0x1  }
0x11a: {  	vm2 =	vmand vm2, vm1;
	_ =	sdelay $0x2  }
0x11b: {  	v2, _, _ =	vpop (xrf2)  }
0x11c: {  	[tilespmem:v3+s23+$0x0] =	vst.idx.add.f32.msk vm3, v2;
	v2 =	vsub.f32 $0.0e+00, v2;
	v4, _, _ =	vpop (xrf2)  }
0x11d: {  	[tilespmem:v3+s24+$0x0] =	vst.idx.add.f32.msk vm3, v4;
	v3 =	vsub.f32 $0.0e+00, v4  }
0x11e: {  	[tilespmem:v5+s23+$0x0] =	vst.idx.add.f32.msk vm2, v2  }
0x11f: {  	[tilespmem:v5+s24+$0x0] =	vst.idx.add.f32.msk vm2, v3  }
0x120: {  	v2 =	vld [tilespmem:$0xCA0];
	_ =	sdelay $0x4  }
0x121: {  	v2 =	vmul.f32 $1.442695020e+00, v2;
	_ =	sdelay $0x1  }
0x122: {  	(erf) = vpow2.f32 v2;
	_ =	sdelay $0x4  }
0x123: {  	v2 =	vld [tilespmem:$0x10A0];
	_ =	sdelay $0x3  }
0x124: {  	v3 =	vld [tilespmem:$0x8A0];
	v4 =	vpop (erf)  }
0x125: {  	v5 =	vld.idx.msk [tilespmem:v12+s9+$0x0], $0xffff;
	v2 =	vmul.f32 v4, v2  }
0x126: {  	(xrf2) =	vadd.scan.msk.f32 $0xffff, v4  }
0x127: {  	(xrf2) =	vadd.scan.msk.f32 $0xffff, v2;
	_ =	sdelay $0x2  }
0x128: {  	vm2 =	vne.s32 v3, v5  }
0x129: {  	vm3 =	vmor vm2, vm0;
	_ =	sdelay $0x1  }
0x12a: {  	vm2 =	vmand vm2, vm1;
	_ =	sdelay $0x2  }
0x12b: {  	v2, _, _ =	vpop (xrf2)  }
0x12c: {  	[tilespmem:v3+s23+$0x0] =	vst.idx.add.f32.msk vm3, v2;
	v2 =	vsub.f32 $0.0e+00, v2;
	v4, _, _ =	vpop (xrf2)  }
0x12d: {  	[tilespmem:v3+s24+$0x0] =	vst.idx.add.f32.msk vm3, v4;
	v3 =	vsub.f32 $0.0e+00, v4  }
0x12e: {  	[tilespmem:v5+s23+$0x0] =	vst.idx.add.f32.msk vm2, v2  }
0x12f: {  	[tilespmem:v5+s24+$0x0] =	vst.idx.add.f32.msk vm2, v3  }
0x130: {  	v2 =	vld [tilespmem:$0xCB0];
	_ =	sdelay $0x4  }
0x131: {  	v2 =	vmul.f32 $1.442695020e+00, v2;
	_ =	sdelay $0x1  }
0x132: {  	(erf) = vpow2.f32 v2;
	_ =	sdelay $0x4  }
0x133: {  	v2 =	vld [tilespmem:$0x10B0];
	_ =	sdelay $0x3  }
0x134: {  	v3 =	vld [tilespmem:$0x8B0];
	v4 =	vpop (erf)  }
0x135: {  	v5 =	vld.idx.msk [tilespmem:v13+s9+$0x0], $0xffff;
	v2 =	vmul.f32 v4, v2  }
0x136: {  	(xrf2) =	vadd.scan.msk.f32 $0xffff, v4  }
0x137: {  	(xrf2) =	vadd.scan.msk.f32 $0xffff, v2;
	_ =	sdelay $0x2  }
0x138: {  	vm2 =	vne.s32 v3, v5  }
0x139: {  	vm3 =	vmor vm2, vm0;
	_ =	sdelay $0x1  }
0x13a: {  	vm2 =	vmand vm2, vm1;
	_ =	sdelay $0x2  }
0x13b: {  	v2, _, _ =	vpop (xrf2)  }
0x13c: {  	[tilespmem:v3+s23+$0x0] =	vst.idx.add.f32.msk vm3, v2;
	v2 =	vsub.f32 $0.0e+00, v2;
	v4, _, _ =	vpop (xrf2)  }
0x13d: {  	[tilespmem:v3+s24+$0x0] =	vst.idx.add.f32.msk vm3, v4;
	v3 =	vsub.f32 $0.0e+00, v4  }
0x13e: {  	[tilespmem:v5+s23+$0x0] =	vst.idx.add.f32.msk vm2, v2  }
0x13f: {  	[tilespmem:v5+s24+$0x0] =	vst.idx.add.f32.msk vm2, v3  }
0x140: {  	v2 =	vld [tilespmem:$0xCC0];
	_ =	sdelay $0x4  }
0x141: {  	v2 =	vmul.f32 $1.442695020e+00, v2;
	_ =	sdelay $0x1  }
0x142: {  	(erf) = vpow2.f32 v2;
	_ =	sdelay $0x4  }
0x143: {  	v2 =	vld [tilespmem:$0x10C0];
	_ =	sdelay $0x3  }
0x144: {  	v3 =	vld [tilespmem:$0x8C0];
	v4 =	vpop (erf)  }
0x145: {  	v5 =	vld.idx.msk [tilespmem:v14+s9+$0x0], $0xffff;
	v2 =	vmul.f32 v4, v2  }
0x146: {  	(xrf2) =	vadd.scan.msk.f32 $0xffff, v4  }
0x147: {  	(xrf2) =	vadd.scan.msk.f32 $0xffff, v2;
	_ =	sdelay $0x2  }
0x148: {  	vm2 =	vne.s32 v3, v5  }
0x149: {  	vm3 =	vmor vm2, vm0;
	_ =	sdelay $0x1  }
0x14a: {  	vm2 =	vmand vm2, vm1;
	_ =	sdelay $0x2  }
0x14b: {  	v2, _, _ =	vpop (xrf2)  }
0x14c: {  	[tilespmem:v3+s23+$0x0] =	vst.idx.add.f32.msk vm3, v2;
	v2 =	vsub.f32 $0.0e+00, v2;
	v4, _, _ =	vpop (xrf2)  }
0x14d: {  	[tilespmem:v3+s24+$0x0] =	vst.idx.add.f32.msk vm3, v4;
	v3 =	vsub.f32 $0.0e+00, v4  }
0x14e: {  	[tilespmem:v5+s23+$0x0] =	vst.idx.add.f32.msk vm2, v2  }
0x14f: {  	[tilespmem:v5+s24+$0x0] =	vst.idx.add.f32.msk vm2, v3  }
0x150: {  	v2 =	vld [tilespmem:$0xCD0];
	_ =	sdelay $0x4  }
0x151: {  	v2 =	vmul.f32 $1.442695020e+00, v2;
	_ =	sdelay $0x1  }
0x152: {  	(erf) = vpow2.f32 v2;
	_ =	sdelay $0x4  }
0x153: {  	v2 =	vld [tilespmem:$0x10D0];
	_ =	sdelay $0x3  }
0x154: {  	v3 =	vld [tilespmem:$0x8D0];
	v4 =	vpop (erf)  }
0x155: {  	v5 =	vld.idx.msk [tilespmem:v15+s9+$0x0], $0xffff;
	v2 =	vmul.f32 v4, v2  }
0x156: {  	(xrf2) =	vadd.scan.msk.f32 $0xffff, v4  }
0x157: {  	(xrf2) =	vadd.scan.msk.f32 $0xffff, v2;
	_ =	sdelay $0x2  }
0x158: {  	vm2 =	vne.s32 v3, v5  }
0x159: {  	vm3 =	vmor vm2, vm0;
	_ =	sdelay $0x1  }
0x15a: {  	vm2 =	vmand vm2, vm1;
	_ =	sdelay $0x2  }
0x15b: {  	v2, _, _ =	vpop (xrf2)  }
0x15c: {  	[tilespmem:v3+s23+$0x0] =	vst.idx.add.f32.msk vm3, v2;
	v2 =	vsub.f32 $0.0e+00, v2;
	v4, _, _ =	vpop (xrf2)  }
0x15d: {  	[tilespmem:v3+s24+$0x0] =	vst.idx.add.f32.msk vm3, v4;
	v3 =	vsub.f32 $0.0e+00, v4  }
0x15e: {  	[tilespmem:v5+s23+$0x0] =	vst.idx.add.f32.msk vm2, v2  }
0x15f: {  	[tilespmem:v5+s24+$0x0] =	vst.idx.add.f32.msk vm2, v3  }
0x160: {  	v2 =	vld [tilespmem:$0xCE0];
	_ =	sdelay $0x4  }
0x161: {  	v2 =	vmul.f32 $1.442695020e+00, v2;
	_ =	sdelay $0x1  }
0x162: {  	(erf) = vpow2.f32 v2;
	_ =	sdelay $0x4  }
0x163: {  	v2 =	vld [tilespmem:$0x10E0];
	_ =	sdelay $0x3  }
0x164: {  	v3 =	vld [tilespmem:$0x8E0];
	v4 =	vpop (erf)  }
0x165: {  	v5 =	vld.idx.msk [tilespmem:v16+s9+$0x0], $0xffff;
	v2 =	vmul.f32 v4, v2  }
0x166: {  	(xrf2) =	vadd.scan.msk.f32 $0xffff, v4  }
0x167: {  	(xrf2) =	vadd.scan.msk.f32 $0xffff, v2;
	_ =	sdelay $0x2  }
0x168: {  	vm2 =	vne.s32 v3, v5  }
0x169: {  	vm3 =	vmor vm2, vm0;
	_ =	sdelay $0x1  }
0x16a: {  	vm2 =	vmand vm2, vm1;
	_ =	sdelay $0x2  }
0x16b: {  	v2, _, _ =	vpop (xrf2)  }
0x16c: {  	[tilespmem:v3+s23+$0x0] =	vst.idx.add.f32.msk vm3, v2;
	v2 =	vsub.f32 $0.0e+00, v2;
	v4, _, _ =	vpop (xrf2)  }
0x16d: {  	[tilespmem:v3+s24+$0x0] =	vst.idx.add.f32.msk vm3, v4;
	v3 =	vsub.f32 $0.0e+00, v4  }
0x16e: {  	[tilespmem:v5+s23+$0x0] =	vst.idx.add.f32.msk vm2, v2  }
0x16f: {  	[tilespmem:v5+s24+$0x0] =	vst.idx.add.f32.msk vm2, v3  }
0x170: {  	v2 =	vld [tilespmem:$0xCF0];
	_ =	sdelay $0x4  }
0x171: {  	v2 =	vmul.f32 $1.442695020e+00, v2;
	_ =	sdelay $0x1  }
0x172: {  	(erf) = vpow2.f32 v2;
	_ =	sdelay $0x4  }
0x173: {  	v2 =	vld [tilespmem:$0x10F0];
	_ =	sdelay $0x3  }
0x174: {  	v3 =	vld [tilespmem:$0x8F0];
	v4 =	vpop (erf)  }
0x175: {  	v5 =	vld.idx.msk [tilespmem:v17+s9+$0x0], $0xffff;
	v2 =	vmul.f32 v4, v2  }
0x176: {  	(xrf2) =	vadd.scan.msk.f32 $0xffff, v4  }
0x177: {  	(xrf2) =	vadd.scan.msk.f32 $0xffff, v2;
	_ =	sdelay $0x2  }
0x178: {  	vm2 =	vne.s32 v3, v5  }
0x179: {  	vm3 =	vmor vm2, vm0;
	_ =	sdelay $0x1  }
0x17a: {  	vm2 =	vmand vm2, vm1;
	_ =	sdelay $0x2  }
0x17b: {  	v2, _, _ =	vpop (xrf2)  }
0x17c: {  	[tilespmem:v3+s23+$0x0] =	vst.idx.add.f32.msk vm3, v2;
	v2 =	vsub.f32 $0.0e+00, v2;
	v4, _, _ =	vpop (xrf2)  }
0x17d: {  	[tilespmem:v3+s24+$0x0] =	vst.idx.add.f32.msk vm3, v4;
	v3 =	vsub.f32 $0.0e+00, v4  }
0x17e: {  	[tilespmem:v5+s23+$0x0] =	vst.idx.add.f32.msk vm2, v2  }
0x17f: {  	[tilespmem:v5+s24+$0x0] =	vst.idx.add.f32.msk vm2, v3  }
0x180: {  	_ =	swait.ge [sflag:s26], $0x80  }
0x181: {  	[sflag:s26] =	ssyncset.done $0x0  }
0x182: {  	[sflag:s26] =	ssyncadd.s32 $0xFFFFFF80  }
0x183: {  	_ =	swait.ge [sflag:s26], $0x80  }
0x184: {  	[sflag:s26] =	ssyncset.done $0x0  }
0x185: {  	[sflag:s26] =	ssyncadd.s32 $0xFFFFFF80  }
0x186: {  	v2 =	vld [tilespmem:$0xD00];
	_ =	sdelay $0x4  }
0x187: {  	v2 =	vmul.f32 $1.442695020e+00, v2;
	_ =	sdelay $0x1  }
0x188: {  	(erf) = vpow2.f32 v2;
	_ =	sdelay $0x4  }
0x189: {  	v2 =	vld [tilespmem:$0x1100];
	_ =	sdelay $0x3  }
0x18a: {  	v3 =	vld [tilespmem:$0x900];
	v4 =	vpop (erf)  }
0x18b: {  	v5 =	vld.idx.msk [tilespmem:v18+s9+$0x0], $0xffff;
	v2 =	vmul.f32 v4, v2  }
0x18c: {  	(xrf2) =	vadd.scan.msk.f32 $0xffff, v4  }
0x18d: {  	(xrf2) =	vadd.scan.msk.f32 $0xffff, v2;
	_ =	sdelay $0x2  }
0x18e: {  	vm2 =	vne.s32 v3, v5  }
0x18f: {  	vm3 =	vmor vm2, vm0;
	_ =	sdelay $0x1  }
0x190: {  	vm2 =	vmand vm2, vm1;
	_ =	sdelay $0x2  }
0x191: {  	v2, _, _ =	vpop (xrf2)  }
0x192: {  	[tilespmem:v3+s23+$0x0] =	vst.idx.add.f32.msk vm3, v2;
	v2 =	vsub.f32 $0.0e+00, v2;
	v4, _, _ =	vpop (xrf2)  }
0x193: {  	[tilespmem:v3+s24+$0x0] =	vst.idx.add.f32.msk vm3, v4;
	v3 =	vsub.f32 $0.0e+00, v4  }
0x194: {  	[tilespmem:v5+s23+$0x0] =	vst.idx.add.f32.msk vm2, v2  }
0x195: {  	[tilespmem:v5+s24+$0x0] =	vst.idx.add.f32.msk vm2, v3  }
0x196: {  	v2 =	vld [tilespmem:$0xD10];
	_ =	sdelay $0x4  }
0x197: {  	v2 =	vmul.f32 $1.442695020e+00, v2;
	_ =	sdelay $0x1  }
0x198: {  	(erf) = vpow2.f32 v2;
	_ =	sdelay $0x4  }
0x199: {  	v2 =	vld [tilespmem:$0x1110];
	_ =	sdelay $0x3  }
0x19a: {  	v3 =	vld [tilespmem:$0x910];
	v4 =	vpop (erf)  }
0x19b: {  	v5 =	vld.idx.msk [tilespmem:v19+s9+$0x0], $0xffff;
	v2 =	vmul.f32 v4, v2  }
0x19c: {  	(xrf2) =	vadd.scan.msk.f32 $0xffff, v4  }
0x19d: {  	(xrf2) =	vadd.scan.msk.f32 $0xffff, v2;
	_ =	sdelay $0x2  }
0x19e: {  	vm2 =	vne.s32 v3, v5  }
0x19f: {  	vm3 =	vmor vm2, vm0;
	_ =	sdelay $0x1  }
0x1a0: {  	vm2 =	vmand vm2, vm1;
	_ =	sdelay $0x2  }
0x1a1: {  	v2, _, _ =	vpop (xrf2)  }
0x1a2: {  	[tilespmem:v3+s23+$0x0] =	vst.idx.add.f32.msk vm3, v2;
	v2 =	vsub.f32 $0.0e+00, v2;
	v4, _, _ =	vpop (xrf2)  }
0x1a3: {  	[tilespmem:v3+s24+$0x0] =	vst.idx.add.f32.msk vm3, v4;
	v3 =	vsub.f32 $0.0e+00, v4  }
0x1a4: {  	[tilespmem:v5+s23+$0x0] =	vst.idx.add.f32.msk vm2, v2  }
0x1a5: {  	[tilespmem:v5+s24+$0x0] =	vst.idx.add.f32.msk vm2, v3  }
0x1a6: {  	v2 =	vld [tilespmem:$0xD20];
	_ =	sdelay $0x4  }
0x1a7: {  	v2 =	vmul.f32 $1.442695020e+00, v2;
	_ =	sdelay $0x1  }
0x1a8: {  	(erf) = vpow2.f32 v2;
	_ =	sdelay $0x4  }
0x1a9: {  	v2 =	vld [tilespmem:$0x1120];
	_ =	sdelay $0x3  }
0x1aa: {  	v3 =	vld [tilespmem:$0x920];
	v4 =	vpop (erf)  }
0x1ab: {  	v5 =	vld.idx.msk [tilespmem:v20+s9+$0x0], $0xffff;
	v2 =	vmul.f32 v4, v2  }
0x1ac: {  	(xrf2) =	vadd.scan.msk.f32 $0xffff, v4  }
0x1ad: {  	(xrf2) =	vadd.scan.msk.f32 $0xffff, v2;
	_ =	sdelay $0x2  }
0x1ae: {  	vm2 =	vne.s32 v3, v5  }
0x1af: {  	vm3 =	vmor vm2, vm0;
	_ =	sdelay $0x1  }
0x1b0: {  	vm2 =	vmand vm2, vm1;
	_ =	sdelay $0x2  }
0x1b1: {  	v2, _, _ =	vpop (xrf2)  }
0x1b2: {  	[tilespmem:v3+s23+$0x0] =	vst.idx.add.f32.msk vm3, v2;
	v2 =	vsub.f32 $0.0e+00, v2;
	v4, _, _ =	vpop (xrf2)  }
0x1b3: {  	[tilespmem:v3+s24+$0x0] =	vst.idx.add.f32.msk vm3, v4;
	v3 =	vsub.f32 $0.0e+00, v4  }
0x1b4: {  	[tilespmem:v5+s23+$0x0] =	vst.idx.add.f32.msk vm2, v2  }
0x1b5: {  	[tilespmem:v5+s24+$0x0] =	vst.idx.add.f32.msk vm2, v3  }
0x1b6: {  	v2 =	vld [tilespmem:$0xD30];
	_ =	sdelay $0x4  }
0x1b7: {  	v2 =	vmul.f32 $1.442695020e+00, v2;
	_ =	sdelay $0x1  }
0x1b8: {  	(erf) = vpow2.f32 v2;
	_ =	sdelay $0x4  }
0x1b9: {  	v2 =	vld [tilespmem:$0x1130];
	_ =	sdelay $0x3  }
0x1ba: {  	v3 =	vld [tilespmem:$0x930];
	v4 =	vpop (erf)  }
0x1bb: {  	v5 =	vld.idx.msk [tilespmem:v21+s9+$0x0], $0xffff;
	v2 =	vmul.f32 v4, v2  }
0x1bc: {  	(xrf2) =	vadd.scan.msk.f32 $0xffff, v4  }
0x1bd: {  	(xrf2) =	vadd.scan.msk.f32 $0xffff, v2;
	_ =	sdelay $0x2  }
0x1be: {  	vm2 =	vne.s32 v3, v5  }
0x1bf: {  	vm3 =	vmor vm2, vm0;
	_ =	sdelay $0x1  }
0x1c0: {  	vm2 =	vmand vm2, vm1;
	_ =	sdelay $0x2  }
0x1c1: {  	v2, _, _ =	vpop (xrf2)  }
0x1c2: {  	[tilespmem:v3+s23+$0x0] =	vst.idx.add.f32.msk vm3, v2;
	v2 =	vsub.f32 $0.0e+00, v2;
	v4, _, _ =	vpop (xrf2)  }
0x1c3: {  	[tilespmem:v3+s24+$0x0] =	vst.idx.add.f32.msk vm3, v4;
	v3 =	vsub.f32 $0.0e+00, v4  }
0x1c4: {  	[tilespmem:v5+s23+$0x0] =	vst.idx.add.f32.msk vm2, v2  }
0x1c5: {  	[tilespmem:v5+s24+$0x0] =	vst.idx.add.f32.msk vm2, v3  }
0x1c6: {  	v2 =	vld [tilespmem:$0xD40];
	_ =	sdelay $0x4  }
0x1c7: {  	v2 =	vmul.f32 $1.442695020e+00, v2;
	_ =	sdelay $0x1  }
0x1c8: {  	(erf) = vpow2.f32 v2;
	_ =	sdelay $0x4  }
0x1c9: {  	v2 =	vld [tilespmem:$0x1140];
	_ =	sdelay $0x3  }
0x1ca: {  	v3 =	vld [tilespmem:$0x940];
	v4 =	vpop (erf)  }
0x1cb: {  	v5 =	vld.idx.msk [tilespmem:v22+s9+$0x0], $0xffff;
	v2 =	vmul.f32 v4, v2  }
0x1cc: {  	(xrf2) =	vadd.scan.msk.f32 $0xffff, v4  }
0x1cd: {  	(xrf2) =	vadd.scan.msk.f32 $0xffff, v2;
	_ =	sdelay $0x2  }
0x1ce: {  	vm2 =	vne.s32 v3, v5  }
0x1cf: {  	vm3 =	vmor vm2, vm0;
	_ =	sdelay $0x1  }
0x1d0: {  	vm2 =	vmand vm2, vm1;
	_ =	sdelay $0x2  }
0x1d1: {  	v2, _, _ =	vpop (xrf2)  }
0x1d2: {  	[tilespmem:v3+s23+$0x0] =	vst.idx.add.f32.msk vm3, v2;
	v2 =	vsub.f32 $0.0e+00, v2;
	v4, _, _ =	vpop (xrf2)  }
0x1d3: {  	[tilespmem:v3+s24+$0x0] =	vst.idx.add.f32.msk vm3, v4;
	v3 =	vsub.f32 $0.0e+00, v4  }
0x1d4: {  	[tilespmem:v5+s23+$0x0] =	vst.idx.add.f32.msk vm2, v2  }
0x1d5: {  	[tilespmem:v5+s24+$0x0] =	vst.idx.add.f32.msk vm2, v3  }
0x1d6: {  	v2 =	vld [tilespmem:$0xD50];
	_ =	sdelay $0x4  }
0x1d7: {  	v2 =	vmul.f32 $1.442695020e+00, v2;
	_ =	sdelay $0x1  }
0x1d8: {  	(erf) = vpow2.f32 v2;
	_ =	sdelay $0x4  }
0x1d9: {  	v2 =	vld [tilespmem:$0x1150];
	_ =	sdelay $0x3  }
0x1da: {  	v3 =	vld [tilespmem:$0x950];
	v4 =	vpop (erf)  }
0x1db: {  	v5 =	vld.idx.msk [tilespmem:v23+s9+$0x0], $0xffff;
	v2 =	vmul.f32 v4, v2  }
0x1dc: {  	(xrf2) =	vadd.scan.msk.f32 $0xffff, v4  }
0x1dd: {  	(xrf2) =	vadd.scan.msk.f32 $0xffff, v2;
	_ =	sdelay $0x2  }
0x1de: {  	vm2 =	vne.s32 v3, v5  }
0x1df: {  	vm3 =	vmor vm2, vm0;
	_ =	sdelay $0x1  }
0x1e0: {  	vm2 =	vmand vm2, vm1;
	_ =	sdelay $0x2  }
0x1e1: {  	v2, _, _ =	vpop (xrf2)  }
0x1e2: {  	[tilespmem:v3+s23+$0x0] =	vst.idx.add.f32.msk vm3, v2;
	v2 =	vsub.f32 $0.0e+00, v2;
	v4, _, _ =	vpop (xrf2)  }
0x1e3: {  	[tilespmem:v3+s24+$0x0] =	vst.idx.add.f32.msk vm3, v4;
	v3 =	vsub.f32 $0.0e+00, v4  }
0x1e4: {  	[tilespmem:v5+s23+$0x0] =	vst.idx.add.f32.msk vm2, v2  }
0x1e5: {  	[tilespmem:v5+s24+$0x0] =	vst.idx.add.f32.msk vm2, v3  }
0x1e6: {  	v2 =	vld [tilespmem:$0xD60];
	_ =	sdelay $0x4  }
0x1e7: {  	v2 =	vmul.f32 $1.442695020e+00, v2;
	_ =	sdelay $0x1  }
0x1e8: {  	(erf) = vpow2.f32 v2;
	_ =	sdelay $0x4  }
0x1e9: {  	v2 =	vld [tilespmem:$0x1160];
	_ =	sdelay $0x3  }
0x1ea: {  	v3 =	vld [tilespmem:$0x960];
	v4 =	vpop (erf)  }
0x1eb: {  	v5 =	vld.idx.msk [tilespmem:v24+s9+$0x0], $0xffff;
	v2 =	vmul.f32 v4, v2  }
0x1ec: {  	(xrf2) =	vadd.scan.msk.f32 $0xffff, v4  }
0x1ed: {  	(xrf2) =	vadd.scan.msk.f32 $0xffff, v2;
	_ =	sdelay $0x2  }
0x1ee: {  	vm2 =	vne.s32 v3, v5  }
0x1ef: {  	vm3 =	vmor vm2, vm0;
	_ =	sdelay $0x1  }
0x1f0: {  	vm2 =	vmand vm2, vm1;
	_ =	sdelay $0x2  }
0x1f1: {  	v2, _, _ =	vpop (xrf2)  }
0x1f2: {  	[tilespmem:v3+s23+$0x0] =	vst.idx.add.f32.msk vm3, v2;
	v2 =	vsub.f32 $0.0e+00, v2;
	v4, _, _ =	vpop (xrf2)  }
0x1f3: {  	[tilespmem:v3+s24+$0x0] =	vst.idx.add.f32.msk vm3, v4;
	v3 =	vsub.f32 $0.0e+00, v4  }
0x1f4: {  	[tilespmem:v5+s23+$0x0] =	vst.idx.add.f32.msk vm2, v2  }
0x1f5: {  	[tilespmem:v5+s24+$0x0] =	vst.idx.add.f32.msk vm2, v3  }
0x1f6: {  	v2 =	vld [tilespmem:$0xD70];
	_ =	sdelay $0x4  }
0x1f7: {  	v2 =	vmul.f32 $1.442695020e+00, v2;
	_ =	sdelay $0x1  }
0x1f8: {  	(erf) = vpow2.f32 v2;
	_ =	sdelay $0x4  }
0x1f9: {  	v2 =	vld [tilespmem:$0x1170];
	_ =	sdelay $0x3  }
0x1fa: {  	v3 =	vld [tilespmem:$0x970];
	v4 =	vpop (erf)  }
0x1fb: {  	v5 =	vld.idx.msk [tilespmem:v25+s9+$0x0], $0xffff;
	v2 =	vmul.f32 v4, v2  }
0x1fc: {  	(xrf2) =	vadd.scan.msk.f32 $0xffff, v4  }
0x1fd: {  	(xrf2) =	vadd.scan.msk.f32 $0xffff, v2;
	_ =	sdelay $0x2  }
0x1fe: {  	vm2 =	vne.s32 v3, v5  }
0x1ff: {  	vm3 =	vmor vm2, vm0;
	_ =	sdelay $0x1  }
0x200: {  	vm2 =	vmand vm2, vm1;
	_ =	sdelay $0x2  }
0x201: {  	v2, _, _ =	vpop (xrf2)  }
0x202: {  	[tilespmem:v3+s23+$0x0] =	vst.idx.add.f32.msk vm3, v2;
	v2 =	vsub.f32 $0.0e+00, v2;
	v4, _, _ =	vpop (xrf2)  }
0x203: {  	[tilespmem:v3+s24+$0x0] =	vst.idx.add.f32.msk vm3, v4;
	v3 =	vsub.f32 $0.0e+00, v4  }
0x204: {  	[tilespmem:v5+s23+$0x0] =	vst.idx.add.f32.msk vm2, v2  }
0x205: {  	[tilespmem:v5+s24+$0x0] =	vst.idx.add.f32.msk vm2, v3  }
0x206: {  	_ =	swait.ge [sflag:s28], $0x80  }
0x207: {  	[sflag:s28] =	ssyncset.done $0x0  }
0x208: {  	[sflag:s28] =	ssyncadd.s32 $0xFFFFFF80  }
0x209: {  	_ =	swait.ge [sflag:s28], $0x80  }
0x20a: {  	[sflag:s28] =	ssyncset.done $0x0  }
0x20b: {  	[sflag:s28] =	ssyncadd.s32 $0xFFFFFF80  }
0x20c: {  	v2 =	vld [tilespmem:$0xD80];
	_ =	sdelay $0x4  }
0x20d: {  	v2 =	vmul.f32 $1.442695020e+00, v2;
	_ =	sdelay $0x1  }
0x20e: {  	(erf) = vpow2.f32 v2;
	_ =	sdelay $0x4  }
0x20f: {  	v2 =	vld [tilespmem:$0x1180];
	_ =	sdelay $0x3  }
0x210: {  	v3 =	vld [tilespmem:$0x980];
	v4 =	vpop (erf)  }
0x211: {  	v5 =	vld.idx.msk [tilespmem:v26+s9+$0x0], $0xffff;
	v2 =	vmul.f32 v4, v2  }
0x212: {  	(xrf2) =	vadd.scan.msk.f32 $0xffff, v4  }
0x213: {  	(xrf2) =	vadd.scan.msk.f32 $0xffff, v2;
	_ =	sdelay $0x2  }
0x214: {  	vm2 =	vne.s32 v3, v5  }
0x215: {  	vm3 =	vmor vm2, vm0;
	_ =	sdelay $0x1  }
0x216: {  	vm2 =	vmand vm2, vm1;
	_ =	sdelay $0x2  }
0x217: {  	v2, _, _ =	vpop (xrf2)  }
0x218: {  	[tilespmem:v3+s23+$0x0] =	vst.idx.add.f32.msk vm3, v2;
	v2 =	vsub.f32 $0.0e+00, v2;
	v4, _, _ =	vpop (xrf2)  }
0x219: {  	[tilespmem:v3+s24+$0x0] =	vst.idx.add.f32.msk vm3, v4;
	v3 =	vsub.f32 $0.0e+00, v4  }
0x21a: {  	[tilespmem:v5+s23+$0x0] =	vst.idx.add.f32.msk vm2, v2  }
0x21b: {  	[tilespmem:v5+s24+$0x0] =	vst.idx.add.f32.msk vm2, v3  }
0x21c: {  	v2 =	vld [tilespmem:$0xD90];
	_ =	sdelay $0x4  }
0x21d: {  	v2 =	vmul.f32 $1.442695020e+00, v2;
	_ =	sdelay $0x1  }
0x21e: {  	(erf) = vpow2.f32 v2;
	_ =	sdelay $0x4  }
0x21f: {  	v2 =	vld [tilespmem:$0x1190];
	_ =	sdelay $0x3  }
0x220: {  	v3 =	vld [tilespmem:$0x990];
	v4 =	vpop (erf)  }
0x221: {  	v5 =	vld.idx.msk [tilespmem:v27+s9+$0x0], $0xffff;
	v2 =	vmul.f32 v4, v2  }
0x222: {  	(xrf2) =	vadd.scan.msk.f32 $0xffff, v4  }
0x223: {  	(xrf2) =	vadd.scan.msk.f32 $0xffff, v2;
	_ =	sdelay $0x2  }
0x224: {  	vm2 =	vne.s32 v3, v5  }
0x225: {  	vm3 =	vmor vm2, vm0;
	_ =	sdelay $0x1  }
0x226: {  	vm2 =	vmand vm2, vm1;
	_ =	sdelay $0x2  }
0x227: {  	v2, _, _ =	vpop (xrf2)  }
0x228: {  	[tilespmem:v3+s23+$0x0] =	vst.idx.add.f32.msk vm3, v2;
	v2 =	vsub.f32 $0.0e+00, v2;
	v4, _, _ =	vpop (xrf2)  }
0x229: {  	[tilespmem:v3+s24+$0x0] =	vst.idx.add.f32.msk vm3, v4;
	v3 =	vsub.f32 $0.0e+00, v4  }
0x22a: {  	[tilespmem:v5+s23+$0x0] =	vst.idx.add.f32.msk vm2, v2  }
0x22b: {  	[tilespmem:v5+s24+$0x0] =	vst.idx.add.f32.msk vm2, v3  }
0x22c: {  	v2 =	vld [tilespmem:$0xDA0];
	_ =	sdelay $0x4  }
0x22d: {  	v2 =	vmul.f32 $1.442695020e+00, v2;
	_ =	sdelay $0x1  }
0x22e: {  	(erf) = vpow2.f32 v2;
	_ =	sdelay $0x4  }
0x22f: {  	v2 =	vld [tilespmem:$0x11A0];
	_ =	sdelay $0x3  }
0x230: {  	v3 =	vld [tilespmem:$0x9A0];
	v4 =	vpop (erf)  }
0x231: {  	v5 =	vld.idx.msk [tilespmem:v28+s9+$0x0], $0xffff;
	v2 =	vmul.f32 v4, v2  }
0x232: {  	(xrf2) =	vadd.scan.msk.f32 $0xffff, v4  }
0x233: {  	(xrf2) =	vadd.scan.msk.f32 $0xffff, v2;
	_ =	sdelay $0x2  }
0x234: {  	vm2 =	vne.s32 v3, v5  }
0x235: {  	vm3 =	vmor vm2, vm0;
	_ =	sdelay $0x1  }
0x236: {  	vm2 =	vmand vm2, vm1;
	_ =	sdelay $0x2  }
0x237: {  	v2, _, _ =	vpop (xrf2)  }
0x238: {  	[tilespmem:v3+s23+$0x0] =	vst.idx.add.f32.msk vm3, v2;
	v2 =	vsub.f32 $0.0e+00, v2;
	v4, _, _ =	vpop (xrf2)  }
0x239: {  	[tilespmem:v3+s24+$0x0] =	vst.idx.add.f32.msk vm3, v4;
	v3 =	vsub.f32 $0.0e+00, v4  }
0x23a: {  	[tilespmem:v5+s23+$0x0] =	vst.idx.add.f32.msk vm2, v2  }
0x23b: {  	[tilespmem:v5+s24+$0x0] =	vst.idx.add.f32.msk vm2, v3  }
0x23c: {  	v2 =	vld [tilespmem:$0xDB0];
	_ =	sdelay $0x4  }
0x23d: {  	v2 =	vmul.f32 $1.442695020e+00, v2;
	_ =	sdelay $0x1  }
0x23e: {  	(erf) = vpow2.f32 v2;
	_ =	sdelay $0x4  }
0x23f: {  	v2 =	vld [tilespmem:$0x11B0];
	_ =	sdelay $0x3  }
0x240: {  	v3 =	vld [tilespmem:$0x9B0];
	v4 =	vpop (erf)  }
0x241: {  	v5 =	vld.idx.msk [tilespmem:v29+s9+$0x0], $0xffff;
	v2 =	vmul.f32 v4, v2  }
0x242: {  	(xrf2) =	vadd.scan.msk.f32 $0xffff, v4  }
0x243: {  	(xrf2) =	vadd.scan.msk.f32 $0xffff, v2;
	_ =	sdelay $0x2  }
0x244: {  	vm2 =	vne.s32 v3, v5  }
0x245: {  	vm3 =	vmor vm2, vm0;
	_ =	sdelay $0x1  }
0x246: {  	vm2 =	vmand vm2, vm1;
	_ =	sdelay $0x2  }
0x247: {  	v2, _, _ =	vpop (xrf2)  }
0x248: {  	[tilespmem:v3+s23+$0x0] =	vst.idx.add.f32.msk vm3, v2;
	v2 =	vsub.f32 $0.0e+00, v2;
	v4, _, _ =	vpop (xrf2)  }
0x249: {  	[tilespmem:v3+s24+$0x0] =	vst.idx.add.f32.msk vm3, v4;
	v3 =	vsub.f32 $0.0e+00, v4  }
0x24a: {  	[tilespmem:v5+s23+$0x0] =	vst.idx.add.f32.msk vm2, v2  }
0x24b: {  	[tilespmem:v5+s24+$0x0] =	vst.idx.add.f32.msk vm2, v3  }
0x24c: {  	v2 =	vld [tilespmem:$0xDC0];
	_ =	sdelay $0x4  }
0x24d: {  	v2 =	vmul.f32 $1.442695020e+00, v2;
	_ =	sdelay $0x1  }
0x24e: {  	(erf) = vpow2.f32 v2;
	_ =	sdelay $0x4  }
0x24f: {  	v2 =	vld [tilespmem:$0x11C0];
	_ =	sdelay $0x3  }
0x250: {  	v3 =	vld [tilespmem:$0x9C0];
	v4 =	vpop (erf)  }
0x251: {  	v5 =	vld.idx.msk [tilespmem:v30+s9+$0x0], $0xffff;
	v2 =	vmul.f32 v4, v2  }
0x252: {  	(xrf2) =	vadd.scan.msk.f32 $0xffff, v4  }
0x253: {  	(xrf2) =	vadd.scan.msk.f32 $0xffff, v2;
	_ =	sdelay $0x2  }
0x254: {  	vm2 =	vne.s32 v3, v5  }
0x255: {  	vm3 =	vmor vm2, vm0;
	_ =	sdelay $0x1  }
0x256: {  	vm2 =	vmand vm2, vm1;
	_ =	sdelay $0x2  }
0x257: {  	v2, _, _ =	vpop (xrf2)  }
0x258: {  	[tilespmem:v3+s23+$0x0] =	vst.idx.add.f32.msk vm3, v2;
	v2 =	vsub.f32 $0.0e+00, v2;
	v4, _, _ =	vpop (xrf2)  }
0x259: {  	[tilespmem:v3+s24+$0x0] =	vst.idx.add.f32.msk vm3, v4;
	v3 =	vsub.f32 $0.0e+00, v4  }
0x25a: {  	[tilespmem:v5+s23+$0x0] =	vst.idx.add.f32.msk vm2, v2  }
0x25b: {  	[tilespmem:v5+s24+$0x0] =	vst.idx.add.f32.msk vm2, v3  }
0x25c: {  	v2 =	vld [tilespmem:$0xDD0];
	_ =	sdelay $0x4  }
0x25d: {  	v2 =	vmul.f32 $1.442695020e+00, v2;
	_ =	sdelay $0x1  }
0x25e: {  	(erf) = vpow2.f32 v2;
	_ =	sdelay $0x4  }
0x25f: {  	v2 =	vld [tilespmem:$0x11D0];
	_ =	sdelay $0x3  }
0x260: {  	v3 =	vld [tilespmem:$0x9D0];
	v4 =	vpop (erf)  }
0x261: {  	v5 =	vld.idx.msk [tilespmem:v31+s9+$0x0], $0xffff;
	v2 =	vmul.f32 v4, v2  }
0x262: {  	(xrf2) =	vadd.scan.msk.f32 $0xffff, v4  }
0x263: {  	(xrf2) =	vadd.scan.msk.f32 $0xffff, v2;
	_ =	sdelay $0x2  }
0x264: {  	vm2 =	vne.s32 v3, v5  }
0x265: {  	vm3 =	vmor vm2, vm0;
	_ =	sdelay $0x1  }
0x266: {  	vm2 =	vmand vm2, vm1;
	_ =	sdelay $0x2  }
0x267: {  	v2, _, _ =	vpop (xrf2)  }
0x268: {  	[tilespmem:v3+s23+$0x0] =	vst.idx.add.f32.msk vm3, v2;
	v2 =	vsub.f32 $0.0e+00, v2;
	v4, _, _ =	vpop (xrf2)  }
0x269: {  	[tilespmem:v3+s24+$0x0] =	vst.idx.add.f32.msk vm3, v4;
	v3 =	vsub.f32 $0.0e+00, v4  }
0x26a: {  	[tilespmem:v5+s23+$0x0] =	vst.idx.add.f32.msk vm2, v2  }
0x26b: {  	[tilespmem:v5+s24+$0x0] =	vst.idx.add.f32.msk vm2, v3  }
0x26c: {  	v2 =	vld [tilespmem:$0xDE0];
	_ =	sdelay $0x4  }
0x26d: {  	v2 =	vmul.f32 $1.442695020e+00, v2;
	_ =	sdelay $0x1  }
0x26e: {  	(erf) = vpow2.f32 v2;
	_ =	sdelay $0x4  }
0x26f: {  	v2 =	vld [tilespmem:$0x11E0];
	_ =	sdelay $0x3  }
0x270: {  	v3 =	vld [tilespmem:$0x9E0];
	v4 =	vpop (erf)  }
0x271: {  	v5 =	vld.idx.msk [tilespmem:v32+s9+$0x0], $0xffff;
	v2 =	vmul.f32 v4, v2  }
0x272: {  	(xrf2) =	vadd.scan.msk.f32 $0xffff, v4  }
0x273: {  	(xrf2) =	vadd.scan.msk.f32 $0xffff, v2;
	_ =	sdelay $0x2  }
0x274: {  	vm2 =	vne.s32 v3, v5  }
0x275: {  	vm3 =	vmor vm2, vm0;
	_ =	sdelay $0x1  }
0x276: {  	vm2 =	vmand vm2, vm1;
	_ =	sdelay $0x2  }
0x277: {  	v2, _, _ =	vpop (xrf2)  }
0x278: {  	[tilespmem:v3+s23+$0x0] =	vst.idx.add.f32.msk vm3, v2;
	v2 =	vsub.f32 $0.0e+00, v2;
	v4, _, _ =	vpop (xrf2)  }
0x279: {  	[tilespmem:v3+s24+$0x0] =	vst.idx.add.f32.msk vm3, v4;
	v3 =	vsub.f32 $0.0e+00, v4  }
0x27a: {  	[tilespmem:v5+s23+$0x0] =	vst.idx.add.f32.msk vm2, v2  }
0x27b: {  	[tilespmem:v5+s24+$0x0] =	vst.idx.add.f32.msk vm2, v3  }
0x27c: {  	v2 =	vld [tilespmem:$0xDF0];
	_ =	sdelay $0x4  }
0x27d: {  	v2 =	vmul.f32 $1.442695020e+00, v2;
	_ =	sdelay $0x1  }
0x27e: {  	(erf) = vpow2.f32 v2;
	_ =	sdelay $0x4  }
0x27f: {  	v2 =	vld [tilespmem:$0x11F0];
	_ =	sdelay $0x3  }
0x280: {  	v3 =	vld [tilespmem:$0x9F0];
	v4 =	vpop (erf)  }
0x281: {  	v5 =	vld.idx.msk [tilespmem:v33+s9+$0x0], $0xffff;
	v2 =	vmul.f32 v4, v2  }
0x282: {  	(xrf2) =	vadd.scan.msk.f32 $0xffff, v4  }
0x283: {  	(xrf2) =	vadd.scan.msk.f32 $0xffff, v2;
	_ =	sdelay $0x2  }
0x284: {  	vm2 =	vne.s32 v3, v5  }
0x285: {  	vm3 =	vmor vm2, vm0;
	_ =	sdelay $0x1  }
0x286: {  	vm2 =	vmand vm2, vm1;
	_ =	sdelay $0x2  }
0x287: {  	v2, _, _ =	vpop (xrf2)  }
0x288: {  	[tilespmem:v3+s23+$0x0] =	vst.idx.add.f32.msk vm3, v2;
	v2 =	vsub.f32 $0.0e+00, v2;
	v4, _, _ =	vpop (xrf2)  }
0x289: {  	[tilespmem:v3+s24+$0x0] =	vst.idx.add.f32.msk vm3, v4;
	v3 =	vsub.f32 $0.0e+00, v4  }
0x28a: {  	[tilespmem:v5+s23+$0x0] =	vst.idx.add.f32.msk vm2, v2  }
0x28b: {  	[tilespmem:v5+s24+$0x0] =	vst.idx.add.f32.msk vm2, v3  }
0x28c: {  	_ =	swait.ge [sflag:s29], $0x80  }
0x28d: {  	[sflag:s29] =	ssyncset.done $0x0  }
0x28e: {  	[sflag:s29] =	ssyncadd.s32 $0xFFFFFF80  }
0x28f: {  	_ =	swait.ge [sflag:s29], $0x80  }
0x290: {  	[sflag:s29] =	ssyncset.done $0x0  }
0x291: {  	[sflag:s29] =	ssyncadd.s32 $0xFFFFFF80  }
0x292: {  	v2 =	vld [tilespmem:$0xE00];
	_ =	sdelay $0x4  }
0x293: {  	v2 =	vmul.f32 $1.442695020e+00, v2;
	_ =	sdelay $0x1  }
0x294: {  	(erf) = vpow2.f32 v2;
	_ =	sdelay $0x4  }
0x295: {  	v2 =	vld [tilespmem:$0x1200];
	_ =	sdelay $0x3  }
0x296: {  	v3 =	vld [tilespmem:$0xA00];
	v4 =	vpop (erf)  }
0x297: {  	v5 =	vld.idx.msk [tilespmem:v34+s9+$0x0], $0xffff;
	v2 =	vmul.f32 v4, v2  }
0x298: {  	(xrf2) =	vadd.scan.msk.f32 $0xffff, v4  }
0x299: {  	(xrf2) =	vadd.scan.msk.f32 $0xffff, v2;
	_ =	sdelay $0x2  }
0x29a: {  	vm2 =	vne.s32 v3, v5  }
0x29b: {  	vm3 =	vmor vm2, vm0;
	_ =	sdelay $0x1  }
0x29c: {  	vm2 =	vmand vm2, vm1;
	_ =	sdelay $0x2  }
0x29d: {  	v2, _, _ =	vpop (xrf2)  }
0x29e: {  	[tilespmem:v3+s23+$0x0] =	vst.idx.add.f32.msk vm3, v2;
	v2 =	vsub.f32 $0.0e+00, v2;
	v4, _, _ =	vpop (xrf2)  }
0x29f: {  	[tilespmem:v3+s24+$0x0] =	vst.idx.add.f32.msk vm3, v4;
	v3 =	vsub.f32 $0.0e+00, v4  }
0x2a0: {  	[tilespmem:v5+s23+$0x0] =	vst.idx.add.f32.msk vm2, v2  }
0x2a1: {  	[tilespmem:v5+s24+$0x0] =	vst.idx.add.f32.msk vm2, v3  }
0x2a2: {  	v2 =	vld [tilespmem:$0xE10];
	_ =	sdelay $0x4  }
0x2a3: {  	v2 =	vmul.f32 $1.442695020e+00, v2;
	_ =	sdelay $0x1  }
0x2a4: {  	(erf) = vpow2.f32 v2;
	_ =	sdelay $0x4  }
0x2a5: {  	v2 =	vld [tilespmem:$0x1210];
	_ =	sdelay $0x3  }
0x2a6: {  	v3 =	vld [tilespmem:$0xA10];
	v4 =	vpop (erf)  }
0x2a7: {  	v5 =	vld.idx.msk [tilespmem:v35+s9+$0x0], $0xffff;
	v2 =	vmul.f32 v4, v2  }
0x2a8: {  	(xrf2) =	vadd.scan.msk.f32 $0xffff, v4  }
0x2a9: {  	(xrf2) =	vadd.scan.msk.f32 $0xffff, v2;
	_ =	sdelay $0x2  }
0x2aa: {  	vm2 =	vne.s32 v3, v5  }
0x2ab: {  	vm3 =	vmor vm2, vm0;
	_ =	sdelay $0x1  }
0x2ac: {  	vm2 =	vmand vm2, vm1;
	_ =	sdelay $0x2  }
0x2ad: {  	v2, _, _ =	vpop (xrf2)  }
0x2ae: {  	[tilespmem:v3+s23+$0x0] =	vst.idx.add.f32.msk vm3, v2;
	v2 =	vsub.f32 $0.0e+00, v2;
	v4, _, _ =	vpop (xrf2)  }
0x2af: {  	[tilespmem:v3+s24+$0x0] =	vst.idx.add.f32.msk vm3, v4;
	v3 =	vsub.f32 $0.0e+00, v4  }
0x2b0: {  	[tilespmem:v5+s23+$0x0] =	vst.idx.add.f32.msk vm2, v2  }
0x2b1: {  	[tilespmem:v5+s24+$0x0] =	vst.idx.add.f32.msk vm2, v3  }
0x2b2: {  	v2 =	vld [tilespmem:$0xE20];
	_ =	sdelay $0x4  }
0x2b3: {  	v2 =	vmul.f32 $1.442695020e+00, v2;
	_ =	sdelay $0x1  }
0x2b4: {  	(erf) = vpow2.f32 v2;
	_ =	sdelay $0x4  }
0x2b5: {  	v2 =	vld [tilespmem:$0x1220];
	_ =	sdelay $0x3  }
0x2b6: {  	v3 =	vld [tilespmem:$0xA20];
	v4 =	vpop (erf)  }
0x2b7: {  	v5 =	vld.idx.msk [tilespmem:v36+s9+$0x0], $0xffff;
	v2 =	vmul.f32 v4, v2  }
0x2b8: {  	(xrf2) =	vadd.scan.msk.f32 $0xffff, v4  }
0x2b9: {  	(xrf2) =	vadd.scan.msk.f32 $0xffff, v2;
	_ =	sdelay $0x2  }
0x2ba: {  	vm2 =	vne.s32 v3, v5  }
0x2bb: {  	vm3 =	vmor vm2, vm0;
	_ =	sdelay $0x1  }
0x2bc: {  	vm2 =	vmand vm2, vm1;
	_ =	sdelay $0x2  }
0x2bd: {  	v2, _, _ =	vpop (xrf2)  }
0x2be: {  	[tilespmem:v3+s23+$0x0] =	vst.idx.add.f32.msk vm3, v2;
	v2 =	vsub.f32 $0.0e+00, v2;
	v4, _, _ =	vpop (xrf2)  }
0x2bf: {  	[tilespmem:v3+s24+$0x0] =	vst.idx.add.f32.msk vm3, v4;
	v3 =	vsub.f32 $0.0e+00, v4  }
0x2c0: {  	[tilespmem:v5+s23+$0x0] =	vst.idx.add.f32.msk vm2, v2  }
0x2c1: {  	[tilespmem:v5+s24+$0x0] =	vst.idx.add.f32.msk vm2, v3  }
0x2c2: {  	v2 =	vld [tilespmem:$0xE30];
	_ =	sdelay $0x4  }
0x2c3: {  	v2 =	vmul.f32 $1.442695020e+00, v2;
	_ =	sdelay $0x1  }
0x2c4: {  	(erf) = vpow2.f32 v2;
	_ =	sdelay $0x4  }
0x2c5: {  	v2 =	vld [tilespmem:$0x1230];
	_ =	sdelay $0x3  }
0x2c6: {  	v3 =	vld [tilespmem:$0xA30];
	v4 =	vpop (erf)  }
0x2c7: {  	v5 =	vld.idx.msk [tilespmem:v37+s9+$0x0], $0xffff;
	v2 =	vmul.f32 v4, v2  }
0x2c8: {  	(xrf2) =	vadd.scan.msk.f32 $0xffff, v4  }
0x2c9: {  	(xrf2) =	vadd.scan.msk.f32 $0xffff, v2;
	_ =	sdelay $0x2  }
0x2ca: {  	vm2 =	vne.s32 v3, v5  }
0x2cb: {  	vm3 =	vmor vm2, vm0;
	_ =	sdelay $0x1  }
0x2cc: {  	vm2 =	vmand vm2, vm1;
	_ =	sdelay $0x2  }
0x2cd: {  	v2, _, _ =	vpop (xrf2)  }
0x2ce: {  	[tilespmem:v3+s23+$0x0] =	vst.idx.add.f32.msk vm3, v2;
	v2 =	vsub.f32 $0.0e+00, v2;
	v4, _, _ =	vpop (xrf2)  }
0x2cf: {  	[tilespmem:v3+s24+$0x0] =	vst.idx.add.f32.msk vm3, v4;
	v3 =	vsub.f32 $0.0e+00, v4  }
0x2d0: {  	[tilespmem:v5+s23+$0x0] =	vst.idx.add.f32.msk vm2, v2  }
0x2d1: {  	[tilespmem:v5+s24+$0x0] =	vst.idx.add.f32.msk vm2, v3  }
0x2d2: {  	v2 =	vld [tilespmem:$0xE40];
	_ =	sdelay $0x4  }
0x2d3: {  	v2 =	vmul.f32 $1.442695020e+00, v2;
	_ =	sdelay $0x1  }
0x2d4: {  	(erf) = vpow2.f32 v2;
	_ =	sdelay $0x4  }
0x2d5: {  	v2 =	vld [tilespmem:$0x1240];
	_ =	sdelay $0x3  }
0x2d6: {  	v3 =	vld [tilespmem:$0xA40];
	v4 =	vpop (erf)  }
0x2d7: {  	v5 =	vld.idx.msk [tilespmem:v38+s9+$0x0], $0xffff;
	v2 =	vmul.f32 v4, v2  }
0x2d8: {  	(xrf2) =	vadd.scan.msk.f32 $0xffff, v4  }
0x2d9: {  	(xrf2) =	vadd.scan.msk.f32 $0xffff, v2;
	_ =	sdelay $0x2  }
0x2da: {  	vm2 =	vne.s32 v3, v5  }
0x2db: {  	vm3 =	vmor vm2, vm0;
	_ =	sdelay $0x1  }
0x2dc: {  	vm2 =	vmand vm2, vm1;
	_ =	sdelay $0x2  }
0x2dd: {  	v2, _, _ =	vpop (xrf2)  }
0x2de: {  	[tilespmem:v3+s23+$0x0] =	vst.idx.add.f32.msk vm3, v2;
	v2 =	vsub.f32 $0.0e+00, v2;
	v4, _, _ =	vpop (xrf2)  }
0x2df: {  	[tilespmem:v3+s24+$0x0] =	vst.idx.add.f32.msk vm3, v4;
	v3 =	vsub.f32 $0.0e+00, v4  }
0x2e0: {  	[tilespmem:v5+s23+$0x0] =	vst.idx.add.f32.msk vm2, v2  }
0x2e1: {  	[tilespmem:v5+s24+$0x0] =	vst.idx.add.f32.msk vm2, v3  }
0x2e2: {  	v2 =	vld [tilespmem:$0xE50];
	_ =	sdelay $0x4  }
0x2e3: {  	v2 =	vmul.f32 $1.442695020e+00, v2;
	_ =	sdelay $0x1  }
0x2e4: {  	(erf) = vpow2.f32 v2;
	_ =	sdelay $0x4  }
0x2e5: {  	v2 =	vld [tilespmem:$0x1250];
	_ =	sdelay $0x3  }
0x2e6: {  	v3 =	vld [tilespmem:$0xA50];
	v4 =	vpop (erf)  }
0x2e7: {  	v5 =	vld.idx.msk [tilespmem:v39+s9+$0x0], $0xffff;
	v2 =	vmul.f32 v4, v2  }
0x2e8: {  	(xrf2) =	vadd.scan.msk.f32 $0xffff, v4  }
0x2e9: {  	(xrf2) =	vadd.scan.msk.f32 $0xffff, v2;
	_ =	sdelay $0x2  }
0x2ea: {  	vm2 =	vne.s32 v3, v5  }
0x2eb: {  	vm3 =	vmor vm2, vm0;
	_ =	sdelay $0x1  }
0x2ec: {  	vm2 =	vmand vm2, vm1;
	_ =	sdelay $0x2  }
0x2ed: {  	v2, _, _ =	vpop (xrf2)  }
0x2ee: {  	[tilespmem:v3+s23+$0x0] =	vst.idx.add.f32.msk vm3, v2;
	v2 =	vsub.f32 $0.0e+00, v2;
	v4, _, _ =	vpop (xrf2)  }
0x2ef: {  	[tilespmem:v3+s24+$0x0] =	vst.idx.add.f32.msk vm3, v4;
	v3 =	vsub.f32 $0.0e+00, v4  }
0x2f0: {  	[tilespmem:v5+s23+$0x0] =	vst.idx.add.f32.msk vm2, v2  }
0x2f1: {  	[tilespmem:v5+s24+$0x0] =	vst.idx.add.f32.msk vm2, v3  }
0x2f2: {  	v2 =	vld [tilespmem:$0xE60];
	_ =	sdelay $0x4  }
0x2f3: {  	v2 =	vmul.f32 $1.442695020e+00, v2;
	_ =	sdelay $0x1  }
0x2f4: {  	(erf) = vpow2.f32 v2;
	_ =	sdelay $0x4  }
0x2f5: {  	v2 =	vld [tilespmem:$0x1260];
	_ =	sdelay $0x3  }
0x2f6: {  	v3 =	vld [tilespmem:$0xA60];
	v4 =	vpop (erf)  }
0x2f7: {  	v5 =	vld.idx.msk [tilespmem:v40+s9+$0x0], $0xffff;
	v2 =	vmul.f32 v4, v2  }
0x2f8: {  	(xrf2) =	vadd.scan.msk.f32 $0xffff, v4  }
0x2f9: {  	(xrf2) =	vadd.scan.msk.f32 $0xffff, v2;
	_ =	sdelay $0x2  }
0x2fa: {  	vm2 =	vne.s32 v3, v5  }
0x2fb: {  	vm3 =	vmor vm2, vm0;
	_ =	sdelay $0x1  }
0x2fc: {  	vm2 =	vmand vm2, vm1;
	_ =	sdelay $0x2  }
0x2fd: {  	v2, _, _ =	vpop (xrf2)  }
0x2fe: {  	[tilespmem:v3+s23+$0x0] =	vst.idx.add.f32.msk vm3, v2;
	v2 =	vsub.f32 $0.0e+00, v2;
	v4, _, _ =	vpop (xrf2)  }
0x2ff: {  	[tilespmem:v3+s24+$0x0] =	vst.idx.add.f32.msk vm3, v4;
	v3 =	vsub.f32 $0.0e+00, v4  }
0x300: {  	[tilespmem:v5+s23+$0x0] =	vst.idx.add.f32.msk vm2, v2  }
0x301: {  	[tilespmem:v5+s24+$0x0] =	vst.idx.add.f32.msk vm2, v3  }
0x302: {  	v2 =	vld [tilespmem:$0xE70];
	_ =	sdelay $0x4  }
0x303: {  	v2 =	vmul.f32 $1.442695020e+00, v2;
	_ =	sdelay $0x1  }
0x304: {  	(erf) = vpow2.f32 v2;
	_ =	sdelay $0x4  }
0x305: {  	v2 =	vld [tilespmem:$0x1270];
	_ =	sdelay $0x3  }
0x306: {  	v3 =	vld [tilespmem:$0xA70];
	v4 =	vpop (erf)  }
0x307: {  	v5 =	vld.idx.msk [tilespmem:v41+s9+$0x0], $0xffff;
	v2 =	vmul.f32 v4, v2  }
0x308: {  	(xrf2) =	vadd.scan.msk.f32 $0xffff, v4  }
0x309: {  	(xrf2) =	vadd.scan.msk.f32 $0xffff, v2;
	_ =	sdelay $0x2  }
0x30a: {  	vm2 =	vne.s32 v3, v5  }
0x30b: {  	vm3 =	vmor vm2, vm0;
	_ =	sdelay $0x1  }
0x30c: {  	vm2 =	vmand vm2, vm1;
	_ =	sdelay $0x2  }
0x30d: {  	v2, _, _ =	vpop (xrf2)  }
0x30e: {  	[tilespmem:v3+s23+$0x0] =	vst.idx.add.f32.msk vm3, v2;
	v2 =	vsub.f32 $0.0e+00, v2;
	v4, _, _ =	vpop (xrf2)  }
0x30f: {  	[tilespmem:v3+s24+$0x0] =	vst.idx.add.f32.msk vm3, v4;
	v3 =	vsub.f32 $0.0e+00, v4  }
0x310: {  	[tilespmem:v5+s23+$0x0] =	vst.idx.add.f32.msk vm2, v2  }
0x311: {  	[tilespmem:v5+s24+$0x0] =	vst.idx.add.f32.msk vm2, v3  }
0x312: {  	_ =	swait.ge [sflag:s30], $0x80  }
0x313: {  	[sflag:s30] =	ssyncset.done $0x0  }
0x314: {  	[sflag:s30] =	ssyncadd.s32 $0xFFFFFF80  }
0x315: {  	_ =	swait.ge [sflag:s30], $0x80  }
0x316: {  	[sflag:s30] =	ssyncset.done $0x0  }
0x317: {  	[sflag:s30] =	ssyncadd.s32 $0xFFFFFF80  }
0x318: {  	v2 =	vld [tilespmem:$0xE80];
	_ =	sdelay $0x4  }
0x319: {  	v2 =	vmul.f32 $1.442695020e+00, v2;
	_ =	sdelay $0x1  }
0x31a: {  	(erf) = vpow2.f32 v2;
	_ =	sdelay $0x4  }
0x31b: {  	v2 =	vld [tilespmem:$0x1280];
	_ =	sdelay $0x3  }
0x31c: {  	v3 =	vld [tilespmem:$0xA80];
	v4 =	vpop (erf)  }
0x31d: {  	v5 =	vld.idx.msk [tilespmem:v42+s9+$0x0], $0xffff;
	v2 =	vmul.f32 v4, v2  }
0x31e: {  	(xrf2) =	vadd.scan.msk.f32 $0xffff, v4  }
0x31f: {  	(xrf2) =	vadd.scan.msk.f32 $0xffff, v2;
	_ =	sdelay $0x2  }
0x320: {  	vm2 =	vne.s32 v3, v5  }
0x321: {  	vm3 =	vmor vm2, vm0;
	_ =	sdelay $0x1  }
0x322: {  	vm2 =	vmand vm2, vm1;
	_ =	sdelay $0x2  }
0x323: {  	v2, _, _ =	vpop (xrf2)  }
0x324: {  	[tilespmem:v3+s23+$0x0] =	vst.idx.add.f32.msk vm3, v2;
	v2 =	vsub.f32 $0.0e+00, v2;
	v4, _, _ =	vpop (xrf2)  }
0x325: {  	[tilespmem:v3+s24+$0x0] =	vst.idx.add.f32.msk vm3, v4;
	v3 =	vsub.f32 $0.0e+00, v4  }
0x326: {  	[tilespmem:v5+s23+$0x0] =	vst.idx.add.f32.msk vm2, v2  }
0x327: {  	[tilespmem:v5+s24+$0x0] =	vst.idx.add.f32.msk vm2, v3  }
0x328: {  	v2 =	vld [tilespmem:$0xE90];
	_ =	sdelay $0x4  }
0x329: {  	v2 =	vmul.f32 $1.442695020e+00, v2;
	_ =	sdelay $0x1  }
0x32a: {  	(erf) = vpow2.f32 v2;
	_ =	sdelay $0x4  }
0x32b: {  	v2 =	vld [tilespmem:$0x1290];
	_ =	sdelay $0x3  }
0x32c: {  	v3 =	vld [tilespmem:$0xA90];
	v4 =	vpop (erf)  }
0x32d: {  	v5 =	vld.idx.msk [tilespmem:v43+s9+$0x0], $0xffff;
	v2 =	vmul.f32 v4, v2  }
0x32e: {  	(xrf2) =	vadd.scan.msk.f32 $0xffff, v4  }
0x32f: {  	(xrf2) =	vadd.scan.msk.f32 $0xffff, v2;
	_ =	sdelay $0x2  }
0x330: {  	vm2 =	vne.s32 v3, v5  }
0x331: {  	vm3 =	vmor vm2, vm0;
	_ =	sdelay $0x1  }
0x332: {  	vm2 =	vmand vm2, vm1;
	_ =	sdelay $0x2  }
0x333: {  	v2, _, _ =	vpop (xrf2)  }
0x334: {  	[tilespmem:v3+s23+$0x0] =	vst.idx.add.f32.msk vm3, v2;
	v2 =	vsub.f32 $0.0e+00, v2;
	v4, _, _ =	vpop (xrf2)  }
0x335: {  	[tilespmem:v3+s24+$0x0] =	vst.idx.add.f32.msk vm3, v4;
	v3 =	vsub.f32 $0.0e+00, v4  }
0x336: {  	[tilespmem:v5+s23+$0x0] =	vst.idx.add.f32.msk vm2, v2  }
0x337: {  	[tilespmem:v5+s24+$0x0] =	vst.idx.add.f32.msk vm2, v3  }
0x338: {  	v2 =	vld [tilespmem:$0xEA0];
	_ =	sdelay $0x4  }
0x339: {  	v2 =	vmul.f32 $1.442695020e+00, v2;
	_ =	sdelay $0x1  }
0x33a: {  	(erf) = vpow2.f32 v2;
	_ =	sdelay $0x4  }
0x33b: {  	v2 =	vld [tilespmem:$0x12A0];
	_ =	sdelay $0x3  }
0x33c: {  	v3 =	vld [tilespmem:$0xAA0];
	v4 =	vpop (erf)  }
0x33d: {  	v5 =	vld.idx.msk [tilespmem:v44+s9+$0x0], $0xffff;
	v2 =	vmul.f32 v4, v2  }
0x33e: {  	(xrf2) =	vadd.scan.msk.f32 $0xffff, v4  }
0x33f: {  	(xrf2) =	vadd.scan.msk.f32 $0xffff, v2;
	_ =	sdelay $0x2  }
0x340: {  	vm2 =	vne.s32 v3, v5  }
0x341: {  	vm3 =	vmor vm2, vm0;
	_ =	sdelay $0x1  }
0x342: {  	vm2 =	vmand vm2, vm1;
	_ =	sdelay $0x2  }
0x343: {  	v2, _, _ =	vpop (xrf2)  }
0x344: {  	[tilespmem:v3+s23+$0x0] =	vst.idx.add.f32.msk vm3, v2;
	v2 =	vsub.f32 $0.0e+00, v2;
	v4, _, _ =	vpop (xrf2)  }
0x345: {  	[tilespmem:v3+s24+$0x0] =	vst.idx.add.f32.msk vm3, v4;
	v3 =	vsub.f32 $0.0e+00, v4  }
0x346: {  	[tilespmem:v5+s23+$0x0] =	vst.idx.add.f32.msk vm2, v2  }
0x347: {  	[tilespmem:v5+s24+$0x0] =	vst.idx.add.f32.msk vm2, v3  }
0x348: {  	v2 =	vld [tilespmem:$0xEB0];
	_ =	sdelay $0x4  }
0x349: {  	v2 =	vmul.f32 $1.442695020e+00, v2;
	_ =	sdelay $0x1  }
0x34a: {  	(erf) = vpow2.f32 v2;
	_ =	sdelay $0x4  }
0x34b: {  	v2 =	vld [tilespmem:$0x12B0];
	_ =	sdelay $0x3  }
0x34c: {  	v3 =	vld [tilespmem:$0xAB0];
	v4 =	vpop (erf)  }
0x34d: {  	v5 =	vld.idx.msk [tilespmem:v45+s9+$0x0], $0xffff;
	v2 =	vmul.f32 v4, v2  }
0x34e: {  	(xrf2) =	vadd.scan.msk.f32 $0xffff, v4  }
0x34f: {  	(xrf2) =	vadd.scan.msk.f32 $0xffff, v2;
	_ =	sdelay $0x2  }
0x350: {  	vm2 =	vne.s32 v3, v5  }
0x351: {  	vm3 =	vmor vm2, vm0;
	_ =	sdelay $0x1  }
0x352: {  	vm2 =	vmand vm2, vm1;
	_ =	sdelay $0x2  }
0x353: {  	v2, _, _ =	vpop (xrf2)  }
0x354: {  	[tilespmem:v3+s23+$0x0] =	vst.idx.add.f32.msk vm3, v2;
	v2 =	vsub.f32 $0.0e+00, v2;
	v4, _, _ =	vpop (xrf2)  }
0x355: {  	[tilespmem:v3+s24+$0x0] =	vst.idx.add.f32.msk vm3, v4;
	v3 =	vsub.f32 $0.0e+00, v4  }
0x356: {  	[tilespmem:v5+s23+$0x0] =	vst.idx.add.f32.msk vm2, v2  }
0x357: {  	[tilespmem:v5+s24+$0x0] =	vst.idx.add.f32.msk vm2, v3  }
0x358: {  	v2 =	vld [tilespmem:$0xEC0];
	_ =	sdelay $0x4  }
0x359: {  	v2 =	vmul.f32 $1.442695020e+00, v2;
	_ =	sdelay $0x1  }
0x35a: {  	(erf) = vpow2.f32 v2;
	_ =	sdelay $0x4  }
0x35b: {  	v2 =	vld [tilespmem:$0x12C0];
	_ =	sdelay $0x3  }
0x35c: {  	v3 =	vld [tilespmem:$0xAC0];
	v4 =	vpop (erf)  }
0x35d: {  	v5 =	vld.idx.msk [tilespmem:v46+s9+$0x0], $0xffff;
	v2 =	vmul.f32 v4, v2  }
0x35e: {  	(xrf2) =	vadd.scan.msk.f32 $0xffff, v4  }
0x35f: {  	(xrf2) =	vadd.scan.msk.f32 $0xffff, v2;
	_ =	sdelay $0x2  }
0x360: {  	vm2 =	vne.s32 v3, v5  }
0x361: {  	vm3 =	vmor vm2, vm0;
	_ =	sdelay $0x1  }
0x362: {  	vm2 =	vmand vm2, vm1;
	_ =	sdelay $0x2  }
0x363: {  	v2, _, _ =	vpop (xrf2)  }
0x364: {  	[tilespmem:v3+s23+$0x0] =	vst.idx.add.f32.msk vm3, v2;
	v2 =	vsub.f32 $0.0e+00, v2;
	v4, _, _ =	vpop (xrf2)  }
0x365: {  	[tilespmem:v3+s24+$0x0] =	vst.idx.add.f32.msk vm3, v4;
	v3 =	vsub.f32 $0.0e+00, v4  }
0x366: {  	[tilespmem:v5+s23+$0x0] =	vst.idx.add.f32.msk vm2, v2  }
0x367: {  	[tilespmem:v5+s24+$0x0] =	vst.idx.add.f32.msk vm2, v3  }
0x368: {  	v2 =	vld [tilespmem:$0xED0];
	_ =	sdelay $0x4  }
0x369: {  	v2 =	vmul.f32 $1.442695020e+00, v2;
	_ =	sdelay $0x1  }
0x36a: {  	(erf) = vpow2.f32 v2;
	_ =	sdelay $0x4  }
0x36b: {  	v2 =	vld [tilespmem:$0x12D0];
	_ =	sdelay $0x3  }
0x36c: {  	v3 =	vld [tilespmem:$0xAD0];
	v4 =	vpop (erf)  }
0x36d: {  	v5 =	vld.idx.msk [tilespmem:v47+s9+$0x0], $0xffff;
	v2 =	vmul.f32 v4, v2  }
0x36e: {  	(xrf2) =	vadd.scan.msk.f32 $0xffff, v4  }
0x36f: {  	(xrf2) =	vadd.scan.msk.f32 $0xffff, v2;
	_ =	sdelay $0x2  }
0x370: {  	vm2 =	vne.s32 v3, v5  }
0x371: {  	vm3 =	vmor vm2, vm0;
	_ =	sdelay $0x1  }
0x372: {  	vm2 =	vmand vm2, vm1;
	_ =	sdelay $0x2  }
0x373: {  	v2, _, _ =	vpop (xrf2)  }
0x374: {  	[tilespmem:v3+s23+$0x0] =	vst.idx.add.f32.msk vm3, v2;
	v2 =	vsub.f32 $0.0e+00, v2;
	v4, _, _ =	vpop (xrf2)  }
0x375: {  	[tilespmem:v3+s24+$0x0] =	vst.idx.add.f32.msk vm3, v4;
	v3 =	vsub.f32 $0.0e+00, v4  }
0x376: {  	[tilespmem:v5+s23+$0x0] =	vst.idx.add.f32.msk vm2, v2  }
0x377: {  	[tilespmem:v5+s24+$0x0] =	vst.idx.add.f32.msk vm2, v3  }
0x378: {  	v2 =	vld [tilespmem:$0xEE0];
	_ =	sdelay $0x4  }
0x379: {  	v2 =	vmul.f32 $1.442695020e+00, v2;
	_ =	sdelay $0x1  }
0x37a: {  	(erf) = vpow2.f32 v2;
	_ =	sdelay $0x4  }
0x37b: {  	v2 =	vld [tilespmem:$0x12E0];
	_ =	sdelay $0x3  }
0x37c: {  	v3 =	vld [tilespmem:$0xAE0];
	v4 =	vpop (erf)  }
0x37d: {  	v5 =	vld.idx.msk [tilespmem:v48+s9+$0x0], $0xffff;
	v2 =	vmul.f32 v4, v2  }
0x37e: {  	(xrf2) =	vadd.scan.msk.f32 $0xffff, v4  }
0x37f: {  	(xrf2) =	vadd.scan.msk.f32 $0xffff, v2;
	_ =	sdelay $0x2  }
0x380: {  	vm2 =	vne.s32 v3, v5  }
0x381: {  	vm3 =	vmor vm2, vm0;
	_ =	sdelay $0x1  }
0x382: {  	vm2 =	vmand vm2, vm1;
	_ =	sdelay $0x2  }
0x383: {  	v2, _, _ =	vpop (xrf2)  }
0x384: {  	[tilespmem:v3+s23+$0x0] =	vst.idx.add.f32.msk vm3, v2;
	v2 =	vsub.f32 $0.0e+00, v2;
	v4, _, _ =	vpop (xrf2)  }
0x385: {  	[tilespmem:v3+s24+$0x0] =	vst.idx.add.f32.msk vm3, v4;
	v3 =	vsub.f32 $0.0e+00, v4  }
0x386: {  	[tilespmem:v5+s23+$0x0] =	vst.idx.add.f32.msk vm2, v2  }
0x387: {  	[tilespmem:v5+s24+$0x0] =	vst.idx.add.f32.msk vm2, v3  }
0x388: {  	v2 =	vld [tilespmem:$0xEF0];
	_ =	sdelay $0x4  }
0x389: {  	v2 =	vmul.f32 $1.442695020e+00, v2;
	_ =	sdelay $0x1  }
0x38a: {  	(erf) = vpow2.f32 v2;
	_ =	sdelay $0x4  }
0x38b: {  	v2 =	vld [tilespmem:$0x12F0];
	_ =	sdelay $0x3  }
0x38c: {  	v3 =	vld [tilespmem:$0xAF0];
	v4 =	vpop (erf)  }
0x38d: {  	v5 =	vld.idx.msk [tilespmem:v49+s9+$0x0], $0xffff;
	v2 =	vmul.f32 v4, v2  }
0x38e: {  	(xrf2) =	vadd.scan.msk.f32 $0xffff, v4  }
0x38f: {  	(xrf2) =	vadd.scan.msk.f32 $0xffff, v2;
	_ =	sdelay $0x2  }
0x390: {  	vm2 =	vne.s32 v3, v5  }
0x391: {  	vm3 =	vmor vm2, vm0;
	_ =	sdelay $0x1  }
0x392: {  	vm2 =	vmand vm2, vm1;
	_ =	sdelay $0x2  }
0x393: {  	v2, _, _ =	vpop (xrf2)  }
0x394: {  	[tilespmem:v3+s23+$0x0] =	vst.idx.add.f32.msk vm3, v2;
	v2 =	vsub.f32 $0.0e+00, v2;
	v4, _, _ =	vpop (xrf2)  }
0x395: {  	[tilespmem:v3+s24+$0x0] =	vst.idx.add.f32.msk vm3, v4;
	v3 =	vsub.f32 $0.0e+00, v4  }
0x396: {  	[tilespmem:v5+s23+$0x0] =	vst.idx.add.f32.msk vm2, v2  }
0x397: {  	[tilespmem:v5+s24+$0x0] =	vst.idx.add.f32.msk vm2, v3  }
0x398: {  	_ =	swait.ge [sflag:s31], $0x80  }
0x399: {  	[sflag:s31] =	ssyncset.done $0x0  }
0x39a: {  	[sflag:s31] =	ssyncadd.s32 $0xFFFFFF80  }
0x39b: {  	_ =	swait.ge [sflag:s31], $0x80  }
0x39c: {  	[sflag:s31] =	ssyncset.done $0x0  }
0x39d: {  	[sflag:s31] =	ssyncadd.s32 $0xFFFFFF80  }
0x39e: {  	v2 =	vld [tilespmem:$0xF00];
	_ =	sdelay $0x4  }
0x39f: {  	v2 =	vmul.f32 $1.442695020e+00, v2;
	_ =	sdelay $0x1  }
0x3a0: {  	(erf) = vpow2.f32 v2;
	_ =	sdelay $0x4  }
0x3a1: {  	v2 =	vld [tilespmem:$0x1300];
	_ =	sdelay $0x3  }
0x3a2: {  	v3 =	vld [tilespmem:$0xB00];
	v4 =	vpop (erf)  }
0x3a3: {  	v5 =	vld.idx.msk [tilespmem:v50+s9+$0x0], $0xffff;
	v2 =	vmul.f32 v4, v2  }
0x3a4: {  	(xrf2) =	vadd.scan.msk.f32 $0xffff, v4  }
0x3a5: {  	(xrf2) =	vadd.scan.msk.f32 $0xffff, v2;
	_ =	sdelay $0x2  }
0x3a6: {  	vm2 =	vne.s32 v3, v5  }
0x3a7: {  	vm3 =	vmor vm2, vm0;
	_ =	sdelay $0x1  }
0x3a8: {  	vm2 =	vmand vm2, vm1;
	_ =	sdelay $0x2  }
0x3a9: {  	v2, _, _ =	vpop (xrf2)  }
0x3aa: {  	[tilespmem:v3+s23+$0x0] =	vst.idx.add.f32.msk vm3, v2;
	v2 =	vsub.f32 $0.0e+00, v2;
	v4, _, _ =	vpop (xrf2)  }
0x3ab: {  	[tilespmem:v3+s24+$0x0] =	vst.idx.add.f32.msk vm3, v4;
	v3 =	vsub.f32 $0.0e+00, v4  }
0x3ac: {  	[tilespmem:v5+s23+$0x0] =	vst.idx.add.f32.msk vm2, v2  }
0x3ad: {  	[tilespmem:v5+s24+$0x0] =	vst.idx.add.f32.msk vm2, v3  }
0x3ae: {  	v2 =	vld [tilespmem:$0xF10];
	_ =	sdelay $0x4  }
0x3af: {  	v2 =	vmul.f32 $1.442695020e+00, v2;
	_ =	sdelay $0x1  }
0x3b0: {  	(erf) = vpow2.f32 v2;
	_ =	sdelay $0x4  }
0x3b1: {  	v2 =	vld [tilespmem:$0x1310];
	_ =	sdelay $0x3  }
0x3b2: {  	v3 =	vld [tilespmem:$0xB10];
	v4 =	vpop (erf)  }
0x3b3: {  	v5 =	vld.idx.msk [tilespmem:v51+s9+$0x0], $0xffff;
	v2 =	vmul.f32 v4, v2  }
0x3b4: {  	(xrf2) =	vadd.scan.msk.f32 $0xffff, v4  }
0x3b5: {  	(xrf2) =	vadd.scan.msk.f32 $0xffff, v2;
	_ =	sdelay $0x2  }
0x3b6: {  	vm2 =	vne.s32 v3, v5  }
0x3b7: {  	vm3 =	vmor vm2, vm0;
	_ =	sdelay $0x1  }
0x3b8: {  	vm2 =	vmand vm2, vm1;
	_ =	sdelay $0x2  }
0x3b9: {  	v2, _, _ =	vpop (xrf2)  }
0x3ba: {  	[tilespmem:v3+s23+$0x0] =	vst.idx.add.f32.msk vm3, v2;
	v2 =	vsub.f32 $0.0e+00, v2;
	v4, _, _ =	vpop (xrf2)  }
0x3bb: {  	[tilespmem:v3+s24+$0x0] =	vst.idx.add.f32.msk vm3, v4;
	v3 =	vsub.f32 $0.0e+00, v4  }
0x3bc: {  	[tilespmem:v5+s23+$0x0] =	vst.idx.add.f32.msk vm2, v2  }
0x3bd: {  	[tilespmem:v5+s24+$0x0] =	vst.idx.add.f32.msk vm2, v3  }
0x3be: {  	v2 =	vld [tilespmem:$0xF20];
	_ =	sdelay $0x4  }
0x3bf: {  	v2 =	vmul.f32 $1.442695020e+00, v2;
	_ =	sdelay $0x1  }
0x3c0: {  	(erf) = vpow2.f32 v2;
	_ =	sdelay $0x4  }
0x3c1: {  	v2 =	vld [tilespmem:$0x1320];
	_ =	sdelay $0x3  }
0x3c2: {  	v3 =	vld [tilespmem:$0xB20];
	v4 =	vpop (erf)  }
0x3c3: {  	v5 =	vld.idx.msk [tilespmem:v52+s9+$0x0], $0xffff;
	v2 =	vmul.f32 v4, v2  }
0x3c4: {  	(xrf2) =	vadd.scan.msk.f32 $0xffff, v4  }
0x3c5: {  	(xrf2) =	vadd.scan.msk.f32 $0xffff, v2;
	_ =	sdelay $0x2  }
0x3c6: {  	vm2 =	vne.s32 v3, v5  }
0x3c7: {  	vm3 =	vmor vm2, vm0;
	_ =	sdelay $0x1  }
0x3c8: {  	vm2 =	vmand vm2, vm1;
	_ =	sdelay $0x2  }
0x3c9: {  	v2, _, _ =	vpop (xrf2)  }
0x3ca: {  	[tilespmem:v3+s23+$0x0] =	vst.idx.add.f32.msk vm3, v2;
	v2 =	vsub.f32 $0.0e+00, v2;
	v4, _, _ =	vpop (xrf2)  }
0x3cb: {  	[tilespmem:v3+s24+$0x0] =	vst.idx.add.f32.msk vm3, v4;
	v3 =	vsub.f32 $0.0e+00, v4  }
0x3cc: {  	[tilespmem:v5+s23+$0x0] =	vst.idx.add.f32.msk vm2, v2  }
0x3cd: {  	[tilespmem:v5+s24+$0x0] =	vst.idx.add.f32.msk vm2, v3  }
0x3ce: {  	v2 =	vld [tilespmem:$0xF30];
	_ =	sdelay $0x4  }
0x3cf: {  	v2 =	vmul.f32 $1.442695020e+00, v2;
	_ =	sdelay $0x1  }
0x3d0: {  	(erf) = vpow2.f32 v2;
	_ =	sdelay $0x4  }
0x3d1: {  	v2 =	vld [tilespmem:$0x1330];
	_ =	sdelay $0x3  }
0x3d2: {  	v3 =	vld [tilespmem:$0xB30];
	v4 =	vpop (erf)  }
0x3d3: {  	v5 =	vld.idx.msk [tilespmem:v53+s9+$0x0], $0xffff;
	v2 =	vmul.f32 v4, v2  }
0x3d4: {  	(xrf2) =	vadd.scan.msk.f32 $0xffff, v4  }
0x3d5: {  	(xrf2) =	vadd.scan.msk.f32 $0xffff, v2;
	_ =	sdelay $0x2  }
0x3d6: {  	vm2 =	vne.s32 v3, v5  }
0x3d7: {  	vm3 =	vmor vm2, vm0;
	_ =	sdelay $0x1  }
0x3d8: {  	vm2 =	vmand vm2, vm1;
	_ =	sdelay $0x2  }
0x3d9: {  	v2, _, _ =	vpop (xrf2)  }
0x3da: {  	[tilespmem:v3+s23+$0x0] =	vst.idx.add.f32.msk vm3, v2;
	v2 =	vsub.f32 $0.0e+00, v2;
	v4, _, _ =	vpop (xrf2)  }
0x3db: {  	[tilespmem:v3+s24+$0x0] =	vst.idx.add.f32.msk vm3, v4;
	v3 =	vsub.f32 $0.0e+00, v4  }
0x3dc: {  	[tilespmem:v5+s23+$0x0] =	vst.idx.add.f32.msk vm2, v2  }
0x3dd: {  	[tilespmem:v5+s24+$0x0] =	vst.idx.add.f32.msk vm2, v3  }
0x3de: {  	v2 =	vld [tilespmem:$0xF40];
	_ =	sdelay $0x4  }
0x3df: {  	v2 =	vmul.f32 $1.442695020e+00, v2;
	_ =	sdelay $0x1  }
0x3e0: {  	(erf) = vpow2.f32 v2;
	_ =	sdelay $0x4  }
0x3e1: {  	v2 =	vld [tilespmem:$0x1340];
	_ =	sdelay $0x3  }
0x3e2: {  	v3 =	vld [tilespmem:$0xB40];
	v4 =	vpop (erf)  }
0x3e3: {  	v5 =	vld.idx.msk [tilespmem:v54+s9+$0x0], $0xffff;
	v2 =	vmul.f32 v4, v2  }
0x3e4: {  	(xrf2) =	vadd.scan.msk.f32 $0xffff, v4  }
0x3e5: {  	(xrf2) =	vadd.scan.msk.f32 $0xffff, v2;
	_ =	sdelay $0x2  }
0x3e6: {  	vm2 =	vne.s32 v3, v5  }
0x3e7: {  	vm3 =	vmor vm2, vm0;
	_ =	sdelay $0x1  }
0x3e8: {  	vm2 =	vmand vm2, vm1;
	_ =	sdelay $0x2  }
0x3e9: {  	v2, _, _ =	vpop (xrf2)  }
0x3ea: {  	[tilespmem:v3+s23+$0x0] =	vst.idx.add.f32.msk vm3, v2;
	v2 =	vsub.f32 $0.0e+00, v2;
	v4, _, _ =	vpop (xrf2)  }
0x3eb: {  	[tilespmem:v3+s24+$0x0] =	vst.idx.add.f32.msk vm3, v4;
	v3 =	vsub.f32 $0.0e+00, v4  }
0x3ec: {  	[tilespmem:v5+s23+$0x0] =	vst.idx.add.f32.msk vm2, v2  }
0x3ed: {  	[tilespmem:v5+s24+$0x0] =	vst.idx.add.f32.msk vm2, v3  }
0x3ee: {  	v2 =	vld [tilespmem:$0xF50];
	_ =	sdelay $0x4  }
0x3ef: {  	v2 =	vmul.f32 $1.442695020e+00, v2;
	_ =	sdelay $0x1  }
0x3f0: {  	(erf) = vpow2.f32 v2;
	_ =	sdelay $0x4  }
0x3f1: {  	v2 =	vld [tilespmem:$0x1350];
	_ =	sdelay $0x3  }
0x3f2: {  	v3 =	vld [tilespmem:$0xB50];
	v4 =	vpop (erf)  }
0x3f3: {  	v5 =	vld.idx.msk [tilespmem:v55+s9+$0x0], $0xffff;
	v2 =	vmul.f32 v4, v2  }
0x3f4: {  	(xrf2) =	vadd.scan.msk.f32 $0xffff, v4  }
0x3f5: {  	(xrf2) =	vadd.scan.msk.f32 $0xffff, v2;
	_ =	sdelay $0x2  }
0x3f6: {  	vm2 =	vne.s32 v3, v5  }
0x3f7: {  	vm3 =	vmor vm2, vm0;
	_ =	sdelay $0x1  }
0x3f8: {  	vm2 =	vmand vm2, vm1;
	_ =	sdelay $0x2  }
0x3f9: {  	v2, _, _ =	vpop (xrf2)  }
0x3fa: {  	[tilespmem:v3+s23+$0x0] =	vst.idx.add.f32.msk vm3, v2;
	v2 =	vsub.f32 $0.0e+00, v2;
	v4, _, _ =	vpop (xrf2)  }
0x3fb: {  	[tilespmem:v3+s24+$0x0] =	vst.idx.add.f32.msk vm3, v4;
	v3 =	vsub.f32 $0.0e+00, v4  }
0x3fc: {  	[tilespmem:v5+s23+$0x0] =	vst.idx.add.f32.msk vm2, v2  }
0x3fd: {  	[tilespmem:v5+s24+$0x0] =	vst.idx.add.f32.msk vm2, v3  }
0x3fe: {  	v2 =	vld [tilespmem:$0xF60];
	_ =	sdelay $0x4  }
0x3ff: {  	v2 =	vmul.f32 $1.442695020e+00, v2;
	_ =	sdelay $0x1  }
0x400: {  	(erf) = vpow2.f32 v2;
	_ =	sdelay $0x4  }
0x401: {  	v2 =	vld [tilespmem:$0x1360];
	_ =	sdelay $0x3  }
0x402: {  	v3 =	vld [tilespmem:$0xB60];
	v4 =	vpop (erf)  }
0x403: {  	v5 =	vld.idx.msk [tilespmem:v56+s9+$0x0], $0xffff;
	v2 =	vmul.f32 v4, v2  }
0x404: {  	(xrf2) =	vadd.scan.msk.f32 $0xffff, v4  }
0x405: {  	(xrf2) =	vadd.scan.msk.f32 $0xffff, v2;
	_ =	sdelay $0x2  }
0x406: {  	vm2 =	vne.s32 v3, v5  }
0x407: {  	vm3 =	vmor vm2, vm0;
	_ =	sdelay $0x1  }
0x408: {  	vm2 =	vmand vm2, vm1;
	_ =	sdelay $0x2  }
0x409: {  	v2, _, _ =	vpop (xrf2)  }
0x40a: {  	[tilespmem:v3+s23+$0x0] =	vst.idx.add.f32.msk vm3, v2;
	v2 =	vsub.f32 $0.0e+00, v2;
	v4, _, _ =	vpop (xrf2)  }
0x40b: {  	[tilespmem:v3+s24+$0x0] =	vst.idx.add.f32.msk vm3, v4;
	v3 =	vsub.f32 $0.0e+00, v4  }
0x40c: {  	[tilespmem:v5+s23+$0x0] =	vst.idx.add.f32.msk vm2, v2  }
0x40d: {  	[tilespmem:v5+s24+$0x0] =	vst.idx.add.f32.msk vm2, v3  }
0x40e: {  	v2 =	vld [tilespmem:$0xF70];
	_ =	sdelay $0x4  }
0x40f: {  	v2 =	vmul.f32 $1.442695020e+00, v2;
	_ =	sdelay $0x1  }
0x410: {  	(erf) = vpow2.f32 v2;
	_ =	sdelay $0x4  }
0x411: {  	v2 =	vld [tilespmem:$0x1370];
	_ =	sdelay $0x3  }
0x412: {  	v3 =	vld [tilespmem:$0xB70];
	v4 =	vpop (erf)  }
0x413: {  	v5 =	vld.idx.msk [tilespmem:v57+s9+$0x0], $0xffff;
	v2 =	vmul.f32 v4, v2  }
0x414: {  	(xrf2) =	vadd.scan.msk.f32 $0xffff, v4  }
0x415: {  	(xrf2) =	vadd.scan.msk.f32 $0xffff, v2;
	_ =	sdelay $0x2  }
0x416: {  	vm2 =	vne.s32 v3, v5  }
0x417: {  	vm3 =	vmor vm2, vm0;
	_ =	sdelay $0x1  }
0x418: {  	vm2 =	vmand vm2, vm1;
	_ =	sdelay $0x2  }
0x419: {  	v2, _, _ =	vpop (xrf2)  }
0x41a: {  	[tilespmem:v3+s23+$0x0] =	vst.idx.add.f32.msk vm3, v2;
	v2 =	vsub.f32 $0.0e+00, v2;
	v4, _, _ =	vpop (xrf2)  }
0x41b: {  	[tilespmem:v3+s24+$0x0] =	vst.idx.add.f32.msk vm3, v4;
	v3 =	vsub.f32 $0.0e+00, v4  }
0x41c: {  	[tilespmem:v5+s23+$0x0] =	vst.idx.add.f32.msk vm2, v2  }
0x41d: {  	[tilespmem:v5+s24+$0x0] =	vst.idx.add.f32.msk vm2, v3  }
0x41e: {  	_ =	swait.ge [sflag:s1], $0x80  }
0x41f: {  	[sflag:s1] =	ssyncset.done $0x0  }
0x420: {  	[sflag:s1] =	ssyncadd.s32 $0xFFFFFF80  }
0x421: {  	_ =	swait.ge [sflag:s1], $0x80  }
0x422: {  	[sflag:s1] =	ssyncset.done $0x0  }
0x423: {  	[sflag:s1] =	ssyncadd.s32 $0xFFFFFF80  }
0x424: {  	v2 =	vld [tilespmem:$0xF80];
	_ =	sdelay $0x4  }
0x425: {  	v2 =	vmul.f32 $1.442695020e+00, v2;
	_ =	sdelay $0x1  }
0x426: {  	(erf) = vpow2.f32 v2;
	_ =	sdelay $0x4  }
0x427: {  	v2 =	vld [tilespmem:$0x1380];
	_ =	sdelay $0x3  }
0x428: {  	v3 =	vld [tilespmem:$0xB80];
	v4 =	vpop (erf)  }
0x429: {  	v5 =	vld.idx.msk [tilespmem:v58+s9+$0x0], $0xffff;
	v2 =	vmul.f32 v4, v2  }
0x42a: {  	(xrf2) =	vadd.scan.msk.f32 $0xffff, v4  }
0x42b: {  	(xrf2) =	vadd.scan.msk.f32 $0xffff, v2;
	_ =	sdelay $0x2  }
0x42c: {  	vm2 =	vne.s32 v3, v5  }
0x42d: {  	vm3 =	vmor vm2, vm0;
	_ =	sdelay $0x1  }
0x42e: {  	vm2 =	vmand vm2, vm1;
	_ =	sdelay $0x2  }
0x42f: {  	v2, _, _ =	vpop (xrf2)  }
0x430: {  	[tilespmem:v3+s23+$0x0] =	vst.idx.add.f32.msk vm3, v2;
	v2 =	vsub.f32 $0.0e+00, v2;
	v4, _, _ =	vpop (xrf2)  }
0x431: {  	[tilespmem:v3+s24+$0x0] =	vst.idx.add.f32.msk vm3, v4;
	v3 =	vsub.f32 $0.0e+00, v4  }
0x432: {  	[tilespmem:v5+s23+$0x0] =	vst.idx.add.f32.msk vm2, v2  }
0x433: {  	[tilespmem:v5+s24+$0x0] =	vst.idx.add.f32.msk vm2, v3  }
0x434: {  	v2 =	vld [tilespmem:$0xF90];
	_ =	sdelay $0x4  }
0x435: {  	v2 =	vmul.f32 $1.442695020e+00, v2;
	_ =	sdelay $0x1  }
0x436: {  	(erf) = vpow2.f32 v2;
	_ =	sdelay $0x4  }
0x437: {  	v2 =	vld [tilespmem:$0x1390];
	_ =	sdelay $0x3  }
0x438: {  	v3 =	vld [tilespmem:$0xB90];
	v4 =	vpop (erf)  }
0x439: {  	v5 =	vld.idx.msk [tilespmem:v59+s9+$0x0], $0xffff;
	v2 =	vmul.f32 v4, v2  }
0x43a: {  	(xrf2) =	vadd.scan.msk.f32 $0xffff, v4  }
0x43b: {  	(xrf2) =	vadd.scan.msk.f32 $0xffff, v2;
	_ =	sdelay $0x2  }
0x43c: {  	vm2 =	vne.s32 v3, v5  }
0x43d: {  	vm3 =	vmor vm2, vm0;
	_ =	sdelay $0x1  }
0x43e: {  	vm2 =	vmand vm2, vm1;
	_ =	sdelay $0x2  }
0x43f: {  	v2, _, _ =	vpop (xrf2)  }
0x440: {  	[tilespmem:v3+s23+$0x0] =	vst.idx.add.f32.msk vm3, v2;
	v2 =	vsub.f32 $0.0e+00, v2;
	v4, _, _ =	vpop (xrf2)  }
0x441: {  	[tilespmem:v3+s24+$0x0] =	vst.idx.add.f32.msk vm3, v4;
	v3 =	vsub.f32 $0.0e+00, v4  }
0x442: {  	[tilespmem:v5+s23+$0x0] =	vst.idx.add.f32.msk vm2, v2  }
0x443: {  	[tilespmem:v5+s24+$0x0] =	vst.idx.add.f32.msk vm2, v3  }
0x444: {  	v2 =	vld [tilespmem:$0xFA0];
	_ =	sdelay $0x4  }
0x445: {  	v2 =	vmul.f32 $1.442695020e+00, v2;
	_ =	sdelay $0x1  }
0x446: {  	(erf) = vpow2.f32 v2;
	_ =	sdelay $0x4  }
0x447: {  	v2 =	vld [tilespmem:$0x13A0];
	_ =	sdelay $0x3  }
0x448: {  	v3 =	vld [tilespmem:$0xBA0];
	v4 =	vpop (erf)  }
0x449: {  	v5 =	vld.idx.msk [tilespmem:v60+s9+$0x0], $0xffff;
	v2 =	vmul.f32 v4, v2  }
0x44a: {  	(xrf2) =	vadd.scan.msk.f32 $0xffff, v4  }
0x44b: {  	(xrf2) =	vadd.scan.msk.f32 $0xffff, v2;
	_ =	sdelay $0x2  }
0x44c: {  	vm2 =	vne.s32 v3, v5  }
0x44d: {  	vm3 =	vmor vm2, vm0;
	_ =	sdelay $0x1  }
0x44e: {  	vm2 =	vmand vm2, vm1;
	_ =	sdelay $0x2  }
0x44f: {  	v2, _, _ =	vpop (xrf2)  }
0x450: {  	[tilespmem:v3+s23+$0x0] =	vst.idx.add.f32.msk vm3, v2;
	v2 =	vsub.f32 $0.0e+00, v2;
	v4, _, _ =	vpop (xrf2)  }
0x451: {  	[tilespmem:v3+s24+$0x0] =	vst.idx.add.f32.msk vm3, v4;
	v3 =	vsub.f32 $0.0e+00, v4  }
0x452: {  	[tilespmem:v5+s23+$0x0] =	vst.idx.add.f32.msk vm2, v2  }
0x453: {  	[tilespmem:v5+s24+$0x0] =	vst.idx.add.f32.msk vm2, v3  }
0x454: {  	v2 =	vld [tilespmem:$0xFB0];
	_ =	sdelay $0x4  }
0x455: {  	v2 =	vmul.f32 $1.442695020e+00, v2;
	_ =	sdelay $0x1  }
0x456: {  	(erf) = vpow2.f32 v2;
	_ =	sdelay $0x4  }
0x457: {  	v2 =	vld [tilespmem:$0x13B0];
	_ =	sdelay $0x3  }
0x458: {  	v3 =	vld [tilespmem:$0xBB0];
	v4 =	vpop (erf)  }
0x459: {  	v5 =	vld.idx.msk [tilespmem:v61+s9+$0x0], $0xffff;
	v2 =	vmul.f32 v4, v2  }
0x45a: {  	(xrf2) =	vadd.scan.msk.f32 $0xffff, v4  }
0x45b: {  	(xrf2) =	vadd.scan.msk.f32 $0xffff, v2;
	_ =	sdelay $0x2  }
0x45c: {  	vm2 =	vne.s32 v3, v5  }
0x45d: {  	vm3 =	vmor vm2, vm0;
	_ =	sdelay $0x1  }
0x45e: {  	vm2 =	vmand vm2, vm1;
	_ =	sdelay $0x2  }
0x45f: {  	v2, _, _ =	vpop (xrf2)  }
0x460: {  	[tilespmem:v3+s23+$0x0] =	vst.idx.add.f32.msk vm3, v2;
	v2 =	vsub.f32 $0.0e+00, v2;
	v4, _, _ =	vpop (xrf2)  }
0x461: {  	[tilespmem:v3+s24+$0x0] =	vst.idx.add.f32.msk vm3, v4;
	v3 =	vsub.f32 $0.0e+00, v4  }
0x462: {  	[tilespmem:v5+s23+$0x0] =	vst.idx.add.f32.msk vm2, v2  }
0x463: {  	[tilespmem:v5+s24+$0x0] =	vst.idx.add.f32.msk vm2, v3  }
0x464: {  	v2 =	vld [tilespmem:$0xFC0];
	_ =	sdelay $0x4  }
0x465: {  	v2 =	vmul.f32 $1.442695020e+00, v2;
	_ =	sdelay $0x1  }
0x466: {  	(erf) = vpow2.f32 v2;
	_ =	sdelay $0x4  }
0x467: {  	v2 =	vld [tilespmem:$0x13C0];
	_ =	sdelay $0x3  }
0x468: {  	v3 =	vld [tilespmem:$0xBC0];
	v4 =	vpop (erf)  }
0x469: {  	v5 =	vld.idx.msk [tilespmem:v62+s9+$0x0], $0xffff;
	v2 =	vmul.f32 v4, v2  }
0x46a: {  	(xrf2) =	vadd.scan.msk.f32 $0xffff, v4  }
0x46b: {  	(xrf2) =	vadd.scan.msk.f32 $0xffff, v2;
	_ =	sdelay $0x2  }
0x46c: {  	vm2 =	vne.s32 v3, v5  }
0x46d: {  	vm3 =	vmor vm2, vm0;
	_ =	sdelay $0x1  }
0x46e: {  	vm2 =	vmand vm2, vm1;
	_ =	sdelay $0x2  }
0x46f: {  	v2, _, _ =	vpop (xrf2)  }
0x470: {  	[tilespmem:v3+s23+$0x0] =	vst.idx.add.f32.msk vm3, v2;
	v2 =	vsub.f32 $0.0e+00, v2;
	v4, _, _ =	vpop (xrf2)  }
0x471: {  	[tilespmem:v3+s24+$0x0] =	vst.idx.add.f32.msk vm3, v4;
	v3 =	vsub.f32 $0.0e+00, v4  }
0x472: {  	[tilespmem:v5+s23+$0x0] =	vst.idx.add.f32.msk vm2, v2  }
0x473: {  	[tilespmem:v5+s24+$0x0] =	vst.idx.add.f32.msk vm2, v3  }
0x474: {  	v2 =	vld [tilespmem:$0xFD0];
	_ =	sdelay $0x4  }
0x475: {  	v2 =	vmul.f32 $1.442695020e+00, v2;
	_ =	sdelay $0x1  }
0x476: {  	(erf) = vpow2.f32 v2;
	_ =	sdelay $0x4  }
0x477: {  	v2 =	vld [tilespmem:$0x13D0];
	_ =	sdelay $0x3  }
0x478: {  	v3 =	vld [tilespmem:$0xBD0];
	v4 =	vpop (erf)  }
0x479: {  	v5 =	vld.idx.msk [tilespmem:v0+s9+$0x0], $0xffff;
	v2 =	vmul.f32 v4, v2  }
0x47a: {  	(xrf2) =	vadd.scan.msk.f32 $0xffff, v4  }
0x47b: {  	(xrf2) =	vadd.scan.msk.f32 $0xffff, v2;
	_ =	sdelay $0x2  }
0x47c: {  	vm2 =	vne.s32 v3, v5  }
0x47d: {  	vm3 =	vmor vm2, vm0;
	_ =	sdelay $0x1  }
0x47e: {  	vm2 =	vmand vm2, vm1;
	_ =	sdelay $0x2  }
0x47f: {  	v2, _, _ =	vpop (xrf2)  }
0x480: {  	[tilespmem:v3+s23+$0x0] =	vst.idx.add.f32.msk vm3, v2;
	v2 =	vsub.f32 $0.0e+00, v2;
	v4, _, _ =	vpop (xrf2)  }
0x481: {  	[tilespmem:v3+s24+$0x0] =	vst.idx.add.f32.msk vm3, v4;
	v3 =	vsub.f32 $0.0e+00, v4  }
0x482: {  	[tilespmem:v5+s23+$0x0] =	vst.idx.add.f32.msk vm2, v2  }
0x483: {  	[tilespmem:v5+s24+$0x0] =	vst.idx.add.f32.msk vm2, v3  }
0x484: {  	v2 =	vld [tilespmem:$0xFE0];
	_ =	sdelay $0x4  }
0x485: {  	v2 =	vmul.f32 $1.442695020e+00, v2;
	_ =	sdelay $0x1  }
0x486: {  	(erf) = vpow2.f32 v2;
	_ =	sdelay $0x4  }
0x487: {  	v3 =	vadd.s32 $0x3E1, v1;
	v2 =	vld [tilespmem:$0x13E0];
	_ =	sdelay $0x3  }
0x488: {  	v4 =	vld [tilespmem:$0xBE0];
	v5 =	vpop (erf)  }
0x489: {  	v3 =	vld.idx.msk [tilespmem:v3+s9+$0x0], $0xffff;
	v2 =	vmul.f32 v5, v2  }
0x48a: {  	(xrf2) =	vadd.scan.msk.f32 $0xffff, v5  }
0x48b: {  	(xrf2) =	vadd.scan.msk.f32 $0xffff, v2;
	_ =	sdelay $0x2  }
0x48c: {  	vm2 =	vne.s32 v4, v3  }
0x48d: {  	vm3 =	vmor vm2, vm0;
	_ =	sdelay $0x1  }
0x48e: {  	vm2 =	vmand vm2, vm1;
	_ =	sdelay $0x2  }
0x48f: {  	v2, _, _ =	vpop (xrf2)  }
0x490: {  	[tilespmem:v4+s23+$0x0] =	vst.idx.add.f32.msk vm3, v2;
	v2 =	vsub.f32 $0.0e+00, v2;
	v5, _, _ =	vpop (xrf2)  }
0x491: {  	[tilespmem:v4+s24+$0x0] =	vst.idx.add.f32.msk vm3, v5;
	v4 =	vsub.f32 $0.0e+00, v5  }
0x492: {  	[tilespmem:v3+s23+$0x0] =	vst.idx.add.f32.msk vm2, v2  }
0x493: {  	[tilespmem:v3+s24+$0x0] =	vst.idx.add.f32.msk vm2, v4  }
0x494: {  	v2 =	vld [tilespmem:$0xFF0];
	_ =	sdelay $0x4  }
0x495: {  	v2 =	vmul.f32 $1.442695020e+00, v2;
	_ =	sdelay $0x1  }
0x496: {  	(erf) = vpow2.f32 v2;
	_ =	sdelay $0x4  }
0x497: {  	v2 =	vld [tilespmem:$0x13F0];
	_ =	sdelay $0x3  }
0x498: {  	v3 =	vld [tilespmem:$0xBF0];
	v4 =	vpop (erf)  }
0x499: {  	v5 =	vld.idx.msk [tilespmem:v63+s9+$0x0], $0xffff;
	v2 =	vmul.f32 v4, v2  }
0x49a: {  	(xrf2) =	vadd.scan.msk.f32 $0xffff, v4  }
0x49b: {  	(xrf2) =	vadd.scan.msk.f32 $0xffff, v2;
	_ =	sdelay $0x2  }
0x49c: {  	vm2 =	vne.s32 v3, v5  }
0x49d: {  	vm3 =	vmor vm2, vm0;
	_ =	sdelay $0x1  }
0x49e: {  	vm2 =	vmand vm2, vm1;
	_ =	sdelay $0x2  }
0x49f: {  	v2, _, _ =	vpop (xrf2)  }
0x4a0: {  	[tilespmem:v3+s23+$0x0] =	vst.idx.add.f32.msk vm3, v2;
	v2 =	vsub.f32 $0.0e+00, v2;
	v4, _, _ =	vpop (xrf2)  }
0x4a1: {  	[tilespmem:v3+s24+$0x0] =	vst.idx.add.f32.msk vm3, v4;
	v3 =	vsub.f32 $0.0e+00, v4  }
0x4a2: {  	[tilespmem:v5+s23+$0x0] =	vst.idx.add.f32.msk vm2, v2  }
0x4a3: {  	s14 =	rddreg [dreg:$0xc];
	[tilespmem:v5+s24+$0x0] =	vst.idx.add.f32.msk vm2, v3  }
0x4a4: {  	[hbm4b:s14+s4] =	stream.linear.scatter [tilespmem:s24], [sflag:$0xB], $0x80, $0x38;
	[tilespmem:$0x77E0] =	vst v63  }
0x4a5: {  	_ =	swait.ge [sflag:s8], $0x80  }
0x4a6: {  	p0 =	sne.s32 s5, $0x1;
	[sflag:s8] =	ssyncset.done $0x0  }
.Ltmp0:
0x4a7: {  	s15 =	rddreg [dreg:$0xd];
	[sflag:s8] =	ssyncadd.s32 $0xFFFFFF80;
	(pc) =	sbr.rel @p0 .LBB2_1-.Ltmp0, $4  }
0x4a8: {  	[hbm4b:s15+s4] =	stream.linear.scatter [tilespmem:s23], [sflag:$0xB], $0x80, $0x38;
	[tilespmem:$0x77E0] =	vst v63  }
0x4a9: {  	_ =	swait.ge [sflag:s8], $0x80  }
0x4aa: {  	[sflag:s8] =	ssyncset.done $0x0  }
0x4ab: {  	s5 =	sadd.s32 $0xFFFFFFFF, s5;
	[sflag:s8] =	ssyncadd.s32 $0xFFFFFF80  }
0x4ac: {  	_ =	sfence.sel $0x180000  }
0x4ad: {  	[bflag:$0x0] =	sbarrier.arrive $0xFFFF  }
0x4ae: {  	_ =	strace $0x90000047  }
0x4af: {  	s0 =	stileid.u32;
	[bflag:$0x2] =	sbarrier.arrive $0xFFFF  }
0x4b0: {  	p0 =	sne.s32 s0, $0x0;
	s0 =	rddreg [dreg:$0x5]  }
0x4b1: {  	s0 =	sadd.s32 @!p0 $0x100000, s0  }
0x4b2: {  	[sflag:s0] =	ssyncadd.tile.s32 @!p0 $0x1;
	_ =	shalt  }
.Lfunc_end2:
_tile_overlayer_lowered:
.L_overlay_start_2:
0x4b3: {  	(tag) =	ssettag $0x2  }
0x4b4: {  	s0 =	rddreg [dreg:$0x0];
	s2 =	stileid.u32  }
0x4b5: {  	s1 =	rddreg [dreg:$0x1];
	p0 =	sne.s32 s2, $0x0  }
0x4b6: {  	s3 =	rddreg [dreg:$0x2];
	[bflag:$0x3] =	sbarrier.arrive $0xFFFF;
	s2 =	simm.s32 @!p0 $0x1C0B  }
0x4b7: {  	[timem:s3], [sflag:s2] =	dma.local @!p0 [hbm:s0], s1  }
0x4b8: {  	s0 =	simm.s32 @!p0 $0xB  }
0x4b9: {  	_ =	swait.ge @!p0 [sflag:s0], s1  }
0x4ba: {  	s1 =	ssub.s32 @!p0 $0x0, s1;
	[sflag:s0] =	ssyncset.done @!p0 $0x0  }
0x4bb: {  	[sflag:s0] =	ssyncadd.s32 @!p0 s1  }
0x4bc: {  	[bflag:$0x3] =	sbarrier.arrive $0xFFFF  }
0x4bd: {  	_ =	shalt  }

</sc_bundles>
